<compile_context>
chip_gen: v7x
topology: tpu7x:2x2x1
jax: 0.10.2.dev20260603
libtpu: 0.0.44.dev20260713+nightly
codegen_flags: <defaults>
</compile_context>

<pallas_src>
import functools

import jax
import jax.numpy as jnp
from jax import lax
from jax.experimental import pallas as pl
from jax.experimental.pallas import tpu as pltpu
from jax.experimental.pallas import tpu_sc as plsc

NC = 2
NS = 16
L = 16
NW = NC * NS

B = 16384
D = 128
BPW = B // NW
CHUNK = 64
NCHUNK = BPW // CHUNK
NBUF = 6


def _neg_sqrt(x):
    i = plsc.bitcast(x, jnp.int32)
    i = jnp.int32(0x5F3759DF) - (i >> 1)
    y = plsc.bitcast(i, jnp.float32)
    for _ in range(3):
        y = y * (1.5 - 0.5 * x * y * y)
    return -jnp.where(x > 0.0, x * y, 0.0)


def _tec_body(head, rel, tail, etab, rtab_bf, out,
              idx_h, idx_r, idx_t, h_buf, r_buf, t_buf, score_v, tpose,
              *sems_all):
    sems = sems_all[:NBUF]
    sem_w = sems_all[NBUF]
    sid = lax.axis_index("s")
    wid = sid * NC + lax.axis_index("c")
    base = wid * BPW

    stage0, staging = [], []
    for c in range(NCHUNK):
        off = base + c * CHUNK
        sem_i = sems[0] if c == 0 else sems[1]
        dst = stage0 if c == 0 else staging
        dst.append(pltpu.async_copy(head.at[pl.ds(off, CHUNK)], idx_h.at[c], sem_i))
        dst.append(pltpu.async_copy(rel.at[pl.ds(off, CHUNK)], idx_r.at[c], sem_i))
        dst.append(pltpu.async_copy(tail.at[pl.ds(off, CHUNK)], idx_t.at[c], sem_i))

    handles = [None] * NBUF

    def start(c):
        s = c % NBUF
        handles[s] = [
            pltpu.async_copy(etab.at[idx_h.at[c]], h_buf.at[s], sems[s]),
            pltpu.async_copy(rtab_bf.at[idx_r.at[c]], r_buf.at[s], sems[s]),
            pltpu.async_copy(etab.at[idx_t.at[c]], t_buf.at[s], sems[s]),
        ]

    for hd in stage0:
        hd.wait()
    start(0)
    for hd in staging:
        hd.wait()
    for c in range(1, min(NBUF - 1, NCHUNK)):
        start(c)
    wb = []
    for c in range(NCHUNK):
        s = c % NBUF
        if c + NBUF - 1 < NCHUNK:
            start(c + NBUF - 1)
        for hd in handles[s]:
            hd.wait()
        hb, rb, tb = h_buf.at[s], r_buf.at[s], t_buf.at[s]
        iota = lax.iota(jnp.int32, 16)
        iota17 = iota * 17

        def group(g, _, hb=hb, rb=rb, tb=tb, c=c):
            def row_body(r, _):
                zero = jnp.zeros((L,), jnp.float32)
                a0, a1 = zero, zero
                row = g * L + r
                for q2 in range(D // (2 * L)):
                    vh0 = hb[row, pl.ds(q2 * 2 * L, L)]
                    vh1 = hb[row, pl.ds(q2 * 2 * L + L, L)]
                    vt0 = tb[row, pl.ds(q2 * 2 * L, L)]
                    vt1 = tb[row, pl.ds(q2 * 2 * L + L, L)]
                    pk32 = rb[row, pl.ds(q2 * L, L)]
                    pk = plsc.bitcast(pk32, jnp.bfloat16)
                    vr0, vr1 = plsc.unpack(pk, format=plsc.PackFormat.INTERLEAVED)
                    d0 = vh0 + vr0 - vt0
                    d1 = vh1 + vr1 - vt1
                    a0 = a0 + d0 * d0
                    a1 = a1 + d1 * d1
                plsc.store_scatter(tpose, [r * 17 + iota], a0 + a1)
                return 0

            lax.fori_loop(0, L, row_body, 0)
            t0 = plsc.load_gather(tpose, [iota17])
            t1 = plsc.load_gather(tpose, [iota17 + 1])
            t2 = plsc.load_gather(tpose, [iota17 + 2])
            t3 = plsc.load_gather(tpose, [iota17 + 3])
            for k in range(4, L, 4):
                t0 = t0 + plsc.load_gather(tpose, [iota17 + k])
                t1 = t1 + plsc.load_gather(tpose, [iota17 + k + 1])
                t2 = t2 + plsc.load_gather(tpose, [iota17 + k + 2])
                t3 = t3 + plsc.load_gather(tpose, [iota17 + k + 3])
            total = (t0 + t1) + (t2 + t3)
            score_v[pl.ds(c * CHUNK + g * L, L)] = _neg_sqrt(total)
            return 0

        lax.fori_loop(0, CHUNK // L, group, 0)
        wb.append(pltpu.async_copy(
            score_v.at[pl.ds(c * CHUNK, CHUNK)],
            out.at[pl.ds(base + c * CHUNK, CHUNK)], sem_w))

    for hd in wb:
        hd.wait()


@functools.partial(
    pl.kernel,
    out_type=jax.ShapeDtypeStruct((B,), jnp.float32),
    mesh=plsc.VectorSubcoreMesh(
        core_axis_name="c", subcore_axis_name="s",
        num_cores=NC, num_subcores=NS),
    scratch_types=[
        pltpu.VMEM((NCHUNK, CHUNK), jnp.int32),
        pltpu.VMEM((NCHUNK, CHUNK), jnp.int32),
        pltpu.VMEM((NCHUNK, CHUNK), jnp.int32),
        pltpu.VMEM((NBUF, CHUNK, D), jnp.float32),
        pltpu.VMEM((NBUF, CHUNK, D // 2), jnp.int32),
        pltpu.VMEM((NBUF, CHUNK, D), jnp.float32),
        pltpu.VMEM((BPW,), jnp.float32),
        pltpu.VMEM((L * 17,), jnp.float32),
    ] + [pltpu.SemaphoreType.DMA] * (NBUF + 1),
    compiler_params=pltpu.CompilerParams(
        needs_layout_passes=False, use_tc_tiling_on_sc=False,
        disable_bounds_checks=True),
)
def _kge_score(*refs):
    _tec_body(*refs)


def kernel(head, relation, tail, entity_table, relation_table, word_table):
    del word_table
    nrel = relation_table.shape[0]
    r4 = relation_table.reshape(nrel, D // 32, 2, 16).astype(jnp.bfloat16)
    rtab_bf = r4.transpose(0, 1, 3, 2).reshape(nrel, D // 2, 2)
    rtab_i32 = jax.lax.bitcast_convert_type(rtab_bf, jnp.int32)
    return _kge_score(head, relation, tail, entity_table, rtab_i32)

# --- scband reference (transcript-rebuilt; emitter-appended) ---
"""Pipeline reference for scband-kge-53867479826771 (READ-ONLY COPY).

The authoritative reference and input builder live on the scoring server;
editing this copy changes nothing except your own understanding.
"""

import jax, jax.numpy as jnp
import numpy as np

NENTITY = 100000
NRELATION = 1000
NWORD = 100000
DIM = 128
BATCH = 16384
INIT_SIZE = 0.001


def setup_inputs(seed: int = 0) -> dict:
    key = jax.random.key(seed)
    k1, k2, k3, k4, k5, k6 = jax.random.split(key, 6)
    head = jax.random.randint(k1, (BATCH,), 0, NENTITY, dtype=jnp.int64 if jax.config.jax_enable_x64 else jnp.int32)
    relation = jax.random.randint(k2, (BATCH,), 0, NRELATION, dtype=jnp.int64 if jax.config.jax_enable_x64 else jnp.int32)
    tail = jax.random.randint(k3, (BATCH,), 0, NENTITY, dtype=jnp.int64 if jax.config.jax_enable_x64 else jnp.int32)
    entity_table = INIT_SIZE * jax.random.normal(k4, (NENTITY, DIM), dtype=jnp.float32)
    relation_table = INIT_SIZE * jax.random.normal(k5, (NRELATION, DIM), dtype=jnp.float32)
    word_table = INIT_SIZE * jax.random.normal(k6, (NWORD, DIM), dtype=jnp.float32)
    return {
        "head": head,
        "relation": relation,
        "tail": tail,
        "entity_table": entity_table,
        "relation_table": relation_table,
        "word_table": word_table,
    }


def reference(head, relation, tail, entity_table, relation_table, word_table):
    # Embedding lookups (nn.Embedding -> jnp.take)
    h = jnp.take(entity_table, head, axis=0)
    r = jnp.take(relation_table, relation, axis=0)
    t = jnp.take(entity_table, tail, axis=0)
    # TransE scoring (model_name='TransE'): score = -||h + r - t||_2
    score = -jnp.linalg.norm(h + r - t, axis=-1)
    return score

if __name__ == "__main__":
    import jax
    _d = setup_inputs()
    print(jax.jit(kernel)(*tuple(_d.values())))

</pallas_src>

<mosaic_0001>
#map = affine_map<(d0, d1) -> (0)>
#map1 = affine_map<(d0, d1) -> (0, 0)>
module attributes {stable_mosaic.version = 14 : i64} {
  func.func @_kge_score(%arg0: i32, %arg1: i32, %arg2: memref<16384xi32, #tpu.memory_space<hbm>>, %arg3: memref<16384xi32, #tpu.memory_space<hbm>>, %arg4: memref<16384xi32, #tpu.memory_space<hbm>>, %arg5: memref<100000x128xf32, #tpu.memory_space<hbm>>, %arg6: memref<1000x64xi32, #tpu.memory_space<hbm>>, %arg7: memref<16384xf32, #tpu.memory_space<hbm>>, %arg8: memref<8x64xi32, #tpu.memory_space<vmem>>, %arg9: memref<8x64xi32, #tpu.memory_space<vmem>>, %arg10: memref<8x64xi32, #tpu.memory_space<vmem>>, %arg11: memref<6x64x128xf32, #tpu.memory_space<vmem>>, %arg12: memref<6x64x64xi32, #tpu.memory_space<vmem>>, %arg13: memref<6x64x128xf32, #tpu.memory_space<vmem>>, %arg14: memref<512xf32, #tpu.memory_space<vmem>>, %arg15: memref<272xf32, #tpu.memory_space<vmem>>, %arg16: memref<!tpu.dma_semaphore, #tpu.memory_space<semaphore_mem>>, %arg17: memref<!tpu.dma_semaphore, #tpu.memory_space<semaphore_mem>>, %arg18: memref<!tpu.dma_semaphore, #tpu.memory_space<semaphore_mem>>, %arg19: memref<!tpu.dma_semaphore, #tpu.memory_space<semaphore_mem>>, %arg20: memref<!tpu.dma_semaphore, #tpu.memory_space<semaphore_mem>>, %arg21: memref<!tpu.dma_semaphore, #tpu.memory_space<semaphore_mem>>, %arg22: memref<!tpu.dma_semaphore, #tpu.memory_space<semaphore_mem>>) attributes {dimension_semantics = [#tpu.dimension_semantics<core_parallel>, #tpu.dimension_semantics<subcore_parallel>], iteration_bounds = array<i64: 2, 16>, scalar_prefetch = 0 : i64, scratch_operands = 15 : i64, tpu.core_type = #tpu.core_type<sc_vector_subcore>, window_params = [{transform_indices = #map}, {transform_indices = #map}, {transform_indices = #map}, {transform_indices = #map1}, {transform_indices = #map1}, {transform_indices = #map}]} {
    %mul3A = arith.constant 2 : i32
    %mul3A_0 = arith.muli %arg1, %mul3A : i32
    %add3A = arith.addi %mul3A_0, %arg0 : i32
    %mul3A_1 = arith.constant 512 : i32
    %mul3A_2 = arith.muli %add3A, %mul3A_1 : i32
    %add3A_3 = arith.constant 0 : i32
    %add3A_4 = arith.addi %mul3A_2, %add3A_3 : i32
    %dma_start3A = arith.constant 0 : i32
    %dma_start3A_5 = arith.constant 0 : i32
    %dma_start3A_6 = tpu.memref_slice %arg8[%dma_start3A, %dma_start3A_5] : memref<8x64xi32, #tpu.memory_space<vmem>> -> memref<1x64xi32, #tpu.memory_space<vmem>>
    %dma_start3A_7 = tpu.memref_squeeze %dma_start3A_6 : memref<1x64xi32, #tpu.memory_space<vmem>> -> memref<64xi32, #tpu.memory_space<vmem>>
    %dma_start3A_8 = tpu.memref_slice %arg2[%add3A_4] : memref<16384xi32, #tpu.memory_space<hbm>> -> memref<64xi32, #tpu.memory_space<hbm>>
    %dma_start3A_9 = arith.constant 0 : i32
    %dma_start3A_10 = tpu.memref_slice %arg8[%dma_start3A, %dma_start3A_9] : memref<8x64xi32, #tpu.memory_space<vmem>> -> memref<1x64xi32, #tpu.memory_space<vmem>>
    %dma_start3A_11 = tpu.memref_squeeze %dma_start3A_10 : memref<1x64xi32, #tpu.memory_space<vmem>> -> memref<64xi32, #tpu.memory_space<vmem>>
    %dma_start3A_12 = tpu.memref_slice %arg2[%add3A_4] : memref<16384xi32, #tpu.memory_space<hbm>> -> memref<64xi32, #tpu.memory_space<hbm>>
    tpu.enqueue_dma source(%dma_start3A_12 : memref<64xi32, #tpu.memory_space<hbm>>) target(%dma_start3A_11 : memref<64xi32, #tpu.memory_space<vmem>>) target_semaphore(%arg16 : memref<!tpu.dma_semaphore, #tpu.memory_space<semaphore_mem>>)
    %dma_start3A_13 = arith.constant 0 : i32
    %dma_start3A_14 = arith.constant 0 : i32
    %dma_start3A_15 = tpu.memref_slice %arg9[%dma_start3A_13, %dma_start3A_14] : memref<8x64xi32, #tpu.memory_space<vmem>> -> memref<1x64xi32, #tpu.memory_space<vmem>>
    %dma_start3A_16 = tpu.memref_squeeze %dma_start3A_15 : memref<1x64xi32, #tpu.memory_space<vmem>> -> memref<64xi32, #tpu.memory_space<vmem>>
    %dma_start3A_17 = tpu.memref_slice %arg3[%add3A_4] : memref<16384xi32, #tpu.memory_space<hbm>> -> memref<64xi32, #tpu.memory_space<hbm>>
    %dma_start3A_18 = arith.constant 0 : i32
    %dma_start3A_19 = tpu.memref_slice %arg9[%dma_start3A_13, %dma_start3A_18] : memref<8x64xi32, #tpu.memory_space<vmem>> -> memref<1x64xi32, #tpu.memory_space<vmem>>
    %dma_start3A_20 = tpu.memref_squeeze %dma_start3A_19 : memref<1x64xi32, #tpu.memory_space<vmem>> -> memref<64xi32, #tpu.memory_space<vmem>>
    %dma_start3A_21 = tpu.memref_slice %arg3[%add3A_4] : memref<16384xi32, #tpu.memory_space<hbm>> -> memref<64xi32, #tpu.memory_space<hbm>>
    tpu.enqueue_dma source(%dma_start3A_21 : memref<64xi32, #tpu.memory_space<hbm>>) target(%dma_start3A_20 : memref<64xi32, #tpu.memory_space<vmem>>) target_semaphore(%arg16 : memref<!tpu.dma_semaphore, #tpu.memory_space<semaphore_mem>>)
    %dma_start3A_22 = arith.constant 0 : i32
    %dma_start3A_23 = arith.constant 0 : i32
    %dma_start3A_24 = tpu.memref_slice %arg10[%dma_start3A_22, %dma_start3A_23] : memref<8x64xi32, #tpu.memory_space<vmem>> -> memref<1x64xi32, #tpu.memory_space<vmem>>
    %dma_start3A_25 = tpu.memref_squeeze %dma_start3A_24 : memref<1x64xi32, #tpu.memory_space<vmem>> -> memref<64xi32, #tpu.memory_space<vmem>>
    %dma_start3A_26 = tpu.memref_slice %arg4[%add3A_4] : memref<16384xi32, #tpu.memory_space<hbm>> -> memref<64xi32, #tpu.memory_space<hbm>>
    %dma_start3A_27 = arith.constant 0 : i32
    %dma_start3A_28 = tpu.memref_slice %arg10[%dma_start3A_22, %dma_start3A_27] : memref<8x64xi32, #tpu.memory_space<vmem>> -> memref<1x64xi32, #tpu.memory_space<vmem>>
    %dma_start3A_29 = tpu.memref_squeeze %dma_start3A_28 : memref<1x64xi32, #tpu.memory_space<vmem>> -> memref<64xi32, #tpu.memory_space<vmem>>
    %dma_start3A_30 = tpu.memref_slice %arg4[%add3A_4] : memref<16384xi32, #tpu.memory_space<hbm>> -> memref<64xi32, #tpu.memory_space<hbm>>
    tpu.enqueue_dma source(%dma_start3A_30 : memref<64xi32, #tpu.memory_space<hbm>>) target(%dma_start3A_29 : memref<64xi32, #tpu.memory_space<vmem>>) target_semaphore(%arg16 : memref<!tpu.dma_semaphore, #tpu.memory_space<semaphore_mem>>)
    %add3A_31 = arith.constant 64 : i32
    %add3A_32 = arith.addi %mul3A_2, %add3A_31 : i32
    %dma_start3A_33 = arith.constant 1 : i32
    %dma_start3A_34 = arith.constant 0 : i32
    %dma_start3A_35 = tpu.memref_slice %arg8[%dma_start3A_33, %dma_start3A_34] : memref<8x64xi32, #tpu.memory_space<vmem>> -> memref<1x64xi32, #tpu.memory_space<vmem>>
    %dma_start3A_36 = tpu.memref_squeeze %dma_start3A_35 : memref<1x64xi32, #tpu.memory_space<vmem>> -> memref<64xi32, #tpu.memory_space<vmem>>
    %dma_start3A_37 = tpu.memref_slice %arg2[%add3A_32] : memref<16384xi32, #tpu.memory_space<hbm>> -> memref<64xi32, #tpu.memory_space<hbm>>
    %dma_start3A_38 = arith.constant 0 : i32
    %dma_start3A_39 = tpu.memref_slice %arg8[%dma_start3A_33, %dma_start3A_38] : memref<8x64xi32, #tpu.memory_space<vmem>> -> memref<1x64xi32, #tpu.memory_space<vmem>>
    %dma_start3A_40 = tpu.memref_squeeze %dma_start3A_39 : memref<1x64xi32, #tpu.memory_space<vmem>> -> memref<64xi32, #tpu.memory_space<vmem>>
    %dma_start3A_41 = tpu.memref_slice %arg2[%add3A_32] : memref<16384xi32, #tpu.memory_space<hbm>> -> memref<64xi32, #tpu.memory_space<hbm>>
    tpu.enqueue_dma source(%dma_start3A_41 : memref<64xi32, #tpu.memory_space<hbm>>) target(%dma_start3A_40 : memref<64xi32, #tpu.memory_space<vmem>>) target_semaphore(%arg17 : memref<!tpu.dma_semaphore, #tpu.memory_space<semaphore_mem>>)
    %dma_start3A_42 = arith.constant 1 : i32
    %dma_start3A_43 = arith.constant 0 : i32
    %dma_start3A_44 = tpu.memref_slice %arg9[%dma_start3A_42, %dma_start3A_43] : memref<8x64xi32, #tpu.memory_space<vmem>> -> memref<1x64xi32, #tpu.memory_space<vmem>>
    %dma_start3A_45 = tpu.memref_squeeze %dma_start3A_44 : memref<1x64xi32, #tpu.memory_space<vmem>> -> memref<64xi32, #tpu.memory_space<vmem>>
    %dma_start3A_46 = tpu.memref_slice %arg3[%add3A_32] : memref<16384xi32, #tpu.memory_space<hbm>> -> memref<64xi32, #tpu.memory_space<hbm>>
    %dma_start3A_47 = arith.constant 0 : i32
    %dma_start3A_48 = tpu.memref_slice %arg9[%dma_start3A_42, %dma_start3A_47] : memref<8x64xi32, #tpu.memory_space<vmem>> -> memref<1x64xi32, #tpu.memory_space<vmem>>
    %dma_start3A_49 = tpu.memref_squeeze %dma_start3A_48 : memref<1x64xi32, #tpu.memory_space<vmem>> -> memref<64xi32, #tpu.memory_space<vmem>>
    %dma_start3A_50 = tpu.memref_slice %arg3[%add3A_32] : memref<16384xi32, #tpu.memory_space<hbm>> -> memref<64xi32, #tpu.memory_space<hbm>>
    tpu.enqueue_dma source(%dma_start3A_50 : memref<64xi32, #tpu.memory_space<hbm>>) target(%dma_start3A_49 : memref<64xi32, #tpu.memory_space<vmem>>) target_semaphore(%arg17 : memref<!tpu.dma_semaphore, #tpu.memory_space<semaphore_mem>>)
    %dma_start3A_51 = arith.constant 1 : i32
    %dma_start3A_52 = arith.constant 0 : i32
    %dma_start3A_53 = tpu.memref_slice %arg10[%dma_start3A_51, %dma_start3A_52] : memref<8x64xi32, #tpu.memory_space<vmem>> -> memref<1x64xi32, #tpu.memory_space<vmem>>
    %dma_start3A_54 = tpu.memref_squeeze %dma_start3A_53 : memref<1x64xi32, #tpu.memory_space<vmem>> -> memref<64xi32, #tpu.memory_space<vmem>>
    %dma_start3A_55 = tpu.memref_slice %arg4[%add3A_32] : memref<16384xi32, #tpu.memory_space<hbm>> -> memref<64xi32, #tpu.memory_space<hbm>>
    %dma_start3A_56 = arith.constant 0 : i32
    %dma_start3A_57 = tpu.memref_slice %arg10[%dma_start3A_51, %dma_start3A_56] : memref<8x64xi32, #tpu.memory_space<vmem>> -> memref<1x64xi32, #tpu.memory_space<vmem>>
    %dma_start3A_58 = tpu.memref_squeeze %dma_start3A_57 : memref<1x64xi32, #tpu.memory_space<vmem>> -> memref<64xi32, #tpu.memory_space<vmem>>
    %dma_start3A_59 = tpu.memref_slice %arg4[%add3A_32] : memref<16384xi32, #tpu.memory_space<hbm>> -> memref<64xi32, #tpu.memory_space<hbm>>
    tpu.enqueue_dma source(%dma_start3A_59 : memref<64xi32, #tpu.memory_space<hbm>>) target(%dma_start3A_58 : memref<64xi32, #tpu.memory_space<vmem>>) target_semaphore(%arg17 : memref<!tpu.dma_semaphore, #tpu.memory_space<semaphore_mem>>)
    %add3A_60 = arith.constant 128 : i32
    %add3A_61 = arith.addi %mul3A_2, %add3A_60 : i32
    %dma_start3A_62 = arith.constant 2 : i32
    %dma_start3A_63 = arith.constant 0 : i32
    %dma_start3A_64 = tpu.memref_slice %arg8[%dma_start3A_62, %dma_start3A_63] : memref<8x64xi32, #tpu.memory_space<vmem>> -> memref<1x64xi32, #tpu.memory_space<vmem>>
    %dma_start3A_65 = tpu.memref_squeeze %dma_start3A_64 : memref<1x64xi32, #tpu.memory_space<vmem>> -> memref<64xi32, #tpu.memory_space<vmem>>
    %dma_start3A_66 = tpu.memref_slice %arg2[%add3A_61] : memref<16384xi32, #tpu.memory_space<hbm>> -> memref<64xi32, #tpu.memory_space<hbm>>
    %dma_start3A_67 = arith.constant 0 : i32
    %dma_start3A_68 = tpu.memref_slice %arg8[%dma_start3A_62, %dma_start3A_67] : memref<8x64xi32, #tpu.memory_space<vmem>> -> memref<1x64xi32, #tpu.memory_space<vmem>>
    %dma_start3A_69 = tpu.memref_squeeze %dma_start3A_68 : memref<1x64xi32, #tpu.memory_space<vmem>> -> memref<64xi32, #tpu.memory_space<vmem>>
    %dma_start3A_70 = tpu.memref_slice %arg2[%add3A_61] : memref<16384xi32, #tpu.memory_space<hbm>> -> memref<64xi32, #tpu.memory_space<hbm>>
    tpu.enqueue_dma source(%dma_start3A_70 : memref<64xi32, #tpu.memory_space<hbm>>) target(%dma_start3A_69 : memref<64xi32, #tpu.memory_space<vmem>>) target_semaphore(%arg17 : memref<!tpu.dma_semaphore, #tpu.memory_space<semaphore_mem>>)
    %dma_start3A_71 = arith.constant 2 : i32
    %dma_start3A_72 = arith.constant 0 : i32
    %dma_start3A_73 = tpu.memref_slice %arg9[%dma_start3A_71, %dma_start3A_72] : memref<8x64xi32, #tpu.memory_space<vmem>> -> memref<1x64xi32, #tpu.memory_space<vmem>>
    %dma_start3A_74 = tpu.memref_squeeze %dma_start3A_73 : memref<1x64xi32, #tpu.memory_space<vmem>> -> memref<64xi32, #tpu.memory_space<vmem>>
    %dma_start3A_75 = tpu.memref_slice %arg3[%add3A_61] : memref<16384xi32, #tpu.memory_space<hbm>> -> memref<64xi32, #tpu.memory_space<hbm>>
    %dma_start3A_76 = arith.constant 0 : i32
    %dma_start3A_77 = tpu.memref_slice %arg9[%dma_start3A_71, %dma_start3A_76] : memref<8x64xi32, #tpu.memory_space<vmem>> -> memref<1x64xi32, #tpu.memory_space<vmem>>
    %dma_start3A_78 = tpu.memref_squeeze %dma_start3A_77 : memref<1x64xi32, #tpu.memory_space<vmem>> -> memref<64xi32, #tpu.memory_space<vmem>>
    %dma_start3A_79 = tpu.memref_slice %arg3[%add3A_61] : memref<16384xi32, #tpu.memory_space<hbm>> -> memref<64xi32, #tpu.memory_space<hbm>>
    tpu.enqueue_dma source(%dma_start3A_79 : memref<64xi32, #tpu.memory_space<hbm>>) target(%dma_start3A_78 : memref<64xi32, #tpu.memory_space<vmem>>) target_semaphore(%arg17 : memref<!tpu.dma_semaphore, #tpu.memory_space<semaphore_mem>>)
    %dma_start3A_80 = arith.constant 2 : i32
    %dma_start3A_81 = arith.constant 0 : i32
    %dma_start3A_82 = tpu.memref_slice %arg10[%dma_start3A_80, %dma_start3A_81] : memref<8x64xi32, #tpu.memory_space<vmem>> -> memref<1x64xi32, #tpu.memory_space<vmem>>
    %dma_start3A_83 = tpu.memref_squeeze %dma_start3A_82 : memref<1x64xi32, #tpu.memory_space<vmem>> -> memref<64xi32, #tpu.memory_space<vmem>>
    %dma_start3A_84 = tpu.memref_slice %arg4[%add3A_61] : memref<16384xi32, #tpu.memory_space<hbm>> -> memref<64xi32, #tpu.memory_space<hbm>>
    %dma_start3A_85 = arith.constant 0 : i32
    %dma_start3A_86 = tpu.memref_slice %arg10[%dma_start3A_80, %dma_start3A_85] : memref<8x64xi32, #tpu.memory_space<vmem>> -> memref<1x64xi32, #tpu.memory_space<vmem>>
    %dma_start3A_87 = tpu.memref_squeeze %dma_start3A_86 : memref<1x64xi32, #tpu.memory_space<vmem>> -> memref<64xi32, #tpu.memory_space<vmem>>
    %dma_start3A_88 = tpu.memref_slice %arg4[%add3A_61] : memref<16384xi32, #tpu.memory_space<hbm>> -> memref<64xi32, #tpu.memory_space<hbm>>
    tpu.enqueue_dma source(%dma_start3A_88 : memref<64xi32, #tpu.memory_space<hbm>>) target(%dma_start3A_87 : memref<64xi32, #tpu.memory_space<vmem>>) target_semaphore(%arg17 : memref<!tpu.dma_semaphore, #tpu.memory_space<semaphore_mem>>)
    %add3A_89 = arith.constant 192 : i32
    %add3A_90 = arith.addi %mul3A_2, %add3A_89 : i32
    %dma_start3A_91 = arith.constant 3 : i32
    %dma_start3A_92 = arith.constant 0 : i32
    %dma_start3A_93 = tpu.memref_slice %arg8[%dma_start3A_91, %dma_start3A_92] : memref<8x64xi32, #tpu.memory_space<vmem>> -> memref<1x64xi32, #tpu.memory_space<vmem>>
    %dma_start3A_94 = tpu.memref_squeeze %dma_start3A_93 : memref<1x64xi32, #tpu.memory_space<vmem>> -> memref<64xi32, #tpu.memory_space<vmem>>
    %dma_start3A_95 = tpu.memref_slice %arg2[%add3A_90] : memref<16384xi32, #tpu.memory_space<hbm>> -> memref<64xi32, #tpu.memory_space<hbm>>
    %dma_start3A_96 = arith.constant 0 : i32
    %dma_start3A_97 = tpu.memref_slice %arg8[%dma_start3A_91, %dma_start3A_96] : memref<8x64xi32, #tpu.memory_space<vmem>> -> memref<1x64xi32, #tpu.memory_space<vmem>>
    %dma_start3A_98 = tpu.memref_squeeze %dma_start3A_97 : memref<1x64xi32, #tpu.memory_space<vmem>> -> memref<64xi32, #tpu.memory_space<vmem>>
    %dma_start3A_99 = tpu.memref_slice %arg2[%add3A_90] : memref<16384xi32, #tpu.memory_space<hbm>> -> memref<64xi32, #tpu.memory_space<hbm>>
    tpu.enqueue_dma source(%dma_start3A_99 : memref<64xi32, #tpu.memory_space<hbm>>) target(%dma_start3A_98 : memref<64xi32, #tpu.memory_space<vmem>>) target_semaphore(%arg17 : memref<!tpu.dma_semaphore, #tpu.memory_space<semaphore_mem>>)
    %dma_start3A_100 = arith.constant 3 : i32
    %dma_start3A_101 = arith.constant 0 : i32
    %dma_start3A_102 = tpu.memref_slice %arg9[%dma_start3A_100, %dma_start3A_101] : memref<8x64xi32, #tpu.memory_space<vmem>> -> memref<1x64xi32, #tpu.memory_space<vmem>>
    %dma_start3A_103 = tpu.memref_squeeze %dma_start3A_102 : memref<1x64xi32, #tpu.memory_space<vmem>> -> memref<64xi32, #tpu.memory_space<vmem>>
    %dma_start3A_104 = tpu.memref_slice %arg3[%add3A_90] : memref<16384xi32, #tpu.memory_space<hbm>> -> memref<64xi32, #tpu.memory_space<hbm>>
    %dma_start3A_105 = arith.constant 0 : i32
    %dma_start3A_106 = tpu.memref_slice %arg9[%dma_start3A_100, %dma_start3A_105] : memref<8x64xi32, #tpu.memory_space<vmem>> -> memref<1x64xi32, #tpu.memory_space<vmem>>
    %dma_start3A_107 = tpu.memref_squeeze %dma_start3A_106 : memref<1x64xi32, #tpu.memory_space<vmem>> -> memref<64xi32, #tpu.memory_space<vmem>>
    %dma_start3A_108 = tpu.memref_slice %arg3[%add3A_90] : memref<16384xi32, #tpu.memory_space<hbm>> -> memref<64xi32, #tpu.memory_space<hbm>>
    tpu.enqueue_dma source(%dma_start3A_108 : memref<64xi32, #tpu.memory_space<hbm>>) target(%dma_start3A_107 : memref<64xi32, #tpu.memory_space<vmem>>) target_semaphore(%arg17 : memref<!tpu.dma_semaphore, #tpu.memory_space<semaphore_mem>>)
    %dma_start3A_109 = arith.constant 3 : i32
    %dma_start3A_110 = arith.constant 0 : i32
    %dma_start3A_111 = tpu.memref_slice %arg10[%dma_start3A_109, %dma_start3A_110] : memref<8x64xi32, #tpu.memory_space<vmem>> -> memref<1x64xi32, #tpu.memory_space<vmem>>
    %dma_start3A_112 = tpu.memref_squeeze %dma_start3A_111 : memref<1x64xi32, #tpu.memory_space<vmem>> -> memref<64xi32, #tpu.memory_space<vmem>>
    %dma_start3A_113 = tpu.memref_slice %arg4[%add3A_90] : memref<16384xi32, #tpu.memory_space<hbm>> -> memref<64xi32, #tpu.memory_space<hbm>>
    %dma_start3A_114 = arith.constant 0 : i32
    %dma_start3A_115 = tpu.memref_slice %arg10[%dma_start3A_109, %dma_start3A_114] : memref<8x64xi32, #tpu.memory_space<vmem>> -> memref<1x64xi32, #tpu.memory_space<vmem>>
    %dma_start3A_116 = tpu.memref_squeeze %dma_start3A_115 : memref<1x64xi32, #tpu.memory_space<vmem>> -> memref<64xi32, #tpu.memory_space<vmem>>
    %dma_start3A_117 = tpu.memref_slice %arg4[%add3A_90] : memref<16384xi32, #tpu.memory_space<hbm>> -> memref<64xi32, #tpu.memory_space<hbm>>
    tpu.enqueue_dma source(%dma_start3A_117 : memref<64xi32, #tpu.memory_space<hbm>>) target(%dma_start3A_116 : memref<64xi32, #tpu.memory_space<vmem>>) target_semaphore(%arg17 : memref<!tpu.dma_semaphore, #tpu.memory_space<semaphore_mem>>)
    %add3A_118 = arith.constant 256 : i32
    %add3A_119 = arith.addi %mul3A_2, %add3A_118 : i32
    %dma_start3A_120 = arith.constant 4 : i32
    %dma_start3A_121 = arith.constant 0 : i32
    %dma_start3A_122 = tpu.memref_slice %arg8[%dma_start3A_120, %dma_start3A_121] : memref<8x64xi32, #tpu.memory_space<vmem>> -> memref<1x64xi32, #tpu.memory_space<vmem>>
    %dma_start3A_123 = tpu.memref_squeeze %dma_start3A_122 : memref<1x64xi32, #tpu.memory_space<vmem>> -> memref<64xi32, #tpu.memory_space<vmem>>
    %dma_start3A_124 = tpu.memref_slice %arg2[%add3A_119] : memref<16384xi32, #tpu.memory_space<hbm>> -> memref<64xi32, #tpu.memory_space<hbm>>
    %dma_start3A_125 = arith.constant 0 : i32
    %dma_start3A_126 = tpu.memref_slice %arg8[%dma_start3A_120, %dma_start3A_125] : memref<8x64xi32, #tpu.memory_space<vmem>> -> memref<1x64xi32, #tpu.memory_space<vmem>>
    %dma_start3A_127 = tpu.memref_squeeze %dma_start3A_126 : memref<1x64xi32, #tpu.memory_space<vmem>> -> memref<64xi32, #tpu.memory_space<vmem>>
    %dma_start3A_128 = tpu.memref_slice %arg2[%add3A_119] : memref<16384xi32, #tpu.memory_space<hbm>> -> memref<64xi32, #tpu.memory_space<hbm>>
    tpu.enqueue_dma source(%dma_start3A_128 : memref<64xi32, #tpu.memory_space<hbm>>) target(%dma_start3A_127 : memref<64xi32, #tpu.memory_space<vmem>>) target_semaphore(%arg17 : memref<!tpu.dma_semaphore, #tpu.memory_space<semaphore_mem>>)
    %dma_start3A_129 = arith.constant 4 : i32
    %dma_start3A_130 = arith.constant 0 : i32
    %dma_start3A_131 = tpu.memref_slice %arg9[%dma_start3A_129, %dma_start3A_130] : memref<8x64xi32, #tpu.memory_space<vmem>> -> memref<1x64xi32, #tpu.memory_space<vmem>>
    %dma_start3A_132 = tpu.memref_squeeze %dma_start3A_131 : memref<1x64xi32, #tpu.memory_space<vmem>> -> memref<64xi32, #tpu.memory_space<vmem>>
    %dma_start3A_133 = tpu.memref_slice %arg3[%add3A_119] : memref<16384xi32, #tpu.memory_space<hbm>> -> memref<64xi32, #tpu.memory_space<hbm>>
    %dma_start3A_134 = arith.constant 0 : i32
    %dma_start3A_135 = tpu.memref_slice %arg9[%dma_start3A_129, %dma_start3A_134] : memref<8x64xi32, #tpu.memory_space<vmem>> -> memref<1x64xi32, #tpu.memory_space<vmem>>
    %dma_start3A_136 = tpu.memref_squeeze %dma_start3A_135 : memref<1x64xi32, #tpu.memory_space<vmem>> -> memref<64xi32, #tpu.memory_space<vmem>>
    %dma_start3A_137 = tpu.memref_slice %arg3[%add3A_119] : memref<16384xi32, #tpu.memory_space<hbm>> -> memref<64xi32, #tpu.memory_space<hbm>>
    tpu.enqueue_dma source(%dma_start3A_137 : memref<64xi32, #tpu.memory_space<hbm>>) target(%dma_start3A_136 : memref<64xi32, #tpu.memory_space<vmem>>) target_semaphore(%arg17 : memref<!tpu.dma_semaphore, #tpu.memory_space<semaphore_mem>>)
    %dma_start3A_138 = arith.constant 4 : i32
    %dma_start3A_139 = arith.constant 0 : i32
    %dma_start3A_140 = tpu.memref_slice %arg10[%dma_start3A_138, %dma_start3A_139] : memref<8x64xi32, #tpu.memory_space<vmem>> -> memref<1x64xi32, #tpu.memory_space<vmem>>
    %dma_start3A_141 = tpu.memref_squeeze %dma_start3A_140 : memref<1x64xi32, #tpu.memory_space<vmem>> -> memref<64xi32, #tpu.memory_space<vmem>>
    %dma_start3A_142 = tpu.memref_slice %arg4[%add3A_119] : memref<16384xi32, #tpu.memory_space<hbm>> -> memref<64xi32, #tpu.memory_space<hbm>>
    %dma_start3A_143 = arith.constant 0 : i32
    %dma_start3A_144 = tpu.memref_slice %arg10[%dma_start3A_138, %dma_start3A_143] : memref<8x64xi32, #tpu.memory_space<vmem>> -> memref<1x64xi32, #tpu.memory_space<vmem>>
    %dma_start3A_145 = tpu.memref_squeeze %dma_start3A_144 : memref<1x64xi32, #tpu.memory_space<vmem>> -> memref<64xi32, #tpu.memory_space<vmem>>
    %dma_start3A_146 = tpu.memref_slice %arg4[%add3A_119] : memref<16384xi32, #tpu.memory_space<hbm>> -> memref<64xi32, #tpu.memory_space<hbm>>
    tpu.enqueue_dma source(%dma_start3A_146 : memref<64xi32, #tpu.memory_space<hbm>>) target(%dma_start3A_145 : memref<64xi32, #tpu.memory_space<vmem>>) target_semaphore(%arg17 : memref<!tpu.dma_semaphore, #tpu.memory_space<semaphore_mem>>)
    %add3A_147 = arith.constant 320 : i32
    %add3A_148 = arith.addi %mul3A_2, %add3A_147 : i32
    %dma_start3A_149 = arith.constant 5 : i32
    %dma_start3A_150 = arith.constant 0 : i32
    %dma_start3A_151 = tpu.memref_slice %arg8[%dma_start3A_149, %dma_start3A_150] : memref<8x64xi32, #tpu.memory_space<vmem>> -> memref<1x64xi32, #tpu.memory_space<vmem>>
    %dma_start3A_152 = tpu.memref_squeeze %dma_start3A_151 : memref<1x64xi32, #tpu.memory_space<vmem>> -> memref<64xi32, #tpu.memory_space<vmem>>
    %dma_start3A_153 = tpu.memref_slice %arg2[%add3A_148] : memref<16384xi32, #tpu.memory_space<hbm>> -> memref<64xi32, #tpu.memory_space<hbm>>
    %dma_start3A_154 = arith.constant 0 : i32
    %dma_start3A_155 = tpu.memref_slice %arg8[%dma_start3A_149, %dma_start3A_154] : memref<8x64xi32, #tpu.memory_space<vmem>> -> memref<1x64xi32, #tpu.memory_space<vmem>>
    %dma_start3A_156 = tpu.memref_squeeze %dma_start3A_155 : memref<1x64xi32, #tpu.memory_space<vmem>> -> memref<64xi32, #tpu.memory_space<vmem>>
    %dma_start3A_157 = tpu.memref_slice %arg2[%add3A_148] : memref<16384xi32, #tpu.memory_space<hbm>> -> memref<64xi32, #tpu.memory_space<hbm>>
    tpu.enqueue_dma source(%dma_start3A_157 : memref<64xi32, #tpu.memory_space<hbm>>) target(%dma_start3A_156 : memref<64xi32, #tpu.memory_space<vmem>>) target_semaphore(%arg17 : memref<!tpu.dma_semaphore, #tpu.memory_space<semaphore_mem>>)
    %dma_start3A_158 = arith.constant 5 : i32
    %dma_start3A_159 = arith.constant 0 : i32
    %dma_start3A_160 = tpu.memref_slice %arg9[%dma_start3A_158, %dma_start3A_159] : memref<8x64xi32, #tpu.memory_space<vmem>> -> memref<1x64xi32, #tpu.memory_space<vmem>>
    %dma_start3A_161 = tpu.memref_squeeze %dma_start3A_160 : memref<1x64xi32, #tpu.memory_space<vmem>> -> memref<64xi32, #tpu.memory_space<vmem>>
    %dma_start3A_162 = tpu.memref_slice %arg3[%add3A_148] : memref<16384xi32, #tpu.memory_space<hbm>> -> memref<64xi32, #tpu.memory_space<hbm>>
    %dma_start3A_163 = arith.constant 0 : i32
    %dma_start3A_164 = tpu.memref_slice %arg9[%dma_start3A_158, %dma_start3A_163] : memref<8x64xi32, #tpu.memory_space<vmem>> -> memref<1x64xi32, #tpu.memory_space<vmem>>
    %dma_start3A_165 = tpu.memref_squeeze %dma_start3A_164 : memref<1x64xi32, #tpu.memory_space<vmem>> -> memref<64xi32, #tpu.memory_space<vmem>>
    %dma_start3A_166 = tpu.memref_slice %arg3[%add3A_148] : memref<16384xi32, #tpu.memory_space<hbm>> -> memref<64xi32, #tpu.memory_space<hbm>>
    tpu.enqueue_dma source(%dma_start3A_166 : memref<64xi32, #tpu.memory_space<hbm>>) target(%dma_start3A_165 : memref<64xi32, #tpu.memory_space<vmem>>) target_semaphore(%arg17 : memref<!tpu.dma_semaphore, #tpu.memory_space<semaphore_mem>>)
    %dma_start3A_167 = arith.constant 5 : i32
    %dma_start3A_168 = arith.constant 0 : i32
    %dma_start3A_169 = tpu.memref_slice %arg10[%dma_start3A_167, %dma_start3A_168] : memref<8x64xi32, #tpu.memory_space<vmem>> -> memref<1x64xi32, #tpu.memory_space<vmem>>
    %dma_start3A_170 = tpu.memref_squeeze %dma_start3A_169 : memref<1x64xi32, #tpu.memory_space<vmem>> -> memref<64xi32, #tpu.memory_space<vmem>>
    %dma_start3A_171 = tpu.memref_slice %arg4[%add3A_148] : memref<16384xi32, #tpu.memory_space<hbm>> -> memref<64xi32, #tpu.memory_space<hbm>>
    %dma_start3A_172 = arith.constant 0 : i32
    %dma_start3A_173 = tpu.memref_slice %arg10[%dma_start3A_167, %dma_start3A_172] : memref<8x64xi32, #tpu.memory_space<vmem>> -> memref<1x64xi32, #tpu.memory_space<vmem>>
    %dma_start3A_174 = tpu.memref_squeeze %dma_start3A_173 : memref<1x64xi32, #tpu.memory_space<vmem>> -> memref<64xi32, #tpu.memory_space<vmem>>
    %dma_start3A_175 = tpu.memref_slice %arg4[%add3A_148] : memref<16384xi32, #tpu.memory_space<hbm>> -> memref<64xi32, #tpu.memory_space<hbm>>
    tpu.enqueue_dma source(%dma_start3A_175 : memref<64xi32, #tpu.memory_space<hbm>>) target(%dma_start3A_174 : memref<64xi32, #tpu.memory_space<vmem>>) target_semaphore(%arg17 : memref<!tpu.dma_semaphore, #tpu.memory_space<semaphore_mem>>)
    %add3A_176 = arith.constant 384 : i32
    %add3A_177 = arith.addi %mul3A_2, %add3A_176 : i32
    %dma_start3A_178 = arith.constant 6 : i32
    %dma_start3A_179 = arith.constant 0 : i32
    %dma_start3A_180 = tpu.memref_slice %arg8[%dma_start3A_178, %dma_start3A_179] : memref<8x64xi32, #tpu.memory_space<vmem>> -> memref<1x64xi32, #tpu.memory_space<vmem>>
    %dma_start3A_181 = tpu.memref_squeeze %dma_start3A_180 : memref<1x64xi32, #tpu.memory_space<vmem>> -> memref<64xi32, #tpu.memory_space<vmem>>
    %dma_start3A_182 = tpu.memref_slice %arg2[%add3A_177] : memref<16384xi32, #tpu.memory_space<hbm>> -> memref<64xi32, #tpu.memory_space<hbm>>
    %dma_start3A_183 = arith.constant 0 : i32
    %dma_start3A_184 = tpu.memref_slice %arg8[%dma_start3A_178, %dma_start3A_183] : memref<8x64xi32, #tpu.memory_space<vmem>> -> memref<1x64xi32, #tpu.memory_space<vmem>>
    %dma_start3A_185 = tpu.memref_squeeze %dma_start3A_184 : memref<1x64xi32, #tpu.memory_space<vmem>> -> memref<64xi32, #tpu.memory_space<vmem>>
    %dma_start3A_186 = tpu.memref_slice %arg2[%add3A_177] : memref<16384xi32, #tpu.memory_space<hbm>> -> memref<64xi32, #tpu.memory_space<hbm>>
    tpu.enqueue_dma source(%dma_start3A_186 : memref<64xi32, #tpu.memory_space<hbm>>) target(%dma_start3A_185 : memref<64xi32, #tpu.memory_space<vmem>>) target_semaphore(%arg17 : memref<!tpu.dma_semaphore, #tpu.memory_space<semaphore_mem>>)
    %dma_start3A_187 = arith.constant 6 : i32
    %dma_start3A_188 = arith.constant 0 : i32
    %dma_start3A_189 = tpu.memref_slice %arg9[%dma_start3A_187, %dma_start3A_188] : memref<8x64xi32, #tpu.memory_space<vmem>> -> memref<1x64xi32, #tpu.memory_space<vmem>>
    %dma_start3A_190 = tpu.memref_squeeze %dma_start3A_189 : memref<1x64xi32, #tpu.memory_space<vmem>> -> memref<64xi32, #tpu.memory_space<vmem>>
    %dma_start3A_191 = tpu.memref_slice %arg3[%add3A_177] : memref<16384xi32, #tpu.memory_space<hbm>> -> memref<64xi32, #tpu.memory_space<hbm>>
    %dma_start3A_192 = arith.constant 0 : i32
    %dma_start3A_193 = tpu.memref_slice %arg9[%dma_start3A_187, %dma_start3A_192] : memref<8x64xi32, #tpu.memory_space<vmem>> -> memref<1x64xi32, #tpu.memory_space<vmem>>
    %dma_start3A_194 = tpu.memref_squeeze %dma_start3A_193 : memref<1x64xi32, #tpu.memory_space<vmem>> -> memref<64xi32, #tpu.memory_space<vmem>>
    %dma_start3A_195 = tpu.memref_slice %arg3[%add3A_177] : memref<16384xi32, #tpu.memory_space<hbm>> -> memref<64xi32, #tpu.memory_space<hbm>>
    tpu.enqueue_dma source(%dma_start3A_195 : memref<64xi32, #tpu.memory_space<hbm>>) target(%dma_start3A_194 : memref<64xi32, #tpu.memory_space<vmem>>) target_semaphore(%arg17 : memref<!tpu.dma_semaphore, #tpu.memory_space<semaphore_mem>>)
    %dma_start3A_196 = arith.constant 6 : i32
    %dma_start3A_197 = arith.constant 0 : i32
    %dma_start3A_198 = tpu.memref_slice %arg10[%dma_start3A_196, %dma_start3A_197] : memref<8x64xi32, #tpu.memory_space<vmem>> -> memref<1x64xi32, #tpu.memory_space<vmem>>
    %dma_start3A_199 = tpu.memref_squeeze %dma_start3A_198 : memref<1x64xi32, #tpu.memory_space<vmem>> -> memref<64xi32, #tpu.memory_space<vmem>>
    %dma_start3A_200 = tpu.memref_slice %arg4[%add3A_177] : memref<16384xi32, #tpu.memory_space<hbm>> -> memref<64xi32, #tpu.memory_space<hbm>>
    %dma_start3A_201 = arith.constant 0 : i32
    %dma_start3A_202 = tpu.memref_slice %arg10[%dma_start3A_196, %dma_start3A_201] : memref<8x64xi32, #tpu.memory_space<vmem>> -> memref<1x64xi32, #tpu.memory_space<vmem>>
    %dma_start3A_203 = tpu.memref_squeeze %dma_start3A_202 : memref<1x64xi32, #tpu.memory_space<vmem>> -> memref<64xi32, #tpu.memory_space<vmem>>
    %dma_start3A_204 = tpu.memref_slice %arg4[%add3A_177] : memref<16384xi32, #tpu.memory_space<hbm>> -> memref<64xi32, #tpu.memory_space<hbm>>
    tpu.enqueue_dma source(%dma_start3A_204 : memref<64xi32, #tpu.memory_space<hbm>>) target(%dma_start3A_203 : memref<64xi32, #tpu.memory_space<vmem>>) target_semaphore(%arg17 : memref<!tpu.dma_semaphore, #tpu.memory_space<semaphore_mem>>)
    %add3A_205 = arith.constant 448 : i32
    %add3A_206 = arith.addi %mul3A_2, %add3A_205 : i32
    %dma_start3A_207 = arith.constant 7 : i32
    %dma_start3A_208 = arith.constant 0 : i32
    %dma_start3A_209 = tpu.memref_slice %arg8[%dma_start3A_207, %dma_start3A_208] : memref<8x64xi32, #tpu.memory_space<vmem>> -> memref<1x64xi32, #tpu.memory_space<vmem>>
    %dma_start3A_210 = tpu.memref_squeeze %dma_start3A_209 : memref<1x64xi32, #tpu.memory_space<vmem>> -> memref<64xi32, #tpu.memory_space<vmem>>
    %dma_start3A_211 = tpu.memref_slice %arg2[%add3A_206] : memref<16384xi32, #tpu.memory_space<hbm>> -> memref<64xi32, #tpu.memory_space<hbm>>
    %dma_start3A_212 = arith.constant 0 : i32
    %dma_start3A_213 = tpu.memref_slice %arg8[%dma_start3A_207, %dma_start3A_212] : memref<8x64xi32, #tpu.memory_space<vmem>> -> memref<1x64xi32, #tpu.memory_space<vmem>>
    %dma_start3A_214 = tpu.memref_squeeze %dma_start3A_213 : memref<1x64xi32, #tpu.memory_space<vmem>> -> memref<64xi32, #tpu.memory_space<vmem>>
    %dma_start3A_215 = tpu.memref_slice %arg2[%add3A_206] : memref<16384xi32, #tpu.memory_space<hbm>> -> memref<64xi32, #tpu.memory_space<hbm>>
    tpu.enqueue_dma source(%dma_start3A_215 : memref<64xi32, #tpu.memory_space<hbm>>) target(%dma_start3A_214 : memref<64xi32, #tpu.memory_space<vmem>>) target_semaphore(%arg17 : memref<!tpu.dma_semaphore, #tpu.memory_space<semaphore_mem>>)
    %dma_start3A_216 = arith.constant 7 : i32
    %dma_start3A_217 = arith.constant 0 : i32
    %dma_start3A_218 = tpu.memref_slice %arg9[%dma_start3A_216, %dma_start3A_217] : memref<8x64xi32, #tpu.memory_space<vmem>> -> memref<1x64xi32, #tpu.memory_space<vmem>>
    %dma_start3A_219 = tpu.memref_squeeze %dma_start3A_218 : memref<1x64xi32, #tpu.memory_space<vmem>> -> memref<64xi32, #tpu.memory_space<vmem>>
    %dma_start3A_220 = tpu.memref_slice %arg3[%add3A_206] : memref<16384xi32, #tpu.memory_space<hbm>> -> memref<64xi32, #tpu.memory_space<hbm>>
    %dma_start3A_221 = arith.constant 0 : i32
    %dma_start3A_222 = tpu.memref_slice %arg9[%dma_start3A_216, %dma_start3A_221] : memref<8x64xi32, #tpu.memory_space<vmem>> -> memref<1x64xi32, #tpu.memory_space<vmem>>
    %dma_start3A_223 = tpu.memref_squeeze %dma_start3A_222 : memref<1x64xi32, #tpu.memory_space<vmem>> -> memref<64xi32, #tpu.memory_space<vmem>>
    %dma_start3A_224 = tpu.memref_slice %arg3[%add3A_206] : memref<16384xi32, #tpu.memory_space<hbm>> -> memref<64xi32, #tpu.memory_space<hbm>>
    tpu.enqueue_dma source(%dma_start3A_224 : memref<64xi32, #tpu.memory_space<hbm>>) target(%dma_start3A_223 : memref<64xi32, #tpu.memory_space<vmem>>) target_semaphore(%arg17 : memref<!tpu.dma_semaphore, #tpu.memory_space<semaphore_mem>>)
    %dma_start3A_225 = arith.constant 7 : i32
    %dma_start3A_226 = arith.constant 0 : i32
    %dma_start3A_227 = tpu.memref_slice %arg10[%dma_start3A_225, %dma_start3A_226] : memref<8x64xi32, #tpu.memory_space<vmem>> -> memref<1x64xi32, #tpu.memory_space<vmem>>
    %dma_start3A_228 = tpu.memref_squeeze %dma_start3A_227 : memref<1x64xi32, #tpu.memory_space<vmem>> -> memref<64xi32, #tpu.memory_space<vmem>>
    %dma_start3A_229 = tpu.memref_slice %arg4[%add3A_206] : memref<16384xi32, #tpu.memory_space<hbm>> -> memref<64xi32, #tpu.memory_space<hbm>>
    %dma_start3A_230 = arith.constant 0 : i32
    %dma_start3A_231 = tpu.memref_slice %arg10[%dma_start3A_225, %dma_start3A_230] : memref<8x64xi32, #tpu.memory_space<vmem>> -> memref<1x64xi32, #tpu.memory_space<vmem>>
    %dma_start3A_232 = tpu.memref_squeeze %dma_start3A_231 : memref<1x64xi32, #tpu.memory_space<vmem>> -> memref<64xi32, #tpu.memory_space<vmem>>
    %dma_start3A_233 = tpu.memref_slice %arg4[%add3A_206] : memref<16384xi32, #tpu.memory_space<hbm>> -> memref<64xi32, #tpu.memory_space<hbm>>
    tpu.enqueue_dma source(%dma_start3A_233 : memref<64xi32, #tpu.memory_space<hbm>>) target(%dma_start3A_232 : memref<64xi32, #tpu.memory_space<vmem>>) target_semaphore(%arg17 : memref<!tpu.dma_semaphore, #tpu.memory_space<semaphore_mem>>)
    %dma_wait3A = arith.constant 0 : i32
    %dma_wait3A_234 = arith.constant 0 : i32
    %dma_wait3A_235 = tpu.memref_slice %arg8[%dma_wait3A, %dma_wait3A_234] : memref<8x64xi32, #tpu.memory_space<vmem>> -> memref<1x64xi32, #tpu.memory_space<vmem>>
    %dma_wait3A_236 = tpu.memref_squeeze %dma_wait3A_235 : memref<1x64xi32, #tpu.memory_space<vmem>> -> memref<64xi32, #tpu.memory_space<vmem>>
    %dma_wait3A_237 = tpu.memref_slice %arg2[%add3A_4] : memref<16384xi32, #tpu.memory_space<hbm>> -> memref<64xi32, #tpu.memory_space<hbm>>
    %dma_wait3A_238 = arith.constant 0 : i32
    %dma_wait3A_239 = tpu.memref_slice %arg8[%dma_wait3A, %dma_wait3A_238] : memref<8x64xi32, #tpu.memory_space<vmem>> -> memref<1x64xi32, #tpu.memory_space<vmem>>
    %dma_wait3A_240 = tpu.memref_squeeze %dma_wait3A_239 : memref<1x64xi32, #tpu.memory_space<vmem>> -> memref<64xi32, #tpu.memory_space<vmem>>
    %dma_wait3A_241 = tpu.memref_slice %arg2[%add3A_4] : memref<16384xi32, #tpu.memory_space<hbm>> -> memref<64xi32, #tpu.memory_space<hbm>>
    tpu.wait_dma2 semaphore(%arg16 : memref<!tpu.dma_semaphore, #tpu.memory_space<semaphore_mem>>) src(%dma_wait3A_241 : memref<64xi32, #tpu.memory_space<hbm>>) dst(%dma_wait3A_240 : memref<64xi32, #tpu.memory_space<vmem>>)
    %dma_wait3A_242 = arith.constant 0 : i32
    %dma_wait3A_243 = arith.constant 0 : i32
    %dma_wait3A_244 = tpu.memref_slice %arg9[%dma_wait3A_242, %dma_wait3A_243] : memref<8x64xi32, #tpu.memory_space<vmem>> -> memref<1x64xi32, #tpu.memory_space<vmem>>
    %dma_wait3A_245 = tpu.memref_squeeze %dma_wait3A_244 : memref<1x64xi32, #tpu.memory_space<vmem>> -> memref<64xi32, #tpu.memory_space<vmem>>
    %dma_wait3A_246 = tpu.memref_slice %arg3[%add3A_4] : memref<16384xi32, #tpu.memory_space<hbm>> -> memref<64xi32, #tpu.memory_space<hbm>>
    %dma_wait3A_247 = arith.constant 0 : i32
    %dma_wait3A_248 = tpu.memref_slice %arg9[%dma_wait3A_242, %dma_wait3A_247] : memref<8x64xi32, #tpu.memory_space<vmem>> -> memref<1x64xi32, #tpu.memory_space<vmem>>
    %dma_wait3A_249 = tpu.memref_squeeze %dma_wait3A_248 : memref<1x64xi32, #tpu.memory_space<vmem>> -> memref<64xi32, #tpu.memory_space<vmem>>
    %dma_wait3A_250 = tpu.memref_slice %arg3[%add3A_4] : memref<16384xi32, #tpu.memory_space<hbm>> -> memref<64xi32, #tpu.memory_space<hbm>>
    tpu.wait_dma2 semaphore(%arg16 : memref<!tpu.dma_semaphore, #tpu.memory_space<semaphore_mem>>) src(%dma_wait3A_250 : memref<64xi32, #tpu.memory_space<hbm>>) dst(%dma_wait3A_249 : memref<64xi32, #tpu.memory_space<vmem>>)
    %dma_wait3A_251 = arith.constant 0 : i32
    %dma_wait3A_252 = arith.constant 0 : i32
    %dma_wait3A_253 = tpu.memref_slice %arg10[%dma_wait3A_251, %dma_wait3A_252] : memref<8x64xi32, #tpu.memory_space<vmem>> -> memref<1x64xi32, #tpu.memory_space<vmem>>
    %dma_wait3A_254 = tpu.memref_squeeze %dma_wait3A_253 : memref<1x64xi32, #tpu.memory_space<vmem>> -> memref<64xi32, #tpu.memory_space<vmem>>
    %dma_wait3A_255 = tpu.memref_slice %arg4[%add3A_4] : memref<16384xi32, #tpu.memory_space<hbm>> -> memref<64xi32, #tpu.memory_space<hbm>>
    %dma_wait3A_256 = arith.constant 0 : i32
    %dma_wait3A_257 = tpu.memref_slice %arg10[%dma_wait3A_251, %dma_wait3A_256] : memref<8x64xi32, #tpu.memory_space<vmem>> -> memref<1x64xi32, #tpu.memory_space<vmem>>
    %dma_wait3A_258 = tpu.memref_squeeze %dma_wait3A_257 : memref<1x64xi32, #tpu.memory_space<vmem>> -> memref<64xi32, #tpu.memory_space<vmem>>
    %dma_wait3A_259 = tpu.memref_slice %arg4[%add3A_4] : memref<16384xi32, #tpu.memory_space<hbm>> -> memref<64xi32, #tpu.memory_space<hbm>>
    tpu.wait_dma2 semaphore(%arg16 : memref<!tpu.dma_semaphore, #tpu.memory_space<semaphore_mem>>) src(%dma_wait3A_259 : memref<64xi32, #tpu.memory_space<hbm>>) dst(%dma_wait3A_258 : memref<64xi32, #tpu.memory_space<vmem>>)
    %dma_start3A_260 = arith.constant 0 : i32
    %dma_start3A_261 = arith.constant 0 : i32
    %dma_start3A_262 = arith.constant 0 : i32
    %dma_start3A_263 = arith.constant 0 : i32
    %dma_start3A_264 = tpu.memref_slice %arg11[%dma_start3A_261, %dma_start3A_262, %dma_start3A_263] : memref<6x64x128xf32, #tpu.memory_space<vmem>> -> memref<1x64x128xf32, #tpu.memory_space<vmem>>
    %dma_start3A_265 = tpu.memref_squeeze %dma_start3A_264 : memref<1x64x128xf32, #tpu.memory_space<vmem>> -> memref<64x128xf32, #tpu.memory_space<vmem>>
    %dma_start3A_266 = arith.constant 0 : i32
    %dma_start3A_267 = tpu.memref_slice %arg8[%dma_start3A_260, %dma_start3A_266] : memref<8x64xi32, #tpu.memory_space<vmem>> -> memref<1x64xi32, #tpu.memory_space<vmem>>
    %dma_start3A_268 = tpu.memref_squeeze %dma_start3A_267 : memref<1x64xi32, #tpu.memory_space<vmem>> -> memref<64xi32, #tpu.memory_space<vmem>>
    %dma_start3A_269 = arith.constant 0 : i32
    %dma_start3A_270 = arith.constant 0 : i32
    %dma_start3A_271 = tpu.memref_slice %arg5[%dma_start3A_269, %dma_start3A_270] : memref<100000x128xf32, #tpu.memory_space<hbm>> -> memref<100000x128xf32, #tpu.memory_space<hbm>>
    tpu.enqueue_indirect_dma source(%dma_start3A_271 : memref<100000x128xf32, #tpu.memory_space<hbm>>) target(%dma_start3A_265 : memref<64x128xf32, #tpu.memory_space<vmem>>) offsets(%dma_start3A_268 : memref<64xi32, #tpu.memory_space<vmem>>) semaphore(%arg16 : memref<!tpu.dma_semaphore, #tpu.memory_space<semaphore_mem>>)
    %dma_start3A_272 = arith.constant 0 : i32
    %dma_start3A_273 = arith.constant 0 : i32
    %dma_start3A_274 = arith.constant 0 : i32
    %dma_start3A_275 = arith.constant 0 : i32
    %dma_start3A_276 = tpu.memref_slice %arg12[%dma_start3A_273, %dma_start3A_274, %dma_start3A_275] : memref<6x64x64xi32, #tpu.memory_space<vmem>> -> memref<1x64x64xi32, #tpu.memory_space<vmem>>
    %dma_start3A_277 = tpu.memref_squeeze %dma_start3A_276 : memref<1x64x64xi32, #tpu.memory_space<vmem>> -> memref<64x64xi32, #tpu.memory_space<vmem>>
    %dma_start3A_278 = arith.constant 0 : i32
    %dma_start3A_279 = tpu.memref_slice %arg9[%dma_start3A_272, %dma_start3A_278] : memref<8x64xi32, #tpu.memory_space<vmem>> -> memref<1x64xi32, #tpu.memory_space<vmem>>
    %dma_start3A_280 = tpu.memref_squeeze %dma_start3A_279 : memref<1x64xi32, #tpu.memory_space<vmem>> -> memref<64xi32, #tpu.memory_space<vmem>>
    %dma_start3A_281 = arith.constant 0 : i32
    %dma_start3A_282 = arith.constant 0 : i32
    %dma_start3A_283 = tpu.memref_slice %arg6[%dma_start3A_281, %dma_start3A_282] : memref<1000x64xi32, #tpu.memory_space<hbm>> -> memref<1000x64xi32, #tpu.memory_space<hbm>>
    tpu.enqueue_indirect_dma source(%dma_start3A_283 : memref<1000x64xi32, #tpu.memory_space<hbm>>) target(%dma_start3A_277 : memref<64x64xi32, #tpu.memory_space<vmem>>) offsets(%dma_start3A_280 : memref<64xi32, #tpu.memory_space<vmem>>) semaphore(%arg16 : memref<!tpu.dma_semaphore, #tpu.memory_space<semaphore_mem>>)
    %dma_start3A_284 = arith.constant 0 : i32
    %dma_start3A_285 = arith.constant 0 : i32
    %dma_start3A_286 = arith.constant 0 : i32
    %dma_start3A_287 = arith.constant 0 : i32
    %dma_start3A_288 = tpu.memref_slice %arg13[%dma_start3A_285, %dma_start3A_286, %dma_start3A_287] : memref<6x64x128xf32, #tpu.memory_space<vmem>> -> memref<1x64x128xf32, #tpu.memory_space<vmem>>
    %dma_start3A_289 = tpu.memref_squeeze %dma_start3A_288 : memref<1x64x128xf32, #tpu.memory_space<vmem>> -> memref<64x128xf32, #tpu.memory_space<vmem>>
    %dma_start3A_290 = arith.constant 0 : i32
    %dma_start3A_291 = tpu.memref_slice %arg10[%dma_start3A_284, %dma_start3A_290] : memref<8x64xi32, #tpu.memory_space<vmem>> -> memref<1x64xi32, #tpu.memory_space<vmem>>
    %dma_start3A_292 = tpu.memref_squeeze %dma_start3A_291 : memref<1x64xi32, #tpu.memory_space<vmem>> -> memref<64xi32, #tpu.memory_space<vmem>>
    %dma_start3A_293 = arith.constant 0 : i32
    %dma_start3A_294 = arith.constant 0 : i32
    %dma_start3A_295 = tpu.memref_slice %arg5[%dma_start3A_293, %dma_start3A_294] : memref<100000x128xf32, #tpu.memory_space<hbm>> -> memref<100000x128xf32, #tpu.memory_space<hbm>>
    tpu.enqueue_indirect_dma source(%dma_start3A_295 : memref<100000x128xf32, #tpu.memory_space<hbm>>) target(%dma_start3A_289 : memref<64x128xf32, #tpu.memory_space<vmem>>) offsets(%dma_start3A_292 : memref<64xi32, #tpu.memory_space<vmem>>) semaphore(%arg16 : memref<!tpu.dma_semaphore, #tpu.memory_space<semaphore_mem>>)
    %dma_wait3A_296 = arith.constant 1 : i32
    %dma_wait3A_297 = arith.constant 0 : i32
    %dma_wait3A_298 = tpu.memref_slice %arg8[%dma_wait3A_296, %dma_wait3A_297] : memref<8x64xi32, #tpu.memory_space<vmem>> -> memref<1x64xi32, #tpu.memory_space<vmem>>
    %dma_wait3A_299 = tpu.memref_squeeze %dma_wait3A_298 : memref<1x64xi32, #tpu.memory_space<vmem>> -> memref<64xi32, #tpu.memory_space<vmem>>
    %dma_wait3A_300 = tpu.memref_slice %arg2[%add3A_32] : memref<16384xi32, #tpu.memory_space<hbm>> -> memref<64xi32, #tpu.memory_space<hbm>>
    %dma_wait3A_301 = arith.constant 0 : i32
    %dma_wait3A_302 = tpu.memref_slice %arg8[%dma_wait3A_296, %dma_wait3A_301] : memref<8x64xi32, #tpu.memory_space<vmem>> -> memref<1x64xi32, #tpu.memory_space<vmem>>
    %dma_wait3A_303 = tpu.memref_squeeze %dma_wait3A_302 : memref<1x64xi32, #tpu.memory_space<vmem>> -> memref<64xi32, #tpu.memory_space<vmem>>
    %dma_wait3A_304 = tpu.memref_slice %arg2[%add3A_32] : memref<16384xi32, #tpu.memory_space<hbm>> -> memref<64xi32, #tpu.memory_space<hbm>>
    tpu.wait_dma2 semaphore(%arg17 : memref<!tpu.dma_semaphore, #tpu.memory_space<semaphore_mem>>) src(%dma_wait3A_304 : memref<64xi32, #tpu.memory_space<hbm>>) dst(%dma_wait3A_303 : memref<64xi32, #tpu.memory_space<vmem>>)
    %dma_wait3A_305 = arith.constant 1 : i32
    %dma_wait3A_306 = arith.constant 0 : i32
    %dma_wait3A_307 = tpu.memref_slice %arg9[%dma_wait3A_305, %dma_wait3A_306] : memref<8x64xi32, #tpu.memory_space<vmem>> -> memref<1x64xi32, #tpu.memory_space<vmem>>
    %dma_wait3A_308 = tpu.memref_squeeze %dma_wait3A_307 : memref<1x64xi32, #tpu.memory_space<vmem>> -> memref<64xi32, #tpu.memory_space<vmem>>
    %dma_wait3A_309 = tpu.memref_slice %arg3[%add3A_32] : memref<16384xi32, #tpu.memory_space<hbm>> -> memref<64xi32, #tpu.memory_space<hbm>>
    %dma_wait3A_310 = arith.constant 0 : i32
    %dma_wait3A_311 = tpu.memref_slice %arg9[%dma_wait3A_305, %dma_wait3A_310] : memref<8x64xi32, #tpu.memory_space<vmem>> -> memref<1x64xi32, #tpu.memory_space<vmem>>
    %dma_wait3A_312 = tpu.memref_squeeze %dma_wait3A_311 : memref<1x64xi32, #tpu.memory_space<vmem>> -> memref<64xi32, #tpu.memory_space<vmem>>
    %dma_wait3A_313 = tpu.memref_slice %arg3[%add3A_32] : memref<16384xi32, #tpu.memory_space<hbm>> -> memref<64xi32, #tpu.memory_space<hbm>>
    tpu.wait_dma2 semaphore(%arg17 : memref<!tpu.dma_semaphore, #tpu.memory_space<semaphore_mem>>) src(%dma_wait3A_313 : memref<64xi32, #tpu.memory_space<hbm>>) dst(%dma_wait3A_312 : memref<64xi32, #tpu.memory_space<vmem>>)
    %dma_wait3A_314 = arith.constant 1 : i32
    %dma_wait3A_315 = arith.constant 0 : i32
    %dma_wait3A_316 = tpu.memref_slice %arg10[%dma_wait3A_314, %dma_wait3A_315] : memref<8x64xi32, #tpu.memory_space<vmem>> -> memref<1x64xi32, #tpu.memory_space<vmem>>
    %dma_wait3A_317 = tpu.memref_squeeze %dma_wait3A_316 : memref<1x64xi32, #tpu.memory_space<vmem>> -> memref<64xi32, #tpu.memory_space<vmem>>
    %dma_wait3A_318 = tpu.memref_slice %arg4[%add3A_32] : memref<16384xi32, #tpu.memory_space<hbm>> -> memref<64xi32, #tpu.memory_space<hbm>>
    %dma_wait3A_319 = arith.constant 0 : i32
    %dma_wait3A_320 = tpu.memref_slice %arg10[%dma_wait3A_314, %dma_wait3A_319] : memref<8x64xi32, #tpu.memory_space<vmem>> -> memref<1x64xi32, #tpu.memory_space<vmem>>
    %dma_wait3A_321 = tpu.memref_squeeze %dma_wait3A_320 : memref<1x64xi32, #tpu.memory_space<vmem>> -> memref<64xi32, #tpu.memory_space<vmem>>
    %dma_wait3A_322 = tpu.memref_slice %arg4[%add3A_32] : memref<16384xi32, #tpu.memory_space<hbm>> -> memref<64xi32, #tpu.memory_space<hbm>>
    tpu.wait_dma2 semaphore(%arg17 : memref<!tpu.dma_semaphore, #tpu.memory_space<semaphore_mem>>) src(%dma_wait3A_322 : memref<64xi32, #tpu.memory_space<hbm>>) dst(%dma_wait3A_321 : memref<64xi32, #tpu.memory_space<vmem>>)
    %dma_wait3A_323 = arith.constant 2 : i32
    %dma_wait3A_324 = arith.constant 0 : i32
    %dma_wait3A_325 = tpu.memref_slice %arg8[%dma_wait3A_323, %dma_wait3A_324] : memref<8x64xi32, #tpu.memory_space<vmem>> -> memref<1x64xi32, #tpu.memory_space<vmem>>
    %dma_wait3A_326 = tpu.memref_squeeze %dma_wait3A_325 : memref<1x64xi32, #tpu.memory_space<vmem>> -> memref<64xi32, #tpu.memory_space<vmem>>
    %dma_wait3A_327 = tpu.memref_slice %arg2[%add3A_61] : memref<16384xi32, #tpu.memory_space<hbm>> -> memref<64xi32, #tpu.memory_space<hbm>>
    %dma_wait3A_328 = arith.constant 0 : i32
    %dma_wait3A_329 = tpu.memref_slice %arg8[%dma_wait3A_323, %dma_wait3A_328] : memref<8x64xi32, #tpu.memory_space<vmem>> -> memref<1x64xi32, #tpu.memory_space<vmem>>
    %dma_wait3A_330 = tpu.memref_squeeze %dma_wait3A_329 : memref<1x64xi32, #tpu.memory_space<vmem>> -> memref<64xi32, #tpu.memory_space<vmem>>
    %dma_wait3A_331 = tpu.memref_slice %arg2[%add3A_61] : memref<16384xi32, #tpu.memory_space<hbm>> -> memref<64xi32, #tpu.memory_space<hbm>>
    tpu.wait_dma2 semaphore(%arg17 : memref<!tpu.dma_semaphore, #tpu.memory_space<semaphore_mem>>) src(%dma_wait3A_331 : memref<64xi32, #tpu.memory_space<hbm>>) dst(%dma_wait3A_330 : memref<64xi32, #tpu.memory_space<vmem>>)
    %dma_wait3A_332 = arith.constant 2 : i32
    %dma_wait3A_333 = arith.constant 0 : i32
    %dma_wait3A_334 = tpu.memref_slice %arg9[%dma_wait3A_332, %dma_wait3A_333] : memref<8x64xi32, #tpu.memory_space<vmem>> -> memref<1x64xi32, #tpu.memory_space<vmem>>
    %dma_wait3A_335 = tpu.memref_squeeze %dma_wait3A_334 : memref<1x64xi32, #tpu.memory_space<vmem>> -> memref<64xi32, #tpu.memory_space<vmem>>
    %dma_wait3A_336 = tpu.memref_slice %arg3[%add3A_61] : memref<16384xi32, #tpu.memory_space<hbm>> -> memref<64xi32, #tpu.memory_space<hbm>>
    %dma_wait3A_337 = arith.constant 0 : i32
    %dma_wait3A_338 = tpu.memref_slice %arg9[%dma_wait3A_332, %dma_wait3A_337] : memref<8x64xi32, #tpu.memory_space<vmem>> -> memref<1x64xi32, #tpu.memory_space<vmem>>
    %dma_wait3A_339 = tpu.memref_squeeze %dma_wait3A_338 : memref<1x64xi32, #tpu.memory_space<vmem>> -> memref<64xi32, #tpu.memory_space<vmem>>
    %dma_wait3A_340 = tpu.memref_slice %arg3[%add3A_61] : memref<16384xi32, #tpu.memory_space<hbm>> -> memref<64xi32, #tpu.memory_space<hbm>>
    tpu.wait_dma2 semaphore(%arg17 : memref<!tpu.dma_semaphore, #tpu.memory_space<semaphore_mem>>) src(%dma_wait3A_340 : memref<64xi32, #tpu.memory_space<hbm>>) dst(%dma_wait3A_339 : memref<64xi32, #tpu.memory_space<vmem>>)
    %dma_wait3A_341 = arith.constant 2 : i32
    %dma_wait3A_342 = arith.constant 0 : i32
    %dma_wait3A_343 = tpu.memref_slice %arg10[%dma_wait3A_341, %dma_wait3A_342] : memref<8x64xi32, #tpu.memory_space<vmem>> -> memref<1x64xi32, #tpu.memory_space<vmem>>
    %dma_wait3A_344 = tpu.memref_squeeze %dma_wait3A_343 : memref<1x64xi32, #tpu.memory_space<vmem>> -> memref<64xi32, #tpu.memory_space<vmem>>
    %dma_wait3A_345 = tpu.memref_slice %arg4[%add3A_61] : memref<16384xi32, #tpu.memory_space<hbm>> -> memref<64xi32, #tpu.memory_space<hbm>>
    %dma_wait3A_346 = arith.constant 0 : i32
    %dma_wait3A_347 = tpu.memref_slice %arg10[%dma_wait3A_341, %dma_wait3A_346] : memref<8x64xi32, #tpu.memory_space<vmem>> -> memref<1x64xi32, #tpu.memory_space<vmem>>
    %dma_wait3A_348 = tpu.memref_squeeze %dma_wait3A_347 : memref<1x64xi32, #tpu.memory_space<vmem>> -> memref<64xi32, #tpu.memory_space<vmem>>
    %dma_wait3A_349 = tpu.memref_slice %arg4[%add3A_61] : memref<16384xi32, #tpu.memory_space<hbm>> -> memref<64xi32, #tpu.memory_space<hbm>>
    tpu.wait_dma2 semaphore(%arg17 : memref<!tpu.dma_semaphore, #tpu.memory_space<semaphore_mem>>) src(%dma_wait3A_349 : memref<64xi32, #tpu.memory_space<hbm>>) dst(%dma_wait3A_348 : memref<64xi32, #tpu.memory_space<vmem>>)
    %dma_wait3A_350 = arith.constant 3 : i32
    %dma_wait3A_351 = arith.constant 0 : i32
    %dma_wait3A_352 = tpu.memref_slice %arg8[%dma_wait3A_350, %dma_wait3A_351] : memref<8x64xi32, #tpu.memory_space<vmem>> -> memref<1x64xi32, #tpu.memory_space<vmem>>
    %dma_wait3A_353 = tpu.memref_squeeze %dma_wait3A_352 : memref<1x64xi32, #tpu.memory_space<vmem>> -> memref<64xi32, #tpu.memory_space<vmem>>
    %dma_wait3A_354 = tpu.memref_slice %arg2[%add3A_90] : memref<16384xi32, #tpu.memory_space<hbm>> -> memref<64xi32, #tpu.memory_space<hbm>>
    %dma_wait3A_355 = arith.constant 0 : i32
    %dma_wait3A_356 = tpu.memref_slice %arg8[%dma_wait3A_350, %dma_wait3A_355] : memref<8x64xi32, #tpu.memory_space<vmem>> -> memref<1x64xi32, #tpu.memory_space<vmem>>
    %dma_wait3A_357 = tpu.memref_squeeze %dma_wait3A_356 : memref<1x64xi32, #tpu.memory_space<vmem>> -> memref<64xi32, #tpu.memory_space<vmem>>
    %dma_wait3A_358 = tpu.memref_slice %arg2[%add3A_90] : memref<16384xi32, #tpu.memory_space<hbm>> -> memref<64xi32, #tpu.memory_space<hbm>>
    tpu.wait_dma2 semaphore(%arg17 : memref<!tpu.dma_semaphore, #tpu.memory_space<semaphore_mem>>) src(%dma_wait3A_358 : memref<64xi32, #tpu.memory_space<hbm>>) dst(%dma_wait3A_357 : memref<64xi32, #tpu.memory_space<vmem>>)
    %dma_wait3A_359 = arith.constant 3 : i32
    %dma_wait3A_360 = arith.constant 0 : i32
    %dma_wait3A_361 = tpu.memref_slice %arg9[%dma_wait3A_359, %dma_wait3A_360] : memref<8x64xi32, #tpu.memory_space<vmem>> -> memref<1x64xi32, #tpu.memory_space<vmem>>
    %dma_wait3A_362 = tpu.memref_squeeze %dma_wait3A_361 : memref<1x64xi32, #tpu.memory_space<vmem>> -> memref<64xi32, #tpu.memory_space<vmem>>
    %dma_wait3A_363 = tpu.memref_slice %arg3[%add3A_90] : memref<16384xi32, #tpu.memory_space<hbm>> -> memref<64xi32, #tpu.memory_space<hbm>>
    %dma_wait3A_364 = arith.constant 0 : i32
    %dma_wait3A_365 = tpu.memref_slice %arg9[%dma_wait3A_359, %dma_wait3A_364] : memref<8x64xi32, #tpu.memory_space<vmem>> -> memref<1x64xi32, #tpu.memory_space<vmem>>
    %dma_wait3A_366 = tpu.memref_squeeze %dma_wait3A_365 : memref<1x64xi32, #tpu.memory_space<vmem>> -> memref<64xi32, #tpu.memory_space<vmem>>
    %dma_wait3A_367 = tpu.memref_slice %arg3[%add3A_90] : memref<16384xi32, #tpu.memory_space<hbm>> -> memref<64xi32, #tpu.memory_space<hbm>>
    tpu.wait_dma2 semaphore(%arg17 : memref<!tpu.dma_semaphore, #tpu.memory_space<semaphore_mem>>) src(%dma_wait3A_367 : memref<64xi32, #tpu.memory_space<hbm>>) dst(%dma_wait3A_366 : memref<64xi32, #tpu.memory_space<vmem>>)
    %dma_wait3A_368 = arith.constant 3 : i32
    %dma_wait3A_369 = arith.constant 0 : i32
    %dma_wait3A_370 = tpu.memref_slice %arg10[%dma_wait3A_368, %dma_wait3A_369] : memref<8x64xi32, #tpu.memory_space<vmem>> -> memref<1x64xi32, #tpu.memory_space<vmem>>
    %dma_wait3A_371 = tpu.memref_squeeze %dma_wait3A_370 : memref<1x64xi32, #tpu.memory_space<vmem>> -> memref<64xi32, #tpu.memory_space<vmem>>
    %dma_wait3A_372 = tpu.memref_slice %arg4[%add3A_90] : memref<16384xi32, #tpu.memory_space<hbm>> -> memref<64xi32, #tpu.memory_space<hbm>>
    %dma_wait3A_373 = arith.constant 0 : i32
    %dma_wait3A_374 = tpu.memref_slice %arg10[%dma_wait3A_368, %dma_wait3A_373] : memref<8x64xi32, #tpu.memory_space<vmem>> -> memref<1x64xi32, #tpu.memory_space<vmem>>
    %dma_wait3A_375 = tpu.memref_squeeze %dma_wait3A_374 : memref<1x64xi32, #tpu.memory_space<vmem>> -> memref<64xi32, #tpu.memory_space<vmem>>
    %dma_wait3A_376 = tpu.memref_slice %arg4[%add3A_90] : memref<16384xi32, #tpu.memory_space<hbm>> -> memref<64xi32, #tpu.memory_space<hbm>>
    tpu.wait_dma2 semaphore(%arg17 : memref<!tpu.dma_semaphore, #tpu.memory_space<semaphore_mem>>) src(%dma_wait3A_376 : memref<64xi32, #tpu.memory_space<hbm>>) dst(%dma_wait3A_375 : memref<64xi32, #tpu.memory_space<vmem>>)
    %dma_wait3A_377 = arith.constant 4 : i32
    %dma_wait3A_378 = arith.constant 0 : i32
    %dma_wait3A_379 = tpu.memref_slice %arg8[%dma_wait3A_377, %dma_wait3A_378] : memref<8x64xi32, #tpu.memory_space<vmem>> -> memref<1x64xi32, #tpu.memory_space<vmem>>
    %dma_wait3A_380 = tpu.memref_squeeze %dma_wait3A_379 : memref<1x64xi32, #tpu.memory_space<vmem>> -> memref<64xi32, #tpu.memory_space<vmem>>
    %dma_wait3A_381 = tpu.memref_slice %arg2[%add3A_119] : memref<16384xi32, #tpu.memory_space<hbm>> -> memref<64xi32, #tpu.memory_space<hbm>>
    %dma_wait3A_382 = arith.constant 0 : i32
    %dma_wait3A_383 = tpu.memref_slice %arg8[%dma_wait3A_377, %dma_wait3A_382] : memref<8x64xi32, #tpu.memory_space<vmem>> -> memref<1x64xi32, #tpu.memory_space<vmem>>
    %dma_wait3A_384 = tpu.memref_squeeze %dma_wait3A_383 : memref<1x64xi32, #tpu.memory_space<vmem>> -> memref<64xi32, #tpu.memory_space<vmem>>
    %dma_wait3A_385 = tpu.memref_slice %arg2[%add3A_119] : memref<16384xi32, #tpu.memory_space<hbm>> -> memref<64xi32, #tpu.memory_space<hbm>>
    tpu.wait_dma2 semaphore(%arg17 : memref<!tpu.dma_semaphore, #tpu.memory_space<semaphore_mem>>) src(%dma_wait3A_385 : memref<64xi32, #tpu.memory_space<hbm>>) dst(%dma_wait3A_384 : memref<64xi32, #tpu.memory_space<vmem>>)
    %dma_wait3A_386 = arith.constant 4 : i32
    %dma_wait3A_387 = arith.constant 0 : i32
    %dma_wait3A_388 = tpu.memref_slice %arg9[%dma_wait3A_386, %dma_wait3A_387] : memref<8x64xi32, #tpu.memory_space<vmem>> -> memref<1x64xi32, #tpu.memory_space<vmem>>
    %dma_wait3A_389 = tpu.memref_squeeze %dma_wait3A_388 : memref<1x64xi32, #tpu.memory_space<vmem>> -> memref<64xi32, #tpu.memory_space<vmem>>
    %dma_wait3A_390 = tpu.memref_slice %arg3[%add3A_119] : memref<16384xi32, #tpu.memory_space<hbm>> -> memref<64xi32, #tpu.memory_space<hbm>>
    %dma_wait3A_391 = arith.constant 0 : i32
    %dma_wait3A_392 = tpu.memref_slice %arg9[%dma_wait3A_386, %dma_wait3A_391] : memref<8x64xi32, #tpu.memory_space<vmem>> -> memref<1x64xi32, #tpu.memory_space<vmem>>
    %dma_wait3A_393 = tpu.memref_squeeze %dma_wait3A_392 : memref<1x64xi32, #tpu.memory_space<vmem>> -> memref<64xi32, #tpu.memory_space<vmem>>
    %dma_wait3A_394 = tpu.memref_slice %arg3[%add3A_119] : memref<16384xi32, #tpu.memory_space<hbm>> -> memref<64xi32, #tpu.memory_space<hbm>>
    tpu.wait_dma2 semaphore(%arg17 : memref<!tpu.dma_semaphore, #tpu.memory_space<semaphore_mem>>) src(%dma_wait3A_394 : memref<64xi32, #tpu.memory_space<hbm>>) dst(%dma_wait3A_393 : memref<64xi32, #tpu.memory_space<vmem>>)
    %dma_wait3A_395 = arith.constant 4 : i32
    %dma_wait3A_396 = arith.constant 0 : i32
    %dma_wait3A_397 = tpu.memref_slice %arg10[%dma_wait3A_395, %dma_wait3A_396] : memref<8x64xi32, #tpu.memory_space<vmem>> -> memref<1x64xi32, #tpu.memory_space<vmem>>
    %dma_wait3A_398 = tpu.memref_squeeze %dma_wait3A_397 : memref<1x64xi32, #tpu.memory_space<vmem>> -> memref<64xi32, #tpu.memory_space<vmem>>
    %dma_wait3A_399 = tpu.memref_slice %arg4[%add3A_119] : memref<16384xi32, #tpu.memory_space<hbm>> -> memref<64xi32, #tpu.memory_space<hbm>>
    %dma_wait3A_400 = arith.constant 0 : i32
    %dma_wait3A_401 = tpu.memref_slice %arg10[%dma_wait3A_395, %dma_wait3A_400] : memref<8x64xi32, #tpu.memory_space<vmem>> -> memref<1x64xi32, #tpu.memory_space<vmem>>
    %dma_wait3A_402 = tpu.memref_squeeze %dma_wait3A_401 : memref<1x64xi32, #tpu.memory_space<vmem>> -> memref<64xi32, #tpu.memory_space<vmem>>
    %dma_wait3A_403 = tpu.memref_slice %arg4[%add3A_119] : memref<16384xi32, #tpu.memory_space<hbm>> -> memref<64xi32, #tpu.memory_space<hbm>>
    tpu.wait_dma2 semaphore(%arg17 : memref<!tpu.dma_semaphore, #tpu.memory_space<semaphore_mem>>) src(%dma_wait3A_403 : memref<64xi32, #tpu.memory_space<hbm>>) dst(%dma_wait3A_402 : memref<64xi32, #tpu.memory_space<vmem>>)
    %dma_wait3A_404 = arith.constant 5 : i32
    %dma_wait3A_405 = arith.constant 0 : i32
    %dma_wait3A_406 = tpu.memref_slice %arg8[%dma_wait3A_404, %dma_wait3A_405] : memref<8x64xi32, #tpu.memory_space<vmem>> -> memref<1x64xi32, #tpu.memory_space<vmem>>
    %dma_wait3A_407 = tpu.memref_squeeze %dma_wait3A_406 : memref<1x64xi32, #tpu.memory_space<vmem>> -> memref<64xi32, #tpu.memory_space<vmem>>
    %dma_wait3A_408 = tpu.memref_slice %arg2[%add3A_148] : memref<16384xi32, #tpu.memory_space<hbm>> -> memref<64xi32, #tpu.memory_space<hbm>>
    %dma_wait3A_409 = arith.constant 0 : i32
    %dma_wait3A_410 = tpu.memref_slice %arg8[%dma_wait3A_404, %dma_wait3A_409] : memref<8x64xi32, #tpu.memory_space<vmem>> -> memref<1x64xi32, #tpu.memory_space<vmem>>
    %dma_wait3A_411 = tpu.memref_squeeze %dma_wait3A_410 : memref<1x64xi32, #tpu.memory_space<vmem>> -> memref<64xi32, #tpu.memory_space<vmem>>
    %dma_wait3A_412 = tpu.memref_slice %arg2[%add3A_148] : memref<16384xi32, #tpu.memory_space<hbm>> -> memref<64xi32, #tpu.memory_space<hbm>>
    tpu.wait_dma2 semaphore(%arg17 : memref<!tpu.dma_semaphore, #tpu.memory_space<semaphore_mem>>) src(%dma_wait3A_412 : memref<64xi32, #tpu.memory_space<hbm>>) dst(%dma_wait3A_411 : memref<64xi32, #tpu.memory_space<vmem>>)
    %dma_wait3A_413 = arith.constant 5 : i32
    %dma_wait3A_414 = arith.constant 0 : i32
    %dma_wait3A_415 = tpu.memref_slice %arg9[%dma_wait3A_413, %dma_wait3A_414] : memref<8x64xi32, #tpu.memory_space<vmem>> -> memref<1x64xi32, #tpu.memory_space<vmem>>
    %dma_wait3A_416 = tpu.memref_squeeze %dma_wait3A_415 : memref<1x64xi32, #tpu.memory_space<vmem>> -> memref<64xi32, #tpu.memory_space<vmem>>
    %dma_wait3A_417 = tpu.memref_slice %arg3[%add3A_148] : memref<16384xi32, #tpu.memory_space<hbm>> -> memref<64xi32, #tpu.memory_space<hbm>>
    %dma_wait3A_418 = arith.constant 0 : i32
    %dma_wait3A_419 = tpu.memref_slice %arg9[%dma_wait3A_413, %dma_wait3A_418] : memref<8x64xi32, #tpu.memory_space<vmem>> -> memref<1x64xi32, #tpu.memory_space<vmem>>
    %dma_wait3A_420 = tpu.memref_squeeze %dma_wait3A_419 : memref<1x64xi32, #tpu.memory_space<vmem>> -> memref<64xi32, #tpu.memory_space<vmem>>
    %dma_wait3A_421 = tpu.memref_slice %arg3[%add3A_148] : memref<16384xi32, #tpu.memory_space<hbm>> -> memref<64xi32, #tpu.memory_space<hbm>>
    tpu.wait_dma2 semaphore(%arg17 : memref<!tpu.dma_semaphore, #tpu.memory_space<semaphore_mem>>) src(%dma_wait3A_421 : memref<64xi32, #tpu.memory_space<hbm>>) dst(%dma_wait3A_420 : memref<64xi32, #tpu.memory_space<vmem>>)
    %dma_wait3A_422 = arith.constant 5 : i32
    %dma_wait3A_423 = arith.constant 0 : i32
    %dma_wait3A_424 = tpu.memref_slice %arg10[%dma_wait3A_422, %dma_wait3A_423] : memref<8x64xi32, #tpu.memory_space<vmem>> -> memref<1x64xi32, #tpu.memory_space<vmem>>
    %dma_wait3A_425 = tpu.memref_squeeze %dma_wait3A_424 : memref<1x64xi32, #tpu.memory_space<vmem>> -> memref<64xi32, #tpu.memory_space<vmem>>
    %dma_wait3A_426 = tpu.memref_slice %arg4[%add3A_148] : memref<16384xi32, #tpu.memory_space<hbm>> -> memref<64xi32, #tpu.memory_space<hbm>>
    %dma_wait3A_427 = arith.constant 0 : i32
    %dma_wait3A_428 = tpu.memref_slice %arg10[%dma_wait3A_422, %dma_wait3A_427] : memref<8x64xi32, #tpu.memory_space<vmem>> -> memref<1x64xi32, #tpu.memory_space<vmem>>
    %dma_wait3A_429 = tpu.memref_squeeze %dma_wait3A_428 : memref<1x64xi32, #tpu.memory_space<vmem>> -> memref<64xi32, #tpu.memory_space<vmem>>
    %dma_wait3A_430 = tpu.memref_slice %arg4[%add3A_148] : memref<16384xi32, #tpu.memory_space<hbm>> -> memref<64xi32, #tpu.memory_space<hbm>>
    tpu.wait_dma2 semaphore(%arg17 : memref<!tpu.dma_semaphore, #tpu.memory_space<semaphore_mem>>) src(%dma_wait3A_430 : memref<64xi32, #tpu.memory_space<hbm>>) dst(%dma_wait3A_429 : memref<64xi32, #tpu.memory_space<vmem>>)
    %dma_wait3A_431 = arith.constant 6 : i32
    %dma_wait3A_432 = arith.constant 0 : i32
    %dma_wait3A_433 = tpu.memref_slice %arg8[%dma_wait3A_431, %dma_wait3A_432] : memref<8x64xi32, #tpu.memory_space<vmem>> -> memref<1x64xi32, #tpu.memory_space<vmem>>
    %dma_wait3A_434 = tpu.memref_squeeze %dma_wait3A_433 : memref<1x64xi32, #tpu.memory_space<vmem>> -> memref<64xi32, #tpu.memory_space<vmem>>
    %dma_wait3A_435 = tpu.memref_slice %arg2[%add3A_177] : memref<16384xi32, #tpu.memory_space<hbm>> -> memref<64xi32, #tpu.memory_space<hbm>>
    %dma_wait3A_436 = arith.constant 0 : i32
    %dma_wait3A_437 = tpu.memref_slice %arg8[%dma_wait3A_431, %dma_wait3A_436] : memref<8x64xi32, #tpu.memory_space<vmem>> -> memref<1x64xi32, #tpu.memory_space<vmem>>
    %dma_wait3A_438 = tpu.memref_squeeze %dma_wait3A_437 : memref<1x64xi32, #tpu.memory_space<vmem>> -> memref<64xi32, #tpu.memory_space<vmem>>
    %dma_wait3A_439 = tpu.memref_slice %arg2[%add3A_177] : memref<16384xi32, #tpu.memory_space<hbm>> -> memref<64xi32, #tpu.memory_space<hbm>>
    tpu.wait_dma2 semaphore(%arg17 : memref<!tpu.dma_semaphore, #tpu.memory_space<semaphore_mem>>) src(%dma_wait3A_439 : memref<64xi32, #tpu.memory_space<hbm>>) dst(%dma_wait3A_438 : memref<64xi32, #tpu.memory_space<vmem>>)
    %dma_wait3A_440 = arith.constant 6 : i32
    %dma_wait3A_441 = arith.constant 0 : i32
    %dma_wait3A_442 = tpu.memref_slice %arg9[%dma_wait3A_440, %dma_wait3A_441] : memref<8x64xi32, #tpu.memory_space<vmem>> -> memref<1x64xi32, #tpu.memory_space<vmem>>
    %dma_wait3A_443 = tpu.memref_squeeze %dma_wait3A_442 : memref<1x64xi32, #tpu.memory_space<vmem>> -> memref<64xi32, #tpu.memory_space<vmem>>
    %dma_wait3A_444 = tpu.memref_slice %arg3[%add3A_177] : memref<16384xi32, #tpu.memory_space<hbm>> -> memref<64xi32, #tpu.memory_space<hbm>>
    %dma_wait3A_445 = arith.constant 0 : i32
    %dma_wait3A_446 = tpu.memref_slice %arg9[%dma_wait3A_440, %dma_wait3A_445] : memref<8x64xi32, #tpu.memory_space<vmem>> -> memref<1x64xi32, #tpu.memory_space<vmem>>
    %dma_wait3A_447 = tpu.memref_squeeze %dma_wait3A_446 : memref<1x64xi32, #tpu.memory_space<vmem>> -> memref<64xi32, #tpu.memory_space<vmem>>
    %dma_wait3A_448 = tpu.memref_slice %arg3[%add3A_177] : memref<16384xi32, #tpu.memory_space<hbm>> -> memref<64xi32, #tpu.memory_space<hbm>>
    tpu.wait_dma2 semaphore(%arg17 : memref<!tpu.dma_semaphore, #tpu.memory_space<semaphore_mem>>) src(%dma_wait3A_448 : memref<64xi32, #tpu.memory_space<hbm>>) dst(%dma_wait3A_447 : memref<64xi32, #tpu.memory_space<vmem>>)
    %dma_wait3A_449 = arith.constant 6 : i32
    %dma_wait3A_450 = arith.constant 0 : i32
    %dma_wait3A_451 = tpu.memref_slice %arg10[%dma_wait3A_449, %dma_wait3A_450] : memref<8x64xi32, #tpu.memory_space<vmem>> -> memref<1x64xi32, #tpu.memory_space<vmem>>
    %dma_wait3A_452 = tpu.memref_squeeze %dma_wait3A_451 : memref<1x64xi32, #tpu.memory_space<vmem>> -> memref<64xi32, #tpu.memory_space<vmem>>
    %dma_wait3A_453 = tpu.memref_slice %arg4[%add3A_177] : memref<16384xi32, #tpu.memory_space<hbm>> -> memref<64xi32, #tpu.memory_space<hbm>>
    %dma_wait3A_454 = arith.constant 0 : i32
    %dma_wait3A_455 = tpu.memref_slice %arg10[%dma_wait3A_449, %dma_wait3A_454] : memref<8x64xi32, #tpu.memory_space<vmem>> -> memref<1x64xi32, #tpu.memory_space<vmem>>
    %dma_wait3A_456 = tpu.memref_squeeze %dma_wait3A_455 : memref<1x64xi32, #tpu.memory_space<vmem>> -> memref<64xi32, #tpu.memory_space<vmem>>
    %dma_wait3A_457 = tpu.memref_slice %arg4[%add3A_177] : memref<16384xi32, #tpu.memory_space<hbm>> -> memref<64xi32, #tpu.memory_space<hbm>>
    tpu.wait_dma2 semaphore(%arg17 : memref<!tpu.dma_semaphore, #tpu.memory_space<semaphore_mem>>) src(%dma_wait3A_457 : memref<64xi32, #tpu.memory_space<hbm>>) dst(%dma_wait3A_456 : memref<64xi32, #tpu.memory_space<vmem>>)
    %dma_wait3A_458 = arith.constant 7 : i32
    %dma_wait3A_459 = arith.constant 0 : i32
    %dma_wait3A_460 = tpu.memref_slice %arg8[%dma_wait3A_458, %dma_wait3A_459] : memref<8x64xi32, #tpu.memory_space<vmem>> -> memref<1x64xi32, #tpu.memory_space<vmem>>
    %dma_wait3A_461 = tpu.memref_squeeze %dma_wait3A_460 : memref<1x64xi32, #tpu.memory_space<vmem>> -> memref<64xi32, #tpu.memory_space<vmem>>
    %dma_wait3A_462 = tpu.memref_slice %arg2[%add3A_206] : memref<16384xi32, #tpu.memory_space<hbm>> -> memref<64xi32, #tpu.memory_space<hbm>>
    %dma_wait3A_463 = arith.constant 0 : i32
    %dma_wait3A_464 = tpu.memref_slice %arg8[%dma_wait3A_458, %dma_wait3A_463] : memref<8x64xi32, #tpu.memory_space<vmem>> -> memref<1x64xi32, #tpu.memory_space<vmem>>
    %dma_wait3A_465 = tpu.memref_squeeze %dma_wait3A_464 : memref<1x64xi32, #tpu.memory_space<vmem>> -> memref<64xi32, #tpu.memory_space<vmem>>
    %dma_wait3A_466 = tpu.memref_slice %arg2[%add3A_206] : memref<16384xi32, #tpu.memory_space<hbm>> -> memref<64xi32, #tpu.memory_space<hbm>>
    tpu.wait_dma2 semaphore(%arg17 : memref<!tpu.dma_semaphore, #tpu.memory_space<semaphore_mem>>) src(%dma_wait3A_466 : memref<64xi32, #tpu.memory_space<hbm>>) dst(%dma_wait3A_465 : memref<64xi32, #tpu.memory_space<vmem>>)
    %dma_wait3A_467 = arith.constant 7 : i32
    %dma_wait3A_468 = arith.constant 0 : i32
    %dma_wait3A_469 = tpu.memref_slice %arg9[%dma_wait3A_467, %dma_wait3A_468] : memref<8x64xi32, #tpu.memory_space<vmem>> -> memref<1x64xi32, #tpu.memory_space<vmem>>
    %dma_wait3A_470 = tpu.memref_squeeze %dma_wait3A_469 : memref<1x64xi32, #tpu.memory_space<vmem>> -> memref<64xi32, #tpu.memory_space<vmem>>
    %dma_wait3A_471 = tpu.memref_slice %arg3[%add3A_206] : memref<16384xi32, #tpu.memory_space<hbm>> -> memref<64xi32, #tpu.memory_space<hbm>>
    %dma_wait3A_472 = arith.constant 0 : i32
    %dma_wait3A_473 = tpu.memref_slice %arg9[%dma_wait3A_467, %dma_wait3A_472] : memref<8x64xi32, #tpu.memory_space<vmem>> -> memref<1x64xi32, #tpu.memory_space<vmem>>
    %dma_wait3A_474 = tpu.memref_squeeze %dma_wait3A_473 : memref<1x64xi32, #tpu.memory_space<vmem>> -> memref<64xi32, #tpu.memory_space<vmem>>
    %dma_wait3A_475 = tpu.memref_slice %arg3[%add3A_206] : memref<16384xi32, #tpu.memory_space<hbm>> -> memref<64xi32, #tpu.memory_space<hbm>>
    tpu.wait_dma2 semaphore(%arg17 : memref<!tpu.dma_semaphore, #tpu.memory_space<semaphore_mem>>) src(%dma_wait3A_475 : memref<64xi32, #tpu.memory_space<hbm>>) dst(%dma_wait3A_474 : memref<64xi32, #tpu.memory_space<vmem>>)
    %dma_wait3A_476 = arith.constant 7 : i32
    %dma_wait3A_477 = arith.constant 0 : i32
    %dma_wait3A_478 = tpu.memref_slice %arg10[%dma_wait3A_476, %dma_wait3A_477] : memref<8x64xi32, #tpu.memory_space<vmem>> -> memref<1x64xi32, #tpu.memory_space<vmem>>
    %dma_wait3A_479 = tpu.memref_squeeze %dma_wait3A_478 : memref<1x64xi32, #tpu.memory_space<vmem>> -> memref<64xi32, #tpu.memory_space<vmem>>
    %dma_wait3A_480 = tpu.memref_slice %arg4[%add3A_206] : memref<16384xi32, #tpu.memory_space<hbm>> -> memref<64xi32, #tpu.memory_space<hbm>>
    %dma_wait3A_481 = arith.constant 0 : i32
    %dma_wait3A_482 = tpu.memref_slice %arg10[%dma_wait3A_476, %dma_wait3A_481] : memref<8x64xi32, #tpu.memory_space<vmem>> -> memref<1x64xi32, #tpu.memory_space<vmem>>
    %dma_wait3A_483 = tpu.memref_squeeze %dma_wait3A_482 : memref<1x64xi32, #tpu.memory_space<vmem>> -> memref<64xi32, #tpu.memory_space<vmem>>
    %dma_wait3A_484 = tpu.memref_slice %arg4[%add3A_206] : memref<16384xi32, #tpu.memory_space<hbm>> -> memref<64xi32, #tpu.memory_space<hbm>>
    tpu.wait_dma2 semaphore(%arg17 : memref<!tpu.dma_semaphore, #tpu.memory_space<semaphore_mem>>) src(%dma_wait3A_484 : memref<64xi32, #tpu.memory_space<hbm>>) dst(%dma_wait3A_483 : memref<64xi32, #tpu.memory_space<vmem>>)
    %dma_start3A_485 = arith.constant 1 : i32
    %dma_start3A_486 = arith.constant 1 : i32
    %dma_start3A_487 = arith.constant 0 : i32
    %dma_start3A_488 = arith.constant 0 : i32
    %dma_start3A_489 = tpu.memref_slice %arg11[%dma_start3A_486, %dma_start3A_487, %dma_start3A_488] : memref<6x64x128xf32, #tpu.memory_space<vmem>> -> memref<1x64x128xf32, #tpu.memory_space<vmem>>
    %dma_start3A_490 = tpu.memref_squeeze %dma_start3A_489 : memref<1x64x128xf32, #tpu.memory_space<vmem>> -> memref<64x128xf32, #tpu.memory_space<vmem>>
    %dma_start3A_491 = arith.constant 0 : i32
    %dma_start3A_492 = tpu.memref_slice %arg8[%dma_start3A_485, %dma_start3A_491] : memref<8x64xi32, #tpu.memory_space<vmem>> -> memref<1x64xi32, #tpu.memory_space<vmem>>
    %dma_start3A_493 = tpu.memref_squeeze %dma_start3A_492 : memref<1x64xi32, #tpu.memory_space<vmem>> -> memref<64xi32, #tpu.memory_space<vmem>>
    %dma_start3A_494 = arith.constant 0 : i32
    %dma_start3A_495 = arith.constant 0 : i32
    %dma_start3A_496 = tpu.memref_slice %arg5[%dma_start3A_494, %dma_start3A_495] : memref<100000x128xf32, #tpu.memory_space<hbm>> -> memref<100000x128xf32, #tpu.memory_space<hbm>>
    tpu.enqueue_indirect_dma source(%dma_start3A_496 : memref<100000x128xf32, #tpu.memory_space<hbm>>) target(%dma_start3A_490 : memref<64x128xf32, #tpu.memory_space<vmem>>) offsets(%dma_start3A_493 : memref<64xi32, #tpu.memory_space<vmem>>) semaphore(%arg17 : memref<!tpu.dma_semaphore, #tpu.memory_space<semaphore_mem>>)
    %dma_start3A_497 = arith.constant 1 : i32
    %dma_start3A_498 = arith.constant 1 : i32
    %dma_start3A_499 = arith.constant 0 : i32
    %dma_start3A_500 = arith.constant 0 : i32
    %dma_start3A_501 = tpu.memref_slice %arg12[%dma_start3A_498, %dma_start3A_499, %dma_start3A_500] : memref<6x64x64xi32, #tpu.memory_space<vmem>> -> memref<1x64x64xi32, #tpu.memory_space<vmem>>
    %dma_start3A_502 = tpu.memref_squeeze %dma_start3A_501 : memref<1x64x64xi32, #tpu.memory_space<vmem>> -> memref<64x64xi32, #tpu.memory_space<vmem>>
    %dma_start3A_503 = arith.constant 0 : i32
    %dma_start3A_504 = tpu.memref_slice %arg9[%dma_start3A_497, %dma_start3A_503] : memref<8x64xi32, #tpu.memory_space<vmem>> -> memref<1x64xi32, #tpu.memory_space<vmem>>
    %dma_start3A_505 = tpu.memref_squeeze %dma_start3A_504 : memref<1x64xi32, #tpu.memory_space<vmem>> -> memref<64xi32, #tpu.memory_space<vmem>>
    %dma_start3A_506 = arith.constant 0 : i32
    %dma_start3A_507 = arith.constant 0 : i32
    %dma_start3A_508 = tpu.memref_slice %arg6[%dma_start3A_506, %dma_start3A_507] : memref<1000x64xi32, #tpu.memory_space<hbm>> -> memref<1000x64xi32, #tpu.memory_space<hbm>>
    tpu.enqueue_indirect_dma source(%dma_start3A_508 : memref<1000x64xi32, #tpu.memory_space<hbm>>) target(%dma_start3A_502 : memref<64x64xi32, #tpu.memory_space<vmem>>) offsets(%dma_start3A_505 : memref<64xi32, #tpu.memory_space<vmem>>) semaphore(%arg17 : memref<!tpu.dma_semaphore, #tpu.memory_space<semaphore_mem>>)
    %dma_start3A_509 = arith.constant 1 : i32
    %dma_start3A_510 = arith.constant 1 : i32
    %dma_start3A_511 = arith.constant 0 : i32
    %dma_start3A_512 = arith.constant 0 : i32
    %dma_start3A_513 = tpu.memref_slice %arg13[%dma_start3A_510, %dma_start3A_511, %dma_start3A_512] : memref<6x64x128xf32, #tpu.memory_space<vmem>> -> memref<1x64x128xf32, #tpu.memory_space<vmem>>
    %dma_start3A_514 = tpu.memref_squeeze %dma_start3A_513 : memref<1x64x128xf32, #tpu.memory_space<vmem>> -> memref<64x128xf32, #tpu.memory_space<vmem>>
    %dma_start3A_515 = arith.constant 0 : i32
    %dma_start3A_516 = tpu.memref_slice %arg10[%dma_start3A_509, %dma_start3A_515] : memref<8x64xi32, #tpu.memory_space<vmem>> -> memref<1x64xi32, #tpu.memory_space<vmem>>
    %dma_start3A_517 = tpu.memref_squeeze %dma_start3A_516 : memref<1x64xi32, #tpu.memory_space<vmem>> -> memref<64xi32, #tpu.memory_space<vmem>>
    %dma_start3A_518 = arith.constant 0 : i32
    %dma_start3A_519 = arith.constant 0 : i32
    %dma_start3A_520 = tpu.memref_slice %arg5[%dma_start3A_518, %dma_start3A_519] : memref<100000x128xf32, #tpu.memory_space<hbm>> -> memref<100000x128xf32, #tpu.memory_space<hbm>>
    tpu.enqueue_indirect_dma source(%dma_start3A_520 : memref<100000x128xf32, #tpu.memory_space<hbm>>) target(%dma_start3A_514 : memref<64x128xf32, #tpu.memory_space<vmem>>) offsets(%dma_start3A_517 : memref<64xi32, #tpu.memory_space<vmem>>) semaphore(%arg17 : memref<!tpu.dma_semaphore, #tpu.memory_space<semaphore_mem>>)
    %dma_start3A_521 = arith.constant 2 : i32
    %dma_start3A_522 = arith.constant 2 : i32
    %dma_start3A_523 = arith.constant 0 : i32
    %dma_start3A_524 = arith.constant 0 : i32
    %dma_start3A_525 = tpu.memref_slice %arg11[%dma_start3A_522, %dma_start3A_523, %dma_start3A_524] : memref<6x64x128xf32, #tpu.memory_space<vmem>> -> memref<1x64x128xf32, #tpu.memory_space<vmem>>
    %dma_start3A_526 = tpu.memref_squeeze %dma_start3A_525 : memref<1x64x128xf32, #tpu.memory_space<vmem>> -> memref<64x128xf32, #tpu.memory_space<vmem>>
    %dma_start3A_527 = arith.constant 0 : i32
    %dma_start3A_528 = tpu.memref_slice %arg8[%dma_start3A_521, %dma_start3A_527] : memref<8x64xi32, #tpu.memory_space<vmem>> -> memref<1x64xi32, #tpu.memory_space<vmem>>
    %dma_start3A_529 = tpu.memref_squeeze %dma_start3A_528 : memref<1x64xi32, #tpu.memory_space<vmem>> -> memref<64xi32, #tpu.memory_space<vmem>>
    %dma_start3A_530 = arith.constant 0 : i32
    %dma_start3A_531 = arith.constant 0 : i32
    %dma_start3A_532 = tpu.memref_slice %arg5[%dma_start3A_530, %dma_start3A_531] : memref<100000x128xf32, #tpu.memory_space<hbm>> -> memref<100000x128xf32, #tpu.memory_space<hbm>>
    tpu.enqueue_indirect_dma source(%dma_start3A_532 : memref<100000x128xf32, #tpu.memory_space<hbm>>) target(%dma_start3A_526 : memref<64x128xf32, #tpu.memory_space<vmem>>) offsets(%dma_start3A_529 : memref<64xi32, #tpu.memory_space<vmem>>) semaphore(%arg18 : memref<!tpu.dma_semaphore, #tpu.memory_space<semaphore_mem>>)
    %dma_start3A_533 = arith.constant 2 : i32
    %dma_start3A_534 = arith.constant 2 : i32
    %dma_start3A_535 = arith.constant 0 : i32
    %dma_start3A_536 = arith.constant 0 : i32
    %dma_start3A_537 = tpu.memref_slice %arg12[%dma_start3A_534, %dma_start3A_535, %dma_start3A_536] : memref<6x64x64xi32, #tpu.memory_space<vmem>> -> memref<1x64x64xi32, #tpu.memory_space<vmem>>
    %dma_start3A_538 = tpu.memref_squeeze %dma_start3A_537 : memref<1x64x64xi32, #tpu.memory_space<vmem>> -> memref<64x64xi32, #tpu.memory_space<vmem>>
    %dma_start3A_539 = arith.constant 0 : i32
    %dma_start3A_540 = tpu.memref_slice %arg9[%dma_start3A_533, %dma_start3A_539] : memref<8x64xi32, #tpu.memory_space<vmem>> -> memref<1x64xi32, #tpu.memory_space<vmem>>
    %dma_start3A_541 = tpu.memref_squeeze %dma_start3A_540 : memref<1x64xi32, #tpu.memory_space<vmem>> -> memref<64xi32, #tpu.memory_space<vmem>>
    %dma_start3A_542 = arith.constant 0 : i32
    %dma_start3A_543 = arith.constant 0 : i32
    %dma_start3A_544 = tpu.memref_slice %arg6[%dma_start3A_542, %dma_start3A_543] : memref<1000x64xi32, #tpu.memory_space<hbm>> -> memref<1000x64xi32, #tpu.memory_space<hbm>>
    tpu.enqueue_indirect_dma source(%dma_start3A_544 : memref<1000x64xi32, #tpu.memory_space<hbm>>) target(%dma_start3A_538 : memref<64x64xi32, #tpu.memory_space<vmem>>) offsets(%dma_start3A_541 : memref<64xi32, #tpu.memory_space<vmem>>) semaphore(%arg18 : memref<!tpu.dma_semaphore, #tpu.memory_space<semaphore_mem>>)
    %dma_start3A_545 = arith.constant 2 : i32
    %dma_start3A_546 = arith.constant 2 : i32
    %dma_start3A_547 = arith.constant 0 : i32
    %dma_start3A_548 = arith.constant 0 : i32
    %dma_start3A_549 = tpu.memref_slice %arg13[%dma_start3A_546, %dma_start3A_547, %dma_start3A_548] : memref<6x64x128xf32, #tpu.memory_space<vmem>> -> memref<1x64x128xf32, #tpu.memory_space<vmem>>
    %dma_start3A_550 = tpu.memref_squeeze %dma_start3A_549 : memref<1x64x128xf32, #tpu.memory_space<vmem>> -> memref<64x128xf32, #tpu.memory_space<vmem>>
    %dma_start3A_551 = arith.constant 0 : i32
    %dma_start3A_552 = tpu.memref_slice %arg10[%dma_start3A_545, %dma_start3A_551] : memref<8x64xi32, #tpu.memory_space<vmem>> -> memref<1x64xi32, #tpu.memory_space<vmem>>
    %dma_start3A_553 = tpu.memref_squeeze %dma_start3A_552 : memref<1x64xi32, #tpu.memory_space<vmem>> -> memref<64xi32, #tpu.memory_space<vmem>>
    %dma_start3A_554 = arith.constant 0 : i32
    %dma_start3A_555 = arith.constant 0 : i32
    %dma_start3A_556 = tpu.memref_slice %arg5[%dma_start3A_554, %dma_start3A_555] : memref<100000x128xf32, #tpu.memory_space<hbm>> -> memref<100000x128xf32, #tpu.memory_space<hbm>>
    tpu.enqueue_indirect_dma source(%dma_start3A_556 : memref<100000x128xf32, #tpu.memory_space<hbm>>) target(%dma_start3A_550 : memref<64x128xf32, #tpu.memory_space<vmem>>) offsets(%dma_start3A_553 : memref<64xi32, #tpu.memory_space<vmem>>) semaphore(%arg18 : memref<!tpu.dma_semaphore, #tpu.memory_space<semaphore_mem>>)
    %dma_start3A_557 = arith.constant 3 : i32
    %dma_start3A_558 = arith.constant 3 : i32
    %dma_start3A_559 = arith.constant 0 : i32
    %dma_start3A_560 = arith.constant 0 : i32
    %dma_start3A_561 = tpu.memref_slice %arg11[%dma_start3A_558, %dma_start3A_559, %dma_start3A_560] : memref<6x64x128xf32, #tpu.memory_space<vmem>> -> memref<1x64x128xf32, #tpu.memory_space<vmem>>
    %dma_start3A_562 = tpu.memref_squeeze %dma_start3A_561 : memref<1x64x128xf32, #tpu.memory_space<vmem>> -> memref<64x128xf32, #tpu.memory_space<vmem>>
    %dma_start3A_563 = arith.constant 0 : i32
    %dma_start3A_564 = tpu.memref_slice %arg8[%dma_start3A_557, %dma_start3A_563] : memref<8x64xi32, #tpu.memory_space<vmem>> -> memref<1x64xi32, #tpu.memory_space<vmem>>
    %dma_start3A_565 = tpu.memref_squeeze %dma_start3A_564 : memref<1x64xi32, #tpu.memory_space<vmem>> -> memref<64xi32, #tpu.memory_space<vmem>>
    %dma_start3A_566 = arith.constant 0 : i32
    %dma_start3A_567 = arith.constant 0 : i32
    %dma_start3A_568 = tpu.memref_slice %arg5[%dma_start3A_566, %dma_start3A_567] : memref<100000x128xf32, #tpu.memory_space<hbm>> -> memref<100000x128xf32, #tpu.memory_space<hbm>>
    tpu.enqueue_indirect_dma source(%dma_start3A_568 : memref<100000x128xf32, #tpu.memory_space<hbm>>) target(%dma_start3A_562 : memref<64x128xf32, #tpu.memory_space<vmem>>) offsets(%dma_start3A_565 : memref<64xi32, #tpu.memory_space<vmem>>) semaphore(%arg19 : memref<!tpu.dma_semaphore, #tpu.memory_space<semaphore_mem>>)
    %dma_start3A_569 = arith.constant 3 : i32
    %dma_start3A_570 = arith.constant 3 : i32
    %dma_start3A_571 = arith.constant 0 : i32
    %dma_start3A_572 = arith.constant 0 : i32
    %dma_start3A_573 = tpu.memref_slice %arg12[%dma_start3A_570, %dma_start3A_571, %dma_start3A_572] : memref<6x64x64xi32, #tpu.memory_space<vmem>> -> memref<1x64x64xi32, #tpu.memory_space<vmem>>
    %dma_start3A_574 = tpu.memref_squeeze %dma_start3A_573 : memref<1x64x64xi32, #tpu.memory_space<vmem>> -> memref<64x64xi32, #tpu.memory_space<vmem>>
    %dma_start3A_575 = arith.constant 0 : i32
    %dma_start3A_576 = tpu.memref_slice %arg9[%dma_start3A_569, %dma_start3A_575] : memref<8x64xi32, #tpu.memory_space<vmem>> -> memref<1x64xi32, #tpu.memory_space<vmem>>
    %dma_start3A_577 = tpu.memref_squeeze %dma_start3A_576 : memref<1x64xi32, #tpu.memory_space<vmem>> -> memref<64xi32, #tpu.memory_space<vmem>>
    %dma_start3A_578 = arith.constant 0 : i32
    %dma_start3A_579 = arith.constant 0 : i32
    %dma_start3A_580 = tpu.memref_slice %arg6[%dma_start3A_578, %dma_start3A_579] : memref<1000x64xi32, #tpu.memory_space<hbm>> -> memref<1000x64xi32, #tpu.memory_space<hbm>>
    tpu.enqueue_indirect_dma source(%dma_start3A_580 : memref<1000x64xi32, #tpu.memory_space<hbm>>) target(%dma_start3A_574 : memref<64x64xi32, #tpu.memory_space<vmem>>) offsets(%dma_start3A_577 : memref<64xi32, #tpu.memory_space<vmem>>) semaphore(%arg19 : memref<!tpu.dma_semaphore, #tpu.memory_space<semaphore_mem>>)
    %dma_start3A_581 = arith.constant 3 : i32
    %dma_start3A_582 = arith.constant 3 : i32
    %dma_start3A_583 = arith.constant 0 : i32
    %dma_start3A_584 = arith.constant 0 : i32
    %dma_start3A_585 = tpu.memref_slice %arg13[%dma_start3A_582, %dma_start3A_583, %dma_start3A_584] : memref<6x64x128xf32, #tpu.memory_space<vmem>> -> memref<1x64x128xf32, #tpu.memory_space<vmem>>
    %dma_start3A_586 = tpu.memref_squeeze %dma_start3A_585 : memref<1x64x128xf32, #tpu.memory_space<vmem>> -> memref<64x128xf32, #tpu.memory_space<vmem>>
    %dma_start3A_587 = arith.constant 0 : i32
    %dma_start3A_588 = tpu.memref_slice %arg10[%dma_start3A_581, %dma_start3A_587] : memref<8x64xi32, #tpu.memory_space<vmem>> -> memref<1x64xi32, #tpu.memory_space<vmem>>
    %dma_start3A_589 = tpu.memref_squeeze %dma_start3A_588 : memref<1x64xi32, #tpu.memory_space<vmem>> -> memref<64xi32, #tpu.memory_space<vmem>>
    %dma_start3A_590 = arith.constant 0 : i32
    %dma_start3A_591 = arith.constant 0 : i32
    %dma_start3A_592 = tpu.memref_slice %arg5[%dma_start3A_590, %dma_start3A_591] : memref<100000x128xf32, #tpu.memory_space<hbm>> -> memref<100000x128xf32, #tpu.memory_space<hbm>>
    tpu.enqueue_indirect_dma source(%dma_start3A_592 : memref<100000x128xf32, #tpu.memory_space<hbm>>) target(%dma_start3A_586 : memref<64x128xf32, #tpu.memory_space<vmem>>) offsets(%dma_start3A_589 : memref<64xi32, #tpu.memory_space<vmem>>) semaphore(%arg19 : memref<!tpu.dma_semaphore, #tpu.memory_space<semaphore_mem>>)
    %dma_start3A_593 = arith.constant 4 : i32
    %dma_start3A_594 = arith.constant 4 : i32
    %dma_start3A_595 = arith.constant 0 : i32
    %dma_start3A_596 = arith.constant 0 : i32
    %dma_start3A_597 = tpu.memref_slice %arg11[%dma_start3A_594, %dma_start3A_595, %dma_start3A_596] : memref<6x64x128xf32, #tpu.memory_space<vmem>> -> memref<1x64x128xf32, #tpu.memory_space<vmem>>
    %dma_start3A_598 = tpu.memref_squeeze %dma_start3A_597 : memref<1x64x128xf32, #tpu.memory_space<vmem>> -> memref<64x128xf32, #tpu.memory_space<vmem>>
    %dma_start3A_599 = arith.constant 0 : i32
    %dma_start3A_600 = tpu.memref_slice %arg8[%dma_start3A_593, %dma_start3A_599] : memref<8x64xi32, #tpu.memory_space<vmem>> -> memref<1x64xi32, #tpu.memory_space<vmem>>
    %dma_start3A_601 = tpu.memref_squeeze %dma_start3A_600 : memref<1x64xi32, #tpu.memory_space<vmem>> -> memref<64xi32, #tpu.memory_space<vmem>>
    %dma_start3A_602 = arith.constant 0 : i32
    %dma_start3A_603 = arith.constant 0 : i32
    %dma_start3A_604 = tpu.memref_slice %arg5[%dma_start3A_602, %dma_start3A_603] : memref<100000x128xf32, #tpu.memory_space<hbm>> -> memref<100000x128xf32, #tpu.memory_space<hbm>>
    tpu.enqueue_indirect_dma source(%dma_start3A_604 : memref<100000x128xf32, #tpu.memory_space<hbm>>) target(%dma_start3A_598 : memref<64x128xf32, #tpu.memory_space<vmem>>) offsets(%dma_start3A_601 : memref<64xi32, #tpu.memory_space<vmem>>) semaphore(%arg20 : memref<!tpu.dma_semaphore, #tpu.memory_space<semaphore_mem>>)
    %dma_start3A_605 = arith.constant 4 : i32
    %dma_start3A_606 = arith.constant 4 : i32
    %dma_start3A_607 = arith.constant 0 : i32
    %dma_start3A_608 = arith.constant 0 : i32
    %dma_start3A_609 = tpu.memref_slice %arg12[%dma_start3A_606, %dma_start3A_607, %dma_start3A_608] : memref<6x64x64xi32, #tpu.memory_space<vmem>> -> memref<1x64x64xi32, #tpu.memory_space<vmem>>
    %dma_start3A_610 = tpu.memref_squeeze %dma_start3A_609 : memref<1x64x64xi32, #tpu.memory_space<vmem>> -> memref<64x64xi32, #tpu.memory_space<vmem>>
    %dma_start3A_611 = arith.constant 0 : i32
    %dma_start3A_612 = tpu.memref_slice %arg9[%dma_start3A_605, %dma_start3A_611] : memref<8x64xi32, #tpu.memory_space<vmem>> -> memref<1x64xi32, #tpu.memory_space<vmem>>
    %dma_start3A_613 = tpu.memref_squeeze %dma_start3A_612 : memref<1x64xi32, #tpu.memory_space<vmem>> -> memref<64xi32, #tpu.memory_space<vmem>>
    %dma_start3A_614 = arith.constant 0 : i32
    %dma_start3A_615 = arith.constant 0 : i32
    %dma_start3A_616 = tpu.memref_slice %arg6[%dma_start3A_614, %dma_start3A_615] : memref<1000x64xi32, #tpu.memory_space<hbm>> -> memref<1000x64xi32, #tpu.memory_space<hbm>>
    tpu.enqueue_indirect_dma source(%dma_start3A_616 : memref<1000x64xi32, #tpu.memory_space<hbm>>) target(%dma_start3A_610 : memref<64x64xi32, #tpu.memory_space<vmem>>) offsets(%dma_start3A_613 : memref<64xi32, #tpu.memory_space<vmem>>) semaphore(%arg20 : memref<!tpu.dma_semaphore, #tpu.memory_space<semaphore_mem>>)
    %dma_start3A_617 = arith.constant 4 : i32
    %dma_start3A_618 = arith.constant 4 : i32
    %dma_start3A_619 = arith.constant 0 : i32
    %dma_start3A_620 = arith.constant 0 : i32
    %dma_start3A_621 = tpu.memref_slice %arg13[%dma_start3A_618, %dma_start3A_619, %dma_start3A_620] : memref<6x64x128xf32, #tpu.memory_space<vmem>> -> memref<1x64x128xf32, #tpu.memory_space<vmem>>
    %dma_start3A_622 = tpu.memref_squeeze %dma_start3A_621 : memref<1x64x128xf32, #tpu.memory_space<vmem>> -> memref<64x128xf32, #tpu.memory_space<vmem>>
    %dma_start3A_623 = arith.constant 0 : i32
    %dma_start3A_624 = tpu.memref_slice %arg10[%dma_start3A_617, %dma_start3A_623] : memref<8x64xi32, #tpu.memory_space<vmem>> -> memref<1x64xi32, #tpu.memory_space<vmem>>
    %dma_start3A_625 = tpu.memref_squeeze %dma_start3A_624 : memref<1x64xi32, #tpu.memory_space<vmem>> -> memref<64xi32, #tpu.memory_space<vmem>>
    %dma_start3A_626 = arith.constant 0 : i32
    %dma_start3A_627 = arith.constant 0 : i32
    %dma_start3A_628 = tpu.memref_slice %arg5[%dma_start3A_626, %dma_start3A_627] : memref<100000x128xf32, #tpu.memory_space<hbm>> -> memref<100000x128xf32, #tpu.memory_space<hbm>>
    tpu.enqueue_indirect_dma source(%dma_start3A_628 : memref<100000x128xf32, #tpu.memory_space<hbm>>) target(%dma_start3A_622 : memref<64x128xf32, #tpu.memory_space<vmem>>) offsets(%dma_start3A_625 : memref<64xi32, #tpu.memory_space<vmem>>) semaphore(%arg20 : memref<!tpu.dma_semaphore, #tpu.memory_space<semaphore_mem>>)
    %dma_start3A_629 = arith.constant 5 : i32
    %dma_start3A_630 = arith.constant 5 : i32
    %dma_start3A_631 = arith.constant 0 : i32
    %dma_start3A_632 = arith.constant 0 : i32
    %dma_start3A_633 = tpu.memref_slice %arg11[%dma_start3A_630, %dma_start3A_631, %dma_start3A_632] : memref<6x64x128xf32, #tpu.memory_space<vmem>> -> memref<1x64x128xf32, #tpu.memory_space<vmem>>
    %dma_start3A_634 = tpu.memref_squeeze %dma_start3A_633 : memref<1x64x128xf32, #tpu.memory_space<vmem>> -> memref<64x128xf32, #tpu.memory_space<vmem>>
    %dma_start3A_635 = arith.constant 0 : i32
    %dma_start3A_636 = tpu.memref_slice %arg8[%dma_start3A_629, %dma_start3A_635] : memref<8x64xi32, #tpu.memory_space<vmem>> -> memref<1x64xi32, #tpu.memory_space<vmem>>
    %dma_start3A_637 = tpu.memref_squeeze %dma_start3A_636 : memref<1x64xi32, #tpu.memory_space<vmem>> -> memref<64xi32, #tpu.memory_space<vmem>>
    %dma_start3A_638 = arith.constant 0 : i32
    %dma_start3A_639 = arith.constant 0 : i32
    %dma_start3A_640 = tpu.memref_slice %arg5[%dma_start3A_638, %dma_start3A_639] : memref<100000x128xf32, #tpu.memory_space<hbm>> -> memref<100000x128xf32, #tpu.memory_space<hbm>>
    tpu.enqueue_indirect_dma source(%dma_start3A_640 : memref<100000x128xf32, #tpu.memory_space<hbm>>) target(%dma_start3A_634 : memref<64x128xf32, #tpu.memory_space<vmem>>) offsets(%dma_start3A_637 : memref<64xi32, #tpu.memory_space<vmem>>) semaphore(%arg21 : memref<!tpu.dma_semaphore, #tpu.memory_space<semaphore_mem>>)
    %dma_start3A_641 = arith.constant 5 : i32
    %dma_start3A_642 = arith.constant 5 : i32
    %dma_start3A_643 = arith.constant 0 : i32
    %dma_start3A_644 = arith.constant 0 : i32
    %dma_start3A_645 = tpu.memref_slice %arg12[%dma_start3A_642, %dma_start3A_643, %dma_start3A_644] : memref<6x64x64xi32, #tpu.memory_space<vmem>> -> memref<1x64x64xi32, #tpu.memory_space<vmem>>
    %dma_start3A_646 = tpu.memref_squeeze %dma_start3A_645 : memref<1x64x64xi32, #tpu.memory_space<vmem>> -> memref<64x64xi32, #tpu.memory_space<vmem>>
    %dma_start3A_647 = arith.constant 0 : i32
    %dma_start3A_648 = tpu.memref_slice %arg9[%dma_start3A_641, %dma_start3A_647] : memref<8x64xi32, #tpu.memory_space<vmem>> -> memref<1x64xi32, #tpu.memory_space<vmem>>
    %dma_start3A_649 = tpu.memref_squeeze %dma_start3A_648 : memref<1x64xi32, #tpu.memory_space<vmem>> -> memref<64xi32, #tpu.memory_space<vmem>>
    %dma_start3A_650 = arith.constant 0 : i32
    %dma_start3A_651 = arith.constant 0 : i32
    %dma_start3A_652 = tpu.memref_slice %arg6[%dma_start3A_650, %dma_start3A_651] : memref<1000x64xi32, #tpu.memory_space<hbm>> -> memref<1000x64xi32, #tpu.memory_space<hbm>>
    tpu.enqueue_indirect_dma source(%dma_start3A_652 : memref<1000x64xi32, #tpu.memory_space<hbm>>) target(%dma_start3A_646 : memref<64x64xi32, #tpu.memory_space<vmem>>) offsets(%dma_start3A_649 : memref<64xi32, #tpu.memory_space<vmem>>) semaphore(%arg21 : memref<!tpu.dma_semaphore, #tpu.memory_space<semaphore_mem>>)
    %dma_start3A_653 = arith.constant 5 : i32
    %dma_start3A_654 = arith.constant 5 : i32
    %dma_start3A_655 = arith.constant 0 : i32
    %dma_start3A_656 = arith.constant 0 : i32
    %dma_start3A_657 = tpu.memref_slice %arg13[%dma_start3A_654, %dma_start3A_655, %dma_start3A_656] : memref<6x64x128xf32, #tpu.memory_space<vmem>> -> memref<1x64x128xf32, #tpu.memory_space<vmem>>
    %dma_start3A_658 = tpu.memref_squeeze %dma_start3A_657 : memref<1x64x128xf32, #tpu.memory_space<vmem>> -> memref<64x128xf32, #tpu.memory_space<vmem>>
    %dma_start3A_659 = arith.constant 0 : i32
    %dma_start3A_660 = tpu.memref_slice %arg10[%dma_start3A_653, %dma_start3A_659] : memref<8x64xi32, #tpu.memory_space<vmem>> -> memref<1x64xi32, #tpu.memory_space<vmem>>
    %dma_start3A_661 = tpu.memref_squeeze %dma_start3A_660 : memref<1x64xi32, #tpu.memory_space<vmem>> -> memref<64xi32, #tpu.memory_space<vmem>>
    %dma_start3A_662 = arith.constant 0 : i32
    %dma_start3A_663 = arith.constant 0 : i32
    %dma_start3A_664 = tpu.memref_slice %arg5[%dma_start3A_662, %dma_start3A_663] : memref<100000x128xf32, #tpu.memory_space<hbm>> -> memref<100000x128xf32, #tpu.memory_space<hbm>>
    tpu.enqueue_indirect_dma source(%dma_start3A_664 : memref<100000x128xf32, #tpu.memory_space<hbm>>) target(%dma_start3A_658 : memref<64x128xf32, #tpu.memory_space<vmem>>) offsets(%dma_start3A_661 : memref<64xi32, #tpu.memory_space<vmem>>) semaphore(%arg21 : memref<!tpu.dma_semaphore, #tpu.memory_space<semaphore_mem>>)
    %dma_wait3A_665 = arith.constant 0 : i32
    %dma_wait3A_666 = arith.constant 0 : i32
    %dma_wait3A_667 = arith.constant 0 : i32
    %dma_wait3A_668 = arith.constant 0 : i32
    %dma_wait3A_669 = tpu.memref_slice %arg11[%dma_wait3A_666, %dma_wait3A_667, %dma_wait3A_668] : memref<6x64x128xf32, #tpu.memory_space<vmem>> -> memref<1x64x128xf32, #tpu.memory_space<vmem>>
    %dma_wait3A_670 = tpu.memref_squeeze %dma_wait3A_669 : memref<1x64x128xf32, #tpu.memory_space<vmem>> -> memref<64x128xf32, #tpu.memory_space<vmem>>
    %dma_wait3A_671 = arith.constant 0 : i32
    %dma_wait3A_672 = tpu.memref_slice %arg8[%dma_wait3A_665, %dma_wait3A_671] : memref<8x64xi32, #tpu.memory_space<vmem>> -> memref<1x64xi32, #tpu.memory_space<vmem>>
    %dma_wait3A_673 = tpu.memref_squeeze %dma_wait3A_672 : memref<1x64xi32, #tpu.memory_space<vmem>> -> memref<64xi32, #tpu.memory_space<vmem>>
    %dma_wait3A_674 = arith.constant 0 : i32
    %dma_wait3A_675 = arith.constant 0 : i32
    %dma_wait3A_676 = tpu.memref_slice %arg5[%dma_wait3A_674, %dma_wait3A_675] : memref<100000x128xf32, #tpu.memory_space<hbm>> -> memref<100000x128xf32, #tpu.memory_space<hbm>>
    tpu.wait_indirect_dma semaphore(%arg16 : memref<!tpu.dma_semaphore, #tpu.memory_space<semaphore_mem>>) src(%dma_wait3A_676 : memref<100000x128xf32, #tpu.memory_space<hbm>>) dst(%dma_wait3A_670 : memref<64x128xf32, #tpu.memory_space<vmem>>)
    %dma_wait3A_677 = arith.constant 0 : i32
    %dma_wait3A_678 = arith.constant 0 : i32
    %dma_wait3A_679 = arith.constant 0 : i32
    %dma_wait3A_680 = arith.constant 0 : i32
    %dma_wait3A_681 = tpu.memref_slice %arg12[%dma_wait3A_678, %dma_wait3A_679, %dma_wait3A_680] : memref<6x64x64xi32, #tpu.memory_space<vmem>> -> memref<1x64x64xi32, #tpu.memory_space<vmem>>
    %dma_wait3A_682 = tpu.memref_squeeze %dma_wait3A_681 : memref<1x64x64xi32, #tpu.memory_space<vmem>> -> memref<64x64xi32, #tpu.memory_space<vmem>>
    %dma_wait3A_683 = arith.constant 0 : i32
    %dma_wait3A_684 = tpu.memref_slice %arg9[%dma_wait3A_677, %dma_wait3A_683] : memref<8x64xi32, #tpu.memory_space<vmem>> -> memref<1x64xi32, #tpu.memory_space<vmem>>
    %dma_wait3A_685 = tpu.memref_squeeze %dma_wait3A_684 : memref<1x64xi32, #tpu.memory_space<vmem>> -> memref<64xi32, #tpu.memory_space<vmem>>
    %dma_wait3A_686 = arith.constant 0 : i32
    %dma_wait3A_687 = arith.constant 0 : i32
    %dma_wait3A_688 = tpu.memref_slice %arg6[%dma_wait3A_686, %dma_wait3A_687] : memref<1000x64xi32, #tpu.memory_space<hbm>> -> memref<1000x64xi32, #tpu.memory_space<hbm>>
    tpu.wait_indirect_dma semaphore(%arg16 : memref<!tpu.dma_semaphore, #tpu.memory_space<semaphore_mem>>) src(%dma_wait3A_688 : memref<1000x64xi32, #tpu.memory_space<hbm>>) dst(%dma_wait3A_682 : memref<64x64xi32, #tpu.memory_space<vmem>>)
    %dma_wait3A_689 = arith.constant 0 : i32
    %dma_wait3A_690 = arith.constant 0 : i32
    %dma_wait3A_691 = arith.constant 0 : i32
    %dma_wait3A_692 = arith.constant 0 : i32
    %dma_wait3A_693 = tpu.memref_slice %arg13[%dma_wait3A_690, %dma_wait3A_691, %dma_wait3A_692] : memref<6x64x128xf32, #tpu.memory_space<vmem>> -> memref<1x64x128xf32, #tpu.memory_space<vmem>>
    %dma_wait3A_694 = tpu.memref_squeeze %dma_wait3A_693 : memref<1x64x128xf32, #tpu.memory_space<vmem>> -> memref<64x128xf32, #tpu.memory_space<vmem>>
    %dma_wait3A_695 = arith.constant 0 : i32
    %dma_wait3A_696 = tpu.memref_slice %arg10[%dma_wait3A_689, %dma_wait3A_695] : memref<8x64xi32, #tpu.memory_space<vmem>> -> memref<1x64xi32, #tpu.memory_space<vmem>>
    %dma_wait3A_697 = tpu.memref_squeeze %dma_wait3A_696 : memref<1x64xi32, #tpu.memory_space<vmem>> -> memref<64xi32, #tpu.memory_space<vmem>>
    %dma_wait3A_698 = arith.constant 0 : i32
    %dma_wait3A_699 = arith.constant 0 : i32
    %dma_wait3A_700 = tpu.memref_slice %arg5[%dma_wait3A_698, %dma_wait3A_699] : memref<100000x128xf32, #tpu.memory_space<hbm>> -> memref<100000x128xf32, #tpu.memory_space<hbm>>
    tpu.wait_indirect_dma semaphore(%arg16 : memref<!tpu.dma_semaphore, #tpu.memory_space<semaphore_mem>>) src(%dma_wait3A_700 : memref<100000x128xf32, #tpu.memory_space<hbm>>) dst(%dma_wait3A_694 : memref<64x128xf32, #tpu.memory_space<vmem>>)
    %iota3A = tpu.iota {dimensions = array<i32: 0>} : vector<16xi32>
    %mul3A_701 = arith.constant 17 : i32
    %mul3A_702 = vector.broadcast %mul3A_701 : i32 to vector<16xi32>
    %mul3A_703 = arith.muli %iota3A, %mul3A_702 : vector<16xi32>
    %scan3A = arith.constant 0 : i32
    %scan3A_704 = arith.constant 0 : i32
    %scan3A_705 = arith.constant 0 : i32
    %scan3A_706 = arith.constant 0 : i32
    %scan3A_707 = arith.constant 0 : i32
    %scan3A_708 = arith.constant 4 : i32
    %scan3A_709 = arith.addi %scan3A_707, %scan3A_708 : i32
    %scan3A_710 = arith.constant 1 : i32
    %scan3A_711 = scf.for %scan3A_1247 = %scan3A_707 to %scan3A_709 step %scan3A_710 iter_args(%scan3A_1248 = %scan3A_706) -> (i32)  : i32 {
      %scan3A_1249 = arith.constant 0 : i32
      %scan3A_1250 = arith.constant 0 : i32
      %scan3A_1251 = arith.constant 16 : i32
      %scan3A_1252 = arith.addi %scan3A_1250, %scan3A_1251 : i32
      %scan3A_1253 = arith.constant 1 : i32
      %scan3A_1254 = scf.for %scan3A_1401 = %scan3A_1250 to %scan3A_1252 step %scan3A_1253 iter_args(%scan3A_1402 = %scan3A_1249) -> (i32)  : i32 {
        %broadcast_in_dim3A_1403 = arith.constant 0.000000e+00 : f32
        %broadcast_in_dim3A_1404 = vector.broadcast %broadcast_in_dim3A_1403 : f32 to vector<16xf32>
        %mul3A_1405 = arith.constant 16 : i32
        %mul3A_1406 = arith.muli %scan3A_1247, %mul3A_1405 : i32
        %add3A_1407 = arith.addi %mul3A_1406, %scan3A_1401 : i32
        %get3A = arith.constant 0 : i32
        %get3A_1408 = arith.constant 0 : i32
        %get3A_1409 = tpu.memref_slice %arg11[%scan3A, %get3A, %get3A_1408] : memref<6x64x128xf32, #tpu.memory_space<vmem>> -> memref<1x64x128xf32, #tpu.memory_space<vmem>>
        %get3A_1410 = tpu.memref_squeeze %get3A_1409 : memref<1x64x128xf32, #tpu.memory_space<vmem>> -> memref<64x128xf32, #tpu.memory_space<vmem>>
        %get3A_1411 = arith.index_cast %add3A_1407 : i32 to index
        %get3A_1412 = arith.constant 0 : index
        %get3A_1413 = tpu.vector_load %get3A_1410[%get3A_1411, %get3A_1412] {strides = array<i32>} : memref<64x128xf32, #tpu.memory_space<vmem>>, vector<16xf32>,
        %get3A_1414 = arith.constant 0 : i32
        %get3A_1415 = arith.constant 0 : i32
        %get3A_1416 = tpu.memref_slice %arg11[%scan3A, %get3A_1414, %get3A_1415] : memref<6x64x128xf32, #tpu.memory_space<vmem>> -> memref<1x64x128xf32, #tpu.memory_space<vmem>>
        %get3A_1417 = tpu.memref_squeeze %get3A_1416 : memref<1x64x128xf32, #tpu.memory_space<vmem>> -> memref<64x128xf32, #tpu.memory_space<vmem>>
        %get3A_1418 = arith.index_cast %add3A_1407 : i32 to index
        %get3A_1419 = arith.constant 16 : index
        %get3A_1420 = tpu.vector_load %get3A_1417[%get3A_1418, %get3A_1419] {strides = array<i32>} : memref<64x128xf32, #tpu.memory_space<vmem>>, vector<16xf32>,
        %get3A_1421 = arith.constant 0 : i32
        %get3A_1422 = arith.constant 0 : i32
        %get3A_1423 = tpu.memref_slice %arg13[%scan3A_704, %get3A_1421, %get3A_1422] : memref<6x64x128xf32, #tpu.memory_space<vmem>> -> memref<1x64x128xf32, #tpu.memory_space<vmem>>
        %get3A_1424 = tpu.memref_squeeze %get3A_1423 : memref<1x64x128xf32, #tpu.memory_space<vmem>> -> memref<64x128xf32, #tpu.memory_space<vmem>>
        %get3A_1425 = arith.index_cast %add3A_1407 : i32 to index
        %get3A_1426 = arith.constant 0 : index
        %get3A_1427 = tpu.vector_load %get3A_1424[%get3A_1425, %get3A_1426] {strides = array<i32>} : memref<64x128xf32, #tpu.memory_space<vmem>>, vector<16xf32>,
        %get3A_1428 = arith.constant 0 : i32
        %get3A_1429 = arith.constant 0 : i32
        %get3A_1430 = tpu.memref_slice %arg13[%scan3A_704, %get3A_1428, %get3A_1429] : memref<6x64x128xf32, #tpu.memory_space<vmem>> -> memref<1x64x128xf32, #tpu.memory_space<vmem>>
        %get3A_1431 = tpu.memref_squeeze %get3A_1430 : memref<1x64x128xf32, #tpu.memory_space<vmem>> -> memref<64x128xf32, #tpu.memory_space<vmem>>
        %get3A_1432 = arith.index_cast %add3A_1407 : i32 to index
        %get3A_1433 = arith.constant 16 : index
        %get3A_1434 = tpu.vector_load %get3A_1431[%get3A_1432, %get3A_1433] {strides = array<i32>} : memref<64x128xf32, #tpu.memory_space<vmem>>, vector<16xf32>,
        %get3A_1435 = arith.constant 0 : i32
        %get3A_1436 = arith.constant 0 : i32
        %get3A_1437 = tpu.memref_slice %arg12[%scan3A_705, %get3A_1435, %get3A_1436] : memref<6x64x64xi32, #tpu.memory_space<vmem>> -> memref<1x64x64xi32, #tpu.memory_space<vmem>>
        %get3A_1438 = tpu.memref_squeeze %get3A_1437 : memref<1x64x64xi32, #tpu.memory_space<vmem>> -> memref<64x64xi32, #tpu.memory_space<vmem>>
        %get3A_1439 = arith.index_cast %add3A_1407 : i32 to index
        %get3A_1440 = arith.constant 0 : index
        %get3A_1441 = tpu.vector_load %get3A_1438[%get3A_1439, %get3A_1440] {strides = array<i32>} : memref<64x64xi32, #tpu.memory_space<vmem>>, vector<16xi32>,
        %bitcast3A_1442 = vector.bitcast %get3A_1441 : vector<16xi32> to vector<32xbf16>
        %unpack3A = tpu.unpack_subelements %bitcast3A_1442, 0 {pack_format = #tpu.pack_format<interleaved>} : vector<32xbf16> -> vector<16xf32>
        %unpack3A_1443 = tpu.unpack_subelements %bitcast3A_1442, 1 {pack_format = #tpu.pack_format<interleaved>} : vector<32xbf16> -> vector<16xf32>
        %add3A_1444 = arith.addf %get3A_1413, %unpack3A : vector<16xf32>
        %sub3A_1445 = arith.subf %add3A_1444, %get3A_1427 : vector<16xf32>
        %add3A_1446 = arith.addf %get3A_1420, %unpack3A_1443 : vector<16xf32>
        %sub3A_1447 = arith.subf %add3A_1446, %get3A_1434 : vector<16xf32>
        %mul3A_1448 = arith.mulf %sub3A_1445, %sub3A_1445 : vector<16xf32>
        %add3A_1449 = arith.addf %broadcast_in_dim3A_1404, %mul3A_1448 : vector<16xf32>
        %mul3A_1450 = arith.mulf %sub3A_1447, %sub3A_1447 : vector<16xf32>
        %add3A_1451 = arith.addf %broadcast_in_dim3A_1404, %mul3A_1450 : vector<16xf32>
        %get3A_1452 = arith.constant 0 : i32
        %get3A_1453 = arith.constant 0 : i32
        %get3A_1454 = tpu.memref_slice %arg11[%scan3A, %get3A_1452, %get3A_1453] : memref<6x64x128xf32, #tpu.memory_space<vmem>> -> memref<1x64x128xf32, #tpu.memory_space<vmem>>
        %get3A_1455 = tpu.memref_squeeze %get3A_1454 : memref<1x64x128xf32, #tpu.memory_space<vmem>> -> memref<64x128xf32, #tpu.memory_space<vmem>>
        %get3A_1456 = arith.index_cast %add3A_1407 : i32 to index
        %get3A_1457 = arith.constant 32 : index
        %get3A_1458 = tpu.vector_load %get3A_1455[%get3A_1456, %get3A_1457] {strides = array<i32>} : memref<64x128xf32, #tpu.memory_space<vmem>>, vector<16xf32>,
        %get3A_1459 = arith.constant 0 : i32
        %get3A_1460 = arith.constant 0 : i32
        %get3A_1461 = tpu.memref_slice %arg11[%scan3A, %get3A_1459, %get3A_1460] : memref<6x64x128xf32, #tpu.memory_space<vmem>> -> memref<1x64x128xf32, #tpu.memory_space<vmem>>
        %get3A_1462 = tpu.memref_squeeze %get3A_1461 : memref<1x64x128xf32, #tpu.memory_space<vmem>> -> memref<64x128xf32, #tpu.memory_space<vmem>>
        %get3A_1463 = arith.index_cast %add3A_1407 : i32 to index
        %get3A_1464 = arith.constant 48 : index
        %get3A_1465 = tpu.vector_load %get3A_1462[%get3A_1463, %get3A_1464] {strides = array<i32>} : memref<64x128xf32, #tpu.memory_space<vmem>>, vector<16xf32>,
        %get3A_1466 = arith.constant 0 : i32
        %get3A_1467 = arith.constant 0 : i32
        %get3A_1468 = tpu.memref_slice %arg13[%scan3A_704, %get3A_1466, %get3A_1467] : memref<6x64x128xf32, #tpu.memory_space<vmem>> -> memref<1x64x128xf32, #tpu.memory_space<vmem>>
        %get3A_1469 = tpu.memref_squeeze %get3A_1468 : memref<1x64x128xf32, #tpu.memory_space<vmem>> -> memref<64x128xf32, #tpu.memory_space<vmem>>
        %get3A_1470 = arith.index_cast %add3A_1407 : i32 to index
        %get3A_1471 = arith.constant 32 : index
        %get3A_1472 = tpu.vector_load %get3A_1469[%get3A_1470, %get3A_1471] {strides = array<i32>} : memref<64x128xf32, #tpu.memory_space<vmem>>, vector<16xf32>,
        %get3A_1473 = arith.constant 0 : i32
        %get3A_1474 = arith.constant 0 : i32
        %get3A_1475 = tpu.memref_slice %arg13[%scan3A_704, %get3A_1473, %get3A_1474] : memref<6x64x128xf32, #tpu.memory_space<vmem>> -> memref<1x64x128xf32, #tpu.memory_space<vmem>>
        %get3A_1476 = tpu.memref_squeeze %get3A_1475 : memref<1x64x128xf32, #tpu.memory_space<vmem>> -> memref<64x128xf32, #tpu.memory_space<vmem>>
        %get3A_1477 = arith.index_cast %add3A_1407 : i32 to index
        %get3A_1478 = arith.constant 48 : index
        %get3A_1479 = tpu.vector_load %get3A_1476[%get3A_1477, %get3A_1478] {strides = array<i32>} : memref<64x128xf32, #tpu.memory_space<vmem>>, vector<16xf32>,
        %get3A_1480 = arith.constant 0 : i32
        %get3A_1481 = arith.constant 0 : i32
        %get3A_1482 = tpu.memref_slice %arg12[%scan3A_705, %get3A_1480, %get3A_1481] : memref<6x64x64xi32, #tpu.memory_space<vmem>> -> memref<1x64x64xi32, #tpu.memory_space<vmem>>
        %get3A_1483 = tpu.memref_squeeze %get3A_1482 : memref<1x64x64xi32, #tpu.memory_space<vmem>> -> memref<64x64xi32, #tpu.memory_space<vmem>>
        %get3A_1484 = arith.index_cast %add3A_1407 : i32 to index
        %get3A_1485 = arith.constant 16 : index
        %get3A_1486 = tpu.vector_load %get3A_1483[%get3A_1484, %get3A_1485] {strides = array<i32>} : memref<64x64xi32, #tpu.memory_space<vmem>>, vector<16xi32>,
        %bitcast3A_1487 = vector.bitcast %get3A_1486 : vector<16xi32> to vector<32xbf16>
        %unpack3A_1488 = tpu.unpack_subelements %bitcast3A_1487, 0 {pack_format = #tpu.pack_format<interleaved>} : vector<32xbf16> -> vector<16xf32>
        %unpack3A_1489 = tpu.unpack_subelements %bitcast3A_1487, 1 {pack_format = #tpu.pack_format<interleaved>} : vector<32xbf16> -> vector<16xf32>
        %add3A_1490 = arith.addf %get3A_1458, %unpack3A_1488 : vector<16xf32>
        %sub3A_1491 = arith.subf %add3A_1490, %get3A_1472 : vector<16xf32>
        %add3A_1492 = arith.addf %get3A_1465, %unpack3A_1489 : vector<16xf32>
        %sub3A_1493 = arith.subf %add3A_1492, %get3A_1479 : vector<16xf32>
        %mul3A_1494 = arith.mulf %sub3A_1491, %sub3A_1491 : vector<16xf32>
        %add3A_1495 = arith.addf %add3A_1449, %mul3A_1494 : vector<16xf32>
        %mul3A_1496 = arith.mulf %sub3A_1493, %sub3A_1493 : vector<16xf32>
        %add3A_1497 = arith.addf %add3A_1451, %mul3A_1496 : vector<16xf32>
        %get3A_1498 = arith.constant 0 : i32
        %get3A_1499 = arith.constant 0 : i32
        %get3A_1500 = tpu.memref_slice %arg11[%scan3A, %get3A_1498, %get3A_1499] : memref<6x64x128xf32, #tpu.memory_space<vmem>> -> memref<1x64x128xf32, #tpu.memory_space<vmem>>
        %get3A_1501 = tpu.memref_squeeze %get3A_1500 : memref<1x64x128xf32, #tpu.memory_space<vmem>> -> memref<64x128xf32, #tpu.memory_space<vmem>>
        %get3A_1502 = arith.index_cast %add3A_1407 : i32 to index
        %get3A_1503 = arith.constant 64 : index
        %get3A_1504 = tpu.vector_load %get3A_1501[%get3A_1502, %get3A_1503] {strides = array<i32>} : memref<64x128xf32, #tpu.memory_space<vmem>>, vector<16xf32>,
        %get3A_1505 = arith.constant 0 : i32
        %get3A_1506 = arith.constant 0 : i32
        %get3A_1507 = tpu.memref_slice %arg11[%scan3A, %get3A_1505, %get3A_1506] : memref<6x64x128xf32, #tpu.memory_space<vmem>> -> memref<1x64x128xf32, #tpu.memory_space<vmem>>
        %get3A_1508 = tpu.memref_squeeze %get3A_1507 : memref<1x64x128xf32, #tpu.memory_space<vmem>> -> memref<64x128xf32, #tpu.memory_space<vmem>>
        %get3A_1509 = arith.index_cast %add3A_1407 : i32 to index
        %get3A_1510 = arith.constant 80 : index
        %get3A_1511 = tpu.vector_load %get3A_1508[%get3A_1509, %get3A_1510] {strides = array<i32>} : memref<64x128xf32, #tpu.memory_space<vmem>>, vector<16xf32>,
        %get3A_1512 = arith.constant 0 : i32
        %get3A_1513 = arith.constant 0 : i32
        %get3A_1514 = tpu.memref_slice %arg13[%scan3A_704, %get3A_1512, %get3A_1513] : memref<6x64x128xf32, #tpu.memory_space<vmem>> -> memref<1x64x128xf32, #tpu.memory_space<vmem>>
        %get3A_1515 = tpu.memref_squeeze %get3A_1514 : memref<1x64x128xf32, #tpu.memory_space<vmem>> -> memref<64x128xf32, #tpu.memory_space<vmem>>
        %get3A_1516 = arith.index_cast %add3A_1407 : i32 to index
        %get3A_1517 = arith.constant 64 : index
        %get3A_1518 = tpu.vector_load %get3A_1515[%get3A_1516, %get3A_1517] {strides = array<i32>} : memref<64x128xf32, #tpu.memory_space<vmem>>, vector<16xf32>,
        %get3A_1519 = arith.constant 0 : i32
        %get3A_1520 = arith.constant 0 : i32
        %get3A_1521 = tpu.memref_slice %arg13[%scan3A_704, %get3A_1519, %get3A_1520] : memref<6x64x128xf32, #tpu.memory_space<vmem>> -> memref<1x64x128xf32, #tpu.memory_space<vmem>>
        %get3A_1522 = tpu.memref_squeeze %get3A_1521 : memref<1x64x128xf32, #tpu.memory_space<vmem>> -> memref<64x128xf32, #tpu.memory_space<vmem>>
        %get3A_1523 = arith.index_cast %add3A_1407 : i32 to index
        %get3A_1524 = arith.constant 80 : index
        %get3A_1525 = tpu.vector_load %get3A_1522[%get3A_1523, %get3A_1524] {strides = array<i32>} : memref<64x128xf32, #tpu.memory_space<vmem>>, vector<16xf32>,
        %get3A_1526 = arith.constant 0 : i32
        %get3A_1527 = arith.constant 0 : i32
        %get3A_1528 = tpu.memref_slice %arg12[%scan3A_705, %get3A_1526, %get3A_1527] : memref<6x64x64xi32, #tpu.memory_space<vmem>> -> memref<1x64x64xi32, #tpu.memory_space<vmem>>
        %get3A_1529 = tpu.memref_squeeze %get3A_1528 : memref<1x64x64xi32, #tpu.memory_space<vmem>> -> memref<64x64xi32, #tpu.memory_space<vmem>>
        %get3A_1530 = arith.index_cast %add3A_1407 : i32 to index
        %get3A_1531 = arith.constant 32 : index
        %get3A_1532 = tpu.vector_load %get3A_1529[%get3A_1530, %get3A_1531] {strides = array<i32>} : memref<64x64xi32, #tpu.memory_space<vmem>>, vector<16xi32>,
        %bitcast3A_1533 = vector.bitcast %get3A_1532 : vector<16xi32> to vector<32xbf16>
        %unpack3A_1534 = tpu.unpack_subelements %bitcast3A_1533, 0 {pack_format = #tpu.pack_format<interleaved>} : vector<32xbf16> -> vector<16xf32>
        %unpack3A_1535 = tpu.unpack_subelements %bitcast3A_1533, 1 {pack_format = #tpu.pack_format<interleaved>} : vector<32xbf16> -> vector<16xf32>
        %add3A_1536 = arith.addf %get3A_1504, %unpack3A_1534 : vector<16xf32>
        %sub3A_1537 = arith.subf %add3A_1536, %get3A_1518 : vector<16xf32>
        %add3A_1538 = arith.addf %get3A_1511, %unpack3A_1535 : vector<16xf32>
        %sub3A_1539 = arith.subf %add3A_1538, %get3A_1525 : vector<16xf32>
        %mul3A_1540 = arith.mulf %sub3A_1537, %sub3A_1537 : vector<16xf32>
        %add3A_1541 = arith.addf %add3A_1495, %mul3A_1540 : vector<16xf32>
        %mul3A_1542 = arith.mulf %sub3A_1539, %sub3A_1539 : vector<16xf32>
        %add3A_1543 = arith.addf %add3A_1497, %mul3A_1542 : vector<16xf32>
        %get3A_1544 = arith.constant 0 : i32
        %get3A_1545 = arith.constant 0 : i32
        %get3A_1546 = tpu.memref_slice %arg11[%scan3A, %get3A_1544, %get3A_1545] : memref<6x64x128xf32, #tpu.memory_space<vmem>> -> memref<1x64x128xf32, #tpu.memory_space<vmem>>
        %get3A_1547 = tpu.memref_squeeze %get3A_1546 : memref<1x64x128xf32, #tpu.memory_space<vmem>> -> memref<64x128xf32, #tpu.memory_space<vmem>>
        %get3A_1548 = arith.index_cast %add3A_1407 : i32 to index
        %get3A_1549 = arith.constant 96 : index
        %get3A_1550 = tpu.vector_load %get3A_1547[%get3A_1548, %get3A_1549] {strides = array<i32>} : memref<64x128xf32, #tpu.memory_space<vmem>>, vector<16xf32>,
        %get3A_1551 = arith.constant 0 : i32
        %get3A_1552 = arith.constant 0 : i32
        %get3A_1553 = tpu.memref_slice %arg11[%scan3A, %get3A_1551, %get3A_1552] : memref<6x64x128xf32, #tpu.memory_space<vmem>> -> memref<1x64x128xf32, #tpu.memory_space<vmem>>
        %get3A_1554 = tpu.memref_squeeze %get3A_1553 : memref<1x64x128xf32, #tpu.memory_space<vmem>> -> memref<64x128xf32, #tpu.memory_space<vmem>>
        %get3A_1555 = arith.index_cast %add3A_1407 : i32 to index
        %get3A_1556 = arith.constant 112 : index
        %get3A_1557 = tpu.vector_load %get3A_1554[%get3A_1555, %get3A_1556] {strides = array<i32>} : memref<64x128xf32, #tpu.memory_space<vmem>>, vector<16xf32>,
        %get3A_1558 = arith.constant 0 : i32
        %get3A_1559 = arith.constant 0 : i32
        %get3A_1560 = tpu.memref_slice %arg13[%scan3A_704, %get3A_1558, %get3A_1559] : memref<6x64x128xf32, #tpu.memory_space<vmem>> -> memref<1x64x128xf32, #tpu.memory_space<vmem>>
        %get3A_1561 = tpu.memref_squeeze %get3A_1560 : memref<1x64x128xf32, #tpu.memory_space<vmem>> -> memref<64x128xf32, #tpu.memory_space<vmem>>
        %get3A_1562 = arith.index_cast %add3A_1407 : i32 to index
        %get3A_1563 = arith.constant 96 : index
        %get3A_1564 = tpu.vector_load %get3A_1561[%get3A_1562, %get3A_1563] {strides = array<i32>} : memref<64x128xf32, #tpu.memory_space<vmem>>, vector<16xf32>,
        %get3A_1565 = arith.constant 0 : i32
        %get3A_1566 = arith.constant 0 : i32
        %get3A_1567 = tpu.memref_slice %arg13[%scan3A_704, %get3A_1565, %get3A_1566] : memref<6x64x128xf32, #tpu.memory_space<vmem>> -> memref<1x64x128xf32, #tpu.memory_space<vmem>>
        %get3A_1568 = tpu.memref_squeeze %get3A_1567 : memref<1x64x128xf32, #tpu.memory_space<vmem>> -> memref<64x128xf32, #tpu.memory_space<vmem>>
        %get3A_1569 = arith.index_cast %add3A_1407 : i32 to index
        %get3A_1570 = arith.constant 112 : index
        %get3A_1571 = tpu.vector_load %get3A_1568[%get3A_1569, %get3A_1570] {strides = array<i32>} : memref<64x128xf32, #tpu.memory_space<vmem>>, vector<16xf32>,
        %get3A_1572 = arith.constant 0 : i32
        %get3A_1573 = arith.constant 0 : i32
        %get3A_1574 = tpu.memref_slice %arg12[%scan3A_705, %get3A_1572, %get3A_1573] : memref<6x64x64xi32, #tpu.memory_space<vmem>> -> memref<1x64x64xi32, #tpu.memory_space<vmem>>
        %get3A_1575 = tpu.memref_squeeze %get3A_1574 : memref<1x64x64xi32, #tpu.memory_space<vmem>> -> memref<64x64xi32, #tpu.memory_space<vmem>>
        %get3A_1576 = arith.index_cast %add3A_1407 : i32 to index
        %get3A_1577 = arith.constant 48 : index
        %get3A_1578 = tpu.vector_load %get3A_1575[%get3A_1576, %get3A_1577] {strides = array<i32>} : memref<64x64xi32, #tpu.memory_space<vmem>>, vector<16xi32>,
        %bitcast3A_1579 = vector.bitcast %get3A_1578 : vector<16xi32> to vector<32xbf16>
        %unpack3A_1580 = tpu.unpack_subelements %bitcast3A_1579, 0 {pack_format = #tpu.pack_format<interleaved>} : vector<32xbf16> -> vector<16xf32>
        %unpack3A_1581 = tpu.unpack_subelements %bitcast3A_1579, 1 {pack_format = #tpu.pack_format<interleaved>} : vector<32xbf16> -> vector<16xf32>
        %add3A_1582 = arith.addf %get3A_1550, %unpack3A_1580 : vector<16xf32>
        %sub3A_1583 = arith.subf %add3A_1582, %get3A_1564 : vector<16xf32>
        %add3A_1584 = arith.addf %get3A_1557, %unpack3A_1581 : vector<16xf32>
        %sub3A_1585 = arith.subf %add3A_1584, %get3A_1571 : vector<16xf32>
        %mul3A_1586 = arith.mulf %sub3A_1583, %sub3A_1583 : vector<16xf32>
        %add3A_1587 = arith.addf %add3A_1541, %mul3A_1586 : vector<16xf32>
        %mul3A_1588 = arith.mulf %sub3A_1585, %sub3A_1585 : vector<16xf32>
        %add3A_1589 = arith.addf %add3A_1543, %mul3A_1588 : vector<16xf32>
        %mul3A_1590 = arith.constant 17 : i32
        %mul3A_1591 = arith.muli %scan3A_1401, %mul3A_1590 : i32
        %add3A_1592 = vector.broadcast %mul3A_1591 : i32 to vector<16xi32>
        %add3A_1593 = arith.addi %add3A_1592, %iota3A : vector<16xi32>
        %add3A_1594 = arith.addf %add3A_1587, %add3A_1589 : vector<16xf32>
        tpu.vector_store_idx %arg15[%add3A_1593], %add3A_1594 : memref<272xf32, #tpu.memory_space<vmem>>[vector<16xi32>], vector<16xf32>,
        %scan3A_1595 = arith.constant 0 : i32
        scf.yield %scan3A_1595 : i32
      }
      %scan3A_1255 = arith.constant 16 : i32
      %gather3A = tpu.vector_load_idx %arg15[%mul3A_703] : memref<272xf32, #tpu.memory_space<vmem>>[vector<16xi32>], vector<16xf32>,
      %add3A_1256 = arith.constant 1 : i32
      %add3A_1257 = vector.broadcast %add3A_1256 : i32 to vector<16xi32>
      %add3A_1258 = arith.addi %mul3A_703, %add3A_1257 : vector<16xi32>
      %gather3A_1259 = tpu.vector_load_idx %arg15[%add3A_1258] : memref<272xf32, #tpu.memory_space<vmem>>[vector<16xi32>], vector<16xf32>,
      %add3A_1260 = arith.constant 2 : i32
      %add3A_1261 = vector.broadcast %add3A_1260 : i32 to vector<16xi32>
      %add3A_1262 = arith.addi %mul3A_703, %add3A_1261 : vector<16xi32>
      %gather3A_1263 = tpu.vector_load_idx %arg15[%add3A_1262] : memref<272xf32, #tpu.memory_space<vmem>>[vector<16xi32>], vector<16xf32>,
      %add3A_1264 = arith.constant 3 : i32
      %add3A_1265 = vector.broadcast %add3A_1264 : i32 to vector<16xi32>
      %add3A_1266 = arith.addi %mul3A_703, %add3A_1265 : vector<16xi32>
      %gather3A_1267 = tpu.vector_load_idx %arg15[%add3A_1266] : memref<272xf32, #tpu.memory_space<vmem>>[vector<16xi32>], vector<16xf32>,
      %add3A_1268 = arith.constant 4 : i32
      %add3A_1269 = vector.broadcast %add3A_1268 : i32 to vector<16xi32>
      %add3A_1270 = arith.addi %mul3A_703, %add3A_1269 : vector<16xi32>
      %gather3A_1271 = tpu.vector_load_idx %arg15[%add3A_1270] : memref<272xf32, #tpu.memory_space<vmem>>[vector<16xi32>], vector<16xf32>,
      %add3A_1272 = arith.addf %gather3A, %gather3A_1271 : vector<16xf32>
      %add3A_1273 = arith.constant 4 : i32
      %add3A_1274 = vector.broadcast %add3A_1273 : i32 to vector<16xi32>
      %add3A_1275 = arith.addi %mul3A_703, %add3A_1274 : vector<16xi32>
      %add3A_1276 = arith.constant 1 : i32
      %add3A_1277 = vector.broadcast %add3A_1276 : i32 to vector<16xi32>
      %add3A_1278 = arith.addi %add3A_1275, %add3A_1277 : vector<16xi32>
      %gather3A_1279 = tpu.vector_load_idx %arg15[%add3A_1278] : memref<272xf32, #tpu.memory_space<vmem>>[vector<16xi32>], vector<16xf32>,
      %add3A_1280 = arith.addf %gather3A_1259, %gather3A_1279 : vector<16xf32>
      %add3A_1281 = arith.constant 4 : i32
      %add3A_1282 = vector.broadcast %add3A_1281 : i32 to vector<16xi32>
      %add3A_1283 = arith.addi %mul3A_703, %add3A_1282 : vector<16xi32>
      %add3A_1284 = arith.constant 2 : i32
      %add3A_1285 = vector.broadcast %add3A_1284 : i32 to vector<16xi32>
      %add3A_1286 = arith.addi %add3A_1283, %add3A_1285 : vector<16xi32>
      %gather3A_1287 = tpu.vector_load_idx %arg15[%add3A_1286] : memref<272xf32, #tpu.memory_space<vmem>>[vector<16xi32>], vector<16xf32>,
      %add3A_1288 = arith.addf %gather3A_1263, %gather3A_1287 : vector<16xf32>
      %add3A_1289 = arith.constant 4 : i32
      %add3A_1290 = vector.broadcast %add3A_1289 : i32 to vector<16xi32>
      %add3A_1291 = arith.addi %mul3A_703, %add3A_1290 : vector<16xi32>
      %add3A_1292 = arith.constant 3 : i32
      %add3A_1293 = vector.broadcast %add3A_1292 : i32 to vector<16xi32>
      %add3A_1294 = arith.addi %add3A_1291, %add3A_1293 : vector<16xi32>
      %gather3A_1295 = tpu.vector_load_idx %arg15[%add3A_1294] : memref<272xf32, #tpu.memory_space<vmem>>[vector<16xi32>], vector<16xf32>,
      %add3A_1296 = arith.addf %gather3A_1267, %gather3A_1295 : vector<16xf32>
      %add3A_1297 = arith.constant 8 : i32
      %add3A_1298 = vector.broadcast %add3A_1297 : i32 to vector<16xi32>
      %add3A_1299 = arith.addi %mul3A_703, %add3A_1298 : vector<16xi32>
      %gather3A_1300 = tpu.vector_load_idx %arg15[%add3A_1299] : memref<272xf32, #tpu.memory_space<vmem>>[vector<16xi32>], vector<16xf32>,
      %add3A_1301 = arith.addf %add3A_1272, %gather3A_1300 : vector<16xf32>
      %add3A_1302 = arith.constant 8 : i32
      %add3A_1303 = vector.broadcast %add3A_1302 : i32 to vector<16xi32>
      %add3A_1304 = arith.addi %mul3A_703, %add3A_1303 : vector<16xi32>
      %add3A_1305 = arith.constant 1 : i32
      %add3A_1306 = vector.broadcast %add3A_1305 : i32 to vector<16xi32>
      %add3A_1307 = arith.addi %add3A_1304, %add3A_1306 : vector<16xi32>
      %gather3A_1308 = tpu.vector_load_idx %arg15[%add3A_1307] : memref<272xf32, #tpu.memory_space<vmem>>[vector<16xi32>], vector<16xf32>,
      %add3A_1309 = arith.addf %add3A_1280, %gather3A_1308 : vector<16xf32>
      %add3A_1310 = arith.constant 8 : i32
      %add3A_1311 = vector.broadcast %add3A_1310 : i32 to vector<16xi32>
      %add3A_1312 = arith.addi %mul3A_703, %add3A_1311 : vector<16xi32>
      %add3A_1313 = arith.constant 2 : i32
      %add3A_1314 = vector.broadcast %add3A_1313 : i32 to vector<16xi32>
      %add3A_1315 = arith.addi %add3A_1312, %add3A_1314 : vector<16xi32>
      %gather3A_1316 = tpu.vector_load_idx %arg15[%add3A_1315] : memref<272xf32, #tpu.memory_space<vmem>>[vector<16xi32>], vector<16xf32>,
      %add3A_1317 = arith.addf %add3A_1288, %gather3A_1316 : vector<16xf32>
      %add3A_1318 = arith.constant 8 : i32
      %add3A_1319 = vector.broadcast %add3A_1318 : i32 to vector<16xi32>
      %add3A_1320 = arith.addi %mul3A_703, %add3A_1319 : vector<16xi32>
      %add3A_1321 = arith.constant 3 : i32
      %add3A_1322 = vector.broadcast %add3A_1321 : i32 to vector<16xi32>
      %add3A_1323 = arith.addi %add3A_1320, %add3A_1322 : vector<16xi32>
      %gather3A_1324 = tpu.vector_load_idx %arg15[%add3A_1323] : memref<272xf32, #tpu.memory_space<vmem>>[vector<16xi32>], vector<16xf32>,
      %add3A_1325 = arith.addf %add3A_1296, %gather3A_1324 : vector<16xf32>
      %add3A_1326 = arith.constant 12 : i32
      %add3A_1327 = vector.broadcast %add3A_1326 : i32 to vector<16xi32>
      %add3A_1328 = arith.addi %mul3A_703, %add3A_1327 : vector<16xi32>
      %gather3A_1329 = tpu.vector_load_idx %arg15[%add3A_1328] : memref<272xf32, #tpu.memory_space<vmem>>[vector<16xi32>], vector<16xf32>,
      %add3A_1330 = arith.addf %add3A_1301, %gather3A_1329 : vector<16xf32>
      %add3A_1331 = arith.constant 12 : i32
      %add3A_1332 = vector.broadcast %add3A_1331 : i32 to vector<16xi32>
      %add3A_1333 = arith.addi %mul3A_703, %add3A_1332 : vector<16xi32>
      %add3A_1334 = arith.constant 1 : i32
      %add3A_1335 = vector.broadcast %add3A_1334 : i32 to vector<16xi32>
      %add3A_1336 = arith.addi %add3A_1333, %add3A_1335 : vector<16xi32>
      %gather3A_1337 = tpu.vector_load_idx %arg15[%add3A_1336] : memref<272xf32, #tpu.memory_space<vmem>>[vector<16xi32>], vector<16xf32>,
      %add3A_1338 = arith.addf %add3A_1309, %gather3A_1337 : vector<16xf32>
      %add3A_1339 = arith.constant 12 : i32
      %add3A_1340 = vector.broadcast %add3A_1339 : i32 to vector<16xi32>
      %add3A_1341 = arith.addi %mul3A_703, %add3A_1340 : vector<16xi32>
      %add3A_1342 = arith.constant 2 : i32
      %add3A_1343 = vector.broadcast %add3A_1342 : i32 to vector<16xi32>
      %add3A_1344 = arith.addi %add3A_1341, %add3A_1343 : vector<16xi32>
      %gather3A_1345 = tpu.vector_load_idx %arg15[%add3A_1344] : memref<272xf32, #tpu.memory_space<vmem>>[vector<16xi32>], vector<16xf32>,
      %add3A_1346 = arith.addf %add3A_1317, %gather3A_1345 : vector<16xf32>
      %add3A_1347 = arith.constant 12 : i32
      %add3A_1348 = vector.broadcast %add3A_1347 : i32 to vector<16xi32>
      %add3A_1349 = arith.addi %mul3A_703, %add3A_1348 : vector<16xi32>
      %add3A_1350 = arith.constant 3 : i32
      %add3A_1351 = vector.broadcast %add3A_1350 : i32 to vector<16xi32>
      %add3A_1352 = arith.addi %add3A_1349, %add3A_1351 : vector<16xi32>
      %gather3A_1353 = tpu.vector_load_idx %arg15[%add3A_1352] : memref<272xf32, #tpu.memory_space<vmem>>[vector<16xi32>], vector<16xf32>,
      %add3A_1354 = arith.addf %add3A_1325, %gather3A_1353 : vector<16xf32>
      %add3A_1355 = arith.addf %add3A_1330, %add3A_1338 : vector<16xf32>
      %add3A_1356 = arith.addf %add3A_1346, %add3A_1354 : vector<16xf32>
      %add3A_1357 = arith.addf %add3A_1355, %add3A_1356 : vector<16xf32>
      %bitcast3A = vector.bitcast %add3A_1357 : vector<16xf32> to vector<16xi32>
      %shift_right_arithmetic3A = arith.constant 1 : i32
      %shift_right_arithmetic3A_1358 = vector.broadcast %shift_right_arithmetic3A : i32 to vector<16xi32>
      %shift_right_arithmetic3A_1359 = arith.shrsi %bitcast3A, %shift_right_arithmetic3A_1358 : vector<16xi32>
      %sub3A = arith.constant 1597463007 : i32
      %sub3A_1360 = vector.broadcast %sub3A : i32 to vector<16xi32>
      %sub3A_1361 = arith.subi %sub3A_1360, %shift_right_arithmetic3A_1359 : vector<16xi32>
      %bitcast3A_1362 = vector.bitcast %sub3A_1361 : vector<16xi32> to vector<16xf32>
      %mul3A_1363 = arith.constant 5.000000e-01 : f32
      %mul3A_1364 = vector.broadcast %mul3A_1363 : f32 to vector<16xf32>
      %mul3A_1365 = arith.mulf %mul3A_1364, %add3A_1357 : vector<16xf32>
      %mul3A_1366 = arith.mulf %mul3A_1365, %bitcast3A_1362 : vector<16xf32>
      %mul3A_1367 = arith.mulf %mul3A_1366, %bitcast3A_1362 : vector<16xf32>
      %sub3A_1368 = arith.constant 1.500000e+00 : f32
      %sub3A_1369 = vector.broadcast %sub3A_1368 : f32 to vector<16xf32>
      %sub3A_1370 = arith.subf %sub3A_1369, %mul3A_1367 : vector<16xf32>
      %mul3A_1371 = arith.mulf %bitcast3A_1362, %sub3A_1370 : vector<16xf32>
      %mul3A_1372 = arith.constant 5.000000e-01 : f32
      %mul3A_1373 = vector.broadcast %mul3A_1372 : f32 to vector<16xf32>
      %mul3A_1374 = arith.mulf %mul3A_1373, %add3A_1357 : vector<16xf32>
      %mul3A_1375 = arith.mulf %mul3A_1374, %mul3A_1371 : vector<16xf32>
      %mul3A_1376 = arith.mulf %mul3A_1375, %mul3A_1371 : vector<16xf32>
      %sub3A_1377 = arith.constant 1.500000e+00 : f32
      %sub3A_1378 = vector.broadcast %sub3A_1377 : f32 to vector<16xf32>
      %sub3A_1379 = arith.subf %sub3A_1378, %mul3A_1376 : vector<16xf32>
      %mul3A_1380 = arith.mulf %mul3A_1371, %sub3A_1379 : vector<16xf32>
      %mul3A_1381 = arith.constant 5.000000e-01 : f32
      %mul3A_1382 = vector.broadcast %mul3A_1381 : f32 to vector<16xf32>
      %mul3A_1383 = arith.mulf %mul3A_1382, %add3A_1357 : vector<16xf32>
      %mul3A_1384 = arith.mulf %mul3A_1383, %mul3A_1380 : vector<16xf32>
      %mul3A_1385 = arith.mulf %mul3A_1384, %mul3A_1380 : vector<16xf32>
      %sub3A_1386 = arith.constant 1.500000e+00 : f32
      %sub3A_1387 = vector.broadcast %sub3A_1386 : f32 to vector<16xf32>
      %sub3A_1388 = arith.subf %sub3A_1387, %mul3A_1385 : vector<16xf32>
      %mul3A_1389 = arith.mulf %mul3A_1380, %sub3A_1388 : vector<16xf32>
      %gt3A = arith.constant 0.000000e+00 : f32
      %gt3A_1390 = vector.broadcast %gt3A : f32 to vector<16xf32>
      %gt3A_1391 = arith.cmpf ogt, %add3A_1357, %gt3A_1390 : vector<16xf32>
      %mul3A_1392 = arith.mulf %add3A_1357, %mul3A_1389 : vector<16xf32>
      %jit3A = arith.constant 0.000000e+00 : f32
      %broadcast_in_dim3A = vector.broadcast %jit3A : f32 to vector<16xf32>
      %select_n3A = arith.select %gt3A_1391, %mul3A_1392, %broadcast_in_dim3A : vector<16xi1>, vector<16xf32>
      %neg3A = arith.constant 0.000000e+00 : f32
      %neg3A_1393 = vector.broadcast %neg3A : f32 to vector<16xf32>
      %neg3A_1394 = arith.subf %neg3A_1393, %select_n3A : vector<16xf32>
      %mul3A_1395 = arith.constant 16 : i32
      %mul3A_1396 = arith.muli %scan3A_1247, %mul3A_1395 : i32
      %add3A_1397 = arith.constant 0 : i32
      %add3A_1398 = arith.addi %add3A_1397, %mul3A_1396 : i32
      %swap3A = arith.index_cast %add3A_1398 : i32 to index
      %swap3A_1399 = tpu.vector_load %arg14[%swap3A] {strides = array<i32>} : memref<512xf32, #tpu.memory_space<vmem>>, vector<16xf32>,
      tpu.vector_store %arg14[%swap3A], %neg3A_1394 {strides = array<i32>} : memref<512xf32, #tpu.memory_space<vmem>>, vector<16xf32>,
      %scan3A_1400 = arith.constant 0 : i32
      scf.yield %scan3A_1400 : i32
    }
    %scan3A_712 = arith.constant 4 : i32
    %add3A_713 = arith.constant 0 : i32
    %add3A_714 = arith.addi %mul3A_2, %add3A_713 : i32
    %dma_start3A_715 = arith.constant 0 : i32
    %dma_start3A_716 = tpu.memref_slice %arg14[%dma_start3A_715] : memref<512xf32, #tpu.memory_space<vmem>> -> memref<64xf32, #tpu.memory_space<vmem>>
    %dma_start3A_717 = tpu.memref_slice %arg7[%add3A_714] : memref<16384xf32, #tpu.memory_space<hbm>> -> memref<64xf32, #tpu.memory_space<hbm>>
    %dma_start3A_718 = tpu.memref_slice %arg7[%add3A_714] : memref<16384xf32, #tpu.memory_space<hbm>> -> memref<64xf32, #tpu.memory_space<hbm>>
    %dma_start3A_719 = arith.constant 0 : i32
    %dma_start3A_720 = tpu.memref_slice %arg14[%dma_start3A_719] : memref<512xf32, #tpu.memory_space<vmem>> -> memref<64xf32, #tpu.memory_space<vmem>>
    tpu.enqueue_dma source(%dma_start3A_720 : memref<64xf32, #tpu.memory_space<vmem>>) target(%dma_start3A_718 : memref<64xf32, #tpu.memory_space<hbm>>) target_semaphore(%arg22 : memref<!tpu.dma_semaphore, #tpu.memory_space<semaphore_mem>>)
    %dma_start3A_721 = arith.constant 6 : i32
    %dma_start3A_722 = arith.constant 0 : i32
    %dma_start3A_723 = arith.constant 0 : i32
    %dma_start3A_724 = arith.constant 0 : i32
    %dma_start3A_725 = tpu.memref_slice %arg11[%dma_start3A_722, %dma_start3A_723, %dma_start3A_724] : memref<6x64x128xf32, #tpu.memory_space<vmem>> -> memref<1x64x128xf32, #tpu.memory_space<vmem>>
    %dma_start3A_726 = tpu.memref_squeeze %dma_start3A_725 : memref<1x64x128xf32, #tpu.memory_space<vmem>> -> memref<64x128xf32, #tpu.memory_space<vmem>>
    %dma_start3A_727 = arith.constant 0 : i32
    %dma_start3A_728 = tpu.memref_slice %arg8[%dma_start3A_721, %dma_start3A_727] : memref<8x64xi32, #tpu.memory_space<vmem>> -> memref<1x64xi32, #tpu.memory_space<vmem>>
    %dma_start3A_729 = tpu.memref_squeeze %dma_start3A_728 : memref<1x64xi32, #tpu.memory_space<vmem>> -> memref<64xi32, #tpu.memory_space<vmem>>
    %dma_start3A_730 = arith.constant 0 : i32
    %dma_start3A_731 = arith.constant 0 : i32
    %dma_start3A_732 = tpu.memref_slice %arg5[%dma_start3A_730, %dma_start3A_731] : memref<100000x128xf32, #tpu.memory_space<hbm>> -> memref<100000x128xf32, #tpu.memory_space<hbm>>
    tpu.enqueue_indirect_dma source(%dma_start3A_732 : memref<100000x128xf32, #tpu.memory_space<hbm>>) target(%dma_start3A_726 : memref<64x128xf32, #tpu.memory_space<vmem>>) offsets(%dma_start3A_729 : memref<64xi32, #tpu.memory_space<vmem>>) semaphore(%arg16 : memref<!tpu.dma_semaphore, #tpu.memory_space<semaphore_mem>>)
    %dma_start3A_733 = arith.constant 6 : i32
    %dma_start3A_734 = arith.constant 0 : i32
    %dma_start3A_735 = arith.constant 0 : i32
    %dma_start3A_736 = arith.constant 0 : i32
    %dma_start3A_737 = tpu.memref_slice %arg12[%dma_start3A_734, %dma_start3A_735, %dma_start3A_736] : memref<6x64x64xi32, #tpu.memory_space<vmem>> -> memref<1x64x64xi32, #tpu.memory_space<vmem>>
    %dma_start3A_738 = tpu.memref_squeeze %dma_start3A_737 : memref<1x64x64xi32, #tpu.memory_space<vmem>> -> memref<64x64xi32, #tpu.memory_space<vmem>>
    %dma_start3A_739 = arith.constant 0 : i32
    %dma_start3A_740 = tpu.memref_slice %arg9[%dma_start3A_733, %dma_start3A_739] : memref<8x64xi32, #tpu.memory_space<vmem>> -> memref<1x64xi32, #tpu.memory_space<vmem>>
    %dma_start3A_741 = tpu.memref_squeeze %dma_start3A_740 : memref<1x64xi32, #tpu.memory_space<vmem>> -> memref<64xi32, #tpu.memory_space<vmem>>
    %dma_start3A_742 = arith.constant 0 : i32
    %dma_start3A_743 = arith.constant 0 : i32
    %dma_start3A_744 = tpu.memref_slice %arg6[%dma_start3A_742, %dma_start3A_743] : memref<1000x64xi32, #tpu.memory_space<hbm>> -> memref<1000x64xi32, #tpu.memory_space<hbm>>
    tpu.enqueue_indirect_dma source(%dma_start3A_744 : memref<1000x64xi32, #tpu.memory_space<hbm>>) target(%dma_start3A_738 : memref<64x64xi32, #tpu.memory_space<vmem>>) offsets(%dma_start3A_741 : memref<64xi32, #tpu.memory_space<vmem>>) semaphore(%arg16 : memref<!tpu.dma_semaphore, #tpu.memory_space<semaphore_mem>>)
    %dma_start3A_745 = arith.constant 6 : i32
    %dma_start3A_746 = arith.constant 0 : i32
    %dma_start3A_747 = arith.constant 0 : i32
    %dma_start3A_748 = arith.constant 0 : i32
    %dma_start3A_749 = tpu.memref_slice %arg13[%dma_start3A_746, %dma_start3A_747, %dma_start3A_748] : memref<6x64x128xf32, #tpu.memory_space<vmem>> -> memref<1x64x128xf32, #tpu.memory_space<vmem>>
    %dma_start3A_750 = tpu.memref_squeeze %dma_start3A_749 : memref<1x64x128xf32, #tpu.memory_space<vmem>> -> memref<64x128xf32, #tpu.memory_space<vmem>>
    %dma_start3A_751 = arith.constant 0 : i32
    %dma_start3A_752 = tpu.memref_slice %arg10[%dma_start3A_745, %dma_start3A_751] : memref<8x64xi32, #tpu.memory_space<vmem>> -> memref<1x64xi32, #tpu.memory_space<vmem>>
    %dma_start3A_753 = tpu.memref_squeeze %dma_start3A_752 : memref<1x64xi32, #tpu.memory_space<vmem>> -> memref<64xi32, #tpu.memory_space<vmem>>
    %dma_start3A_754 = arith.constant 0 : i32
    %dma_start3A_755 = arith.constant 0 : i32
    %dma_start3A_756 = tpu.memref_slice %arg5[%dma_start3A_754, %dma_start3A_755] : memref<100000x128xf32, #tpu.memory_space<hbm>> -> memref<100000x128xf32, #tpu.memory_space<hbm>>
    tpu.enqueue_indirect_dma source(%dma_start3A_756 : memref<100000x128xf32, #tpu.memory_space<hbm>>) target(%dma_start3A_750 : memref<64x128xf32, #tpu.memory_space<vmem>>) offsets(%dma_start3A_753 : memref<64xi32, #tpu.memory_space<vmem>>) semaphore(%arg16 : memref<!tpu.dma_semaphore, #tpu.memory_space<semaphore_mem>>)
    %dma_wait3A_757 = arith.constant 1 : i32
    %dma_wait3A_758 = arith.constant 1 : i32
    %dma_wait3A_759 = arith.constant 0 : i32
    %dma_wait3A_760 = arith.constant 0 : i32
    %dma_wait3A_761 = tpu.memref_slice %arg11[%dma_wait3A_758, %dma_wait3A_759, %dma_wait3A_760] : memref<6x64x128xf32, #tpu.memory_space<vmem>> -> memref<1x64x128xf32, #tpu.memory_space<vmem>>
    %dma_wait3A_762 = tpu.memref_squeeze %dma_wait3A_761 : memref<1x64x128xf32, #tpu.memory_space<vmem>> -> memref<64x128xf32, #tpu.memory_space<vmem>>
    %dma_wait3A_763 = arith.constant 0 : i32
    %dma_wait3A_764 = tpu.memref_slice %arg8[%dma_wait3A_757, %dma_wait3A_763] : memref<8x64xi32, #tpu.memory_space<vmem>> -> memref<1x64xi32, #tpu.memory_space<vmem>>
    %dma_wait3A_765 = tpu.memref_squeeze %dma_wait3A_764 : memref<1x64xi32, #tpu.memory_space<vmem>> -> memref<64xi32, #tpu.memory_space<vmem>>
    %dma_wait3A_766 = arith.constant 0 : i32
    %dma_wait3A_767 = arith.constant 0 : i32
    %dma_wait3A_768 = tpu.memref_slice %arg5[%dma_wait3A_766, %dma_wait3A_767] : memref<100000x128xf32, #tpu.memory_space<hbm>> -> memref<100000x128xf32, #tpu.memory_space<hbm>>
    tpu.wait_indirect_dma semaphore(%arg17 : memref<!tpu.dma_semaphore, #tpu.memory_space<semaphore_mem>>) src(%dma_wait3A_768 : memref<100000x128xf32, #tpu.memory_space<hbm>>) dst(%dma_wait3A_762 : memref<64x128xf32, #tpu.memory_space<vmem>>)
    %dma_wait3A_769 = arith.constant 1 : i32
    %dma_wait3A_770 = arith.constant 1 : i32
    %dma_wait3A_771 = arith.constant 0 : i32
    %dma_wait3A_772 = arith.constant 0 : i32
    %dma_wait3A_773 = tpu.memref_slice %arg12[%dma_wait3A_770, %dma_wait3A_771, %dma_wait3A_772] : memref<6x64x64xi32, #tpu.memory_space<vmem>> -> memref<1x64x64xi32, #tpu.memory_space<vmem>>
    %dma_wait3A_774 = tpu.memref_squeeze %dma_wait3A_773 : memref<1x64x64xi32, #tpu.memory_space<vmem>> -> memref<64x64xi32, #tpu.memory_space<vmem>>
    %dma_wait3A_775 = arith.constant 0 : i32
    %dma_wait3A_776 = tpu.memref_slice %arg9[%dma_wait3A_769, %dma_wait3A_775] : memref<8x64xi32, #tpu.memory_space<vmem>> -> memref<1x64xi32, #tpu.memory_space<vmem>>
    %dma_wait3A_777 = tpu.memref_squeeze %dma_wait3A_776 : memref<1x64xi32, #tpu.memory_space<vmem>> -> memref<64xi32, #tpu.memory_space<vmem>>
    %dma_wait3A_778 = arith.constant 0 : i32
    %dma_wait3A_779 = arith.constant 0 : i32
    %dma_wait3A_780 = tpu.memref_slice %arg6[%dma_wait3A_778, %dma_wait3A_779] : memref<1000x64xi32, #tpu.memory_space<hbm>> -> memref<1000x64xi32, #tpu.memory_space<hbm>>
    tpu.wait_indirect_dma semaphore(%arg17 : memref<!tpu.dma_semaphore, #tpu.memory_space<semaphore_mem>>) src(%dma_wait3A_780 : memref<1000x64xi32, #tpu.memory_space<hbm>>) dst(%dma_wait3A_774 : memref<64x64xi32, #tpu.memory_space<vmem>>)
    %dma_wait3A_781 = arith.constant 1 : i32
    %dma_wait3A_782 = arith.constant 1 : i32
    %dma_wait3A_783 = arith.constant 0 : i32
    %dma_wait3A_784 = arith.constant 0 : i32
    %dma_wait3A_785 = tpu.memref_slice %arg13[%dma_wait3A_782, %dma_wait3A_783, %dma_wait3A_784] : memref<6x64x128xf32, #tpu.memory_space<vmem>> -> memref<1x64x128xf32, #tpu.memory_space<vmem>>
    %dma_wait3A_786 = tpu.memref_squeeze %dma_wait3A_785 : memref<1x64x128xf32, #tpu.memory_space<vmem>> -> memref<64x128xf32, #tpu.memory_space<vmem>>
    %dma_wait3A_787 = arith.constant 0 : i32
    %dma_wait3A_788 = tpu.memref_slice %arg10[%dma_wait3A_781, %dma_wait3A_787] : memref<8x64xi32, #tpu.memory_space<vmem>> -> memref<1x64xi32, #tpu.memory_space<vmem>>
    %dma_wait3A_789 = tpu.memref_squeeze %dma_wait3A_788 : memref<1x64xi32, #tpu.memory_space<vmem>> -> memref<64xi32, #tpu.memory_space<vmem>>
    %dma_wait3A_790 = arith.constant 0 : i32
    %dma_wait3A_791 = arith.constant 0 : i32
    %dma_wait3A_792 = tpu.memref_slice %arg5[%dma_wait3A_790, %dma_wait3A_791] : memref<100000x128xf32, #tpu.memory_space<hbm>> -> memref<100000x128xf32, #tpu.memory_space<hbm>>
    tpu.wait_indirect_dma semaphore(%arg17 : memref<!tpu.dma_semaphore, #tpu.memory_space<semaphore_mem>>) src(%dma_wait3A_792 : memref<100000x128xf32, #tpu.memory_space<hbm>>) dst(%dma_wait3A_786 : memref<64x128xf32, #tpu.memory_space<vmem>>)
    %iota3A_793 = tpu.iota {dimensions = array<i32: 0>} : vector<16xi32>
    %mul3A_794 = arith.constant 17 : i32
    %mul3A_795 = vector.broadcast %mul3A_794 : i32 to vector<16xi32>
    %mul3A_796 = arith.muli %iota3A_793, %mul3A_795 : vector<16xi32>
    %scan3A_797 = arith.constant 1 : i32
    %scan3A_798 = arith.constant 1 : i32
    %scan3A_799 = arith.constant 1 : i32
    %scan3A_800 = arith.constant 0 : i32
    %scan3A_801 = arith.constant 0 : i32
    %scan3A_802 = arith.constant 4 : i32
    %scan3A_803 = arith.addi %scan3A_801, %scan3A_802 : i32
    %scan3A_804 = arith.constant 1 : i32
    %scan3A_805 = scf.for %scan3A_1247 = %scan3A_801 to %scan3A_803 step %scan3A_804 iter_args(%scan3A_1248 = %scan3A_800) -> (i32)  : i32 {
      %scan3A_1249 = arith.constant 0 : i32
      %scan3A_1250 = arith.constant 0 : i32
      %scan3A_1251 = arith.constant 16 : i32
      %scan3A_1252 = arith.addi %scan3A_1250, %scan3A_1251 : i32
      %scan3A_1253 = arith.constant 1 : i32
      %scan3A_1254 = scf.for %scan3A_1401 = %scan3A_1250 to %scan3A_1252 step %scan3A_1253 iter_args(%scan3A_1402 = %scan3A_1249) -> (i32)  : i32 {
        %broadcast_in_dim3A_1403 = arith.constant 0.000000e+00 : f32
        %broadcast_in_dim3A_1404 = vector.broadcast %broadcast_in_dim3A_1403 : f32 to vector<16xf32>
        %mul3A_1405 = arith.constant 16 : i32
        %mul3A_1406 = arith.muli %scan3A_1247, %mul3A_1405 : i32
        %add3A_1407 = arith.addi %mul3A_1406, %scan3A_1401 : i32
        %get3A = arith.constant 0 : i32
        %get3A_1408 = arith.constant 0 : i32
        %get3A_1409 = tpu.memref_slice %arg11[%scan3A_797, %get3A, %get3A_1408] : memref<6x64x128xf32, #tpu.memory_space<vmem>> -> memref<1x64x128xf32, #tpu.memory_space<vmem>>
        %get3A_1410 = tpu.memref_squeeze %get3A_1409 : memref<1x64x128xf32, #tpu.memory_space<vmem>> -> memref<64x128xf32, #tpu.memory_space<vmem>>
        %get3A_1411 = arith.index_cast %add3A_1407 : i32 to index
        %get3A_1412 = arith.constant 0 : index
        %get3A_1413 = tpu.vector_load %get3A_1410[%get3A_1411, %get3A_1412] {strides = array<i32>} : memref<64x128xf32, #tpu.memory_space<vmem>>, vector<16xf32>,
        %get3A_1414 = arith.constant 0 : i32
        %get3A_1415 = arith.constant 0 : i32
        %get3A_1416 = tpu.memref_slice %arg11[%scan3A_797, %get3A_1414, %get3A_1415] : memref<6x64x128xf32, #tpu.memory_space<vmem>> -> memref<1x64x128xf32, #tpu.memory_space<vmem>>
        %get3A_1417 = tpu.memref_squeeze %get3A_1416 : memref<1x64x128xf32, #tpu.memory_space<vmem>> -> memref<64x128xf32, #tpu.memory_space<vmem>>
        %get3A_1418 = arith.index_cast %add3A_1407 : i32 to index
        %get3A_1419 = arith.constant 16 : index
        %get3A_1420 = tpu.vector_load %get3A_1417[%get3A_1418, %get3A_1419] {strides = array<i32>} : memref<64x128xf32, #tpu.memory_space<vmem>>, vector<16xf32>,
        %get3A_1421 = arith.constant 0 : i32
        %get3A_1422 = arith.constant 0 : i32
        %get3A_1423 = tpu.memref_slice %arg13[%scan3A_798, %get3A_1421, %get3A_1422] : memref<6x64x128xf32, #tpu.memory_space<vmem>> -> memref<1x64x128xf32, #tpu.memory_space<vmem>>
        %get3A_1424 = tpu.memref_squeeze %get3A_1423 : memref<1x64x128xf32, #tpu.memory_space<vmem>> -> memref<64x128xf32, #tpu.memory_space<vmem>>
        %get3A_1425 = arith.index_cast %add3A_1407 : i32 to index
        %get3A_1426 = arith.constant 0 : index
        %get3A_1427 = tpu.vector_load %get3A_1424[%get3A_1425, %get3A_1426] {strides = array<i32>} : memref<64x128xf32, #tpu.memory_space<vmem>>, vector<16xf32>,
        %get3A_1428 = arith.constant 0 : i32
        %get3A_1429 = arith.constant 0 : i32
        %get3A_1430 = tpu.memref_slice %arg13[%scan3A_798, %get3A_1428, %get3A_1429] : memref<6x64x128xf32, #tpu.memory_space<vmem>> -> memref<1x64x128xf32, #tpu.memory_space<vmem>>
        %get3A_1431 = tpu.memref_squeeze %get3A_1430 : memref<1x64x128xf32, #tpu.memory_space<vmem>> -> memref<64x128xf32, #tpu.memory_space<vmem>>
        %get3A_1432 = arith.index_cast %add3A_1407 : i32 to index
        %get3A_1433 = arith.constant 16 : index
        %get3A_1434 = tpu.vector_load %get3A_1431[%get3A_1432, %get3A_1433] {strides = array<i32>} : memref<64x128xf32, #tpu.memory_space<vmem>>, vector<16xf32>,
        %get3A_1435 = arith.constant 0 : i32
        %get3A_1436 = arith.constant 0 : i32
        %get3A_1437 = tpu.memref_slice %arg12[%scan3A_799, %get3A_1435, %get3A_1436] : memref<6x64x64xi32, #tpu.memory_space<vmem>> -> memref<1x64x64xi32, #tpu.memory_space<vmem>>
        %get3A_1438 = tpu.memref_squeeze %get3A_1437 : memref<1x64x64xi32, #tpu.memory_space<vmem>> -> memref<64x64xi32, #tpu.memory_space<vmem>>
        %get3A_1439 = arith.index_cast %add3A_1407 : i32 to index
        %get3A_1440 = arith.constant 0 : index
        %get3A_1441 = tpu.vector_load %get3A_1438[%get3A_1439, %get3A_1440] {strides = array<i32>} : memref<64x64xi32, #tpu.memory_space<vmem>>, vector<16xi32>,
        %bitcast3A_1442 = vector.bitcast %get3A_1441 : vector<16xi32> to vector<32xbf16>
        %unpack3A = tpu.unpack_subelements %bitcast3A_1442, 0 {pack_format = #tpu.pack_format<interleaved>} : vector<32xbf16> -> vector<16xf32>
        %unpack3A_1443 = tpu.unpack_subelements %bitcast3A_1442, 1 {pack_format = #tpu.pack_format<interleaved>} : vector<32xbf16> -> vector<16xf32>
        %add3A_1444 = arith.addf %get3A_1413, %unpack3A : vector<16xf32>
        %sub3A_1445 = arith.subf %add3A_1444, %get3A_1427 : vector<16xf32>
        %add3A_1446 = arith.addf %get3A_1420, %unpack3A_1443 : vector<16xf32>
        %sub3A_1447 = arith.subf %add3A_1446, %get3A_1434 : vector<16xf32>
        %mul3A_1448 = arith.mulf %sub3A_1445, %sub3A_1445 : vector<16xf32>
        %add3A_1449 = arith.addf %broadcast_in_dim3A_1404, %mul3A_1448 : vector<16xf32>
        %mul3A_1450 = arith.mulf %sub3A_1447, %sub3A_1447 : vector<16xf32>
        %add3A_1451 = arith.addf %broadcast_in_dim3A_1404, %mul3A_1450 : vector<16xf32>
        %get3A_1452 = arith.constant 0 : i32
        %get3A_1453 = arith.constant 0 : i32
        %get3A_1454 = tpu.memref_slice %arg11[%scan3A_797, %get3A_1452, %get3A_1453] : memref<6x64x128xf32, #tpu.memory_space<vmem>> -> memref<1x64x128xf32, #tpu.memory_space<vmem>>
        %get3A_1455 = tpu.memref_squeeze %get3A_1454 : memref<1x64x128xf32, #tpu.memory_space<vmem>> -> memref<64x128xf32, #tpu.memory_space<vmem>>
        %get3A_1456 = arith.index_cast %add3A_1407 : i32 to index
        %get3A_1457 = arith.constant 32 : index
        %get3A_1458 = tpu.vector_load %get3A_1455[%get3A_1456, %get3A_1457] {strides = array<i32>} : memref<64x128xf32, #tpu.memory_space<vmem>>, vector<16xf32>,
        %get3A_1459 = arith.constant 0 : i32
        %get3A_1460 = arith.constant 0 : i32
        %get3A_1461 = tpu.memref_slice %arg11[%scan3A_797, %get3A_1459, %get3A_1460] : memref<6x64x128xf32, #tpu.memory_space<vmem>> -> memref<1x64x128xf32, #tpu.memory_space<vmem>>
        %get3A_1462 = tpu.memref_squeeze %get3A_1461 : memref<1x64x128xf32, #tpu.memory_space<vmem>> -> memref<64x128xf32, #tpu.memory_space<vmem>>
        %get3A_1463 = arith.index_cast %add3A_1407 : i32 to index
        %get3A_1464 = arith.constant 48 : index
        %get3A_1465 = tpu.vector_load %get3A_1462[%get3A_1463, %get3A_1464] {strides = array<i32>} : memref<64x128xf32, #tpu.memory_space<vmem>>, vector<16xf32>,
        %get3A_1466 = arith.constant 0 : i32
        %get3A_1467 = arith.constant 0 : i32
        %get3A_1468 = tpu.memref_slice %arg13[%scan3A_798, %get3A_1466, %get3A_1467] : memref<6x64x128xf32, #tpu.memory_space<vmem>> -> memref<1x64x128xf32, #tpu.memory_space<vmem>>
        %get3A_1469 = tpu.memref_squeeze %get3A_1468 : memref<1x64x128xf32, #tpu.memory_space<vmem>> -> memref<64x128xf32, #tpu.memory_space<vmem>>
        %get3A_1470 = arith.index_cast %add3A_1407 : i32 to index
        %get3A_1471 = arith.constant 32 : index
        %get3A_1472 = tpu.vector_load %get3A_1469[%get3A_1470, %get3A_1471] {strides = array<i32>} : memref<64x128xf32, #tpu.memory_space<vmem>>, vector<16xf32>,
        %get3A_1473 = arith.constant 0 : i32
        %get3A_1474 = arith.constant 0 : i32
        %get3A_1475 = tpu.memref_slice %arg13[%scan3A_798, %get3A_1473, %get3A_1474] : memref<6x64x128xf32, #tpu.memory_space<vmem>> -> memref<1x64x128xf32, #tpu.memory_space<vmem>>
        %get3A_1476 = tpu.memref_squeeze %get3A_1475 : memref<1x64x128xf32, #tpu.memory_space<vmem>> -> memref<64x128xf32, #tpu.memory_space<vmem>>
        %get3A_1477 = arith.index_cast %add3A_1407 : i32 to index
        %get3A_1478 = arith.constant 48 : index
        %get3A_1479 = tpu.vector_load %get3A_1476[%get3A_1477, %get3A_1478] {strides = array<i32>} : memref<64x128xf32, #tpu.memory_space<vmem>>, vector<16xf32>,
        %get3A_1480 = arith.constant 0 : i32
        %get3A_1481 = arith.constant 0 : i32
        %get3A_1482 = tpu.memref_slice %arg12[%scan3A_799, %get3A_1480, %get3A_1481] : memref<6x64x64xi32, #tpu.memory_space<vmem>> -> memref<1x64x64xi32, #tpu.memory_space<vmem>>
        %get3A_1483 = tpu.memref_squeeze %get3A_1482 : memref<1x64x64xi32, #tpu.memory_space<vmem>> -> memref<64x64xi32, #tpu.memory_space<vmem>>
        %get3A_1484 = arith.index_cast %add3A_1407 : i32 to index
        %get3A_1485 = arith.constant 16 : index
        %get3A_1486 = tpu.vector_load %get3A_1483[%get3A_1484, %get3A_1485] {strides = array<i32>} : memref<64x64xi32, #tpu.memory_space<vmem>>, vector<16xi32>,
        %bitcast3A_1487 = vector.bitcast %get3A_1486 : vector<16xi32> to vector<32xbf16>
        %unpack3A_1488 = tpu.unpack_subelements %bitcast3A_1487, 0 {pack_format = #tpu.pack_format<interleaved>} : vector<32xbf16> -> vector<16xf32>
        %unpack3A_1489 = tpu.unpack_subelements %bitcast3A_1487, 1 {pack_format = #tpu.pack_format<interleaved>} : vector<32xbf16> -> vector<16xf32>
        %add3A_1490 = arith.addf %get3A_1458, %unpack3A_1488 : vector<16xf32>
        %sub3A_1491 = arith.subf %add3A_1490, %get3A_1472 : vector<16xf32>
        %add3A_1492 = arith.addf %get3A_1465, %unpack3A_1489 : vector<16xf32>
        %sub3A_1493 = arith.subf %add3A_1492, %get3A_1479 : vector<16xf32>
        %mul3A_1494 = arith.mulf %sub3A_1491, %sub3A_1491 : vector<16xf32>
        %add3A_1495 = arith.addf %add3A_1449, %mul3A_1494 : vector<16xf32>
        %mul3A_1496 = arith.mulf %sub3A_1493, %sub3A_1493 : vector<16xf32>
        %add3A_1497 = arith.addf %add3A_1451, %mul3A_1496 : vector<16xf32>
        %get3A_1498 = arith.constant 0 : i32
        %get3A_1499 = arith.constant 0 : i32
        %get3A_1500 = tpu.memref_slice %arg11[%scan3A_797, %get3A_1498, %get3A_1499] : memref<6x64x128xf32, #tpu.memory_space<vmem>> -> memref<1x64x128xf32, #tpu.memory_space<vmem>>
        %get3A_1501 = tpu.memref_squeeze %get3A_1500 : memref<1x64x128xf32, #tpu.memory_space<vmem>> -> memref<64x128xf32, #tpu.memory_space<vmem>>
        %get3A_1502 = arith.index_cast %add3A_1407 : i32 to index
        %get3A_1503 = arith.constant 64 : index
        %get3A_1504 = tpu.vector_load %get3A_1501[%get3A_1502, %get3A_1503] {strides = array<i32>} : memref<64x128xf32, #tpu.memory_space<vmem>>, vector<16xf32>,
        %get3A_1505 = arith.constant 0 : i32
        %get3A_1506 = arith.constant 0 : i32
        %get3A_1507 = tpu.memref_slice %arg11[%scan3A_797, %get3A_1505, %get3A_1506] : memref<6x64x128xf32, #tpu.memory_space<vmem>> -> memref<1x64x128xf32, #tpu.memory_space<vmem>>
        %get3A_1508 = tpu.memref_squeeze %get3A_1507 : memref<1x64x128xf32, #tpu.memory_space<vmem>> -> memref<64x128xf32, #tpu.memory_space<vmem>>
        %get3A_1509 = arith.index_cast %add3A_1407 : i32 to index
        %get3A_1510 = arith.constant 80 : index
        %get3A_1511 = tpu.vector_load %get3A_1508[%get3A_1509, %get3A_1510] {strides = array<i32>} : memref<64x128xf32, #tpu.memory_space<vmem>>, vector<16xf32>,
        %get3A_1512 = arith.constant 0 : i32
        %get3A_1513 = arith.constant 0 : i32
        %get3A_1514 = tpu.memref_slice %arg13[%scan3A_798, %get3A_1512, %get3A_1513] : memref<6x64x128xf32, #tpu.memory_space<vmem>> -> memref<1x64x128xf32, #tpu.memory_space<vmem>>
        %get3A_1515 = tpu.memref_squeeze %get3A_1514 : memref<1x64x128xf32, #tpu.memory_space<vmem>> -> memref<64x128xf32, #tpu.memory_space<vmem>>
        %get3A_1516 = arith.index_cast %add3A_1407 : i32 to index
        %get3A_1517 = arith.constant 64 : index
        %get3A_1518 = tpu.vector_load %get3A_1515[%get3A_1516, %get3A_1517] {strides = array<i32>} : memref<64x128xf32, #tpu.memory_space<vmem>>, vector<16xf32>,
        %get3A_1519 = arith.constant 0 : i32
        %get3A_1520 = arith.constant 0 : i32
        %get3A_1521 = tpu.memref_slice %arg13[%scan3A_798, %get3A_1519, %get3A_1520] : memref<6x64x128xf32, #tpu.memory_space<vmem>> -> memref<1x64x128xf32, #tpu.memory_space<vmem>>
        %get3A_1522 = tpu.memref_squeeze %get3A_1521 : memref<1x64x128xf32, #tpu.memory_space<vmem>> -> memref<64x128xf32, #tpu.memory_space<vmem>>
        %get3A_1523 = arith.index_cast %add3A_1407 : i32 to index
        %get3A_1524 = arith.constant 80 : index
        %get3A_1525 = tpu.vector_load %get3A_1522[%get3A_1523, %get3A_1524] {strides = array<i32>} : memref<64x128xf32, #tpu.memory_space<vmem>>, vector<16xf32>,
        %get3A_1526 = arith.constant 0 : i32
        %get3A_1527 = arith.constant 0 : i32
        %get3A_1528 = tpu.memref_slice %arg12[%scan3A_799, %get3A_1526, %get3A_1527] : memref<6x64x64xi32, #tpu.memory_space<vmem>> -> memref<1x64x64xi32, #tpu.memory_space<vmem>>
        %get3A_1529 = tpu.memref_squeeze %get3A_1528 : memref<1x64x64xi32, #tpu.memory_space<vmem>> -> memref<64x64xi32, #tpu.memory_space<vmem>>
        %get3A_1530 = arith.index_cast %add3A_1407 : i32 to index
        %get3A_1531 = arith.constant 32 : index
        %get3A_1532 = tpu.vector_load %get3A_1529[%get3A_1530, %get3A_1531] {strides = array<i32>} : memref<64x64xi32, #tpu.memory_space<vmem>>, vector<16xi32>,
        %bitcast3A_1533 = vector.bitcast %get3A_1532 : vector<16xi32> to vector<32xbf16>
        %unpack3A_1534 = tpu.unpack_subelements %bitcast3A_1533, 0 {pack_format = #tpu.pack_format<interleaved>} : vector<32xbf16> -> vector<16xf32>
        %unpack3A_1535 = tpu.unpack_subelements %bitcast3A_1533, 1 {pack_format = #tpu.pack_format<interleaved>} : vector<32xbf16> -> vector<16xf32>
        %add3A_1536 = arith.addf %get3A_1504, %unpack3A_1534 : vector<16xf32>
        %sub3A_1537 = arith.subf %add3A_1536, %get3A_1518 : vector<16xf32>
        %add3A_1538 = arith.addf %get3A_1511, %unpack3A_1535 : vector<16xf32>
        %sub3A_1539 = arith.subf %add3A_1538, %get3A_1525 : vector<16xf32>
        %mul3A_1540 = arith.mulf %sub3A_1537, %sub3A_1537 : vector<16xf32>
        %add3A_1541 = arith.addf %add3A_1495, %mul3A_1540 : vector<16xf32>
        %mul3A_1542 = arith.mulf %sub3A_1539, %sub3A_1539 : vector<16xf32>
        %add3A_1543 = arith.addf %add3A_1497, %mul3A_1542 : vector<16xf32>
        %get3A_1544 = arith.constant 0 : i32
        %get3A_1545 = arith.constant 0 : i32
        %get3A_1546 = tpu.memref_slice %arg11[%scan3A_797, %get3A_1544, %get3A_1545] : memref<6x64x128xf32, #tpu.memory_space<vmem>> -> memref<1x64x128xf32, #tpu.memory_space<vmem>>
        %get3A_1547 = tpu.memref_squeeze %get3A_1546 : memref<1x64x128xf32, #tpu.memory_space<vmem>> -> memref<64x128xf32, #tpu.memory_space<vmem>>
        %get3A_1548 = arith.index_cast %add3A_1407 : i32 to index
        %get3A_1549 = arith.constant 96 : index
        %get3A_1550 = tpu.vector_load %get3A_1547[%get3A_1548, %get3A_1549] {strides = array<i32>} : memref<64x128xf32, #tpu.memory_space<vmem>>, vector<16xf32>,
        %get3A_1551 = arith.constant 0 : i32
        %get3A_1552 = arith.constant 0 : i32
        %get3A_1553 = tpu.memref_slice %arg11[%scan3A_797, %get3A_1551, %get3A_1552] : memref<6x64x128xf32, #tpu.memory_space<vmem>> -> memref<1x64x128xf32, #tpu.memory_space<vmem>>
        %get3A_1554 = tpu.memref_squeeze %get3A_1553 : memref<1x64x128xf32, #tpu.memory_space<vmem>> -> memref<64x128xf32, #tpu.memory_space<vmem>>
        %get3A_1555 = arith.index_cast %add3A_1407 : i32 to index
        %get3A_1556 = arith.constant 112 : index
        %get3A_1557 = tpu.vector_load %get3A_1554[%get3A_1555, %get3A_1556] {strides = array<i32>} : memref<64x128xf32, #tpu.memory_space<vmem>>, vector<16xf32>,
        %get3A_1558 = arith.constant 0 : i32
        %get3A_1559 = arith.constant 0 : i32
        %get3A_1560 = tpu.memref_slice %arg13[%scan3A_798, %get3A_1558, %get3A_1559] : memref<6x64x128xf32, #tpu.memory_space<vmem>> -> memref<1x64x128xf32, #tpu.memory_space<vmem>>
        %get3A_1561 = tpu.memref_squeeze %get3A_1560 : memref<1x64x128xf32, #tpu.memory_space<vmem>> -> memref<64x128xf32, #tpu.memory_space<vmem>>
        %get3A_1562 = arith.index_cast %add3A_1407 : i32 to index
        %get3A_1563 = arith.constant 96 : index
        %get3A_1564 = tpu.vector_load %get3A_1561[%get3A_1562, %get3A_1563] {strides = array<i32>} : memref<64x128xf32, #tpu.memory_space<vmem>>, vector<16xf32>,
        %get3A_1565 = arith.constant 0 : i32
        %get3A_1566 = arith.constant 0 : i32
        %get3A_1567 = tpu.memref_slice %arg13[%scan3A_798, %get3A_1565, %get3A_1566] : memref<6x64x128xf32, #tpu.memory_space<vmem>> -> memref<1x64x128xf32, #tpu.memory_space<vmem>>
        %get3A_1568 = tpu.memref_squeeze %get3A_1567 : memref<1x64x128xf32, #tpu.memory_space<vmem>> -> memref<64x128xf32, #tpu.memory_space<vmem>>
        %get3A_1569 = arith.index_cast %add3A_1407 : i32 to index
        %get3A_1570 = arith.constant 112 : index
        %get3A_1571 = tpu.vector_load %get3A_1568[%get3A_1569, %get3A_1570] {strides = array<i32>} : memref<64x128xf32, #tpu.memory_space<vmem>>, vector<16xf32>,
        %get3A_1572 = arith.constant 0 : i32
        %get3A_1573 = arith.constant 0 : i32
        %get3A_1574 = tpu.memref_slice %arg12[%scan3A_799, %get3A_1572, %get3A_1573] : memref<6x64x64xi32, #tpu.memory_space<vmem>> -> memref<1x64x64xi32, #tpu.memory_space<vmem>>
        %get3A_1575 = tpu.memref_squeeze %get3A_1574 : memref<1x64x64xi32, #tpu.memory_space<vmem>> -> memref<64x64xi32, #tpu.memory_space<vmem>>
        %get3A_1576 = arith.index_cast %add3A_1407 : i32 to index
        %get3A_1577 = arith.constant 48 : index
        %get3A_1578 = tpu.vector_load %get3A_1575[%get3A_1576, %get3A_1577] {strides = array<i32>} : memref<64x64xi32, #tpu.memory_space<vmem>>, vector<16xi32>,
        %bitcast3A_1579 = vector.bitcast %get3A_1578 : vector<16xi32> to vector<32xbf16>
        %unpack3A_1580 = tpu.unpack_subelements %bitcast3A_1579, 0 {pack_format = #tpu.pack_format<interleaved>} : vector<32xbf16> -> vector<16xf32>
        %unpack3A_1581 = tpu.unpack_subelements %bitcast3A_1579, 1 {pack_format = #tpu.pack_format<interleaved>} : vector<32xbf16> -> vector<16xf32>
        %add3A_1582 = arith.addf %get3A_1550, %unpack3A_1580 : vector<16xf32>
        %sub3A_1583 = arith.subf %add3A_1582, %get3A_1564 : vector<16xf32>
        %add3A_1584 = arith.addf %get3A_1557, %unpack3A_1581 : vector<16xf32>
        %sub3A_1585 = arith.subf %add3A_1584, %get3A_1571 : vector<16xf32>
        %mul3A_1586 = arith.mulf %sub3A_1583, %sub3A_1583 : vector<16xf32>
        %add3A_1587 = arith.addf %add3A_1541, %mul3A_1586 : vector<16xf32>
        %mul3A_1588 = arith.mulf %sub3A_1585, %sub3A_1585 : vector<16xf32>
        %add3A_1589 = arith.addf %add3A_1543, %mul3A_1588 : vector<16xf32>
        %mul3A_1590 = arith.constant 17 : i32
        %mul3A_1591 = arith.muli %scan3A_1401, %mul3A_1590 : i32
        %add3A_1592 = vector.broadcast %mul3A_1591 : i32 to vector<16xi32>
        %add3A_1593 = arith.addi %add3A_1592, %iota3A_793 : vector<16xi32>
        %add3A_1594 = arith.addf %add3A_1587, %add3A_1589 : vector<16xf32>
        tpu.vector_store_idx %arg15[%add3A_1593], %add3A_1594 : memref<272xf32, #tpu.memory_space<vmem>>[vector<16xi32>], vector<16xf32>,
        %scan3A_1595 = arith.constant 0 : i32
        scf.yield %scan3A_1595 : i32
      }
      %scan3A_1255 = arith.constant 16 : i32
      %gather3A = tpu.vector_load_idx %arg15[%mul3A_796] : memref<272xf32, #tpu.memory_space<vmem>>[vector<16xi32>], vector<16xf32>,
      %add3A_1256 = arith.constant 1 : i32
      %add3A_1257 = vector.broadcast %add3A_1256 : i32 to vector<16xi32>
      %add3A_1258 = arith.addi %mul3A_796, %add3A_1257 : vector<16xi32>
      %gather3A_1259 = tpu.vector_load_idx %arg15[%add3A_1258] : memref<272xf32, #tpu.memory_space<vmem>>[vector<16xi32>], vector<16xf32>,
      %add3A_1260 = arith.constant 2 : i32
      %add3A_1261 = vector.broadcast %add3A_1260 : i32 to vector<16xi32>
      %add3A_1262 = arith.addi %mul3A_796, %add3A_1261 : vector<16xi32>
      %gather3A_1263 = tpu.vector_load_idx %arg15[%add3A_1262] : memref<272xf32, #tpu.memory_space<vmem>>[vector<16xi32>], vector<16xf32>,
      %add3A_1264 = arith.constant 3 : i32
      %add3A_1265 = vector.broadcast %add3A_1264 : i32 to vector<16xi32>
      %add3A_1266 = arith.addi %mul3A_796, %add3A_1265 : vector<16xi32>
      %gather3A_1267 = tpu.vector_load_idx %arg15[%add3A_1266] : memref<272xf32, #tpu.memory_space<vmem>>[vector<16xi32>], vector<16xf32>,
      %add3A_1268 = arith.constant 4 : i32
      %add3A_1269 = vector.broadcast %add3A_1268 : i32 to vector<16xi32>
      %add3A_1270 = arith.addi %mul3A_796, %add3A_1269 : vector<16xi32>
      %gather3A_1271 = tpu.vector_load_idx %arg15[%add3A_1270] : memref<272xf32, #tpu.memory_space<vmem>>[vector<16xi32>], vector<16xf32>,
      %add3A_1272 = arith.addf %gather3A, %gather3A_1271 : vector<16xf32>
      %add3A_1273 = arith.constant 4 : i32
      %add3A_1274 = vector.broadcast %add3A_1273 : i32 to vector<16xi32>
      %add3A_1275 = arith.addi %mul3A_796, %add3A_1274 : vector<16xi32>
      %add3A_1276 = arith.constant 1 : i32
      %add3A_1277 = vector.broadcast %add3A_1276 : i32 to vector<16xi32>
      %add3A_1278 = arith.addi %add3A_1275, %add3A_1277 : vector<16xi32>
      %gather3A_1279 = tpu.vector_load_idx %arg15[%add3A_1278] : memref<272xf32, #tpu.memory_space<vmem>>[vector<16xi32>], vector<16xf32>,
      %add3A_1280 = arith.addf %gather3A_1259, %gather3A_1279 : vector<16xf32>
      %add3A_1281 = arith.constant 4 : i32
      %add3A_1282 = vector.broadcast %add3A_1281 : i32 to vector<16xi32>
      %add3A_1283 = arith.addi %mul3A_796, %add3A_1282 : vector<16xi32>
      %add3A_1284 = arith.constant 2 : i32
      %add3A_1285 = vector.broadcast %add3A_1284 : i32 to vector<16xi32>
      %add3A_1286 = arith.addi %add3A_1283, %add3A_1285 : vector<16xi32>
      %gather3A_1287 = tpu.vector_load_idx %arg15[%add3A_1286] : memref<272xf32, #tpu.memory_space<vmem>>[vector<16xi32>], vector<16xf32>,
      %add3A_1288 = arith.addf %gather3A_1263, %gather3A_1287 : vector<16xf32>
      %add3A_1289 = arith.constant 4 : i32
      %add3A_1290 = vector.broadcast %add3A_1289 : i32 to vector<16xi32>
      %add3A_1291 = arith.addi %mul3A_796, %add3A_1290 : vector<16xi32>
      %add3A_1292 = arith.constant 3 : i32
      %add3A_1293 = vector.broadcast %add3A_1292 : i32 to vector<16xi32>
      %add3A_1294 = arith.addi %add3A_1291, %add3A_1293 : vector<16xi32>
      %gather3A_1295 = tpu.vector_load_idx %arg15[%add3A_1294] : memref<272xf32, #tpu.memory_space<vmem>>[vector<16xi32>], vector<16xf32>,
      %add3A_1296 = arith.addf %gather3A_1267, %gather3A_1295 : vector<16xf32>
      %add3A_1297 = arith.constant 8 : i32
      %add3A_1298 = vector.broadcast %add3A_1297 : i32 to vector<16xi32>
      %add3A_1299 = arith.addi %mul3A_796, %add3A_1298 : vector<16xi32>
      %gather3A_1300 = tpu.vector_load_idx %arg15[%add3A_1299] : memref<272xf32, #tpu.memory_space<vmem>>[vector<16xi32>], vector<16xf32>,
      %add3A_1301 = arith.addf %add3A_1272, %gather3A_1300 : vector<16xf32>
      %add3A_1302 = arith.constant 8 : i32
      %add3A_1303 = vector.broadcast %add3A_1302 : i32 to vector<16xi32>
      %add3A_1304 = arith.addi %mul3A_796, %add3A_1303 : vector<16xi32>
      %add3A_1305 = arith.constant 1 : i32
      %add3A_1306 = vector.broadcast %add3A_1305 : i32 to vector<16xi32>
      %add3A_1307 = arith.addi %add3A_1304, %add3A_1306 : vector<16xi32>
      %gather3A_1308 = tpu.vector_load_idx %arg15[%add3A_1307] : memref<272xf32, #tpu.memory_space<vmem>>[vector<16xi32>], vector<16xf32>,
      %add3A_1309 = arith.addf %add3A_1280, %gather3A_1308 : vector<16xf32>
      %add3A_1310 = arith.constant 8 : i32
      %add3A_1311 = vector.broadcast %add3A_1310 : i32 to vector<16xi32>
      %add3A_1312 = arith.addi %mul3A_796, %add3A_1311 : vector<16xi32>
      %add3A_1313 = arith.constant 2 : i32
      %add3A_1314 = vector.broadcast %add3A_1313 : i32 to vector<16xi32>
      %add3A_1315 = arith.addi %add3A_1312, %add3A_1314 : vector<16xi32>
      %gather3A_1316 = tpu.vector_load_idx %arg15[%add3A_1315] : memref<272xf32, #tpu.memory_space<vmem>>[vector<16xi32>], vector<16xf32>,
      %add3A_1317 = arith.addf %add3A_1288, %gather3A_1316 : vector<16xf32>
      %add3A_1318 = arith.constant 8 : i32
      %add3A_1319 = vector.broadcast %add3A_1318 : i32 to vector<16xi32>
      %add3A_1320 = arith.addi %mul3A_796, %add3A_1319 : vector<16xi32>
      %add3A_1321 = arith.constant 3 : i32
      %add3A_1322 = vector.broadcast %add3A_1321 : i32 to vector<16xi32>
      %add3A_1323 = arith.addi %add3A_1320, %add3A_1322 : vector<16xi32>
      %gather3A_1324 = tpu.vector_load_idx %arg15[%add3A_1323] : memref<272xf32, #tpu.memory_space<vmem>>[vector<16xi32>], vector<16xf32>,
      %add3A_1325 = arith.addf %add3A_1296, %gather3A_1324 : vector<16xf32>
      %add3A_1326 = arith.constant 12 : i32
      %add3A_1327 = vector.broadcast %add3A_1326 : i32 to vector<16xi32>
      %add3A_1328 = arith.addi %mul3A_796, %add3A_1327 : vector<16xi32>
      %gather3A_1329 = tpu.vector_load_idx %arg15[%add3A_1328] : memref<272xf32, #tpu.memory_space<vmem>>[vector<16xi32>], vector<16xf32>,
      %add3A_1330 = arith.addf %add3A_1301, %gather3A_1329 : vector<16xf32>
      %add3A_1331 = arith.constant 12 : i32
      %add3A_1332 = vector.broadcast %add3A_1331 : i32 to vector<16xi32>
      %add3A_1333 = arith.addi %mul3A_796, %add3A_1332 : vector<16xi32>
      %add3A_1334 = arith.constant 1 : i32
      %add3A_1335 = vector.broadcast %add3A_1334 : i32 to vector<16xi32>
      %add3A_1336 = arith.addi %add3A_1333, %add3A_1335 : vector<16xi32>
      %gather3A_1337 = tpu.vector_load_idx %arg15[%add3A_1336] : memref<272xf32, #tpu.memory_space<vmem>>[vector<16xi32>], vector<16xf32>,
      %add3A_1338 = arith.addf %add3A_1309, %gather3A_1337 : vector<16xf32>
      %add3A_1339 = arith.constant 12 : i32
      %add3A_1340 = vector.broadcast %add3A_1339 : i32 to vector<16xi32>
      %add3A_1341 = arith.addi %mul3A_796, %add3A_1340 : vector<16xi32>
      %add3A_1342 = arith.constant 2 : i32
      %add3A_1343 = vector.broadcast %add3A_1342 : i32 to vector<16xi32>
      %add3A_1344 = arith.addi %add3A_1341, %add3A_1343 : vector<16xi32>
      %gather3A_1345 = tpu.vector_load_idx %arg15[%add3A_1344] : memref<272xf32, #tpu.memory_space<vmem>>[vector<16xi32>], vector<16xf32>,
      %add3A_1346 = arith.addf %add3A_1317, %gather3A_1345 : vector<16xf32>
      %add3A_1347 = arith.constant 12 : i32
      %add3A_1348 = vector.broadcast %add3A_1347 : i32 to vector<16xi32>
      %add3A_1349 = arith.addi %mul3A_796, %add3A_1348 : vector<16xi32>
      %add3A_1350 = arith.constant 3 : i32
      %add3A_1351 = vector.broadcast %add3A_1350 : i32 to vector<16xi32>
      %add3A_1352 = arith.addi %add3A_1349, %add3A_1351 : vector<16xi32>
      %gather3A_1353 = tpu.vector_load_idx %arg15[%add3A_1352] : memref<272xf32, #tpu.memory_space<vmem>>[vector<16xi32>], vector<16xf32>,
      %add3A_1354 = arith.addf %add3A_1325, %gather3A_1353 : vector<16xf32>
      %add3A_1355 = arith.addf %add3A_1330, %add3A_1338 : vector<16xf32>
      %add3A_1356 = arith.addf %add3A_1346, %add3A_1354 : vector<16xf32>
      %add3A_1357 = arith.addf %add3A_1355, %add3A_1356 : vector<16xf32>
      %bitcast3A = vector.bitcast %add3A_1357 : vector<16xf32> to vector<16xi32>
      %shift_right_arithmetic3A = arith.constant 1 : i32
      %shift_right_arithmetic3A_1358 = vector.broadcast %shift_right_arithmetic3A : i32 to vector<16xi32>
      %shift_right_arithmetic3A_1359 = arith.shrsi %bitcast3A, %shift_right_arithmetic3A_1358 : vector<16xi32>
      %sub3A = arith.constant 1597463007 : i32
      %sub3A_1360 = vector.broadcast %sub3A : i32 to vector<16xi32>
      %sub3A_1361 = arith.subi %sub3A_1360, %shift_right_arithmetic3A_1359 : vector<16xi32>
      %bitcast3A_1362 = vector.bitcast %sub3A_1361 : vector<16xi32> to vector<16xf32>
      %mul3A_1363 = arith.constant 5.000000e-01 : f32
      %mul3A_1364 = vector.broadcast %mul3A_1363 : f32 to vector<16xf32>
      %mul3A_1365 = arith.mulf %mul3A_1364, %add3A_1357 : vector<16xf32>
      %mul3A_1366 = arith.mulf %mul3A_1365, %bitcast3A_1362 : vector<16xf32>
      %mul3A_1367 = arith.mulf %mul3A_1366, %bitcast3A_1362 : vector<16xf32>
      %sub3A_1368 = arith.constant 1.500000e+00 : f32
      %sub3A_1369 = vector.broadcast %sub3A_1368 : f32 to vector<16xf32>
      %sub3A_1370 = arith.subf %sub3A_1369, %mul3A_1367 : vector<16xf32>
      %mul3A_1371 = arith.mulf %bitcast3A_1362, %sub3A_1370 : vector<16xf32>
      %mul3A_1372 = arith.constant 5.000000e-01 : f32
      %mul3A_1373 = vector.broadcast %mul3A_1372 : f32 to vector<16xf32>
      %mul3A_1374 = arith.mulf %mul3A_1373, %add3A_1357 : vector<16xf32>
      %mul3A_1375 = arith.mulf %mul3A_1374, %mul3A_1371 : vector<16xf32>
      %mul3A_1376 = arith.mulf %mul3A_1375, %mul3A_1371 : vector<16xf32>
      %sub3A_1377 = arith.constant 1.500000e+00 : f32
      %sub3A_1378 = vector.broadcast %sub3A_1377 : f32 to vector<16xf32>
      %sub3A_1379 = arith.subf %sub3A_1378, %mul3A_1376 : vector<16xf32>
      %mul3A_1380 = arith.mulf %mul3A_1371, %sub3A_1379 : vector<16xf32>
      %mul3A_1381 = arith.constant 5.000000e-01 : f32
      %mul3A_1382 = vector.broadcast %mul3A_1381 : f32 to vector<16xf32>
      %mul3A_1383 = arith.mulf %mul3A_1382, %add3A_1357 : vector<16xf32>
      %mul3A_1384 = arith.mulf %mul3A_1383, %mul3A_1380 : vector<16xf32>
      %mul3A_1385 = arith.mulf %mul3A_1384, %mul3A_1380 : vector<16xf32>
      %sub3A_1386 = arith.constant 1.500000e+00 : f32
      %sub3A_1387 = vector.broadcast %sub3A_1386 : f32 to vector<16xf32>
      %sub3A_1388 = arith.subf %sub3A_1387, %mul3A_1385 : vector<16xf32>
      %mul3A_1389 = arith.mulf %mul3A_1380, %sub3A_1388 : vector<16xf32>
      %gt3A = arith.constant 0.000000e+00 : f32
      %gt3A_1390 = vector.broadcast %gt3A : f32 to vector<16xf32>
      %gt3A_1391 = arith.cmpf ogt, %add3A_1357, %gt3A_1390 : vector<16xf32>
      %mul3A_1392 = arith.mulf %add3A_1357, %mul3A_1389 : vector<16xf32>
      %jit3A = arith.constant 0.000000e+00 : f32
      %broadcast_in_dim3A = vector.broadcast %jit3A : f32 to vector<16xf32>
      %select_n3A = arith.select %gt3A_1391, %mul3A_1392, %broadcast_in_dim3A : vector<16xi1>, vector<16xf32>
      %neg3A = arith.constant 0.000000e+00 : f32
      %neg3A_1393 = vector.broadcast %neg3A : f32 to vector<16xf32>
      %neg3A_1394 = arith.subf %neg3A_1393, %select_n3A : vector<16xf32>
      %mul3A_1395 = arith.constant 16 : i32
      %mul3A_1396 = arith.muli %scan3A_1247, %mul3A_1395 : i32
      %add3A_1397 = arith.constant 64 : i32
      %add3A_1398 = arith.addi %add3A_1397, %mul3A_1396 : i32
      %swap3A = arith.index_cast %add3A_1398 : i32 to index
      %swap3A_1399 = tpu.vector_load %arg14[%swap3A] {strides = array<i32>} : memref<512xf32, #tpu.memory_space<vmem>>, vector<16xf32>,
      tpu.vector_store %arg14[%swap3A], %neg3A_1394 {strides = array<i32>} : memref<512xf32, #tpu.memory_space<vmem>>, vector<16xf32>,
      %scan3A_1400 = arith.constant 0 : i32
      scf.yield %scan3A_1400 : i32
    }
    %scan3A_806 = arith.constant 4 : i32
    %add3A_807 = arith.constant 64 : i32
    %add3A_808 = arith.addi %mul3A_2, %add3A_807 : i32
    %dma_start3A_809 = arith.constant 64 : i32
    %dma_start3A_810 = tpu.memref_slice %arg14[%dma_start3A_809] : memref<512xf32, #tpu.memory_space<vmem>> -> memref<64xf32, #tpu.memory_space<vmem>>
    %dma_start3A_811 = tpu.memref_slice %arg7[%add3A_808] : memref<16384xf32, #tpu.memory_space<hbm>> -> memref<64xf32, #tpu.memory_space<hbm>>
    %dma_start3A_812 = tpu.memref_slice %arg7[%add3A_808] : memref<16384xf32, #tpu.memory_space<hbm>> -> memref<64xf32, #tpu.memory_space<hbm>>
    %dma_start3A_813 = arith.constant 64 : i32
    %dma_start3A_814 = tpu.memref_slice %arg14[%dma_start3A_813] : memref<512xf32, #tpu.memory_space<vmem>> -> memref<64xf32, #tpu.memory_space<vmem>>
    tpu.enqueue_dma source(%dma_start3A_814 : memref<64xf32, #tpu.memory_space<vmem>>) target(%dma_start3A_812 : memref<64xf32, #tpu.memory_space<hbm>>) target_semaphore(%arg22 : memref<!tpu.dma_semaphore, #tpu.memory_space<semaphore_mem>>)
    %dma_start3A_815 = arith.constant 7 : i32
    %dma_start3A_816 = arith.constant 1 : i32
    %dma_start3A_817 = arith.constant 0 : i32
    %dma_start3A_818 = arith.constant 0 : i32
    %dma_start3A_819 = tpu.memref_slice %arg11[%dma_start3A_816, %dma_start3A_817, %dma_start3A_818] : memref<6x64x128xf32, #tpu.memory_space<vmem>> -> memref<1x64x128xf32, #tpu.memory_space<vmem>>
    %dma_start3A_820 = tpu.memref_squeeze %dma_start3A_819 : memref<1x64x128xf32, #tpu.memory_space<vmem>> -> memref<64x128xf32, #tpu.memory_space<vmem>>
    %dma_start3A_821 = arith.constant 0 : i32
    %dma_start3A_822 = tpu.memref_slice %arg8[%dma_start3A_815, %dma_start3A_821] : memref<8x64xi32, #tpu.memory_space<vmem>> -> memref<1x64xi32, #tpu.memory_space<vmem>>
    %dma_start3A_823 = tpu.memref_squeeze %dma_start3A_822 : memref<1x64xi32, #tpu.memory_space<vmem>> -> memref<64xi32, #tpu.memory_space<vmem>>
    %dma_start3A_824 = arith.constant 0 : i32
    %dma_start3A_825 = arith.constant 0 : i32
    %dma_start3A_826 = tpu.memref_slice %arg5[%dma_start3A_824, %dma_start3A_825] : memref<100000x128xf32, #tpu.memory_space<hbm>> -> memref<100000x128xf32, #tpu.memory_space<hbm>>
    tpu.enqueue_indirect_dma source(%dma_start3A_826 : memref<100000x128xf32, #tpu.memory_space<hbm>>) target(%dma_start3A_820 : memref<64x128xf32, #tpu.memory_space<vmem>>) offsets(%dma_start3A_823 : memref<64xi32, #tpu.memory_space<vmem>>) semaphore(%arg17 : memref<!tpu.dma_semaphore, #tpu.memory_space<semaphore_mem>>)
    %dma_start3A_827 = arith.constant 7 : i32
    %dma_start3A_828 = arith.constant 1 : i32
    %dma_start3A_829 = arith.constant 0 : i32
    %dma_start3A_830 = arith.constant 0 : i32
    %dma_start3A_831 = tpu.memref_slice %arg12[%dma_start3A_828, %dma_start3A_829, %dma_start3A_830] : memref<6x64x64xi32, #tpu.memory_space<vmem>> -> memref<1x64x64xi32, #tpu.memory_space<vmem>>
    %dma_start3A_832 = tpu.memref_squeeze %dma_start3A_831 : memref<1x64x64xi32, #tpu.memory_space<vmem>> -> memref<64x64xi32, #tpu.memory_space<vmem>>
    %dma_start3A_833 = arith.constant 0 : i32
    %dma_start3A_834 = tpu.memref_slice %arg9[%dma_start3A_827, %dma_start3A_833] : memref<8x64xi32, #tpu.memory_space<vmem>> -> memref<1x64xi32, #tpu.memory_space<vmem>>
    %dma_start3A_835 = tpu.memref_squeeze %dma_start3A_834 : memref<1x64xi32, #tpu.memory_space<vmem>> -> memref<64xi32, #tpu.memory_space<vmem>>
    %dma_start3A_836 = arith.constant 0 : i32
    %dma_start3A_837 = arith.constant 0 : i32
    %dma_start3A_838 = tpu.memref_slice %arg6[%dma_start3A_836, %dma_start3A_837] : memref<1000x64xi32, #tpu.memory_space<hbm>> -> memref<1000x64xi32, #tpu.memory_space<hbm>>
    tpu.enqueue_indirect_dma source(%dma_start3A_838 : memref<1000x64xi32, #tpu.memory_space<hbm>>) target(%dma_start3A_832 : memref<64x64xi32, #tpu.memory_space<vmem>>) offsets(%dma_start3A_835 : memref<64xi32, #tpu.memory_space<vmem>>) semaphore(%arg17 : memref<!tpu.dma_semaphore, #tpu.memory_space<semaphore_mem>>)
    %dma_start3A_839 = arith.constant 7 : i32
    %dma_start3A_840 = arith.constant 1 : i32
    %dma_start3A_841 = arith.constant 0 : i32
    %dma_start3A_842 = arith.constant 0 : i32
    %dma_start3A_843 = tpu.memref_slice %arg13[%dma_start3A_840, %dma_start3A_841, %dma_start3A_842] : memref<6x64x128xf32, #tpu.memory_space<vmem>> -> memref<1x64x128xf32, #tpu.memory_space<vmem>>
    %dma_start3A_844 = tpu.memref_squeeze %dma_start3A_843 : memref<1x64x128xf32, #tpu.memory_space<vmem>> -> memref<64x128xf32, #tpu.memory_space<vmem>>
    %dma_start3A_845 = arith.constant 0 : i32
    %dma_start3A_846 = tpu.memref_slice %arg10[%dma_start3A_839, %dma_start3A_845] : memref<8x64xi32, #tpu.memory_space<vmem>> -> memref<1x64xi32, #tpu.memory_space<vmem>>
    %dma_start3A_847 = tpu.memref_squeeze %dma_start3A_846 : memref<1x64xi32, #tpu.memory_space<vmem>> -> memref<64xi32, #tpu.memory_space<vmem>>
    %dma_start3A_848 = arith.constant 0 : i32
    %dma_start3A_849 = arith.constant 0 : i32
    %dma_start3A_850 = tpu.memref_slice %arg5[%dma_start3A_848, %dma_start3A_849] : memref<100000x128xf32, #tpu.memory_space<hbm>> -> memref<100000x128xf32, #tpu.memory_space<hbm>>
    tpu.enqueue_indirect_dma source(%dma_start3A_850 : memref<100000x128xf32, #tpu.memory_space<hbm>>) target(%dma_start3A_844 : memref<64x128xf32, #tpu.memory_space<vmem>>) offsets(%dma_start3A_847 : memref<64xi32, #tpu.memory_space<vmem>>) semaphore(%arg17 : memref<!tpu.dma_semaphore, #tpu.memory_space<semaphore_mem>>)
    %dma_wait3A_851 = arith.constant 2 : i32
    %dma_wait3A_852 = arith.constant 2 : i32
    %dma_wait3A_853 = arith.constant 0 : i32
    %dma_wait3A_854 = arith.constant 0 : i32
    %dma_wait3A_855 = tpu.memref_slice %arg11[%dma_wait3A_852, %dma_wait3A_853, %dma_wait3A_854] : memref<6x64x128xf32, #tpu.memory_space<vmem>> -> memref<1x64x128xf32, #tpu.memory_space<vmem>>
    %dma_wait3A_856 = tpu.memref_squeeze %dma_wait3A_855 : memref<1x64x128xf32, #tpu.memory_space<vmem>> -> memref<64x128xf32, #tpu.memory_space<vmem>>
    %dma_wait3A_857 = arith.constant 0 : i32
    %dma_wait3A_858 = tpu.memref_slice %arg8[%dma_wait3A_851, %dma_wait3A_857] : memref<8x64xi32, #tpu.memory_space<vmem>> -> memref<1x64xi32, #tpu.memory_space<vmem>>
    %dma_wait3A_859 = tpu.memref_squeeze %dma_wait3A_858 : memref<1x64xi32, #tpu.memory_space<vmem>> -> memref<64xi32, #tpu.memory_space<vmem>>
    %dma_wait3A_860 = arith.constant 0 : i32
    %dma_wait3A_861 = arith.constant 0 : i32
    %dma_wait3A_862 = tpu.memref_slice %arg5[%dma_wait3A_860, %dma_wait3A_861] : memref<100000x128xf32, #tpu.memory_space<hbm>> -> memref<100000x128xf32, #tpu.memory_space<hbm>>
    tpu.wait_indirect_dma semaphore(%arg18 : memref<!tpu.dma_semaphore, #tpu.memory_space<semaphore_mem>>) src(%dma_wait3A_862 : memref<100000x128xf32, #tpu.memory_space<hbm>>) dst(%dma_wait3A_856 : memref<64x128xf32, #tpu.memory_space<vmem>>)
    %dma_wait3A_863 = arith.constant 2 : i32
    %dma_wait3A_864 = arith.constant 2 : i32
    %dma_wait3A_865 = arith.constant 0 : i32
    %dma_wait3A_866 = arith.constant 0 : i32
    %dma_wait3A_867 = tpu.memref_slice %arg12[%dma_wait3A_864, %dma_wait3A_865, %dma_wait3A_866] : memref<6x64x64xi32, #tpu.memory_space<vmem>> -> memref<1x64x64xi32, #tpu.memory_space<vmem>>
    %dma_wait3A_868 = tpu.memref_squeeze %dma_wait3A_867 : memref<1x64x64xi32, #tpu.memory_space<vmem>> -> memref<64x64xi32, #tpu.memory_space<vmem>>
    %dma_wait3A_869 = arith.constant 0 : i32
    %dma_wait3A_870 = tpu.memref_slice %arg9[%dma_wait3A_863, %dma_wait3A_869] : memref<8x64xi32, #tpu.memory_space<vmem>> -> memref<1x64xi32, #tpu.memory_space<vmem>>
    %dma_wait3A_871 = tpu.memref_squeeze %dma_wait3A_870 : memref<1x64xi32, #tpu.memory_space<vmem>> -> memref<64xi32, #tpu.memory_space<vmem>>
    %dma_wait3A_872 = arith.constant 0 : i32
    %dma_wait3A_873 = arith.constant 0 : i32
    %dma_wait3A_874 = tpu.memref_slice %arg6[%dma_wait3A_872, %dma_wait3A_873] : memref<1000x64xi32, #tpu.memory_space<hbm>> -> memref<1000x64xi32, #tpu.memory_space<hbm>>
    tpu.wait_indirect_dma semaphore(%arg18 : memref<!tpu.dma_semaphore, #tpu.memory_space<semaphore_mem>>) src(%dma_wait3A_874 : memref<1000x64xi32, #tpu.memory_space<hbm>>) dst(%dma_wait3A_868 : memref<64x64xi32, #tpu.memory_space<vmem>>)
    %dma_wait3A_875 = arith.constant 2 : i32
    %dma_wait3A_876 = arith.constant 2 : i32
    %dma_wait3A_877 = arith.constant 0 : i32
    %dma_wait3A_878 = arith.constant 0 : i32
    %dma_wait3A_879 = tpu.memref_slice %arg13[%dma_wait3A_876, %dma_wait3A_877, %dma_wait3A_878] : memref<6x64x128xf32, #tpu.memory_space<vmem>> -> memref<1x64x128xf32, #tpu.memory_space<vmem>>
    %dma_wait3A_880 = tpu.memref_squeeze %dma_wait3A_879 : memref<1x64x128xf32, #tpu.memory_space<vmem>> -> memref<64x128xf32, #tpu.memory_space<vmem>>
    %dma_wait3A_881 = arith.constant 0 : i32
    %dma_wait3A_882 = tpu.memref_slice %arg10[%dma_wait3A_875, %dma_wait3A_881] : memref<8x64xi32, #tpu.memory_space<vmem>> -> memref<1x64xi32, #tpu.memory_space<vmem>>
    %dma_wait3A_883 = tpu.memref_squeeze %dma_wait3A_882 : memref<1x64xi32, #tpu.memory_space<vmem>> -> memref<64xi32, #tpu.memory_space<vmem>>
    %dma_wait3A_884 = arith.constant 0 : i32
    %dma_wait3A_885 = arith.constant 0 : i32
    %dma_wait3A_886 = tpu.memref_slice %arg5[%dma_wait3A_884, %dma_wait3A_885] : memref<100000x128xf32, #tpu.memory_space<hbm>> -> memref<100000x128xf32, #tpu.memory_space<hbm>>
    tpu.wait_indirect_dma semaphore(%arg18 : memref<!tpu.dma_semaphore, #tpu.memory_space<semaphore_mem>>) src(%dma_wait3A_886 : memref<100000x128xf32, #tpu.memory_space<hbm>>) dst(%dma_wait3A_880 : memref<64x128xf32, #tpu.memory_space<vmem>>)
    %iota3A_887 = tpu.iota {dimensions = array<i32: 0>} : vector<16xi32>
    %mul3A_888 = arith.constant 17 : i32
    %mul3A_889 = vector.broadcast %mul3A_888 : i32 to vector<16xi32>
    %mul3A_890 = arith.muli %iota3A_887, %mul3A_889 : vector<16xi32>
    %scan3A_891 = arith.constant 2 : i32
    %scan3A_892 = arith.constant 2 : i32
    %scan3A_893 = arith.constant 2 : i32
    %scan3A_894 = arith.constant 0 : i32
    %scan3A_895 = arith.constant 0 : i32
    %scan3A_896 = arith.constant 4 : i32
    %scan3A_897 = arith.addi %scan3A_895, %scan3A_896 : i32
    %scan3A_898 = arith.constant 1 : i32
    %scan3A_899 = scf.for %scan3A_1247 = %scan3A_895 to %scan3A_897 step %scan3A_898 iter_args(%scan3A_1248 = %scan3A_894) -> (i32)  : i32 {
      %scan3A_1249 = arith.constant 0 : i32
      %scan3A_1250 = arith.constant 0 : i32
      %scan3A_1251 = arith.constant 16 : i32
      %scan3A_1252 = arith.addi %scan3A_1250, %scan3A_1251 : i32
      %scan3A_1253 = arith.constant 1 : i32
      %scan3A_1254 = scf.for %scan3A_1401 = %scan3A_1250 to %scan3A_1252 step %scan3A_1253 iter_args(%scan3A_1402 = %scan3A_1249) -> (i32)  : i32 {
        %broadcast_in_dim3A_1403 = arith.constant 0.000000e+00 : f32
        %broadcast_in_dim3A_1404 = vector.broadcast %broadcast_in_dim3A_1403 : f32 to vector<16xf32>
        %mul3A_1405 = arith.constant 16 : i32
        %mul3A_1406 = arith.muli %scan3A_1247, %mul3A_1405 : i32
        %add3A_1407 = arith.addi %mul3A_1406, %scan3A_1401 : i32
        %get3A = arith.constant 0 : i32
        %get3A_1408 = arith.constant 0 : i32
        %get3A_1409 = tpu.memref_slice %arg11[%scan3A_891, %get3A, %get3A_1408] : memref<6x64x128xf32, #tpu.memory_space<vmem>> -> memref<1x64x128xf32, #tpu.memory_space<vmem>>
        %get3A_1410 = tpu.memref_squeeze %get3A_1409 : memref<1x64x128xf32, #tpu.memory_space<vmem>> -> memref<64x128xf32, #tpu.memory_space<vmem>>
        %get3A_1411 = arith.index_cast %add3A_1407 : i32 to index
        %get3A_1412 = arith.constant 0 : index
        %get3A_1413 = tpu.vector_load %get3A_1410[%get3A_1411, %get3A_1412] {strides = array<i32>} : memref<64x128xf32, #tpu.memory_space<vmem>>, vector<16xf32>,
        %get3A_1414 = arith.constant 0 : i32
        %get3A_1415 = arith.constant 0 : i32
        %get3A_1416 = tpu.memref_slice %arg11[%scan3A_891, %get3A_1414, %get3A_1415] : memref<6x64x128xf32, #tpu.memory_space<vmem>> -> memref<1x64x128xf32, #tpu.memory_space<vmem>>
        %get3A_1417 = tpu.memref_squeeze %get3A_1416 : memref<1x64x128xf32, #tpu.memory_space<vmem>> -> memref<64x128xf32, #tpu.memory_space<vmem>>
        %get3A_1418 = arith.index_cast %add3A_1407 : i32 to index
        %get3A_1419 = arith.constant 16 : index
        %get3A_1420 = tpu.vector_load %get3A_1417[%get3A_1418, %get3A_1419] {strides = array<i32>} : memref<64x128xf32, #tpu.memory_space<vmem>>, vector<16xf32>,
        %get3A_1421 = arith.constant 0 : i32
        %get3A_1422 = arith.constant 0 : i32
        %get3A_1423 = tpu.memref_slice %arg13[%scan3A_892, %get3A_1421, %get3A_1422] : memref<6x64x128xf32, #tpu.memory_space<vmem>> -> memref<1x64x128xf32, #tpu.memory_space<vmem>>
        %get3A_1424 = tpu.memref_squeeze %get3A_1423 : memref<1x64x128xf32, #tpu.memory_space<vmem>> -> memref<64x128xf32, #tpu.memory_space<vmem>>
        %get3A_1425 = arith.index_cast %add3A_1407 : i32 to index
        %get3A_1426 = arith.constant 0 : index
        %get3A_1427 = tpu.vector_load %get3A_1424[%get3A_1425, %get3A_1426] {strides = array<i32>} : memref<64x128xf32, #tpu.memory_space<vmem>>, vector<16xf32>,
        %get3A_1428 = arith.constant 0 : i32
        %get3A_1429 = arith.constant 0 : i32
        %get3A_1430 = tpu.memref_slice %arg13[%scan3A_892, %get3A_1428, %get3A_1429] : memref<6x64x128xf32, #tpu.memory_space<vmem>> -> memref<1x64x128xf32, #tpu.memory_space<vmem>>
        %get3A_1431 = tpu.memref_squeeze %get3A_1430 : memref<1x64x128xf32, #tpu.memory_space<vmem>> -> memref<64x128xf32, #tpu.memory_space<vmem>>
        %get3A_1432 = arith.index_cast %add3A_1407 : i32 to index
        %get3A_1433 = arith.constant 16 : index
        %get3A_1434 = tpu.vector_load %get3A_1431[%get3A_1432, %get3A_1433] {strides = array<i32>} : memref<64x128xf32, #tpu.memory_space<vmem>>, vector<16xf32>,
        %get3A_1435 = arith.constant 0 : i32
        %get3A_1436 = arith.constant 0 : i32
        %get3A_1437 = tpu.memref_slice %arg12[%scan3A_893, %get3A_1435, %get3A_1436] : memref<6x64x64xi32, #tpu.memory_space<vmem>> -> memref<1x64x64xi32, #tpu.memory_space<vmem>>
        %get3A_1438 = tpu.memref_squeeze %get3A_1437 : memref<1x64x64xi32, #tpu.memory_space<vmem>> -> memref<64x64xi32, #tpu.memory_space<vmem>>
        %get3A_1439 = arith.index_cast %add3A_1407 : i32 to index
        %get3A_1440 = arith.constant 0 : index
        %get3A_1441 = tpu.vector_load %get3A_1438[%get3A_1439, %get3A_1440] {strides = array<i32>} : memref<64x64xi32, #tpu.memory_space<vmem>>, vector<16xi32>,
        %bitcast3A_1442 = vector.bitcast %get3A_1441 : vector<16xi32> to vector<32xbf16>
        %unpack3A = tpu.unpack_subelements %bitcast3A_1442, 0 {pack_format = #tpu.pack_format<interleaved>} : vector<32xbf16> -> vector<16xf32>
        %unpack3A_1443 = tpu.unpack_subelements %bitcast3A_1442, 1 {pack_format = #tpu.pack_format<interleaved>} : vector<32xbf16> -> vector<16xf32>
        %add3A_1444 = arith.addf %get3A_1413, %unpack3A : vector<16xf32>
        %sub3A_1445 = arith.subf %add3A_1444, %get3A_1427 : vector<16xf32>
        %add3A_1446 = arith.addf %get3A_1420, %unpack3A_1443 : vector<16xf32>
        %sub3A_1447 = arith.subf %add3A_1446, %get3A_1434 : vector<16xf32>
        %mul3A_1448 = arith.mulf %sub3A_1445, %sub3A_1445 : vector<16xf32>
        %add3A_1449 = arith.addf %broadcast_in_dim3A_1404, %mul3A_1448 : vector<16xf32>
        %mul3A_1450 = arith.mulf %sub3A_1447, %sub3A_1447 : vector<16xf32>
        %add3A_1451 = arith.addf %broadcast_in_dim3A_1404, %mul3A_1450 : vector<16xf32>
        %get3A_1452 = arith.constant 0 : i32
        %get3A_1453 = arith.constant 0 : i32
        %get3A_1454 = tpu.memref_slice %arg11[%scan3A_891, %get3A_1452, %get3A_1453] : memref<6x64x128xf32, #tpu.memory_space<vmem>> -> memref<1x64x128xf32, #tpu.memory_space<vmem>>
        %get3A_1455 = tpu.memref_squeeze %get3A_1454 : memref<1x64x128xf32, #tpu.memory_space<vmem>> -> memref<64x128xf32, #tpu.memory_space<vmem>>
        %get3A_1456 = arith.index_cast %add3A_1407 : i32 to index
        %get3A_1457 = arith.constant 32 : index
        %get3A_1458 = tpu.vector_load %get3A_1455[%get3A_1456, %get3A_1457] {strides = array<i32>} : memref<64x128xf32, #tpu.memory_space<vmem>>, vector<16xf32>,
        %get3A_1459 = arith.constant 0 : i32
        %get3A_1460 = arith.constant 0 : i32
        %get3A_1461 = tpu.memref_slice %arg11[%scan3A_891, %get3A_1459, %get3A_1460] : memref<6x64x128xf32, #tpu.memory_space<vmem>> -> memref<1x64x128xf32, #tpu.memory_space<vmem>>
        %get3A_1462 = tpu.memref_squeeze %get3A_1461 : memref<1x64x128xf32, #tpu.memory_space<vmem>> -> memref<64x128xf32, #tpu.memory_space<vmem>>
        %get3A_1463 = arith.index_cast %add3A_1407 : i32 to index
        %get3A_1464 = arith.constant 48 : index
        %get3A_1465 = tpu.vector_load %get3A_1462[%get3A_1463, %get3A_1464] {strides = array<i32>} : memref<64x128xf32, #tpu.memory_space<vmem>>, vector<16xf32>,
        %get3A_1466 = arith.constant 0 : i32
        %get3A_1467 = arith.constant 0 : i32
        %get3A_1468 = tpu.memref_slice %arg13[%scan3A_892, %get3A_1466, %get3A_1467] : memref<6x64x128xf32, #tpu.memory_space<vmem>> -> memref<1x64x128xf32, #tpu.memory_space<vmem>>
        %get3A_1469 = tpu.memref_squeeze %get3A_1468 : memref<1x64x128xf32, #tpu.memory_space<vmem>> -> memref<64x128xf32, #tpu.memory_space<vmem>>
        %get3A_1470 = arith.index_cast %add3A_1407 : i32 to index
        %get3A_1471 = arith.constant 32 : index
        %get3A_1472 = tpu.vector_load %get3A_1469[%get3A_1470, %get3A_1471] {strides = array<i32>} : memref<64x128xf32, #tpu.memory_space<vmem>>, vector<16xf32>,
        %get3A_1473 = arith.constant 0 : i32
        %get3A_1474 = arith.constant 0 : i32
        %get3A_1475 = tpu.memref_slice %arg13[%scan3A_892, %get3A_1473, %get3A_1474] : memref<6x64x128xf32, #tpu.memory_space<vmem>> -> memref<1x64x128xf32, #tpu.memory_space<vmem>>
        %get3A_1476 = tpu.memref_squeeze %get3A_1475 : memref<1x64x128xf32, #tpu.memory_space<vmem>> -> memref<64x128xf32, #tpu.memory_space<vmem>>
        %get3A_1477 = arith.index_cast %add3A_1407 : i32 to index
        %get3A_1478 = arith.constant 48 : index
        %get3A_1479 = tpu.vector_load %get3A_1476[%get3A_1477, %get3A_1478] {strides = array<i32>} : memref<64x128xf32, #tpu.memory_space<vmem>>, vector<16xf32>,
        %get3A_1480 = arith.constant 0 : i32
        %get3A_1481 = arith.constant 0 : i32
        %get3A_1482 = tpu.memref_slice %arg12[%scan3A_893, %get3A_1480, %get3A_1481] : memref<6x64x64xi32, #tpu.memory_space<vmem>> -> memref<1x64x64xi32, #tpu.memory_space<vmem>>
        %get3A_1483 = tpu.memref_squeeze %get3A_1482 : memref<1x64x64xi32, #tpu.memory_space<vmem>> -> memref<64x64xi32, #tpu.memory_space<vmem>>
        %get3A_1484 = arith.index_cast %add3A_1407 : i32 to index
        %get3A_1485 = arith.constant 16 : index
        %get3A_1486 = tpu.vector_load %get3A_1483[%get3A_1484, %get3A_1485] {strides = array<i32>} : memref<64x64xi32, #tpu.memory_space<vmem>>, vector<16xi32>,
        %bitcast3A_1487 = vector.bitcast %get3A_1486 : vector<16xi32> to vector<32xbf16>
        %unpack3A_1488 = tpu.unpack_subelements %bitcast3A_1487, 0 {pack_format = #tpu.pack_format<interleaved>} : vector<32xbf16> -> vector<16xf32>
        %unpack3A_1489 = tpu.unpack_subelements %bitcast3A_1487, 1 {pack_format = #tpu.pack_format<interleaved>} : vector<32xbf16> -> vector<16xf32>
        %add3A_1490 = arith.addf %get3A_1458, %unpack3A_1488 : vector<16xf32>
        %sub3A_1491 = arith.subf %add3A_1490, %get3A_1472 : vector<16xf32>
        %add3A_1492 = arith.addf %get3A_1465, %unpack3A_1489 : vector<16xf32>
        %sub3A_1493 = arith.subf %add3A_1492, %get3A_1479 : vector<16xf32>
        %mul3A_1494 = arith.mulf %sub3A_1491, %sub3A_1491 : vector<16xf32>
        %add3A_1495 = arith.addf %add3A_1449, %mul3A_1494 : vector<16xf32>
        %mul3A_1496 = arith.mulf %sub3A_1493, %sub3A_1493 : vector<16xf32>
        %add3A_1497 = arith.addf %add3A_1451, %mul3A_1496 : vector<16xf32>
        %get3A_1498 = arith.constant 0 : i32
        %get3A_1499 = arith.constant 0 : i32
        %get3A_1500 = tpu.memref_slice %arg11[%scan3A_891, %get3A_1498, %get3A_1499] : memref<6x64x128xf32, #tpu.memory_space<vmem>> -> memref<1x64x128xf32, #tpu.memory_space<vmem>>
        %get3A_1501 = tpu.memref_squeeze %get3A_1500 : memref<1x64x128xf32, #tpu.memory_space<vmem>> -> memref<64x128xf32, #tpu.memory_space<vmem>>
        %get3A_1502 = arith.index_cast %add3A_1407 : i32 to index
        %get3A_1503 = arith.constant 64 : index
        %get3A_1504 = tpu.vector_load %get3A_1501[%get3A_1502, %get3A_1503] {strides = array<i32>} : memref<64x128xf32, #tpu.memory_space<vmem>>, vector<16xf32>,
        %get3A_1505 = arith.constant 0 : i32
        %get3A_1506 = arith.constant 0 : i32
        %get3A_1507 = tpu.memref_slice %arg11[%scan3A_891, %get3A_1505, %get3A_1506] : memref<6x64x128xf32, #tpu.memory_space<vmem>> -> memref<1x64x128xf32, #tpu.memory_space<vmem>>
        %get3A_1508 = tpu.memref_squeeze %get3A_1507 : memref<1x64x128xf32, #tpu.memory_space<vmem>> -> memref<64x128xf32, #tpu.memory_space<vmem>>
        %get3A_1509 = arith.index_cast %add3A_1407 : i32 to index
        %get3A_1510 = arith.constant 80 : index
        %get3A_1511 = tpu.vector_load %get3A_1508[%get3A_1509, %get3A_1510] {strides = array<i32>} : memref<64x128xf32, #tpu.memory_space<vmem>>, vector<16xf32>,
        %get3A_1512 = arith.constant 0 : i32
        %get3A_1513 = arith.constant 0 : i32
        %get3A_1514 = tpu.memref_slice %arg13[%scan3A_892, %get3A_1512, %get3A_1513] : memref<6x64x128xf32, #tpu.memory_space<vmem>> -> memref<1x64x128xf32, #tpu.memory_space<vmem>>
        %get3A_1515 = tpu.memref_squeeze %get3A_1514 : memref<1x64x128xf32, #tpu.memory_space<vmem>> -> memref<64x128xf32, #tpu.memory_space<vmem>>
        %get3A_1516 = arith.index_cast %add3A_1407 : i32 to index
        %get3A_1517 = arith.constant 64 : index
        %get3A_1518 = tpu.vector_load %get3A_1515[%get3A_1516, %get3A_1517] {strides = array<i32>} : memref<64x128xf32, #tpu.memory_space<vmem>>, vector<16xf32>,
        %get3A_1519 = arith.constant 0 : i32
        %get3A_1520 = arith.constant 0 : i32
        %get3A_1521 = tpu.memref_slice %arg13[%scan3A_892, %get3A_1519, %get3A_1520] : memref<6x64x128xf32, #tpu.memory_space<vmem>> -> memref<1x64x128xf32, #tpu.memory_space<vmem>>
        %get3A_1522 = tpu.memref_squeeze %get3A_1521 : memref<1x64x128xf32, #tpu.memory_space<vmem>> -> memref<64x128xf32, #tpu.memory_space<vmem>>
        %get3A_1523 = arith.index_cast %add3A_1407 : i32 to index
        %get3A_1524 = arith.constant 80 : index
        %get3A_1525 = tpu.vector_load %get3A_1522[%get3A_1523, %get3A_1524] {strides = array<i32>} : memref<64x128xf32, #tpu.memory_space<vmem>>, vector<16xf32>,
        %get3A_1526 = arith.constant 0 : i32
        %get3A_1527 = arith.constant 0 : i32
        %get3A_1528 = tpu.memref_slice %arg12[%scan3A_893, %get3A_1526, %get3A_1527] : memref<6x64x64xi32, #tpu.memory_space<vmem>> -> memref<1x64x64xi32, #tpu.memory_space<vmem>>
        %get3A_1529 = tpu.memref_squeeze %get3A_1528 : memref<1x64x64xi32, #tpu.memory_space<vmem>> -> memref<64x64xi32, #tpu.memory_space<vmem>>
        %get3A_1530 = arith.index_cast %add3A_1407 : i32 to index
        %get3A_1531 = arith.constant 32 : index
        %get3A_1532 = tpu.vector_load %get3A_1529[%get3A_1530, %get3A_1531] {strides = array<i32>} : memref<64x64xi32, #tpu.memory_space<vmem>>, vector<16xi32>,
        %bitcast3A_1533 = vector.bitcast %get3A_1532 : vector<16xi32> to vector<32xbf16>
        %unpack3A_1534 = tpu.unpack_subelements %bitcast3A_1533, 0 {pack_format = #tpu.pack_format<interleaved>} : vector<32xbf16> -> vector<16xf32>
        %unpack3A_1535 = tpu.unpack_subelements %bitcast3A_1533, 1 {pack_format = #tpu.pack_format<interleaved>} : vector<32xbf16> -> vector<16xf32>
        %add3A_1536 = arith.addf %get3A_1504, %unpack3A_1534 : vector<16xf32>
        %sub3A_1537 = arith.subf %add3A_1536, %get3A_1518 : vector<16xf32>
        %add3A_1538 = arith.addf %get3A_1511, %unpack3A_1535 : vector<16xf32>
        %sub3A_1539 = arith.subf %add3A_1538, %get3A_1525 : vector<16xf32>
        %mul3A_1540 = arith.mulf %sub3A_1537, %sub3A_1537 : vector<16xf32>
        %add3A_1541 = arith.addf %add3A_1495, %mul3A_1540 : vector<16xf32>
        %mul3A_1542 = arith.mulf %sub3A_1539, %sub3A_1539 : vector<16xf32>
        %add3A_1543 = arith.addf %add3A_1497, %mul3A_1542 : vector<16xf32>
        %get3A_1544 = arith.constant 0 : i32
        %get3A_1545 = arith.constant 0 : i32
        %get3A_1546 = tpu.memref_slice %arg11[%scan3A_891, %get3A_1544, %get3A_1545] : memref<6x64x128xf32, #tpu.memory_space<vmem>> -> memref<1x64x128xf32, #tpu.memory_space<vmem>>
        %get3A_1547 = tpu.memref_squeeze %get3A_1546 : memref<1x64x128xf32, #tpu.memory_space<vmem>> -> memref<64x128xf32, #tpu.memory_space<vmem>>
        %get3A_1548 = arith.index_cast %add3A_1407 : i32 to index
        %get3A_1549 = arith.constant 96 : index
        %get3A_1550 = tpu.vector_load %get3A_1547[%get3A_1548, %get3A_1549] {strides = array<i32>} : memref<64x128xf32, #tpu.memory_space<vmem>>, vector<16xf32>,
        %get3A_1551 = arith.constant 0 : i32
        %get3A_1552 = arith.constant 0 : i32
        %get3A_1553 = tpu.memref_slice %arg11[%scan3A_891, %get3A_1551, %get3A_1552] : memref<6x64x128xf32, #tpu.memory_space<vmem>> -> memref<1x64x128xf32, #tpu.memory_space<vmem>>
        %get3A_1554 = tpu.memref_squeeze %get3A_1553 : memref<1x64x128xf32, #tpu.memory_space<vmem>> -> memref<64x128xf32, #tpu.memory_space<vmem>>
        %get3A_1555 = arith.index_cast %add3A_1407 : i32 to index
        %get3A_1556 = arith.constant 112 : index
        %get3A_1557 = tpu.vector_load %get3A_1554[%get3A_1555, %get3A_1556] {strides = array<i32>} : memref<64x128xf32, #tpu.memory_space<vmem>>, vector<16xf32>,
        %get3A_1558 = arith.constant 0 : i32
        %get3A_1559 = arith.constant 0 : i32
        %get3A_1560 = tpu.memref_slice %arg13[%scan3A_892, %get3A_1558, %get3A_1559] : memref<6x64x128xf32, #tpu.memory_space<vmem>> -> memref<1x64x128xf32, #tpu.memory_space<vmem>>
        %get3A_1561 = tpu.memref_squeeze %get3A_1560 : memref<1x64x128xf32, #tpu.memory_space<vmem>> -> memref<64x128xf32, #tpu.memory_space<vmem>>
        %get3A_1562 = arith.index_cast %add3A_1407 : i32 to index
        %get3A_1563 = arith.constant 96 : index
        %get3A_1564 = tpu.vector_load %get3A_1561[%get3A_1562, %get3A_1563] {strides = array<i32>} : memref<64x128xf32, #tpu.memory_space<vmem>>, vector<16xf32>,
        %get3A_1565 = arith.constant 0 : i32
        %get3A_1566 = arith.constant 0 : i32
        %get3A_1567 = tpu.memref_slice %arg13[%scan3A_892, %get3A_1565, %get3A_1566] : memref<6x64x128xf32, #tpu.memory_space<vmem>> -> memref<1x64x128xf32, #tpu.memory_space<vmem>>
        %get3A_1568 = tpu.memref_squeeze %get3A_1567 : memref<1x64x128xf32, #tpu.memory_space<vmem>> -> memref<64x128xf32, #tpu.memory_space<vmem>>
        %get3A_1569 = arith.index_cast %add3A_1407 : i32 to index
        %get3A_1570 = arith.constant 112 : index
        %get3A_1571 = tpu.vector_load %get3A_1568[%get3A_1569, %get3A_1570] {strides = array<i32>} : memref<64x128xf32, #tpu.memory_space<vmem>>, vector<16xf32>,
        %get3A_1572 = arith.constant 0 : i32
        %get3A_1573 = arith.constant 0 : i32
        %get3A_1574 = tpu.memref_slice %arg12[%scan3A_893, %get3A_1572, %get3A_1573] : memref<6x64x64xi32, #tpu.memory_space<vmem>> -> memref<1x64x64xi32, #tpu.memory_space<vmem>>
        %get3A_1575 = tpu.memref_squeeze %get3A_1574 : memref<1x64x64xi32, #tpu.memory_space<vmem>> -> memref<64x64xi32, #tpu.memory_space<vmem>>
        %get3A_1576 = arith.index_cast %add3A_1407 : i32 to index
        %get3A_1577 = arith.constant 48 : index
        %get3A_1578 = tpu.vector_load %get3A_1575[%get3A_1576, %get3A_1577] {strides = array<i32>} : memref<64x64xi32, #tpu.memory_space<vmem>>, vector<16xi32>,
        %bitcast3A_1579 = vector.bitcast %get3A_1578 : vector<16xi32> to vector<32xbf16>
        %unpack3A_1580 = tpu.unpack_subelements %bitcast3A_1579, 0 {pack_format = #tpu.pack_format<interleaved>} : vector<32xbf16> -> vector<16xf32>
        %unpack3A_1581 = tpu.unpack_subelements %bitcast3A_1579, 1 {pack_format = #tpu.pack_format<interleaved>} : vector<32xbf16> -> vector<16xf32>
        %add3A_1582 = arith.addf %get3A_1550, %unpack3A_1580 : vector<16xf32>
        %sub3A_1583 = arith.subf %add3A_1582, %get3A_1564 : vector<16xf32>
        %add3A_1584 = arith.addf %get3A_1557, %unpack3A_1581 : vector<16xf32>
        %sub3A_1585 = arith.subf %add3A_1584, %get3A_1571 : vector<16xf32>
        %mul3A_1586 = arith.mulf %sub3A_1583, %sub3A_1583 : vector<16xf32>
        %add3A_1587 = arith.addf %add3A_1541, %mul3A_1586 : vector<16xf32>
        %mul3A_1588 = arith.mulf %sub3A_1585, %sub3A_1585 : vector<16xf32>
        %add3A_1589 = arith.addf %add3A_1543, %mul3A_1588 : vector<16xf32>
        %mul3A_1590 = arith.constant 17 : i32
        %mul3A_1591 = arith.muli %scan3A_1401, %mul3A_1590 : i32
        %add3A_1592 = vector.broadcast %mul3A_1591 : i32 to vector<16xi32>
        %add3A_1593 = arith.addi %add3A_1592, %iota3A_887 : vector<16xi32>
        %add3A_1594 = arith.addf %add3A_1587, %add3A_1589 : vector<16xf32>
        tpu.vector_store_idx %arg15[%add3A_1593], %add3A_1594 : memref<272xf32, #tpu.memory_space<vmem>>[vector<16xi32>], vector<16xf32>,
        %scan3A_1595 = arith.constant 0 : i32
        scf.yield %scan3A_1595 : i32
      }
      %scan3A_1255 = arith.constant 16 : i32
      %gather3A = tpu.vector_load_idx %arg15[%mul3A_890] : memref<272xf32, #tpu.memory_space<vmem>>[vector<16xi32>], vector<16xf32>,
      %add3A_1256 = arith.constant 1 : i32
      %add3A_1257 = vector.broadcast %add3A_1256 : i32 to vector<16xi32>
      %add3A_1258 = arith.addi %mul3A_890, %add3A_1257 : vector<16xi32>
      %gather3A_1259 = tpu.vector_load_idx %arg15[%add3A_1258] : memref<272xf32, #tpu.memory_space<vmem>>[vector<16xi32>], vector<16xf32>,
      %add3A_1260 = arith.constant 2 : i32
      %add3A_1261 = vector.broadcast %add3A_1260 : i32 to vector<16xi32>
      %add3A_1262 = arith.addi %mul3A_890, %add3A_1261 : vector<16xi32>
      %gather3A_1263 = tpu.vector_load_idx %arg15[%add3A_1262] : memref<272xf32, #tpu.memory_space<vmem>>[vector<16xi32>], vector<16xf32>,
      %add3A_1264 = arith.constant 3 : i32
      %add3A_1265 = vector.broadcast %add3A_1264 : i32 to vector<16xi32>
      %add3A_1266 = arith.addi %mul3A_890, %add3A_1265 : vector<16xi32>
      %gather3A_1267 = tpu.vector_load_idx %arg15[%add3A_1266] : memref<272xf32, #tpu.memory_space<vmem>>[vector<16xi32>], vector<16xf32>,
      %add3A_1268 = arith.constant 4 : i32
      %add3A_1269 = vector.broadcast %add3A_1268 : i32 to vector<16xi32>
      %add3A_1270 = arith.addi %mul3A_890, %add3A_1269 : vector<16xi32>
      %gather3A_1271 = tpu.vector_load_idx %arg15[%add3A_1270] : memref<272xf32, #tpu.memory_space<vmem>>[vector<16xi32>], vector<16xf32>,
      %add3A_1272 = arith.addf %gather3A, %gather3A_1271 : vector<16xf32>
      %add3A_1273 = arith.constant 4 : i32
      %add3A_1274 = vector.broadcast %add3A_1273 : i32 to vector<16xi32>
      %add3A_1275 = arith.addi %mul3A_890, %add3A_1274 : vector<16xi32>
      %add3A_1276 = arith.constant 1 : i32
      %add3A_1277 = vector.broadcast %add3A_1276 : i32 to vector<16xi32>
      %add3A_1278 = arith.addi %add3A_1275, %add3A_1277 : vector<16xi32>
      %gather3A_1279 = tpu.vector_load_idx %arg15[%add3A_1278] : memref<272xf32, #tpu.memory_space<vmem>>[vector<16xi32>], vector<16xf32>,
      %add3A_1280 = arith.addf %gather3A_1259, %gather3A_1279 : vector<16xf32>
      %add3A_1281 = arith.constant 4 : i32
      %add3A_1282 = vector.broadcast %add3A_1281 : i32 to vector<16xi32>
      %add3A_1283 = arith.addi %mul3A_890, %add3A_1282 : vector<16xi32>
      %add3A_1284 = arith.constant 2 : i32
      %add3A_1285 = vector.broadcast %add3A_1284 : i32 to vector<16xi32>
      %add3A_1286 = arith.addi %add3A_1283, %add3A_1285 : vector<16xi32>
      %gather3A_1287 = tpu.vector_load_idx %arg15[%add3A_1286] : memref<272xf32, #tpu.memory_space<vmem>>[vector<16xi32>], vector<16xf32>,
      %add3A_1288 = arith.addf %gather3A_1263, %gather3A_1287 : vector<16xf32>
      %add3A_1289 = arith.constant 4 : i32
      %add3A_1290 = vector.broadcast %add3A_1289 : i32 to vector<16xi32>
      %add3A_1291 = arith.addi %mul3A_890, %add3A_1290 : vector<16xi32>
      %add3A_1292 = arith.constant 3 : i32
      %add3A_1293 = vector.broadcast %add3A_1292 : i32 to vector<16xi32>
      %add3A_1294 = arith.addi %add3A_1291, %add3A_1293 : vector<16xi32>
      %gather3A_1295 = tpu.vector_load_idx %arg15[%add3A_1294] : memref<272xf32, #tpu.memory_space<vmem>>[vector<16xi32>], vector<16xf32>,
      %add3A_1296 = arith.addf %gather3A_1267, %gather3A_1295 : vector<16xf32>
      %add3A_1297 = arith.constant 8 : i32
      %add3A_1298 = vector.broadcast %add3A_1297 : i32 to vector<16xi32>
      %add3A_1299 = arith.addi %mul3A_890, %add3A_1298 : vector<16xi32>
      %gather3A_1300 = tpu.vector_load_idx %arg15[%add3A_1299] : memref<272xf32, #tpu.memory_space<vmem>>[vector<16xi32>], vector<16xf32>,
      %add3A_1301 = arith.addf %add3A_1272, %gather3A_1300 : vector<16xf32>
      %add3A_1302 = arith.constant 8 : i32
      %add3A_1303 = vector.broadcast %add3A_1302 : i32 to vector<16xi32>
      %add3A_1304 = arith.addi %mul3A_890, %add3A_1303 : vector<16xi32>
      %add3A_1305 = arith.constant 1 : i32
      %add3A_1306 = vector.broadcast %add3A_1305 : i32 to vector<16xi32>
      %add3A_1307 = arith.addi %add3A_1304, %add3A_1306 : vector<16xi32>
      %gather3A_1308 = tpu.vector_load_idx %arg15[%add3A_1307] : memref<272xf32, #tpu.memory_space<vmem>>[vector<16xi32>], vector<16xf32>,
      %add3A_1309 = arith.addf %add3A_1280, %gather3A_1308 : vector<16xf32>
      %add3A_1310 = arith.constant 8 : i32
      %add3A_1311 = vector.broadcast %add3A_1310 : i32 to vector<16xi32>
      %add3A_1312 = arith.addi %mul3A_890, %add3A_1311 : vector<16xi32>
      %add3A_1313 = arith.constant 2 : i32
      %add3A_1314 = vector.broadcast %add3A_1313 : i32 to vector<16xi32>
      %add3A_1315 = arith.addi %add3A_1312, %add3A_1314 : vector<16xi32>
      %gather3A_1316 = tpu.vector_load_idx %arg15[%add3A_1315] : memref<272xf32, #tpu.memory_space<vmem>>[vector<16xi32>], vector<16xf32>,
      %add3A_1317 = arith.addf %add3A_1288, %gather3A_1316 : vector<16xf32>
      %add3A_1318 = arith.constant 8 : i32
      %add3A_1319 = vector.broadcast %add3A_1318 : i32 to vector<16xi32>
      %add3A_1320 = arith.addi %mul3A_890, %add3A_1319 : vector<16xi32>
      %add3A_1321 = arith.constant 3 : i32
      %add3A_1322 = vector.broadcast %add3A_1321 : i32 to vector<16xi32>
      %add3A_1323 = arith.addi %add3A_1320, %add3A_1322 : vector<16xi32>
      %gather3A_1324 = tpu.vector_load_idx %arg15[%add3A_1323] : memref<272xf32, #tpu.memory_space<vmem>>[vector<16xi32>], vector<16xf32>,
      %add3A_1325 = arith.addf %add3A_1296, %gather3A_1324 : vector<16xf32>
      %add3A_1326 = arith.constant 12 : i32
      %add3A_1327 = vector.broadcast %add3A_1326 : i32 to vector<16xi32>
      %add3A_1328 = arith.addi %mul3A_890, %add3A_1327 : vector<16xi32>
      %gather3A_1329 = tpu.vector_load_idx %arg15[%add3A_1328] : memref<272xf32, #tpu.memory_space<vmem>>[vector<16xi32>], vector<16xf32>,
      %add3A_1330 = arith.addf %add3A_1301, %gather3A_1329 : vector<16xf32>
      %add3A_1331 = arith.constant 12 : i32
      %add3A_1332 = vector.broadcast %add3A_1331 : i32 to vector<16xi32>
      %add3A_1333 = arith.addi %mul3A_890, %add3A_1332 : vector<16xi32>
      %add3A_1334 = arith.constant 1 : i32
      %add3A_1335 = vector.broadcast %add3A_1334 : i32 to vector<16xi32>
      %add3A_1336 = arith.addi %add3A_1333, %add3A_1335 : vector<16xi32>
      %gather3A_1337 = tpu.vector_load_idx %arg15[%add3A_1336] : memref<272xf32, #tpu.memory_space<vmem>>[vector<16xi32>], vector<16xf32>,
      %add3A_1338 = arith.addf %add3A_1309, %gather3A_1337 : vector<16xf32>
      %add3A_1339 = arith.constant 12 : i32
      %add3A_1340 = vector.broadcast %add3A_1339 : i32 to vector<16xi32>
      %add3A_1341 = arith.addi %mul3A_890, %add3A_1340 : vector<16xi32>
      %add3A_1342 = arith.constant 2 : i32
      %add3A_1343 = vector.broadcast %add3A_1342 : i32 to vector<16xi32>
      %add3A_1344 = arith.addi %add3A_1341, %add3A_1343 : vector<16xi32>
      %gather3A_1345 = tpu.vector_load_idx %arg15[%add3A_1344] : memref<272xf32, #tpu.memory_space<vmem>>[vector<16xi32>], vector<16xf32>,
      %add3A_1346 = arith.addf %add3A_1317, %gather3A_1345 : vector<16xf32>
      %add3A_1347 = arith.constant 12 : i32
      %add3A_1348 = vector.broadcast %add3A_1347 : i32 to vector<16xi32>
      %add3A_1349 = arith.addi %mul3A_890, %add3A_1348 : vector<16xi32>
      %add3A_1350 = arith.constant 3 : i32
      %add3A_1351 = vector.broadcast %add3A_1350 : i32 to vector<16xi32>
      %add3A_1352 = arith.addi %add3A_1349, %add3A_1351 : vector<16xi32>
      %gather3A_1353 = tpu.vector_load_idx %arg15[%add3A_1352] : memref<272xf32, #tpu.memory_space<vmem>>[vector<16xi32>], vector<16xf32>,
      %add3A_1354 = arith.addf %add3A_1325, %gather3A_1353 : vector<16xf32>
      %add3A_1355 = arith.addf %add3A_1330, %add3A_1338 : vector<16xf32>
      %add3A_1356 = arith.addf %add3A_1346, %add3A_1354 : vector<16xf32>
      %add3A_1357 = arith.addf %add3A_1355, %add3A_1356 : vector<16xf32>
      %bitcast3A = vector.bitcast %add3A_1357 : vector<16xf32> to vector<16xi32>
      %shift_right_arithmetic3A = arith.constant 1 : i32
      %shift_right_arithmetic3A_1358 = vector.broadcast %shift_right_arithmetic3A : i32 to vector<16xi32>
      %shift_right_arithmetic3A_1359 = arith.shrsi %bitcast3A, %shift_right_arithmetic3A_1358 : vector<16xi32>
      %sub3A = arith.constant 1597463007 : i32
      %sub3A_1360 = vector.broadcast %sub3A : i32 to vector<16xi32>
      %sub3A_1361 = arith.subi %sub3A_1360, %shift_right_arithmetic3A_1359 : vector<16xi32>
      %bitcast3A_1362 = vector.bitcast %sub3A_1361 : vector<16xi32> to vector<16xf32>
      %mul3A_1363 = arith.constant 5.000000e-01 : f32
      %mul3A_1364 = vector.broadcast %mul3A_1363 : f32 to vector<16xf32>
      %mul3A_1365 = arith.mulf %mul3A_1364, %add3A_1357 : vector<16xf32>
      %mul3A_1366 = arith.mulf %mul3A_1365, %bitcast3A_1362 : vector<16xf32>
      %mul3A_1367 = arith.mulf %mul3A_1366, %bitcast3A_1362 : vector<16xf32>
      %sub3A_1368 = arith.constant 1.500000e+00 : f32
      %sub3A_1369 = vector.broadcast %sub3A_1368 : f32 to vector<16xf32>
      %sub3A_1370 = arith.subf %sub3A_1369, %mul3A_1367 : vector<16xf32>
      %mul3A_1371 = arith.mulf %bitcast3A_1362, %sub3A_1370 : vector<16xf32>
      %mul3A_1372 = arith.constant 5.000000e-01 : f32
      %mul3A_1373 = vector.broadcast %mul3A_1372 : f32 to vector<16xf32>
      %mul3A_1374 = arith.mulf %mul3A_1373, %add3A_1357 : vector<16xf32>
      %mul3A_1375 = arith.mulf %mul3A_1374, %mul3A_1371 : vector<16xf32>
      %mul3A_1376 = arith.mulf %mul3A_1375, %mul3A_1371 : vector<16xf32>
      %sub3A_1377 = arith.constant 1.500000e+00 : f32
      %sub3A_1378 = vector.broadcast %sub3A_1377 : f32 to vector<16xf32>
      %sub3A_1379 = arith.subf %sub3A_1378, %mul3A_1376 : vector<16xf32>
      %mul3A_1380 = arith.mulf %mul3A_1371, %sub3A_1379 : vector<16xf32>
      %mul3A_1381 = arith.constant 5.000000e-01 : f32
      %mul3A_1382 = vector.broadcast %mul3A_1381 : f32 to vector<16xf32>
      %mul3A_1383 = arith.mulf %mul3A_1382, %add3A_1357 : vector<16xf32>
      %mul3A_1384 = arith.mulf %mul3A_1383, %mul3A_1380 : vector<16xf32>
      %mul3A_1385 = arith.mulf %mul3A_1384, %mul3A_1380 : vector<16xf32>
      %sub3A_1386 = arith.constant 1.500000e+00 : f32
      %sub3A_1387 = vector.broadcast %sub3A_1386 : f32 to vector<16xf32>
      %sub3A_1388 = arith.subf %sub3A_1387, %mul3A_1385 : vector<16xf32>
      %mul3A_1389 = arith.mulf %mul3A_1380, %sub3A_1388 : vector<16xf32>
      %gt3A = arith.constant 0.000000e+00 : f32
      %gt3A_1390 = vector.broadcast %gt3A : f32 to vector<16xf32>
      %gt3A_1391 = arith.cmpf ogt, %add3A_1357, %gt3A_1390 : vector<16xf32>
      %mul3A_1392 = arith.mulf %add3A_1357, %mul3A_1389 : vector<16xf32>
      %jit3A = arith.constant 0.000000e+00 : f32
      %broadcast_in_dim3A = vector.broadcast %jit3A : f32 to vector<16xf32>
      %select_n3A = arith.select %gt3A_1391, %mul3A_1392, %broadcast_in_dim3A : vector<16xi1>, vector<16xf32>
      %neg3A = arith.constant 0.000000e+00 : f32
      %neg3A_1393 = vector.broadcast %neg3A : f32 to vector<16xf32>
      %neg3A_1394 = arith.subf %neg3A_1393, %select_n3A : vector<16xf32>
      %mul3A_1395 = arith.constant 16 : i32
      %mul3A_1396 = arith.muli %scan3A_1247, %mul3A_1395 : i32
      %add3A_1397 = arith.constant 128 : i32
      %add3A_1398 = arith.addi %add3A_1397, %mul3A_1396 : i32
      %swap3A = arith.index_cast %add3A_1398 : i32 to index
      %swap3A_1399 = tpu.vector_load %arg14[%swap3A] {strides = array<i32>} : memref<512xf32, #tpu.memory_space<vmem>>, vector<16xf32>,
      tpu.vector_store %arg14[%swap3A], %neg3A_1394 {strides = array<i32>} : memref<512xf32, #tpu.memory_space<vmem>>, vector<16xf32>,
      %scan3A_1400 = arith.constant 0 : i32
      scf.yield %scan3A_1400 : i32
    }
    %scan3A_900 = arith.constant 4 : i32
    %add3A_901 = arith.constant 128 : i32
    %add3A_902 = arith.addi %mul3A_2, %add3A_901 : i32
    %dma_start3A_903 = arith.constant 128 : i32
    %dma_start3A_904 = tpu.memref_slice %arg14[%dma_start3A_903] : memref<512xf32, #tpu.memory_space<vmem>> -> memref<64xf32, #tpu.memory_space<vmem>>
    %dma_start3A_905 = tpu.memref_slice %arg7[%add3A_902] : memref<16384xf32, #tpu.memory_space<hbm>> -> memref<64xf32, #tpu.memory_space<hbm>>
    %dma_start3A_906 = tpu.memref_slice %arg7[%add3A_902] : memref<16384xf32, #tpu.memory_space<hbm>> -> memref<64xf32, #tpu.memory_space<hbm>>
    %dma_start3A_907 = arith.constant 128 : i32
    %dma_start3A_908 = tpu.memref_slice %arg14[%dma_start3A_907] : memref<512xf32, #tpu.memory_space<vmem>> -> memref<64xf32, #tpu.memory_space<vmem>>
    tpu.enqueue_dma source(%dma_start3A_908 : memref<64xf32, #tpu.memory_space<vmem>>) target(%dma_start3A_906 : memref<64xf32, #tpu.memory_space<hbm>>) target_semaphore(%arg22 : memref<!tpu.dma_semaphore, #tpu.memory_space<semaphore_mem>>)
    %dma_wait3A_909 = arith.constant 3 : i32
    %dma_wait3A_910 = arith.constant 3 : i32
    %dma_wait3A_911 = arith.constant 0 : i32
    %dma_wait3A_912 = arith.constant 0 : i32
    %dma_wait3A_913 = tpu.memref_slice %arg11[%dma_wait3A_910, %dma_wait3A_911, %dma_wait3A_912] : memref<6x64x128xf32, #tpu.memory_space<vmem>> -> memref<1x64x128xf32, #tpu.memory_space<vmem>>
    %dma_wait3A_914 = tpu.memref_squeeze %dma_wait3A_913 : memref<1x64x128xf32, #tpu.memory_space<vmem>> -> memref<64x128xf32, #tpu.memory_space<vmem>>
    %dma_wait3A_915 = arith.constant 0 : i32
    %dma_wait3A_916 = tpu.memref_slice %arg8[%dma_wait3A_909, %dma_wait3A_915] : memref<8x64xi32, #tpu.memory_space<vmem>> -> memref<1x64xi32, #tpu.memory_space<vmem>>
    %dma_wait3A_917 = tpu.memref_squeeze %dma_wait3A_916 : memref<1x64xi32, #tpu.memory_space<vmem>> -> memref<64xi32, #tpu.memory_space<vmem>>
    %dma_wait3A_918 = arith.constant 0 : i32
    %dma_wait3A_919 = arith.constant 0 : i32
    %dma_wait3A_920 = tpu.memref_slice %arg5[%dma_wait3A_918, %dma_wait3A_919] : memref<100000x128xf32, #tpu.memory_space<hbm>> -> memref<100000x128xf32, #tpu.memory_space<hbm>>
    tpu.wait_indirect_dma semaphore(%arg19 : memref<!tpu.dma_semaphore, #tpu.memory_space<semaphore_mem>>) src(%dma_wait3A_920 : memref<100000x128xf32, #tpu.memory_space<hbm>>) dst(%dma_wait3A_914 : memref<64x128xf32, #tpu.memory_space<vmem>>)
    %dma_wait3A_921 = arith.constant 3 : i32
    %dma_wait3A_922 = arith.constant 3 : i32
    %dma_wait3A_923 = arith.constant 0 : i32
    %dma_wait3A_924 = arith.constant 0 : i32
    %dma_wait3A_925 = tpu.memref_slice %arg12[%dma_wait3A_922, %dma_wait3A_923, %dma_wait3A_924] : memref<6x64x64xi32, #tpu.memory_space<vmem>> -> memref<1x64x64xi32, #tpu.memory_space<vmem>>
    %dma_wait3A_926 = tpu.memref_squeeze %dma_wait3A_925 : memref<1x64x64xi32, #tpu.memory_space<vmem>> -> memref<64x64xi32, #tpu.memory_space<vmem>>
    %dma_wait3A_927 = arith.constant 0 : i32
    %dma_wait3A_928 = tpu.memref_slice %arg9[%dma_wait3A_921, %dma_wait3A_927] : memref<8x64xi32, #tpu.memory_space<vmem>> -> memref<1x64xi32, #tpu.memory_space<vmem>>
    %dma_wait3A_929 = tpu.memref_squeeze %dma_wait3A_928 : memref<1x64xi32, #tpu.memory_space<vmem>> -> memref<64xi32, #tpu.memory_space<vmem>>
    %dma_wait3A_930 = arith.constant 0 : i32
    %dma_wait3A_931 = arith.constant 0 : i32
    %dma_wait3A_932 = tpu.memref_slice %arg6[%dma_wait3A_930, %dma_wait3A_931] : memref<1000x64xi32, #tpu.memory_space<hbm>> -> memref<1000x64xi32, #tpu.memory_space<hbm>>
    tpu.wait_indirect_dma semaphore(%arg19 : memref<!tpu.dma_semaphore, #tpu.memory_space<semaphore_mem>>) src(%dma_wait3A_932 : memref<1000x64xi32, #tpu.memory_space<hbm>>) dst(%dma_wait3A_926 : memref<64x64xi32, #tpu.memory_space<vmem>>)
    %dma_wait3A_933 = arith.constant 3 : i32
    %dma_wait3A_934 = arith.constant 3 : i32
    %dma_wait3A_935 = arith.constant 0 : i32
    %dma_wait3A_936 = arith.constant 0 : i32
    %dma_wait3A_937 = tpu.memref_slice %arg13[%dma_wait3A_934, %dma_wait3A_935, %dma_wait3A_936] : memref<6x64x128xf32, #tpu.memory_space<vmem>> -> memref<1x64x128xf32, #tpu.memory_space<vmem>>
    %dma_wait3A_938 = tpu.memref_squeeze %dma_wait3A_937 : memref<1x64x128xf32, #tpu.memory_space<vmem>> -> memref<64x128xf32, #tpu.memory_space<vmem>>
    %dma_wait3A_939 = arith.constant 0 : i32
    %dma_wait3A_940 = tpu.memref_slice %arg10[%dma_wait3A_933, %dma_wait3A_939] : memref<8x64xi32, #tpu.memory_space<vmem>> -> memref<1x64xi32, #tpu.memory_space<vmem>>
    %dma_wait3A_941 = tpu.memref_squeeze %dma_wait3A_940 : memref<1x64xi32, #tpu.memory_space<vmem>> -> memref<64xi32, #tpu.memory_space<vmem>>
    %dma_wait3A_942 = arith.constant 0 : i32
    %dma_wait3A_943 = arith.constant 0 : i32
    %dma_wait3A_944 = tpu.memref_slice %arg5[%dma_wait3A_942, %dma_wait3A_943] : memref<100000x128xf32, #tpu.memory_space<hbm>> -> memref<100000x128xf32, #tpu.memory_space<hbm>>
    tpu.wait_indirect_dma semaphore(%arg19 : memref<!tpu.dma_semaphore, #tpu.memory_space<semaphore_mem>>) src(%dma_wait3A_944 : memref<100000x128xf32, #tpu.memory_space<hbm>>) dst(%dma_wait3A_938 : memref<64x128xf32, #tpu.memory_space<vmem>>)
    %iota3A_945 = tpu.iota {dimensions = array<i32: 0>} : vector<16xi32>
    %mul3A_946 = arith.constant 17 : i32
    %mul3A_947 = vector.broadcast %mul3A_946 : i32 to vector<16xi32>
    %mul3A_948 = arith.muli %iota3A_945, %mul3A_947 : vector<16xi32>
    %scan3A_949 = arith.constant 3 : i32
    %scan3A_950 = arith.constant 3 : i32
    %scan3A_951 = arith.constant 3 : i32
    %scan3A_952 = arith.constant 0 : i32
    %scan3A_953 = arith.constant 0 : i32
    %scan3A_954 = arith.constant 4 : i32
    %scan3A_955 = arith.addi %scan3A_953, %scan3A_954 : i32
    %scan3A_956 = arith.constant 1 : i32
    %scan3A_957 = scf.for %scan3A_1247 = %scan3A_953 to %scan3A_955 step %scan3A_956 iter_args(%scan3A_1248 = %scan3A_952) -> (i32)  : i32 {
      %scan3A_1249 = arith.constant 0 : i32
      %scan3A_1250 = arith.constant 0 : i32
      %scan3A_1251 = arith.constant 16 : i32
      %scan3A_1252 = arith.addi %scan3A_1250, %scan3A_1251 : i32
      %scan3A_1253 = arith.constant 1 : i32
      %scan3A_1254 = scf.for %scan3A_1401 = %scan3A_1250 to %scan3A_1252 step %scan3A_1253 iter_args(%scan3A_1402 = %scan3A_1249) -> (i32)  : i32 {
        %broadcast_in_dim3A_1403 = arith.constant 0.000000e+00 : f32
        %broadcast_in_dim3A_1404 = vector.broadcast %broadcast_in_dim3A_1403 : f32 to vector<16xf32>
        %mul3A_1405 = arith.constant 16 : i32
        %mul3A_1406 = arith.muli %scan3A_1247, %mul3A_1405 : i32
        %add3A_1407 = arith.addi %mul3A_1406, %scan3A_1401 : i32
        %get3A = arith.constant 0 : i32
        %get3A_1408 = arith.constant 0 : i32
        %get3A_1409 = tpu.memref_slice %arg11[%scan3A_949, %get3A, %get3A_1408] : memref<6x64x128xf32, #tpu.memory_space<vmem>> -> memref<1x64x128xf32, #tpu.memory_space<vmem>>
        %get3A_1410 = tpu.memref_squeeze %get3A_1409 : memref<1x64x128xf32, #tpu.memory_space<vmem>> -> memref<64x128xf32, #tpu.memory_space<vmem>>
        %get3A_1411 = arith.index_cast %add3A_1407 : i32 to index
        %get3A_1412 = arith.constant 0 : index
        %get3A_1413 = tpu.vector_load %get3A_1410[%get3A_1411, %get3A_1412] {strides = array<i32>} : memref<64x128xf32, #tpu.memory_space<vmem>>, vector<16xf32>,
        %get3A_1414 = arith.constant 0 : i32
        %get3A_1415 = arith.constant 0 : i32
        %get3A_1416 = tpu.memref_slice %arg11[%scan3A_949, %get3A_1414, %get3A_1415] : memref<6x64x128xf32, #tpu.memory_space<vmem>> -> memref<1x64x128xf32, #tpu.memory_space<vmem>>
        %get3A_1417 = tpu.memref_squeeze %get3A_1416 : memref<1x64x128xf32, #tpu.memory_space<vmem>> -> memref<64x128xf32, #tpu.memory_space<vmem>>
        %get3A_1418 = arith.index_cast %add3A_1407 : i32 to index
        %get3A_1419 = arith.constant 16 : index
        %get3A_1420 = tpu.vector_load %get3A_1417[%get3A_1418, %get3A_1419] {strides = array<i32>} : memref<64x128xf32, #tpu.memory_space<vmem>>, vector<16xf32>,
        %get3A_1421 = arith.constant 0 : i32
        %get3A_1422 = arith.constant 0 : i32
        %get3A_1423 = tpu.memref_slice %arg13[%scan3A_950, %get3A_1421, %get3A_1422] : memref<6x64x128xf32, #tpu.memory_space<vmem>> -> memref<1x64x128xf32, #tpu.memory_space<vmem>>
        %get3A_1424 = tpu.memref_squeeze %get3A_1423 : memref<1x64x128xf32, #tpu.memory_space<vmem>> -> memref<64x128xf32, #tpu.memory_space<vmem>>
        %get3A_1425 = arith.index_cast %add3A_1407 : i32 to index
        %get3A_1426 = arith.constant 0 : index
        %get3A_1427 = tpu.vector_load %get3A_1424[%get3A_1425, %get3A_1426] {strides = array<i32>} : memref<64x128xf32, #tpu.memory_space<vmem>>, vector<16xf32>,
        %get3A_1428 = arith.constant 0 : i32
        %get3A_1429 = arith.constant 0 : i32
        %get3A_1430 = tpu.memref_slice %arg13[%scan3A_950, %get3A_1428, %get3A_1429] : memref<6x64x128xf32, #tpu.memory_space<vmem>> -> memref<1x64x128xf32, #tpu.memory_space<vmem>>
        %get3A_1431 = tpu.memref_squeeze %get3A_1430 : memref<1x64x128xf32, #tpu.memory_space<vmem>> -> memref<64x128xf32, #tpu.memory_space<vmem>>
        %get3A_1432 = arith.index_cast %add3A_1407 : i32 to index
        %get3A_1433 = arith.constant 16 : index
        %get3A_1434 = tpu.vector_load %get3A_1431[%get3A_1432, %get3A_1433] {strides = array<i32>} : memref<64x128xf32, #tpu.memory_space<vmem>>, vector<16xf32>,
        %get3A_1435 = arith.constant 0 : i32
        %get3A_1436 = arith.constant 0 : i32
        %get3A_1437 = tpu.memref_slice %arg12[%scan3A_951, %get3A_1435, %get3A_1436] : memref<6x64x64xi32, #tpu.memory_space<vmem>> -> memref<1x64x64xi32, #tpu.memory_space<vmem>>
        %get3A_1438 = tpu.memref_squeeze %get3A_1437 : memref<1x64x64xi32, #tpu.memory_space<vmem>> -> memref<64x64xi32, #tpu.memory_space<vmem>>
        %get3A_1439 = arith.index_cast %add3A_1407 : i32 to index
        %get3A_1440 = arith.constant 0 : index
        %get3A_1441 = tpu.vector_load %get3A_1438[%get3A_1439, %get3A_1440] {strides = array<i32>} : memref<64x64xi32, #tpu.memory_space<vmem>>, vector<16xi32>,
        %bitcast3A_1442 = vector.bitcast %get3A_1441 : vector<16xi32> to vector<32xbf16>
        %unpack3A = tpu.unpack_subelements %bitcast3A_1442, 0 {pack_format = #tpu.pack_format<interleaved>} : vector<32xbf16> -> vector<16xf32>
        %unpack3A_1443 = tpu.unpack_subelements %bitcast3A_1442, 1 {pack_format = #tpu.pack_format<interleaved>} : vector<32xbf16> -> vector<16xf32>
        %add3A_1444 = arith.addf %get3A_1413, %unpack3A : vector<16xf32>
        %sub3A_1445 = arith.subf %add3A_1444, %get3A_1427 : vector<16xf32>
        %add3A_1446 = arith.addf %get3A_1420, %unpack3A_1443 : vector<16xf32>
        %sub3A_1447 = arith.subf %add3A_1446, %get3A_1434 : vector<16xf32>
        %mul3A_1448 = arith.mulf %sub3A_1445, %sub3A_1445 : vector<16xf32>
        %add3A_1449 = arith.addf %broadcast_in_dim3A_1404, %mul3A_1448 : vector<16xf32>
        %mul3A_1450 = arith.mulf %sub3A_1447, %sub3A_1447 : vector<16xf32>
        %add3A_1451 = arith.addf %broadcast_in_dim3A_1404, %mul3A_1450 : vector<16xf32>
        %get3A_1452 = arith.constant 0 : i32
        %get3A_1453 = arith.constant 0 : i32
        %get3A_1454 = tpu.memref_slice %arg11[%scan3A_949, %get3A_1452, %get3A_1453] : memref<6x64x128xf32, #tpu.memory_space<vmem>> -> memref<1x64x128xf32, #tpu.memory_space<vmem>>
        %get3A_1455 = tpu.memref_squeeze %get3A_1454 : memref<1x64x128xf32, #tpu.memory_space<vmem>> -> memref<64x128xf32, #tpu.memory_space<vmem>>
        %get3A_1456 = arith.index_cast %add3A_1407 : i32 to index
        %get3A_1457 = arith.constant 32 : index
        %get3A_1458 = tpu.vector_load %get3A_1455[%get3A_1456, %get3A_1457] {strides = array<i32>} : memref<64x128xf32, #tpu.memory_space<vmem>>, vector<16xf32>,
        %get3A_1459 = arith.constant 0 : i32
        %get3A_1460 = arith.constant 0 : i32
        %get3A_1461 = tpu.memref_slice %arg11[%scan3A_949, %get3A_1459, %get3A_1460] : memref<6x64x128xf32, #tpu.memory_space<vmem>> -> memref<1x64x128xf32, #tpu.memory_space<vmem>>
        %get3A_1462 = tpu.memref_squeeze %get3A_1461 : memref<1x64x128xf32, #tpu.memory_space<vmem>> -> memref<64x128xf32, #tpu.memory_space<vmem>>
        %get3A_1463 = arith.index_cast %add3A_1407 : i32 to index
        %get3A_1464 = arith.constant 48 : index
        %get3A_1465 = tpu.vector_load %get3A_1462[%get3A_1463, %get3A_1464] {strides = array<i32>} : memref<64x128xf32, #tpu.memory_space<vmem>>, vector<16xf32>,
        %get3A_1466 = arith.constant 0 : i32
        %get3A_1467 = arith.constant 0 : i32
        %get3A_1468 = tpu.memref_slice %arg13[%scan3A_950, %get3A_1466, %get3A_1467] : memref<6x64x128xf32, #tpu.memory_space<vmem>> -> memref<1x64x128xf32, #tpu.memory_space<vmem>>
        %get3A_1469 = tpu.memref_squeeze %get3A_1468 : memref<1x64x128xf32, #tpu.memory_space<vmem>> -> memref<64x128xf32, #tpu.memory_space<vmem>>
        %get3A_1470 = arith.index_cast %add3A_1407 : i32 to index
        %get3A_1471 = arith.constant 32 : index
        %get3A_1472 = tpu.vector_load %get3A_1469[%get3A_1470, %get3A_1471] {strides = array<i32>} : memref<64x128xf32, #tpu.memory_space<vmem>>, vector<16xf32>,
        %get3A_1473 = arith.constant 0 : i32
        %get3A_1474 = arith.constant 0 : i32
        %get3A_1475 = tpu.memref_slice %arg13[%scan3A_950, %get3A_1473, %get3A_1474] : memref<6x64x128xf32, #tpu.memory_space<vmem>> -> memref<1x64x128xf32, #tpu.memory_space<vmem>>
        %get3A_1476 = tpu.memref_squeeze %get3A_1475 : memref<1x64x128xf32, #tpu.memory_space<vmem>> -> memref<64x128xf32, #tpu.memory_space<vmem>>
        %get3A_1477 = arith.index_cast %add3A_1407 : i32 to index
        %get3A_1478 = arith.constant 48 : index
        %get3A_1479 = tpu.vector_load %get3A_1476[%get3A_1477, %get3A_1478] {strides = array<i32>} : memref<64x128xf32, #tpu.memory_space<vmem>>, vector<16xf32>,
        %get3A_1480 = arith.constant 0 : i32
        %get3A_1481 = arith.constant 0 : i32
        %get3A_1482 = tpu.memref_slice %arg12[%scan3A_951, %get3A_1480, %get3A_1481] : memref<6x64x64xi32, #tpu.memory_space<vmem>> -> memref<1x64x64xi32, #tpu.memory_space<vmem>>
        %get3A_1483 = tpu.memref_squeeze %get3A_1482 : memref<1x64x64xi32, #tpu.memory_space<vmem>> -> memref<64x64xi32, #tpu.memory_space<vmem>>
        %get3A_1484 = arith.index_cast %add3A_1407 : i32 to index
        %get3A_1485 = arith.constant 16 : index
        %get3A_1486 = tpu.vector_load %get3A_1483[%get3A_1484, %get3A_1485] {strides = array<i32>} : memref<64x64xi32, #tpu.memory_space<vmem>>, vector<16xi32>,
        %bitcast3A_1487 = vector.bitcast %get3A_1486 : vector<16xi32> to vector<32xbf16>
        %unpack3A_1488 = tpu.unpack_subelements %bitcast3A_1487, 0 {pack_format = #tpu.pack_format<interleaved>} : vector<32xbf16> -> vector<16xf32>
        %unpack3A_1489 = tpu.unpack_subelements %bitcast3A_1487, 1 {pack_format = #tpu.pack_format<interleaved>} : vector<32xbf16> -> vector<16xf32>
        %add3A_1490 = arith.addf %get3A_1458, %unpack3A_1488 : vector<16xf32>
        %sub3A_1491 = arith.subf %add3A_1490, %get3A_1472 : vector<16xf32>
        %add3A_1492 = arith.addf %get3A_1465, %unpack3A_1489 : vector<16xf32>
        %sub3A_1493 = arith.subf %add3A_1492, %get3A_1479 : vector<16xf32>
        %mul3A_1494 = arith.mulf %sub3A_1491, %sub3A_1491 : vector<16xf32>
        %add3A_1495 = arith.addf %add3A_1449, %mul3A_1494 : vector<16xf32>
        %mul3A_1496 = arith.mulf %sub3A_1493, %sub3A_1493 : vector<16xf32>
        %add3A_1497 = arith.addf %add3A_1451, %mul3A_1496 : vector<16xf32>
        %get3A_1498 = arith.constant 0 : i32
        %get3A_1499 = arith.constant 0 : i32
        %get3A_1500 = tpu.memref_slice %arg11[%scan3A_949, %get3A_1498, %get3A_1499] : memref<6x64x128xf32, #tpu.memory_space<vmem>> -> memref<1x64x128xf32, #tpu.memory_space<vmem>>
        %get3A_1501 = tpu.memref_squeeze %get3A_1500 : memref<1x64x128xf32, #tpu.memory_space<vmem>> -> memref<64x128xf32, #tpu.memory_space<vmem>>
        %get3A_1502 = arith.index_cast %add3A_1407 : i32 to index
        %get3A_1503 = arith.constant 64 : index
        %get3A_1504 = tpu.vector_load %get3A_1501[%get3A_1502, %get3A_1503] {strides = array<i32>} : memref<64x128xf32, #tpu.memory_space<vmem>>, vector<16xf32>,
        %get3A_1505 = arith.constant 0 : i32
        %get3A_1506 = arith.constant 0 : i32
        %get3A_1507 = tpu.memref_slice %arg11[%scan3A_949, %get3A_1505, %get3A_1506] : memref<6x64x128xf32, #tpu.memory_space<vmem>> -> memref<1x64x128xf32, #tpu.memory_space<vmem>>
        %get3A_1508 = tpu.memref_squeeze %get3A_1507 : memref<1x64x128xf32, #tpu.memory_space<vmem>> -> memref<64x128xf32, #tpu.memory_space<vmem>>
        %get3A_1509 = arith.index_cast %add3A_1407 : i32 to index
        %get3A_1510 = arith.constant 80 : index
        %get3A_1511 = tpu.vector_load %get3A_1508[%get3A_1509, %get3A_1510] {strides = array<i32>} : memref<64x128xf32, #tpu.memory_space<vmem>>, vector<16xf32>,
        %get3A_1512 = arith.constant 0 : i32
        %get3A_1513 = arith.constant 0 : i32
        %get3A_1514 = tpu.memref_slice %arg13[%scan3A_950, %get3A_1512, %get3A_1513] : memref<6x64x128xf32, #tpu.memory_space<vmem>> -> memref<1x64x128xf32, #tpu.memory_space<vmem>>
        %get3A_1515 = tpu.memref_squeeze %get3A_1514 : memref<1x64x128xf32, #tpu.memory_space<vmem>> -> memref<64x128xf32, #tpu.memory_space<vmem>>
        %get3A_1516 = arith.index_cast %add3A_1407 : i32 to index
        %get3A_1517 = arith.constant 64 : index
        %get3A_1518 = tpu.vector_load %get3A_1515[%get3A_1516, %get3A_1517] {strides = array<i32>} : memref<64x128xf32, #tpu.memory_space<vmem>>, vector<16xf32>,
        %get3A_1519 = arith.constant 0 : i32
        %get3A_1520 = arith.constant 0 : i32
        %get3A_1521 = tpu.memref_slice %arg13[%scan3A_950, %get3A_1519, %get3A_1520] : memref<6x64x128xf32, #tpu.memory_space<vmem>> -> memref<1x64x128xf32, #tpu.memory_space<vmem>>
        %get3A_1522 = tpu.memref_squeeze %get3A_1521 : memref<1x64x128xf32, #tpu.memory_space<vmem>> -> memref<64x128xf32, #tpu.memory_space<vmem>>
        %get3A_1523 = arith.index_cast %add3A_1407 : i32 to index
        %get3A_1524 = arith.constant 80 : index
        %get3A_1525 = tpu.vector_load %get3A_1522[%get3A_1523, %get3A_1524] {strides = array<i32>} : memref<64x128xf32, #tpu.memory_space<vmem>>, vector<16xf32>,
        %get3A_1526 = arith.constant 0 : i32
        %get3A_1527 = arith.constant 0 : i32
        %get3A_1528 = tpu.memref_slice %arg12[%scan3A_951, %get3A_1526, %get3A_1527] : memref<6x64x64xi32, #tpu.memory_space<vmem>> -> memref<1x64x64xi32, #tpu.memory_space<vmem>>
        %get3A_1529 = tpu.memref_squeeze %get3A_1528 : memref<1x64x64xi32, #tpu.memory_space<vmem>> -> memref<64x64xi32, #tpu.memory_space<vmem>>
        %get3A_1530 = arith.index_cast %add3A_1407 : i32 to index
        %get3A_1531 = arith.constant 32 : index
        %get3A_1532 = tpu.vector_load %get3A_1529[%get3A_1530, %get3A_1531] {strides = array<i32>} : memref<64x64xi32, #tpu.memory_space<vmem>>, vector<16xi32>,
        %bitcast3A_1533 = vector.bitcast %get3A_1532 : vector<16xi32> to vector<32xbf16>
        %unpack3A_1534 = tpu.unpack_subelements %bitcast3A_1533, 0 {pack_format = #tpu.pack_format<interleaved>} : vector<32xbf16> -> vector<16xf32>
        %unpack3A_1535 = tpu.unpack_subelements %bitcast3A_1533, 1 {pack_format = #tpu.pack_format<interleaved>} : vector<32xbf16> -> vector<16xf32>
        %add3A_1536 = arith.addf %get3A_1504, %unpack3A_1534 : vector<16xf32>
        %sub3A_1537 = arith.subf %add3A_1536, %get3A_1518 : vector<16xf32>
        %add3A_1538 = arith.addf %get3A_1511, %unpack3A_1535 : vector<16xf32>
        %sub3A_1539 = arith.subf %add3A_1538, %get3A_1525 : vector<16xf32>
        %mul3A_1540 = arith.mulf %sub3A_1537, %sub3A_1537 : vector<16xf32>
        %add3A_1541 = arith.addf %add3A_1495, %mul3A_1540 : vector<16xf32>
        %mul3A_1542 = arith.mulf %sub3A_1539, %sub3A_1539 : vector<16xf32>
        %add3A_1543 = arith.addf %add3A_1497, %mul3A_1542 : vector<16xf32>
        %get3A_1544 = arith.constant 0 : i32
        %get3A_1545 = arith.constant 0 : i32
        %get3A_1546 = tpu.memref_slice %arg11[%scan3A_949, %get3A_1544, %get3A_1545] : memref<6x64x128xf32, #tpu.memory_space<vmem>> -> memref<1x64x128xf32, #tpu.memory_space<vmem>>
        %get3A_1547 = tpu.memref_squeeze %get3A_1546 : memref<1x64x128xf32, #tpu.memory_space<vmem>> -> memref<64x128xf32, #tpu.memory_space<vmem>>
        %get3A_1548 = arith.index_cast %add3A_1407 : i32 to index
        %get3A_1549 = arith.constant 96 : index
        %get3A_1550 = tpu.vector_load %get3A_1547[%get3A_1548, %get3A_1549] {strides = array<i32>} : memref<64x128xf32, #tpu.memory_space<vmem>>, vector<16xf32>,
        %get3A_1551 = arith.constant 0 : i32
        %get3A_1552 = arith.constant 0 : i32
        %get3A_1553 = tpu.memref_slice %arg11[%scan3A_949, %get3A_1551, %get3A_1552] : memref<6x64x128xf32, #tpu.memory_space<vmem>> -> memref<1x64x128xf32, #tpu.memory_space<vmem>>
        %get3A_1554 = tpu.memref_squeeze %get3A_1553 : memref<1x64x128xf32, #tpu.memory_space<vmem>> -> memref<64x128xf32, #tpu.memory_space<vmem>>
        %get3A_1555 = arith.index_cast %add3A_1407 : i32 to index
        %get3A_1556 = arith.constant 112 : index
        %get3A_1557 = tpu.vector_load %get3A_1554[%get3A_1555, %get3A_1556] {strides = array<i32>} : memref<64x128xf32, #tpu.memory_space<vmem>>, vector<16xf32>,
        %get3A_1558 = arith.constant 0 : i32
        %get3A_1559 = arith.constant 0 : i32
        %get3A_1560 = tpu.memref_slice %arg13[%scan3A_950, %get3A_1558, %get3A_1559] : memref<6x64x128xf32, #tpu.memory_space<vmem>> -> memref<1x64x128xf32, #tpu.memory_space<vmem>>
        %get3A_1561 = tpu.memref_squeeze %get3A_1560 : memref<1x64x128xf32, #tpu.memory_space<vmem>> -> memref<64x128xf32, #tpu.memory_space<vmem>>
        %get3A_1562 = arith.index_cast %add3A_1407 : i32 to index
        %get3A_1563 = arith.constant 96 : index
        %get3A_1564 = tpu.vector_load %get3A_1561[%get3A_1562, %get3A_1563] {strides = array<i32>} : memref<64x128xf32, #tpu.memory_space<vmem>>, vector<16xf32>,
        %get3A_1565 = arith.constant 0 : i32
        %get3A_1566 = arith.constant 0 : i32
        %get3A_1567 = tpu.memref_slice %arg13[%scan3A_950, %get3A_1565, %get3A_1566] : memref<6x64x128xf32, #tpu.memory_space<vmem>> -> memref<1x64x128xf32, #tpu.memory_space<vmem>>
        %get3A_1568 = tpu.memref_squeeze %get3A_1567 : memref<1x64x128xf32, #tpu.memory_space<vmem>> -> memref<64x128xf32, #tpu.memory_space<vmem>>
        %get3A_1569 = arith.index_cast %add3A_1407 : i32 to index
        %get3A_1570 = arith.constant 112 : index
        %get3A_1571 = tpu.vector_load %get3A_1568[%get3A_1569, %get3A_1570] {strides = array<i32>} : memref<64x128xf32, #tpu.memory_space<vmem>>, vector<16xf32>,
        %get3A_1572 = arith.constant 0 : i32
        %get3A_1573 = arith.constant 0 : i32
        %get3A_1574 = tpu.memref_slice %arg12[%scan3A_951, %get3A_1572, %get3A_1573] : memref<6x64x64xi32, #tpu.memory_space<vmem>> -> memref<1x64x64xi32, #tpu.memory_space<vmem>>
        %get3A_1575 = tpu.memref_squeeze %get3A_1574 : memref<1x64x64xi32, #tpu.memory_space<vmem>> -> memref<64x64xi32, #tpu.memory_space<vmem>>
        %get3A_1576 = arith.index_cast %add3A_1407 : i32 to index
        %get3A_1577 = arith.constant 48 : index
        %get3A_1578 = tpu.vector_load %get3A_1575[%get3A_1576, %get3A_1577] {strides = array<i32>} : memref<64x64xi32, #tpu.memory_space<vmem>>, vector<16xi32>,
        %bitcast3A_1579 = vector.bitcast %get3A_1578 : vector<16xi32> to vector<32xbf16>
        %unpack3A_1580 = tpu.unpack_subelements %bitcast3A_1579, 0 {pack_format = #tpu.pack_format<interleaved>} : vector<32xbf16> -> vector<16xf32>
        %unpack3A_1581 = tpu.unpack_subelements %bitcast3A_1579, 1 {pack_format = #tpu.pack_format<interleaved>} : vector<32xbf16> -> vector<16xf32>
        %add3A_1582 = arith.addf %get3A_1550, %unpack3A_1580 : vector<16xf32>
        %sub3A_1583 = arith.subf %add3A_1582, %get3A_1564 : vector<16xf32>
        %add3A_1584 = arith.addf %get3A_1557, %unpack3A_1581 : vector<16xf32>
        %sub3A_1585 = arith.subf %add3A_1584, %get3A_1571 : vector<16xf32>
        %mul3A_1586 = arith.mulf %sub3A_1583, %sub3A_1583 : vector<16xf32>
        %add3A_1587 = arith.addf %add3A_1541, %mul3A_1586 : vector<16xf32>
        %mul3A_1588 = arith.mulf %sub3A_1585, %sub3A_1585 : vector<16xf32>
        %add3A_1589 = arith.addf %add3A_1543, %mul3A_1588 : vector<16xf32>
        %mul3A_1590 = arith.constant 17 : i32
        %mul3A_1591 = arith.muli %scan3A_1401, %mul3A_1590 : i32
        %add3A_1592 = vector.broadcast %mul3A_1591 : i32 to vector<16xi32>
        %add3A_1593 = arith.addi %add3A_1592, %iota3A_945 : vector<16xi32>
        %add3A_1594 = arith.addf %add3A_1587, %add3A_1589 : vector<16xf32>
        tpu.vector_store_idx %arg15[%add3A_1593], %add3A_1594 : memref<272xf32, #tpu.memory_space<vmem>>[vector<16xi32>], vector<16xf32>,
        %scan3A_1595 = arith.constant 0 : i32
        scf.yield %scan3A_1595 : i32
      }
      %scan3A_1255 = arith.constant 16 : i32
      %gather3A = tpu.vector_load_idx %arg15[%mul3A_948] : memref<272xf32, #tpu.memory_space<vmem>>[vector<16xi32>], vector<16xf32>,
      %add3A_1256 = arith.constant 1 : i32
      %add3A_1257 = vector.broadcast %add3A_1256 : i32 to vector<16xi32>
      %add3A_1258 = arith.addi %mul3A_948, %add3A_1257 : vector<16xi32>
      %gather3A_1259 = tpu.vector_load_idx %arg15[%add3A_1258] : memref<272xf32, #tpu.memory_space<vmem>>[vector<16xi32>], vector<16xf32>,
      %add3A_1260 = arith.constant 2 : i32
      %add3A_1261 = vector.broadcast %add3A_1260 : i32 to vector<16xi32>
      %add3A_1262 = arith.addi %mul3A_948, %add3A_1261 : vector<16xi32>
      %gather3A_1263 = tpu.vector_load_idx %arg15[%add3A_1262] : memref<272xf32, #tpu.memory_space<vmem>>[vector<16xi32>], vector<16xf32>,
      %add3A_1264 = arith.constant 3 : i32
      %add3A_1265 = vector.broadcast %add3A_1264 : i32 to vector<16xi32>
      %add3A_1266 = arith.addi %mul3A_948, %add3A_1265 : vector<16xi32>
      %gather3A_1267 = tpu.vector_load_idx %arg15[%add3A_1266] : memref<272xf32, #tpu.memory_space<vmem>>[vector<16xi32>], vector<16xf32>,
      %add3A_1268 = arith.constant 4 : i32
      %add3A_1269 = vector.broadcast %add3A_1268 : i32 to vector<16xi32>
      %add3A_1270 = arith.addi %mul3A_948, %add3A_1269 : vector<16xi32>
      %gather3A_1271 = tpu.vector_load_idx %arg15[%add3A_1270] : memref<272xf32, #tpu.memory_space<vmem>>[vector<16xi32>], vector<16xf32>,
      %add3A_1272 = arith.addf %gather3A, %gather3A_1271 : vector<16xf32>
      %add3A_1273 = arith.constant 4 : i32
      %add3A_1274 = vector.broadcast %add3A_1273 : i32 to vector<16xi32>
      %add3A_1275 = arith.addi %mul3A_948, %add3A_1274 : vector<16xi32>
      %add3A_1276 = arith.constant 1 : i32
      %add3A_1277 = vector.broadcast %add3A_1276 : i32 to vector<16xi32>
      %add3A_1278 = arith.addi %add3A_1275, %add3A_1277 : vector<16xi32>
      %gather3A_1279 = tpu.vector_load_idx %arg15[%add3A_1278] : memref<272xf32, #tpu.memory_space<vmem>>[vector<16xi32>], vector<16xf32>,
      %add3A_1280 = arith.addf %gather3A_1259, %gather3A_1279 : vector<16xf32>
      %add3A_1281 = arith.constant 4 : i32
      %add3A_1282 = vector.broadcast %add3A_1281 : i32 to vector<16xi32>
      %add3A_1283 = arith.addi %mul3A_948, %add3A_1282 : vector<16xi32>
      %add3A_1284 = arith.constant 2 : i32
      %add3A_1285 = vector.broadcast %add3A_1284 : i32 to vector<16xi32>
      %add3A_1286 = arith.addi %add3A_1283, %add3A_1285 : vector<16xi32>
      %gather3A_1287 = tpu.vector_load_idx %arg15[%add3A_1286] : memref<272xf32, #tpu.memory_space<vmem>>[vector<16xi32>], vector<16xf32>,
      %add3A_1288 = arith.addf %gather3A_1263, %gather3A_1287 : vector<16xf32>
      %add3A_1289 = arith.constant 4 : i32
      %add3A_1290 = vector.broadcast %add3A_1289 : i32 to vector<16xi32>
      %add3A_1291 = arith.addi %mul3A_948, %add3A_1290 : vector<16xi32>
      %add3A_1292 = arith.constant 3 : i32
      %add3A_1293 = vector.broadcast %add3A_1292 : i32 to vector<16xi32>
      %add3A_1294 = arith.addi %add3A_1291, %add3A_1293 : vector<16xi32>
      %gather3A_1295 = tpu.vector_load_idx %arg15[%add3A_1294] : memref<272xf32, #tpu.memory_space<vmem>>[vector<16xi32>], vector<16xf32>,
      %add3A_1296 = arith.addf %gather3A_1267, %gather3A_1295 : vector<16xf32>
      %add3A_1297 = arith.constant 8 : i32
      %add3A_1298 = vector.broadcast %add3A_1297 : i32 to vector<16xi32>
      %add3A_1299 = arith.addi %mul3A_948, %add3A_1298 : vector<16xi32>
      %gather3A_1300 = tpu.vector_load_idx %arg15[%add3A_1299] : memref<272xf32, #tpu.memory_space<vmem>>[vector<16xi32>], vector<16xf32>,
      %add3A_1301 = arith.addf %add3A_1272, %gather3A_1300 : vector<16xf32>
      %add3A_1302 = arith.constant 8 : i32
      %add3A_1303 = vector.broadcast %add3A_1302 : i32 to vector<16xi32>
      %add3A_1304 = arith.addi %mul3A_948, %add3A_1303 : vector<16xi32>
      %add3A_1305 = arith.constant 1 : i32
      %add3A_1306 = vector.broadcast %add3A_1305 : i32 to vector<16xi32>
      %add3A_1307 = arith.addi %add3A_1304, %add3A_1306 : vector<16xi32>
      %gather3A_1308 = tpu.vector_load_idx %arg15[%add3A_1307] : memref<272xf32, #tpu.memory_space<vmem>>[vector<16xi32>], vector<16xf32>,
      %add3A_1309 = arith.addf %add3A_1280, %gather3A_1308 : vector<16xf32>
      %add3A_1310 = arith.constant 8 : i32
      %add3A_1311 = vector.broadcast %add3A_1310 : i32 to vector<16xi32>
      %add3A_1312 = arith.addi %mul3A_948, %add3A_1311 : vector<16xi32>
      %add3A_1313 = arith.constant 2 : i32
      %add3A_1314 = vector.broadcast %add3A_1313 : i32 to vector<16xi32>
      %add3A_1315 = arith.addi %add3A_1312, %add3A_1314 : vector<16xi32>
      %gather3A_1316 = tpu.vector_load_idx %arg15[%add3A_1315] : memref<272xf32, #tpu.memory_space<vmem>>[vector<16xi32>], vector<16xf32>,
      %add3A_1317 = arith.addf %add3A_1288, %gather3A_1316 : vector<16xf32>
      %add3A_1318 = arith.constant 8 : i32
      %add3A_1319 = vector.broadcast %add3A_1318 : i32 to vector<16xi32>
      %add3A_1320 = arith.addi %mul3A_948, %add3A_1319 : vector<16xi32>
      %add3A_1321 = arith.constant 3 : i32
      %add3A_1322 = vector.broadcast %add3A_1321 : i32 to vector<16xi32>
      %add3A_1323 = arith.addi %add3A_1320, %add3A_1322 : vector<16xi32>
      %gather3A_1324 = tpu.vector_load_idx %arg15[%add3A_1323] : memref<272xf32, #tpu.memory_space<vmem>>[vector<16xi32>], vector<16xf32>,
      %add3A_1325 = arith.addf %add3A_1296, %gather3A_1324 : vector<16xf32>
      %add3A_1326 = arith.constant 12 : i32
      %add3A_1327 = vector.broadcast %add3A_1326 : i32 to vector<16xi32>
      %add3A_1328 = arith.addi %mul3A_948, %add3A_1327 : vector<16xi32>
      %gather3A_1329 = tpu.vector_load_idx %arg15[%add3A_1328] : memref<272xf32, #tpu.memory_space<vmem>>[vector<16xi32>], vector<16xf32>,
      %add3A_1330 = arith.addf %add3A_1301, %gather3A_1329 : vector<16xf32>
      %add3A_1331 = arith.constant 12 : i32
      %add3A_1332 = vector.broadcast %add3A_1331 : i32 to vector<16xi32>
      %add3A_1333 = arith.addi %mul3A_948, %add3A_1332 : vector<16xi32>
      %add3A_1334 = arith.constant 1 : i32
      %add3A_1335 = vector.broadcast %add3A_1334 : i32 to vector<16xi32>
      %add3A_1336 = arith.addi %add3A_1333, %add3A_1335 : vector<16xi32>
      %gather3A_1337 = tpu.vector_load_idx %arg15[%add3A_1336] : memref<272xf32, #tpu.memory_space<vmem>>[vector<16xi32>], vector<16xf32>,
      %add3A_1338 = arith.addf %add3A_1309, %gather3A_1337 : vector<16xf32>
      %add3A_1339 = arith.constant 12 : i32
      %add3A_1340 = vector.broadcast %add3A_1339 : i32 to vector<16xi32>
      %add3A_1341 = arith.addi %mul3A_948, %add3A_1340 : vector<16xi32>
      %add3A_1342 = arith.constant 2 : i32
      %add3A_1343 = vector.broadcast %add3A_1342 : i32 to vector<16xi32>
      %add3A_1344 = arith.addi %add3A_1341, %add3A_1343 : vector<16xi32>
      %gather3A_1345 = tpu.vector_load_idx %arg15[%add3A_1344] : memref<272xf32, #tpu.memory_space<vmem>>[vector<16xi32>], vector<16xf32>,
      %add3A_1346 = arith.addf %add3A_1317, %gather3A_1345 : vector<16xf32>
      %add3A_1347 = arith.constant 12 : i32
      %add3A_1348 = vector.broadcast %add3A_1347 : i32 to vector<16xi32>
      %add3A_1349 = arith.addi %mul3A_948, %add3A_1348 : vector<16xi32>
      %add3A_1350 = arith.constant 3 : i32
      %add3A_1351 = vector.broadcast %add3A_1350 : i32 to vector<16xi32>
      %add3A_1352 = arith.addi %add3A_1349, %add3A_1351 : vector<16xi32>
      %gather3A_1353 = tpu.vector_load_idx %arg15[%add3A_1352] : memref<272xf32, #tpu.memory_space<vmem>>[vector<16xi32>], vector<16xf32>,
      %add3A_1354 = arith.addf %add3A_1325, %gather3A_1353 : vector<16xf32>
      %add3A_1355 = arith.addf %add3A_1330, %add3A_1338 : vector<16xf32>
      %add3A_1356 = arith.addf %add3A_1346, %add3A_1354 : vector<16xf32>
      %add3A_1357 = arith.addf %add3A_1355, %add3A_1356 : vector<16xf32>
      %bitcast3A = vector.bitcast %add3A_1357 : vector<16xf32> to vector<16xi32>
      %shift_right_arithmetic3A = arith.constant 1 : i32
      %shift_right_arithmetic3A_1358 = vector.broadcast %shift_right_arithmetic3A : i32 to vector<16xi32>
      %shift_right_arithmetic3A_1359 = arith.shrsi %bitcast3A, %shift_right_arithmetic3A_1358 : vector<16xi32>
      %sub3A = arith.constant 1597463007 : i32
      %sub3A_1360 = vector.broadcast %sub3A : i32 to vector<16xi32>
      %sub3A_1361 = arith.subi %sub3A_1360, %shift_right_arithmetic3A_1359 : vector<16xi32>
      %bitcast3A_1362 = vector.bitcast %sub3A_1361 : vector<16xi32> to vector<16xf32>
      %mul3A_1363 = arith.constant 5.000000e-01 : f32
      %mul3A_1364 = vector.broadcast %mul3A_1363 : f32 to vector<16xf32>
      %mul3A_1365 = arith.mulf %mul3A_1364, %add3A_1357 : vector<16xf32>
      %mul3A_1366 = arith.mulf %mul3A_1365, %bitcast3A_1362 : vector<16xf32>
      %mul3A_1367 = arith.mulf %mul3A_1366, %bitcast3A_1362 : vector<16xf32>
      %sub3A_1368 = arith.constant 1.500000e+00 : f32
      %sub3A_1369 = vector.broadcast %sub3A_1368 : f32 to vector<16xf32>
      %sub3A_1370 = arith.subf %sub3A_1369, %mul3A_1367 : vector<16xf32>
      %mul3A_1371 = arith.mulf %bitcast3A_1362, %sub3A_1370 : vector<16xf32>
      %mul3A_1372 = arith.constant 5.000000e-01 : f32
      %mul3A_1373 = vector.broadcast %mul3A_1372 : f32 to vector<16xf32>
      %mul3A_1374 = arith.mulf %mul3A_1373, %add3A_1357 : vector<16xf32>
      %mul3A_1375 = arith.mulf %mul3A_1374, %mul3A_1371 : vector<16xf32>
      %mul3A_1376 = arith.mulf %mul3A_1375, %mul3A_1371 : vector<16xf32>
      %sub3A_1377 = arith.constant 1.500000e+00 : f32
      %sub3A_1378 = vector.broadcast %sub3A_1377 : f32 to vector<16xf32>
      %sub3A_1379 = arith.subf %sub3A_1378, %mul3A_1376 : vector<16xf32>
      %mul3A_1380 = arith.mulf %mul3A_1371, %sub3A_1379 : vector<16xf32>
      %mul3A_1381 = arith.constant 5.000000e-01 : f32
      %mul3A_1382 = vector.broadcast %mul3A_1381 : f32 to vector<16xf32>
      %mul3A_1383 = arith.mulf %mul3A_1382, %add3A_1357 : vector<16xf32>
      %mul3A_1384 = arith.mulf %mul3A_1383, %mul3A_1380 : vector<16xf32>
      %mul3A_1385 = arith.mulf %mul3A_1384, %mul3A_1380 : vector<16xf32>
      %sub3A_1386 = arith.constant 1.500000e+00 : f32
      %sub3A_1387 = vector.broadcast %sub3A_1386 : f32 to vector<16xf32>
      %sub3A_1388 = arith.subf %sub3A_1387, %mul3A_1385 : vector<16xf32>
      %mul3A_1389 = arith.mulf %mul3A_1380, %sub3A_1388 : vector<16xf32>
      %gt3A = arith.constant 0.000000e+00 : f32
      %gt3A_1390 = vector.broadcast %gt3A : f32 to vector<16xf32>
      %gt3A_1391 = arith.cmpf ogt, %add3A_1357, %gt3A_1390 : vector<16xf32>
      %mul3A_1392 = arith.mulf %add3A_1357, %mul3A_1389 : vector<16xf32>
      %jit3A = arith.constant 0.000000e+00 : f32
      %broadcast_in_dim3A = vector.broadcast %jit3A : f32 to vector<16xf32>
      %select_n3A = arith.select %gt3A_1391, %mul3A_1392, %broadcast_in_dim3A : vector<16xi1>, vector<16xf32>
      %neg3A = arith.constant 0.000000e+00 : f32
      %neg3A_1393 = vector.broadcast %neg3A : f32 to vector<16xf32>
      %neg3A_1394 = arith.subf %neg3A_1393, %select_n3A : vector<16xf32>
      %mul3A_1395 = arith.constant 16 : i32
      %mul3A_1396 = arith.muli %scan3A_1247, %mul3A_1395 : i32
      %add3A_1397 = arith.constant 192 : i32
      %add3A_1398 = arith.addi %add3A_1397, %mul3A_1396 : i32
      %swap3A = arith.index_cast %add3A_1398 : i32 to index
      %swap3A_1399 = tpu.vector_load %arg14[%swap3A] {strides = array<i32>} : memref<512xf32, #tpu.memory_space<vmem>>, vector<16xf32>,
      tpu.vector_store %arg14[%swap3A], %neg3A_1394 {strides = array<i32>} : memref<512xf32, #tpu.memory_space<vmem>>, vector<16xf32>,
      %scan3A_1400 = arith.constant 0 : i32
      scf.yield %scan3A_1400 : i32
    }
    %scan3A_958 = arith.constant 4 : i32
    %add3A_959 = arith.constant 192 : i32
    %add3A_960 = arith.addi %mul3A_2, %add3A_959 : i32
    %dma_start3A_961 = arith.constant 192 : i32
    %dma_start3A_962 = tpu.memref_slice %arg14[%dma_start3A_961] : memref<512xf32, #tpu.memory_space<vmem>> -> memref<64xf32, #tpu.memory_space<vmem>>
    %dma_start3A_963 = tpu.memref_slice %arg7[%add3A_960] : memref<16384xf32, #tpu.memory_space<hbm>> -> memref<64xf32, #tpu.memory_space<hbm>>
    %dma_start3A_964 = tpu.memref_slice %arg7[%add3A_960] : memref<16384xf32, #tpu.memory_space<hbm>> -> memref<64xf32, #tpu.memory_space<hbm>>
    %dma_start3A_965 = arith.constant 192 : i32
    %dma_start3A_966 = tpu.memref_slice %arg14[%dma_start3A_965] : memref<512xf32, #tpu.memory_space<vmem>> -> memref<64xf32, #tpu.memory_space<vmem>>
    tpu.enqueue_dma source(%dma_start3A_966 : memref<64xf32, #tpu.memory_space<vmem>>) target(%dma_start3A_964 : memref<64xf32, #tpu.memory_space<hbm>>) target_semaphore(%arg22 : memref<!tpu.dma_semaphore, #tpu.memory_space<semaphore_mem>>)
    %dma_wait3A_967 = arith.constant 4 : i32
    %dma_wait3A_968 = arith.constant 4 : i32
    %dma_wait3A_969 = arith.constant 0 : i32
    %dma_wait3A_970 = arith.constant 0 : i32
    %dma_wait3A_971 = tpu.memref_slice %arg11[%dma_wait3A_968, %dma_wait3A_969, %dma_wait3A_970] : memref<6x64x128xf32, #tpu.memory_space<vmem>> -> memref<1x64x128xf32, #tpu.memory_space<vmem>>
    %dma_wait3A_972 = tpu.memref_squeeze %dma_wait3A_971 : memref<1x64x128xf32, #tpu.memory_space<vmem>> -> memref<64x128xf32, #tpu.memory_space<vmem>>
    %dma_wait3A_973 = arith.constant 0 : i32
    %dma_wait3A_974 = tpu.memref_slice %arg8[%dma_wait3A_967, %dma_wait3A_973] : memref<8x64xi32, #tpu.memory_space<vmem>> -> memref<1x64xi32, #tpu.memory_space<vmem>>
    %dma_wait3A_975 = tpu.memref_squeeze %dma_wait3A_974 : memref<1x64xi32, #tpu.memory_space<vmem>> -> memref<64xi32, #tpu.memory_space<vmem>>
    %dma_wait3A_976 = arith.constant 0 : i32
    %dma_wait3A_977 = arith.constant 0 : i32
    %dma_wait3A_978 = tpu.memref_slice %arg5[%dma_wait3A_976, %dma_wait3A_977] : memref<100000x128xf32, #tpu.memory_space<hbm>> -> memref<100000x128xf32, #tpu.memory_space<hbm>>
    tpu.wait_indirect_dma semaphore(%arg20 : memref<!tpu.dma_semaphore, #tpu.memory_space<semaphore_mem>>) src(%dma_wait3A_978 : memref<100000x128xf32, #tpu.memory_space<hbm>>) dst(%dma_wait3A_972 : memref<64x128xf32, #tpu.memory_space<vmem>>)
    %dma_wait3A_979 = arith.constant 4 : i32
    %dma_wait3A_980 = arith.constant 4 : i32
    %dma_wait3A_981 = arith.constant 0 : i32
    %dma_wait3A_982 = arith.constant 0 : i32
    %dma_wait3A_983 = tpu.memref_slice %arg12[%dma_wait3A_980, %dma_wait3A_981, %dma_wait3A_982] : memref<6x64x64xi32, #tpu.memory_space<vmem>> -> memref<1x64x64xi32, #tpu.memory_space<vmem>>
    %dma_wait3A_984 = tpu.memref_squeeze %dma_wait3A_983 : memref<1x64x64xi32, #tpu.memory_space<vmem>> -> memref<64x64xi32, #tpu.memory_space<vmem>>
    %dma_wait3A_985 = arith.constant 0 : i32
    %dma_wait3A_986 = tpu.memref_slice %arg9[%dma_wait3A_979, %dma_wait3A_985] : memref<8x64xi32, #tpu.memory_space<vmem>> -> memref<1x64xi32, #tpu.memory_space<vmem>>
    %dma_wait3A_987 = tpu.memref_squeeze %dma_wait3A_986 : memref<1x64xi32, #tpu.memory_space<vmem>> -> memref<64xi32, #tpu.memory_space<vmem>>
    %dma_wait3A_988 = arith.constant 0 : i32
    %dma_wait3A_989 = arith.constant 0 : i32
    %dma_wait3A_990 = tpu.memref_slice %arg6[%dma_wait3A_988, %dma_wait3A_989] : memref<1000x64xi32, #tpu.memory_space<hbm>> -> memref<1000x64xi32, #tpu.memory_space<hbm>>
    tpu.wait_indirect_dma semaphore(%arg20 : memref<!tpu.dma_semaphore, #tpu.memory_space<semaphore_mem>>) src(%dma_wait3A_990 : memref<1000x64xi32, #tpu.memory_space<hbm>>) dst(%dma_wait3A_984 : memref<64x64xi32, #tpu.memory_space<vmem>>)
    %dma_wait3A_991 = arith.constant 4 : i32
    %dma_wait3A_992 = arith.constant 4 : i32
    %dma_wait3A_993 = arith.constant 0 : i32
    %dma_wait3A_994 = arith.constant 0 : i32
    %dma_wait3A_995 = tpu.memref_slice %arg13[%dma_wait3A_992, %dma_wait3A_993, %dma_wait3A_994] : memref<6x64x128xf32, #tpu.memory_space<vmem>> -> memref<1x64x128xf32, #tpu.memory_space<vmem>>
    %dma_wait3A_996 = tpu.memref_squeeze %dma_wait3A_995 : memref<1x64x128xf32, #tpu.memory_space<vmem>> -> memref<64x128xf32, #tpu.memory_space<vmem>>
    %dma_wait3A_997 = arith.constant 0 : i32
    %dma_wait3A_998 = tpu.memref_slice %arg10[%dma_wait3A_991, %dma_wait3A_997] : memref<8x64xi32, #tpu.memory_space<vmem>> -> memref<1x64xi32, #tpu.memory_space<vmem>>
    %dma_wait3A_999 = tpu.memref_squeeze %dma_wait3A_998 : memref<1x64xi32, #tpu.memory_space<vmem>> -> memref<64xi32, #tpu.memory_space<vmem>>
    %dma_wait3A_1000 = arith.constant 0 : i32
    %dma_wait3A_1001 = arith.constant 0 : i32
    %dma_wait3A_1002 = tpu.memref_slice %arg5[%dma_wait3A_1000, %dma_wait3A_1001] : memref<100000x128xf32, #tpu.memory_space<hbm>> -> memref<100000x128xf32, #tpu.memory_space<hbm>>
    tpu.wait_indirect_dma semaphore(%arg20 : memref<!tpu.dma_semaphore, #tpu.memory_space<semaphore_mem>>) src(%dma_wait3A_1002 : memref<100000x128xf32, #tpu.memory_space<hbm>>) dst(%dma_wait3A_996 : memref<64x128xf32, #tpu.memory_space<vmem>>)
    %iota3A_1003 = tpu.iota {dimensions = array<i32: 0>} : vector<16xi32>
    %mul3A_1004 = arith.constant 17 : i32
    %mul3A_1005 = vector.broadcast %mul3A_1004 : i32 to vector<16xi32>
    %mul3A_1006 = arith.muli %iota3A_1003, %mul3A_1005 : vector<16xi32>
    %scan3A_1007 = arith.constant 4 : i32
    %scan3A_1008 = arith.constant 4 : i32
    %scan3A_1009 = arith.constant 4 : i32
    %scan3A_1010 = arith.constant 0 : i32
    %scan3A_1011 = arith.constant 0 : i32
    %scan3A_1012 = arith.constant 4 : i32
    %scan3A_1013 = arith.addi %scan3A_1011, %scan3A_1012 : i32
    %scan3A_1014 = arith.constant 1 : i32
    %scan3A_1015 = scf.for %scan3A_1247 = %scan3A_1011 to %scan3A_1013 step %scan3A_1014 iter_args(%scan3A_1248 = %scan3A_1010) -> (i32)  : i32 {
      %scan3A_1249 = arith.constant 0 : i32
      %scan3A_1250 = arith.constant 0 : i32
      %scan3A_1251 = arith.constant 16 : i32
      %scan3A_1252 = arith.addi %scan3A_1250, %scan3A_1251 : i32
      %scan3A_1253 = arith.constant 1 : i32
      %scan3A_1254 = scf.for %scan3A_1401 = %scan3A_1250 to %scan3A_1252 step %scan3A_1253 iter_args(%scan3A_1402 = %scan3A_1249) -> (i32)  : i32 {
        %broadcast_in_dim3A_1403 = arith.constant 0.000000e+00 : f32
        %broadcast_in_dim3A_1404 = vector.broadcast %broadcast_in_dim3A_1403 : f32 to vector<16xf32>
        %mul3A_1405 = arith.constant 16 : i32
        %mul3A_1406 = arith.muli %scan3A_1247, %mul3A_1405 : i32
        %add3A_1407 = arith.addi %mul3A_1406, %scan3A_1401 : i32
        %get3A = arith.constant 0 : i32
        %get3A_1408 = arith.constant 0 : i32
        %get3A_1409 = tpu.memref_slice %arg11[%scan3A_1007, %get3A, %get3A_1408] : memref<6x64x128xf32, #tpu.memory_space<vmem>> -> memref<1x64x128xf32, #tpu.memory_space<vmem>>
        %get3A_1410 = tpu.memref_squeeze %get3A_1409 : memref<1x64x128xf32, #tpu.memory_space<vmem>> -> memref<64x128xf32, #tpu.memory_space<vmem>>
        %get3A_1411 = arith.index_cast %add3A_1407 : i32 to index
        %get3A_1412 = arith.constant 0 : index
        %get3A_1413 = tpu.vector_load %get3A_1410[%get3A_1411, %get3A_1412] {strides = array<i32>} : memref<64x128xf32, #tpu.memory_space<vmem>>, vector<16xf32>,
        %get3A_1414 = arith.constant 0 : i32
        %get3A_1415 = arith.constant 0 : i32
        %get3A_1416 = tpu.memref_slice %arg11[%scan3A_1007, %get3A_1414, %get3A_1415] : memref<6x64x128xf32, #tpu.memory_space<vmem>> -> memref<1x64x128xf32, #tpu.memory_space<vmem>>
        %get3A_1417 = tpu.memref_squeeze %get3A_1416 : memref<1x64x128xf32, #tpu.memory_space<vmem>> -> memref<64x128xf32, #tpu.memory_space<vmem>>
        %get3A_1418 = arith.index_cast %add3A_1407 : i32 to index
        %get3A_1419 = arith.constant 16 : index
        %get3A_1420 = tpu.vector_load %get3A_1417[%get3A_1418, %get3A_1419] {strides = array<i32>} : memref<64x128xf32, #tpu.memory_space<vmem>>, vector<16xf32>,
        %get3A_1421 = arith.constant 0 : i32
        %get3A_1422 = arith.constant 0 : i32
        %get3A_1423 = tpu.memref_slice %arg13[%scan3A_1008, %get3A_1421, %get3A_1422] : memref<6x64x128xf32, #tpu.memory_space<vmem>> -> memref<1x64x128xf32, #tpu.memory_space<vmem>>
        %get3A_1424 = tpu.memref_squeeze %get3A_1423 : memref<1x64x128xf32, #tpu.memory_space<vmem>> -> memref<64x128xf32, #tpu.memory_space<vmem>>
        %get3A_1425 = arith.index_cast %add3A_1407 : i32 to index
        %get3A_1426 = arith.constant 0 : index
        %get3A_1427 = tpu.vector_load %get3A_1424[%get3A_1425, %get3A_1426] {strides = array<i32>} : memref<64x128xf32, #tpu.memory_space<vmem>>, vector<16xf32>,
        %get3A_1428 = arith.constant 0 : i32
        %get3A_1429 = arith.constant 0 : i32
        %get3A_1430 = tpu.memref_slice %arg13[%scan3A_1008, %get3A_1428, %get3A_1429] : memref<6x64x128xf32, #tpu.memory_space<vmem>> -> memref<1x64x128xf32, #tpu.memory_space<vmem>>
        %get3A_1431 = tpu.memref_squeeze %get3A_1430 : memref<1x64x128xf32, #tpu.memory_space<vmem>> -> memref<64x128xf32, #tpu.memory_space<vmem>>
        %get3A_1432 = arith.index_cast %add3A_1407 : i32 to index
        %get3A_1433 = arith.constant 16 : index
        %get3A_1434 = tpu.vector_load %get3A_1431[%get3A_1432, %get3A_1433] {strides = array<i32>} : memref<64x128xf32, #tpu.memory_space<vmem>>, vector<16xf32>,
        %get3A_1435 = arith.constant 0 : i32
        %get3A_1436 = arith.constant 0 : i32
        %get3A_1437 = tpu.memref_slice %arg12[%scan3A_1009, %get3A_1435, %get3A_1436] : memref<6x64x64xi32, #tpu.memory_space<vmem>> -> memref<1x64x64xi32, #tpu.memory_space<vmem>>
        %get3A_1438 = tpu.memref_squeeze %get3A_1437 : memref<1x64x64xi32, #tpu.memory_space<vmem>> -> memref<64x64xi32, #tpu.memory_space<vmem>>
        %get3A_1439 = arith.index_cast %add3A_1407 : i32 to index
        %get3A_1440 = arith.constant 0 : index
        %get3A_1441 = tpu.vector_load %get3A_1438[%get3A_1439, %get3A_1440] {strides = array<i32>} : memref<64x64xi32, #tpu.memory_space<vmem>>, vector<16xi32>,
        %bitcast3A_1442 = vector.bitcast %get3A_1441 : vector<16xi32> to vector<32xbf16>
        %unpack3A = tpu.unpack_subelements %bitcast3A_1442, 0 {pack_format = #tpu.pack_format<interleaved>} : vector<32xbf16> -> vector<16xf32>
        %unpack3A_1443 = tpu.unpack_subelements %bitcast3A_1442, 1 {pack_format = #tpu.pack_format<interleaved>} : vector<32xbf16> -> vector<16xf32>
        %add3A_1444 = arith.addf %get3A_1413, %unpack3A : vector<16xf32>
        %sub3A_1445 = arith.subf %add3A_1444, %get3A_1427 : vector<16xf32>
        %add3A_1446 = arith.addf %get3A_1420, %unpack3A_1443 : vector<16xf32>
        %sub3A_1447 = arith.subf %add3A_1446, %get3A_1434 : vector<16xf32>
        %mul3A_1448 = arith.mulf %sub3A_1445, %sub3A_1445 : vector<16xf32>
        %add3A_1449 = arith.addf %broadcast_in_dim3A_1404, %mul3A_1448 : vector<16xf32>
        %mul3A_1450 = arith.mulf %sub3A_1447, %sub3A_1447 : vector<16xf32>
        %add3A_1451 = arith.addf %broadcast_in_dim3A_1404, %mul3A_1450 : vector<16xf32>
        %get3A_1452 = arith.constant 0 : i32
        %get3A_1453 = arith.constant 0 : i32
        %get3A_1454 = tpu.memref_slice %arg11[%scan3A_1007, %get3A_1452, %get3A_1453] : memref<6x64x128xf32, #tpu.memory_space<vmem>> -> memref<1x64x128xf32, #tpu.memory_space<vmem>>
        %get3A_1455 = tpu.memref_squeeze %get3A_1454 : memref<1x64x128xf32, #tpu.memory_space<vmem>> -> memref<64x128xf32, #tpu.memory_space<vmem>>
        %get3A_1456 = arith.index_cast %add3A_1407 : i32 to index
        %get3A_1457 = arith.constant 32 : index
        %get3A_1458 = tpu.vector_load %get3A_1455[%get3A_1456, %get3A_1457] {strides = array<i32>} : memref<64x128xf32, #tpu.memory_space<vmem>>, vector<16xf32>,
        %get3A_1459 = arith.constant 0 : i32
        %get3A_1460 = arith.constant 0 : i32
        %get3A_1461 = tpu.memref_slice %arg11[%scan3A_1007, %get3A_1459, %get3A_1460] : memref<6x64x128xf32, #tpu.memory_space<vmem>> -> memref<1x64x128xf32, #tpu.memory_space<vmem>>
        %get3A_1462 = tpu.memref_squeeze %get3A_1461 : memref<1x64x128xf32, #tpu.memory_space<vmem>> -> memref<64x128xf32, #tpu.memory_space<vmem>>
        %get3A_1463 = arith.index_cast %add3A_1407 : i32 to index
        %get3A_1464 = arith.constant 48 : index
        %get3A_1465 = tpu.vector_load %get3A_1462[%get3A_1463, %get3A_1464] {strides = array<i32>} : memref<64x128xf32, #tpu.memory_space<vmem>>, vector<16xf32>,
        %get3A_1466 = arith.constant 0 : i32
        %get3A_1467 = arith.constant 0 : i32
        %get3A_1468 = tpu.memref_slice %arg13[%scan3A_1008, %get3A_1466, %get3A_1467] : memref<6x64x128xf32, #tpu.memory_space<vmem>> -> memref<1x64x128xf32, #tpu.memory_space<vmem>>
        %get3A_1469 = tpu.memref_squeeze %get3A_1468 : memref<1x64x128xf32, #tpu.memory_space<vmem>> -> memref<64x128xf32, #tpu.memory_space<vmem>>
        %get3A_1470 = arith.index_cast %add3A_1407 : i32 to index
        %get3A_1471 = arith.constant 32 : index
        %get3A_1472 = tpu.vector_load %get3A_1469[%get3A_1470, %get3A_1471] {strides = array<i32>} : memref<64x128xf32, #tpu.memory_space<vmem>>, vector<16xf32>,
        %get3A_1473 = arith.constant 0 : i32
        %get3A_1474 = arith.constant 0 : i32
        %get3A_1475 = tpu.memref_slice %arg13[%scan3A_1008, %get3A_1473, %get3A_1474] : memref<6x64x128xf32, #tpu.memory_space<vmem>> -> memref<1x64x128xf32, #tpu.memory_space<vmem>>
        %get3A_1476 = tpu.memref_squeeze %get3A_1475 : memref<1x64x128xf32, #tpu.memory_space<vmem>> -> memref<64x128xf32, #tpu.memory_space<vmem>>
        %get3A_1477 = arith.index_cast %add3A_1407 : i32 to index
        %get3A_1478 = arith.constant 48 : index
        %get3A_1479 = tpu.vector_load %get3A_1476[%get3A_1477, %get3A_1478] {strides = array<i32>} : memref<64x128xf32, #tpu.memory_space<vmem>>, vector<16xf32>,
        %get3A_1480 = arith.constant 0 : i32
        %get3A_1481 = arith.constant 0 : i32
        %get3A_1482 = tpu.memref_slice %arg12[%scan3A_1009, %get3A_1480, %get3A_1481] : memref<6x64x64xi32, #tpu.memory_space<vmem>> -> memref<1x64x64xi32, #tpu.memory_space<vmem>>
        %get3A_1483 = tpu.memref_squeeze %get3A_1482 : memref<1x64x64xi32, #tpu.memory_space<vmem>> -> memref<64x64xi32, #tpu.memory_space<vmem>>
        %get3A_1484 = arith.index_cast %add3A_1407 : i32 to index
        %get3A_1485 = arith.constant 16 : index
        %get3A_1486 = tpu.vector_load %get3A_1483[%get3A_1484, %get3A_1485] {strides = array<i32>} : memref<64x64xi32, #tpu.memory_space<vmem>>, vector<16xi32>,
        %bitcast3A_1487 = vector.bitcast %get3A_1486 : vector<16xi32> to vector<32xbf16>
        %unpack3A_1488 = tpu.unpack_subelements %bitcast3A_1487, 0 {pack_format = #tpu.pack_format<interleaved>} : vector<32xbf16> -> vector<16xf32>
        %unpack3A_1489 = tpu.unpack_subelements %bitcast3A_1487, 1 {pack_format = #tpu.pack_format<interleaved>} : vector<32xbf16> -> vector<16xf32>
        %add3A_1490 = arith.addf %get3A_1458, %unpack3A_1488 : vector<16xf32>
        %sub3A_1491 = arith.subf %add3A_1490, %get3A_1472 : vector<16xf32>
        %add3A_1492 = arith.addf %get3A_1465, %unpack3A_1489 : vector<16xf32>
        %sub3A_1493 = arith.subf %add3A_1492, %get3A_1479 : vector<16xf32>
        %mul3A_1494 = arith.mulf %sub3A_1491, %sub3A_1491 : vector<16xf32>
        %add3A_1495 = arith.addf %add3A_1449, %mul3A_1494 : vector<16xf32>
        %mul3A_1496 = arith.mulf %sub3A_1493, %sub3A_1493 : vector<16xf32>
        %add3A_1497 = arith.addf %add3A_1451, %mul3A_1496 : vector<16xf32>
        %get3A_1498 = arith.constant 0 : i32
        %get3A_1499 = arith.constant 0 : i32
        %get3A_1500 = tpu.memref_slice %arg11[%scan3A_1007, %get3A_1498, %get3A_1499] : memref<6x64x128xf32, #tpu.memory_space<vmem>> -> memref<1x64x128xf32, #tpu.memory_space<vmem>>
        %get3A_1501 = tpu.memref_squeeze %get3A_1500 : memref<1x64x128xf32, #tpu.memory_space<vmem>> -> memref<64x128xf32, #tpu.memory_space<vmem>>
        %get3A_1502 = arith.index_cast %add3A_1407 : i32 to index
        %get3A_1503 = arith.constant 64 : index
        %get3A_1504 = tpu.vector_load %get3A_1501[%get3A_1502, %get3A_1503] {strides = array<i32>} : memref<64x128xf32, #tpu.memory_space<vmem>>, vector<16xf32>,
        %get3A_1505 = arith.constant 0 : i32
        %get3A_1506 = arith.constant 0 : i32
        %get3A_1507 = tpu.memref_slice %arg11[%scan3A_1007, %get3A_1505, %get3A_1506] : memref<6x64x128xf32, #tpu.memory_space<vmem>> -> memref<1x64x128xf32, #tpu.memory_space<vmem>>
        %get3A_1508 = tpu.memref_squeeze %get3A_1507 : memref<1x64x128xf32, #tpu.memory_space<vmem>> -> memref<64x128xf32, #tpu.memory_space<vmem>>
        %get3A_1509 = arith.index_cast %add3A_1407 : i32 to index
        %get3A_1510 = arith.constant 80 : index
        %get3A_1511 = tpu.vector_load %get3A_1508[%get3A_1509, %get3A_1510] {strides = array<i32>} : memref<64x128xf32, #tpu.memory_space<vmem>>, vector<16xf32>,
        %get3A_1512 = arith.constant 0 : i32
        %get3A_1513 = arith.constant 0 : i32
        %get3A_1514 = tpu.memref_slice %arg13[%scan3A_1008, %get3A_1512, %get3A_1513] : memref<6x64x128xf32, #tpu.memory_space<vmem>> -> memref<1x64x128xf32, #tpu.memory_space<vmem>>
        %get3A_1515 = tpu.memref_squeeze %get3A_1514 : memref<1x64x128xf32, #tpu.memory_space<vmem>> -> memref<64x128xf32, #tpu.memory_space<vmem>>
        %get3A_1516 = arith.index_cast %add3A_1407 : i32 to index
        %get3A_1517 = arith.constant 64 : index
        %get3A_1518 = tpu.vector_load %get3A_1515[%get3A_1516, %get3A_1517] {strides = array<i32>} : memref<64x128xf32, #tpu.memory_space<vmem>>, vector<16xf32>,
        %get3A_1519 = arith.constant 0 : i32
        %get3A_1520 = arith.constant 0 : i32
        %get3A_1521 = tpu.memref_slice %arg13[%scan3A_1008, %get3A_1519, %get3A_1520] : memref<6x64x128xf32, #tpu.memory_space<vmem>> -> memref<1x64x128xf32, #tpu.memory_space<vmem>>
        %get3A_1522 = tpu.memref_squeeze %get3A_1521 : memref<1x64x128xf32, #tpu.memory_space<vmem>> -> memref<64x128xf32, #tpu.memory_space<vmem>>
        %get3A_1523 = arith.index_cast %add3A_1407 : i32 to index
        %get3A_1524 = arith.constant 80 : index
        %get3A_1525 = tpu.vector_load %get3A_1522[%get3A_1523, %get3A_1524] {strides = array<i32>} : memref<64x128xf32, #tpu.memory_space<vmem>>, vector<16xf32>,
        %get3A_1526 = arith.constant 0 : i32
        %get3A_1527 = arith.constant 0 : i32
        %get3A_1528 = tpu.memref_slice %arg12[%scan3A_1009, %get3A_1526, %get3A_1527] : memref<6x64x64xi32, #tpu.memory_space<vmem>> -> memref<1x64x64xi32, #tpu.memory_space<vmem>>
        %get3A_1529 = tpu.memref_squeeze %get3A_1528 : memref<1x64x64xi32, #tpu.memory_space<vmem>> -> memref<64x64xi32, #tpu.memory_space<vmem>>
        %get3A_1530 = arith.index_cast %add3A_1407 : i32 to index
        %get3A_1531 = arith.constant 32 : index
        %get3A_1532 = tpu.vector_load %get3A_1529[%get3A_1530, %get3A_1531] {strides = array<i32>} : memref<64x64xi32, #tpu.memory_space<vmem>>, vector<16xi32>,
        %bitcast3A_1533 = vector.bitcast %get3A_1532 : vector<16xi32> to vector<32xbf16>
        %unpack3A_1534 = tpu.unpack_subelements %bitcast3A_1533, 0 {pack_format = #tpu.pack_format<interleaved>} : vector<32xbf16> -> vector<16xf32>
        %unpack3A_1535 = tpu.unpack_subelements %bitcast3A_1533, 1 {pack_format = #tpu.pack_format<interleaved>} : vector<32xbf16> -> vector<16xf32>
        %add3A_1536 = arith.addf %get3A_1504, %unpack3A_1534 : vector<16xf32>
        %sub3A_1537 = arith.subf %add3A_1536, %get3A_1518 : vector<16xf32>
        %add3A_1538 = arith.addf %get3A_1511, %unpack3A_1535 : vector<16xf32>
        %sub3A_1539 = arith.subf %add3A_1538, %get3A_1525 : vector<16xf32>
        %mul3A_1540 = arith.mulf %sub3A_1537, %sub3A_1537 : vector<16xf32>
        %add3A_1541 = arith.addf %add3A_1495, %mul3A_1540 : vector<16xf32>
        %mul3A_1542 = arith.mulf %sub3A_1539, %sub3A_1539 : vector<16xf32>
        %add3A_1543 = arith.addf %add3A_1497, %mul3A_1542 : vector<16xf32>
        %get3A_1544 = arith.constant 0 : i32
        %get3A_1545 = arith.constant 0 : i32
        %get3A_1546 = tpu.memref_slice %arg11[%scan3A_1007, %get3A_1544, %get3A_1545] : memref<6x64x128xf32, #tpu.memory_space<vmem>> -> memref<1x64x128xf32, #tpu.memory_space<vmem>>
        %get3A_1547 = tpu.memref_squeeze %get3A_1546 : memref<1x64x128xf32, #tpu.memory_space<vmem>> -> memref<64x128xf32, #tpu.memory_space<vmem>>
        %get3A_1548 = arith.index_cast %add3A_1407 : i32 to index
        %get3A_1549 = arith.constant 96 : index
        %get3A_1550 = tpu.vector_load %get3A_1547[%get3A_1548, %get3A_1549] {strides = array<i32>} : memref<64x128xf32, #tpu.memory_space<vmem>>, vector<16xf32>,
        %get3A_1551 = arith.constant 0 : i32
        %get3A_1552 = arith.constant 0 : i32
        %get3A_1553 = tpu.memref_slice %arg11[%scan3A_1007, %get3A_1551, %get3A_1552] : memref<6x64x128xf32, #tpu.memory_space<vmem>> -> memref<1x64x128xf32, #tpu.memory_space<vmem>>
        %get3A_1554 = tpu.memref_squeeze %get3A_1553 : memref<1x64x128xf32, #tpu.memory_space<vmem>> -> memref<64x128xf32, #tpu.memory_space<vmem>>
        %get3A_1555 = arith.index_cast %add3A_1407 : i32 to index
        %get3A_1556 = arith.constant 112 : index
        %get3A_1557 = tpu.vector_load %get3A_1554[%get3A_1555, %get3A_1556] {strides = array<i32>} : memref<64x128xf32, #tpu.memory_space<vmem>>, vector<16xf32>,
        %get3A_1558 = arith.constant 0 : i32
        %get3A_1559 = arith.constant 0 : i32
        %get3A_1560 = tpu.memref_slice %arg13[%scan3A_1008, %get3A_1558, %get3A_1559] : memref<6x64x128xf32, #tpu.memory_space<vmem>> -> memref<1x64x128xf32, #tpu.memory_space<vmem>>
        %get3A_1561 = tpu.memref_squeeze %get3A_1560 : memref<1x64x128xf32, #tpu.memory_space<vmem>> -> memref<64x128xf32, #tpu.memory_space<vmem>>
        %get3A_1562 = arith.index_cast %add3A_1407 : i32 to index
        %get3A_1563 = arith.constant 96 : index
        %get3A_1564 = tpu.vector_load %get3A_1561[%get3A_1562, %get3A_1563] {strides = array<i32>} : memref<64x128xf32, #tpu.memory_space<vmem>>, vector<16xf32>,
        %get3A_1565 = arith.constant 0 : i32
        %get3A_1566 = arith.constant 0 : i32
        %get3A_1567 = tpu.memref_slice %arg13[%scan3A_1008, %get3A_1565, %get3A_1566] : memref<6x64x128xf32, #tpu.memory_space<vmem>> -> memref<1x64x128xf32, #tpu.memory_space<vmem>>
        %get3A_1568 = tpu.memref_squeeze %get3A_1567 : memref<1x64x128xf32, #tpu.memory_space<vmem>> -> memref<64x128xf32, #tpu.memory_space<vmem>>
        %get3A_1569 = arith.index_cast %add3A_1407 : i32 to index
        %get3A_1570 = arith.constant 112 : index
        %get3A_1571 = tpu.vector_load %get3A_1568[%get3A_1569, %get3A_1570] {strides = array<i32>} : memref<64x128xf32, #tpu.memory_space<vmem>>, vector<16xf32>,
        %get3A_1572 = arith.constant 0 : i32
        %get3A_1573 = arith.constant 0 : i32
        %get3A_1574 = tpu.memref_slice %arg12[%scan3A_1009, %get3A_1572, %get3A_1573] : memref<6x64x64xi32, #tpu.memory_space<vmem>> -> memref<1x64x64xi32, #tpu.memory_space<vmem>>
        %get3A_1575 = tpu.memref_squeeze %get3A_1574 : memref<1x64x64xi32, #tpu.memory_space<vmem>> -> memref<64x64xi32, #tpu.memory_space<vmem>>
        %get3A_1576 = arith.index_cast %add3A_1407 : i32 to index
        %get3A_1577 = arith.constant 48 : index
        %get3A_1578 = tpu.vector_load %get3A_1575[%get3A_1576, %get3A_1577] {strides = array<i32>} : memref<64x64xi32, #tpu.memory_space<vmem>>, vector<16xi32>,
        %bitcast3A_1579 = vector.bitcast %get3A_1578 : vector<16xi32> to vector<32xbf16>
        %unpack3A_1580 = tpu.unpack_subelements %bitcast3A_1579, 0 {pack_format = #tpu.pack_format<interleaved>} : vector<32xbf16> -> vector<16xf32>
        %unpack3A_1581 = tpu.unpack_subelements %bitcast3A_1579, 1 {pack_format = #tpu.pack_format<interleaved>} : vector<32xbf16> -> vector<16xf32>
        %add3A_1582 = arith.addf %get3A_1550, %unpack3A_1580 : vector<16xf32>
        %sub3A_1583 = arith.subf %add3A_1582, %get3A_1564 : vector<16xf32>
        %add3A_1584 = arith.addf %get3A_1557, %unpack3A_1581 : vector<16xf32>
        %sub3A_1585 = arith.subf %add3A_1584, %get3A_1571 : vector<16xf32>
        %mul3A_1586 = arith.mulf %sub3A_1583, %sub3A_1583 : vector<16xf32>
        %add3A_1587 = arith.addf %add3A_1541, %mul3A_1586 : vector<16xf32>
        %mul3A_1588 = arith.mulf %sub3A_1585, %sub3A_1585 : vector<16xf32>
        %add3A_1589 = arith.addf %add3A_1543, %mul3A_1588 : vector<16xf32>
        %mul3A_1590 = arith.constant 17 : i32
        %mul3A_1591 = arith.muli %scan3A_1401, %mul3A_1590 : i32
        %add3A_1592 = vector.broadcast %mul3A_1591 : i32 to vector<16xi32>
        %add3A_1593 = arith.addi %add3A_1592, %iota3A_1003 : vector<16xi32>
        %add3A_1594 = arith.addf %add3A_1587, %add3A_1589 : vector<16xf32>
        tpu.vector_store_idx %arg15[%add3A_1593], %add3A_1594 : memref<272xf32, #tpu.memory_space<vmem>>[vector<16xi32>], vector<16xf32>,
        %scan3A_1595 = arith.constant 0 : i32
        scf.yield %scan3A_1595 : i32
      }
      %scan3A_1255 = arith.constant 16 : i32
      %gather3A = tpu.vector_load_idx %arg15[%mul3A_1006] : memref<272xf32, #tpu.memory_space<vmem>>[vector<16xi32>], vector<16xf32>,
      %add3A_1256 = arith.constant 1 : i32
      %add3A_1257 = vector.broadcast %add3A_1256 : i32 to vector<16xi32>
      %add3A_1258 = arith.addi %mul3A_1006, %add3A_1257 : vector<16xi32>
      %gather3A_1259 = tpu.vector_load_idx %arg15[%add3A_1258] : memref<272xf32, #tpu.memory_space<vmem>>[vector<16xi32>], vector<16xf32>,
      %add3A_1260 = arith.constant 2 : i32
      %add3A_1261 = vector.broadcast %add3A_1260 : i32 to vector<16xi32>
      %add3A_1262 = arith.addi %mul3A_1006, %add3A_1261 : vector<16xi32>
      %gather3A_1263 = tpu.vector_load_idx %arg15[%add3A_1262] : memref<272xf32, #tpu.memory_space<vmem>>[vector<16xi32>], vector<16xf32>,
      %add3A_1264 = arith.constant 3 : i32
      %add3A_1265 = vector.broadcast %add3A_1264 : i32 to vector<16xi32>
      %add3A_1266 = arith.addi %mul3A_1006, %add3A_1265 : vector<16xi32>
      %gather3A_1267 = tpu.vector_load_idx %arg15[%add3A_1266] : memref<272xf32, #tpu.memory_space<vmem>>[vector<16xi32>], vector<16xf32>,
      %add3A_1268 = arith.constant 4 : i32
      %add3A_1269 = vector.broadcast %add3A_1268 : i32 to vector<16xi32>
      %add3A_1270 = arith.addi %mul3A_1006, %add3A_1269 : vector<16xi32>
      %gather3A_1271 = tpu.vector_load_idx %arg15[%add3A_1270] : memref<272xf32, #tpu.memory_space<vmem>>[vector<16xi32>], vector<16xf32>,
      %add3A_1272 = arith.addf %gather3A, %gather3A_1271 : vector<16xf32>
      %add3A_1273 = arith.constant 4 : i32
      %add3A_1274 = vector.broadcast %add3A_1273 : i32 to vector<16xi32>
      %add3A_1275 = arith.addi %mul3A_1006, %add3A_1274 : vector<16xi32>
      %add3A_1276 = arith.constant 1 : i32
      %add3A_1277 = vector.broadcast %add3A_1276 : i32 to vector<16xi32>
      %add3A_1278 = arith.addi %add3A_1275, %add3A_1277 : vector<16xi32>
      %gather3A_1279 = tpu.vector_load_idx %arg15[%add3A_1278] : memref<272xf32, #tpu.memory_space<vmem>>[vector<16xi32>], vector<16xf32>,
      %add3A_1280 = arith.addf %gather3A_1259, %gather3A_1279 : vector<16xf32>
      %add3A_1281 = arith.constant 4 : i32
      %add3A_1282 = vector.broadcast %add3A_1281 : i32 to vector<16xi32>
      %add3A_1283 = arith.addi %mul3A_1006, %add3A_1282 : vector<16xi32>
      %add3A_1284 = arith.constant 2 : i32
      %add3A_1285 = vector.broadcast %add3A_1284 : i32 to vector<16xi32>
      %add3A_1286 = arith.addi %add3A_1283, %add3A_1285 : vector<16xi32>
      %gather3A_1287 = tpu.vector_load_idx %arg15[%add3A_1286] : memref<272xf32, #tpu.memory_space<vmem>>[vector<16xi32>], vector<16xf32>,
      %add3A_1288 = arith.addf %gather3A_1263, %gather3A_1287 : vector<16xf32>
      %add3A_1289 = arith.constant 4 : i32
      %add3A_1290 = vector.broadcast %add3A_1289 : i32 to vector<16xi32>
      %add3A_1291 = arith.addi %mul3A_1006, %add3A_1290 : vector<16xi32>
      %add3A_1292 = arith.constant 3 : i32
      %add3A_1293 = vector.broadcast %add3A_1292 : i32 to vector<16xi32>
      %add3A_1294 = arith.addi %add3A_1291, %add3A_1293 : vector<16xi32>
      %gather3A_1295 = tpu.vector_load_idx %arg15[%add3A_1294] : memref<272xf32, #tpu.memory_space<vmem>>[vector<16xi32>], vector<16xf32>,
      %add3A_1296 = arith.addf %gather3A_1267, %gather3A_1295 : vector<16xf32>
      %add3A_1297 = arith.constant 8 : i32
      %add3A_1298 = vector.broadcast %add3A_1297 : i32 to vector<16xi32>
      %add3A_1299 = arith.addi %mul3A_1006, %add3A_1298 : vector<16xi32>
      %gather3A_1300 = tpu.vector_load_idx %arg15[%add3A_1299] : memref<272xf32, #tpu.memory_space<vmem>>[vector<16xi32>], vector<16xf32>,
      %add3A_1301 = arith.addf %add3A_1272, %gather3A_1300 : vector<16xf32>
      %add3A_1302 = arith.constant 8 : i32
      %add3A_1303 = vector.broadcast %add3A_1302 : i32 to vector<16xi32>
      %add3A_1304 = arith.addi %mul3A_1006, %add3A_1303 : vector<16xi32>
      %add3A_1305 = arith.constant 1 : i32
      %add3A_1306 = vector.broadcast %add3A_1305 : i32 to vector<16xi32>
      %add3A_1307 = arith.addi %add3A_1304, %add3A_1306 : vector<16xi32>
      %gather3A_1308 = tpu.vector_load_idx %arg15[%add3A_1307] : memref<272xf32, #tpu.memory_space<vmem>>[vector<16xi32>], vector<16xf32>,
      %add3A_1309 = arith.addf %add3A_1280, %gather3A_1308 : vector<16xf32>
      %add3A_1310 = arith.constant 8 : i32
      %add3A_1311 = vector.broadcast %add3A_1310 : i32 to vector<16xi32>
      %add3A_1312 = arith.addi %mul3A_1006, %add3A_1311 : vector<16xi32>
      %add3A_1313 = arith.constant 2 : i32
      %add3A_1314 = vector.broadcast %add3A_1313 : i32 to vector<16xi32>
      %add3A_1315 = arith.addi %add3A_1312, %add3A_1314 : vector<16xi32>
      %gather3A_1316 = tpu.vector_load_idx %arg15[%add3A_1315] : memref<272xf32, #tpu.memory_space<vmem>>[vector<16xi32>], vector<16xf32>,
      %add3A_1317 = arith.addf %add3A_1288, %gather3A_1316 : vector<16xf32>
      %add3A_1318 = arith.constant 8 : i32
      %add3A_1319 = vector.broadcast %add3A_1318 : i32 to vector<16xi32>
      %add3A_1320 = arith.addi %mul3A_1006, %add3A_1319 : vector<16xi32>
      %add3A_1321 = arith.constant 3 : i32
      %add3A_1322 = vector.broadcast %add3A_1321 : i32 to vector<16xi32>
      %add3A_1323 = arith.addi %add3A_1320, %add3A_1322 : vector<16xi32>
      %gather3A_1324 = tpu.vector_load_idx %arg15[%add3A_1323] : memref<272xf32, #tpu.memory_space<vmem>>[vector<16xi32>], vector<16xf32>,
      %add3A_1325 = arith.addf %add3A_1296, %gather3A_1324 : vector<16xf32>
      %add3A_1326 = arith.constant 12 : i32
      %add3A_1327 = vector.broadcast %add3A_1326 : i32 to vector<16xi32>
      %add3A_1328 = arith.addi %mul3A_1006, %add3A_1327 : vector<16xi32>
      %gather3A_1329 = tpu.vector_load_idx %arg15[%add3A_1328] : memref<272xf32, #tpu.memory_space<vmem>>[vector<16xi32>], vector<16xf32>,
      %add3A_1330 = arith.addf %add3A_1301, %gather3A_1329 : vector<16xf32>
      %add3A_1331 = arith.constant 12 : i32
      %add3A_1332 = vector.broadcast %add3A_1331 : i32 to vector<16xi32>
      %add3A_1333 = arith.addi %mul3A_1006, %add3A_1332 : vector<16xi32>
      %add3A_1334 = arith.constant 1 : i32
      %add3A_1335 = vector.broadcast %add3A_1334 : i32 to vector<16xi32>
      %add3A_1336 = arith.addi %add3A_1333, %add3A_1335 : vector<16xi32>
      %gather3A_1337 = tpu.vector_load_idx %arg15[%add3A_1336] : memref<272xf32, #tpu.memory_space<vmem>>[vector<16xi32>], vector<16xf32>,
      %add3A_1338 = arith.addf %add3A_1309, %gather3A_1337 : vector<16xf32>
      %add3A_1339 = arith.constant 12 : i32
      %add3A_1340 = vector.broadcast %add3A_1339 : i32 to vector<16xi32>
      %add3A_1341 = arith.addi %mul3A_1006, %add3A_1340 : vector<16xi32>
      %add3A_1342 = arith.constant 2 : i32
      %add3A_1343 = vector.broadcast %add3A_1342 : i32 to vector<16xi32>
      %add3A_1344 = arith.addi %add3A_1341, %add3A_1343 : vector<16xi32>
      %gather3A_1345 = tpu.vector_load_idx %arg15[%add3A_1344] : memref<272xf32, #tpu.memory_space<vmem>>[vector<16xi32>], vector<16xf32>,
      %add3A_1346 = arith.addf %add3A_1317, %gather3A_1345 : vector<16xf32>
      %add3A_1347 = arith.constant 12 : i32
      %add3A_1348 = vector.broadcast %add3A_1347 : i32 to vector<16xi32>
      %add3A_1349 = arith.addi %mul3A_1006, %add3A_1348 : vector<16xi32>
      %add3A_1350 = arith.constant 3 : i32
      %add3A_1351 = vector.broadcast %add3A_1350 : i32 to vector<16xi32>
      %add3A_1352 = arith.addi %add3A_1349, %add3A_1351 : vector<16xi32>
      %gather3A_1353 = tpu.vector_load_idx %arg15[%add3A_1352] : memref<272xf32, #tpu.memory_space<vmem>>[vector<16xi32>], vector<16xf32>,
      %add3A_1354 = arith.addf %add3A_1325, %gather3A_1353 : vector<16xf32>
      %add3A_1355 = arith.addf %add3A_1330, %add3A_1338 : vector<16xf32>
      %add3A_1356 = arith.addf %add3A_1346, %add3A_1354 : vector<16xf32>
      %add3A_1357 = arith.addf %add3A_1355, %add3A_1356 : vector<16xf32>
      %bitcast3A = vector.bitcast %add3A_1357 : vector<16xf32> to vector<16xi32>
      %shift_right_arithmetic3A = arith.constant 1 : i32
      %shift_right_arithmetic3A_1358 = vector.broadcast %shift_right_arithmetic3A : i32 to vector<16xi32>
      %shift_right_arithmetic3A_1359 = arith.shrsi %bitcast3A, %shift_right_arithmetic3A_1358 : vector<16xi32>
      %sub3A = arith.constant 1597463007 : i32
      %sub3A_1360 = vector.broadcast %sub3A : i32 to vector<16xi32>
      %sub3A_1361 = arith.subi %sub3A_1360, %shift_right_arithmetic3A_1359 : vector<16xi32>
      %bitcast3A_1362 = vector.bitcast %sub3A_1361 : vector<16xi32> to vector<16xf32>
      %mul3A_1363 = arith.constant 5.000000e-01 : f32
      %mul3A_1364 = vector.broadcast %mul3A_1363 : f32 to vector<16xf32>
      %mul3A_1365 = arith.mulf %mul3A_1364, %add3A_1357 : vector<16xf32>
      %mul3A_1366 = arith.mulf %mul3A_1365, %bitcast3A_1362 : vector<16xf32>
      %mul3A_1367 = arith.mulf %mul3A_1366, %bitcast3A_1362 : vector<16xf32>
      %sub3A_1368 = arith.constant 1.500000e+00 : f32
      %sub3A_1369 = vector.broadcast %sub3A_1368 : f32 to vector<16xf32>
      %sub3A_1370 = arith.subf %sub3A_1369, %mul3A_1367 : vector<16xf32>
      %mul3A_1371 = arith.mulf %bitcast3A_1362, %sub3A_1370 : vector<16xf32>
      %mul3A_1372 = arith.constant 5.000000e-01 : f32
      %mul3A_1373 = vector.broadcast %mul3A_1372 : f32 to vector<16xf32>
      %mul3A_1374 = arith.mulf %mul3A_1373, %add3A_1357 : vector<16xf32>
      %mul3A_1375 = arith.mulf %mul3A_1374, %mul3A_1371 : vector<16xf32>
      %mul3A_1376 = arith.mulf %mul3A_1375, %mul3A_1371 : vector<16xf32>
      %sub3A_1377 = arith.constant 1.500000e+00 : f32
      %sub3A_1378 = vector.broadcast %sub3A_1377 : f32 to vector<16xf32>
      %sub3A_1379 = arith.subf %sub3A_1378, %mul3A_1376 : vector<16xf32>
      %mul3A_1380 = arith.mulf %mul3A_1371, %sub3A_1379 : vector<16xf32>
      %mul3A_1381 = arith.constant 5.000000e-01 : f32
      %mul3A_1382 = vector.broadcast %mul3A_1381 : f32 to vector<16xf32>
      %mul3A_1383 = arith.mulf %mul3A_1382, %add3A_1357 : vector<16xf32>
      %mul3A_1384 = arith.mulf %mul3A_1383, %mul3A_1380 : vector<16xf32>
      %mul3A_1385 = arith.mulf %mul3A_1384, %mul3A_1380 : vector<16xf32>
      %sub3A_1386 = arith.constant 1.500000e+00 : f32
      %sub3A_1387 = vector.broadcast %sub3A_1386 : f32 to vector<16xf32>
      %sub3A_1388 = arith.subf %sub3A_1387, %mul3A_1385 : vector<16xf32>
      %mul3A_1389 = arith.mulf %mul3A_1380, %sub3A_1388 : vector<16xf32>
      %gt3A = arith.constant 0.000000e+00 : f32
      %gt3A_1390 = vector.broadcast %gt3A : f32 to vector<16xf32>
      %gt3A_1391 = arith.cmpf ogt, %add3A_1357, %gt3A_1390 : vector<16xf32>
      %mul3A_1392 = arith.mulf %add3A_1357, %mul3A_1389 : vector<16xf32>
      %jit3A = arith.constant 0.000000e+00 : f32
      %broadcast_in_dim3A = vector.broadcast %jit3A : f32 to vector<16xf32>
      %select_n3A = arith.select %gt3A_1391, %mul3A_1392, %broadcast_in_dim3A : vector<16xi1>, vector<16xf32>
      %neg3A = arith.constant 0.000000e+00 : f32
      %neg3A_1393 = vector.broadcast %neg3A : f32 to vector<16xf32>
      %neg3A_1394 = arith.subf %neg3A_1393, %select_n3A : vector<16xf32>
      %mul3A_1395 = arith.constant 16 : i32
      %mul3A_1396 = arith.muli %scan3A_1247, %mul3A_1395 : i32
      %add3A_1397 = arith.constant 256 : i32
      %add3A_1398 = arith.addi %add3A_1397, %mul3A_1396 : i32
      %swap3A = arith.index_cast %add3A_1398 : i32 to index
      %swap3A_1399 = tpu.vector_load %arg14[%swap3A] {strides = array<i32>} : memref<512xf32, #tpu.memory_space<vmem>>, vector<16xf32>,
      tpu.vector_store %arg14[%swap3A], %neg3A_1394 {strides = array<i32>} : memref<512xf32, #tpu.memory_space<vmem>>, vector<16xf32>,
      %scan3A_1400 = arith.constant 0 : i32
      scf.yield %scan3A_1400 : i32
    }
    %scan3A_1016 = arith.constant 4 : i32
    %add3A_1017 = arith.constant 256 : i32
    %add3A_1018 = arith.addi %mul3A_2, %add3A_1017 : i32
    %dma_start3A_1019 = arith.constant 256 : i32
    %dma_start3A_1020 = tpu.memref_slice %arg14[%dma_start3A_1019] : memref<512xf32, #tpu.memory_space<vmem>> -> memref<64xf32, #tpu.memory_space<vmem>>
    %dma_start3A_1021 = tpu.memref_slice %arg7[%add3A_1018] : memref<16384xf32, #tpu.memory_space<hbm>> -> memref<64xf32, #tpu.memory_space<hbm>>
    %dma_start3A_1022 = tpu.memref_slice %arg7[%add3A_1018] : memref<16384xf32, #tpu.memory_space<hbm>> -> memref<64xf32, #tpu.memory_space<hbm>>
    %dma_start3A_1023 = arith.constant 256 : i32
    %dma_start3A_1024 = tpu.memref_slice %arg14[%dma_start3A_1023] : memref<512xf32, #tpu.memory_space<vmem>> -> memref<64xf32, #tpu.memory_space<vmem>>
    tpu.enqueue_dma source(%dma_start3A_1024 : memref<64xf32, #tpu.memory_space<vmem>>) target(%dma_start3A_1022 : memref<64xf32, #tpu.memory_space<hbm>>) target_semaphore(%arg22 : memref<!tpu.dma_semaphore, #tpu.memory_space<semaphore_mem>>)
    %dma_wait3A_1025 = arith.constant 5 : i32
    %dma_wait3A_1026 = arith.constant 5 : i32
    %dma_wait3A_1027 = arith.constant 0 : i32
    %dma_wait3A_1028 = arith.constant 0 : i32
    %dma_wait3A_1029 = tpu.memref_slice %arg11[%dma_wait3A_1026, %dma_wait3A_1027, %dma_wait3A_1028] : memref<6x64x128xf32, #tpu.memory_space<vmem>> -> memref<1x64x128xf32, #tpu.memory_space<vmem>>
    %dma_wait3A_1030 = tpu.memref_squeeze %dma_wait3A_1029 : memref<1x64x128xf32, #tpu.memory_space<vmem>> -> memref<64x128xf32, #tpu.memory_space<vmem>>
    %dma_wait3A_1031 = arith.constant 0 : i32
    %dma_wait3A_1032 = tpu.memref_slice %arg8[%dma_wait3A_1025, %dma_wait3A_1031] : memref<8x64xi32, #tpu.memory_space<vmem>> -> memref<1x64xi32, #tpu.memory_space<vmem>>
    %dma_wait3A_1033 = tpu.memref_squeeze %dma_wait3A_1032 : memref<1x64xi32, #tpu.memory_space<vmem>> -> memref<64xi32, #tpu.memory_space<vmem>>
    %dma_wait3A_1034 = arith.constant 0 : i32
    %dma_wait3A_1035 = arith.constant 0 : i32
    %dma_wait3A_1036 = tpu.memref_slice %arg5[%dma_wait3A_1034, %dma_wait3A_1035] : memref<100000x128xf32, #tpu.memory_space<hbm>> -> memref<100000x128xf32, #tpu.memory_space<hbm>>
    tpu.wait_indirect_dma semaphore(%arg21 : memref<!tpu.dma_semaphore, #tpu.memory_space<semaphore_mem>>) src(%dma_wait3A_1036 : memref<100000x128xf32, #tpu.memory_space<hbm>>) dst(%dma_wait3A_1030 : memref<64x128xf32, #tpu.memory_space<vmem>>)
    %dma_wait3A_1037 = arith.constant 5 : i32
    %dma_wait3A_1038 = arith.constant 5 : i32
    %dma_wait3A_1039 = arith.constant 0 : i32
    %dma_wait3A_1040 = arith.constant 0 : i32
    %dma_wait3A_1041 = tpu.memref_slice %arg12[%dma_wait3A_1038, %dma_wait3A_1039, %dma_wait3A_1040] : memref<6x64x64xi32, #tpu.memory_space<vmem>> -> memref<1x64x64xi32, #tpu.memory_space<vmem>>
    %dma_wait3A_1042 = tpu.memref_squeeze %dma_wait3A_1041 : memref<1x64x64xi32, #tpu.memory_space<vmem>> -> memref<64x64xi32, #tpu.memory_space<vmem>>
    %dma_wait3A_1043 = arith.constant 0 : i32
    %dma_wait3A_1044 = tpu.memref_slice %arg9[%dma_wait3A_1037, %dma_wait3A_1043] : memref<8x64xi32, #tpu.memory_space<vmem>> -> memref<1x64xi32, #tpu.memory_space<vmem>>
    %dma_wait3A_1045 = tpu.memref_squeeze %dma_wait3A_1044 : memref<1x64xi32, #tpu.memory_space<vmem>> -> memref<64xi32, #tpu.memory_space<vmem>>
    %dma_wait3A_1046 = arith.constant 0 : i32
    %dma_wait3A_1047 = arith.constant 0 : i32
    %dma_wait3A_1048 = tpu.memref_slice %arg6[%dma_wait3A_1046, %dma_wait3A_1047] : memref<1000x64xi32, #tpu.memory_space<hbm>> -> memref<1000x64xi32, #tpu.memory_space<hbm>>
    tpu.wait_indirect_dma semaphore(%arg21 : memref<!tpu.dma_semaphore, #tpu.memory_space<semaphore_mem>>) src(%dma_wait3A_1048 : memref<1000x64xi32, #tpu.memory_space<hbm>>) dst(%dma_wait3A_1042 : memref<64x64xi32, #tpu.memory_space<vmem>>)
    %dma_wait3A_1049 = arith.constant 5 : i32
    %dma_wait3A_1050 = arith.constant 5 : i32
    %dma_wait3A_1051 = arith.constant 0 : i32
    %dma_wait3A_1052 = arith.constant 0 : i32
    %dma_wait3A_1053 = tpu.memref_slice %arg13[%dma_wait3A_1050, %dma_wait3A_1051, %dma_wait3A_1052] : memref<6x64x128xf32, #tpu.memory_space<vmem>> -> memref<1x64x128xf32, #tpu.memory_space<vmem>>
    %dma_wait3A_1054 = tpu.memref_squeeze %dma_wait3A_1053 : memref<1x64x128xf32, #tpu.memory_space<vmem>> -> memref<64x128xf32, #tpu.memory_space<vmem>>
    %dma_wait3A_1055 = arith.constant 0 : i32
    %dma_wait3A_1056 = tpu.memref_slice %arg10[%dma_wait3A_1049, %dma_wait3A_1055] : memref<8x64xi32, #tpu.memory_space<vmem>> -> memref<1x64xi32, #tpu.memory_space<vmem>>
    %dma_wait3A_1057 = tpu.memref_squeeze %dma_wait3A_1056 : memref<1x64xi32, #tpu.memory_space<vmem>> -> memref<64xi32, #tpu.memory_space<vmem>>
    %dma_wait3A_1058 = arith.constant 0 : i32
    %dma_wait3A_1059 = arith.constant 0 : i32
    %dma_wait3A_1060 = tpu.memref_slice %arg5[%dma_wait3A_1058, %dma_wait3A_1059] : memref<100000x128xf32, #tpu.memory_space<hbm>> -> memref<100000x128xf32, #tpu.memory_space<hbm>>
    tpu.wait_indirect_dma semaphore(%arg21 : memref<!tpu.dma_semaphore, #tpu.memory_space<semaphore_mem>>) src(%dma_wait3A_1060 : memref<100000x128xf32, #tpu.memory_space<hbm>>) dst(%dma_wait3A_1054 : memref<64x128xf32, #tpu.memory_space<vmem>>)
    %iota3A_1061 = tpu.iota {dimensions = array<i32: 0>} : vector<16xi32>
    %mul3A_1062 = arith.constant 17 : i32
    %mul3A_1063 = vector.broadcast %mul3A_1062 : i32 to vector<16xi32>
    %mul3A_1064 = arith.muli %iota3A_1061, %mul3A_1063 : vector<16xi32>
    %scan3A_1065 = arith.constant 5 : i32
    %scan3A_1066 = arith.constant 5 : i32
    %scan3A_1067 = arith.constant 5 : i32
    %scan3A_1068 = arith.constant 0 : i32
    %scan3A_1069 = arith.constant 0 : i32
    %scan3A_1070 = arith.constant 4 : i32
    %scan3A_1071 = arith.addi %scan3A_1069, %scan3A_1070 : i32
    %scan3A_1072 = arith.constant 1 : i32
    %scan3A_1073 = scf.for %scan3A_1247 = %scan3A_1069 to %scan3A_1071 step %scan3A_1072 iter_args(%scan3A_1248 = %scan3A_1068) -> (i32)  : i32 {
      %scan3A_1249 = arith.constant 0 : i32
      %scan3A_1250 = arith.constant 0 : i32
      %scan3A_1251 = arith.constant 16 : i32
      %scan3A_1252 = arith.addi %scan3A_1250, %scan3A_1251 : i32
      %scan3A_1253 = arith.constant 1 : i32
      %scan3A_1254 = scf.for %scan3A_1401 = %scan3A_1250 to %scan3A_1252 step %scan3A_1253 iter_args(%scan3A_1402 = %scan3A_1249) -> (i32)  : i32 {
        %broadcast_in_dim3A_1403 = arith.constant 0.000000e+00 : f32
        %broadcast_in_dim3A_1404 = vector.broadcast %broadcast_in_dim3A_1403 : f32 to vector<16xf32>
        %mul3A_1405 = arith.constant 16 : i32
        %mul3A_1406 = arith.muli %scan3A_1247, %mul3A_1405 : i32
        %add3A_1407 = arith.addi %mul3A_1406, %scan3A_1401 : i32
        %get3A = arith.constant 0 : i32
        %get3A_1408 = arith.constant 0 : i32
        %get3A_1409 = tpu.memref_slice %arg11[%scan3A_1065, %get3A, %get3A_1408] : memref<6x64x128xf32, #tpu.memory_space<vmem>> -> memref<1x64x128xf32, #tpu.memory_space<vmem>>
        %get3A_1410 = tpu.memref_squeeze %get3A_1409 : memref<1x64x128xf32, #tpu.memory_space<vmem>> -> memref<64x128xf32, #tpu.memory_space<vmem>>
        %get3A_1411 = arith.index_cast %add3A_1407 : i32 to index
        %get3A_1412 = arith.constant 0 : index
        %get3A_1413 = tpu.vector_load %get3A_1410[%get3A_1411, %get3A_1412] {strides = array<i32>} : memref<64x128xf32, #tpu.memory_space<vmem>>, vector<16xf32>,
        %get3A_1414 = arith.constant 0 : i32
        %get3A_1415 = arith.constant 0 : i32
        %get3A_1416 = tpu.memref_slice %arg11[%scan3A_1065, %get3A_1414, %get3A_1415] : memref<6x64x128xf32, #tpu.memory_space<vmem>> -> memref<1x64x128xf32, #tpu.memory_space<vmem>>
        %get3A_1417 = tpu.memref_squeeze %get3A_1416 : memref<1x64x128xf32, #tpu.memory_space<vmem>> -> memref<64x128xf32, #tpu.memory_space<vmem>>
        %get3A_1418 = arith.index_cast %add3A_1407 : i32 to index
        %get3A_1419 = arith.constant 16 : index
        %get3A_1420 = tpu.vector_load %get3A_1417[%get3A_1418, %get3A_1419] {strides = array<i32>} : memref<64x128xf32, #tpu.memory_space<vmem>>, vector<16xf32>,
        %get3A_1421 = arith.constant 0 : i32
        %get3A_1422 = arith.constant 0 : i32
        %get3A_1423 = tpu.memref_slice %arg13[%scan3A_1066, %get3A_1421, %get3A_1422] : memref<6x64x128xf32, #tpu.memory_space<vmem>> -> memref<1x64x128xf32, #tpu.memory_space<vmem>>
        %get3A_1424 = tpu.memref_squeeze %get3A_1423 : memref<1x64x128xf32, #tpu.memory_space<vmem>> -> memref<64x128xf32, #tpu.memory_space<vmem>>
        %get3A_1425 = arith.index_cast %add3A_1407 : i32 to index
        %get3A_1426 = arith.constant 0 : index
        %get3A_1427 = tpu.vector_load %get3A_1424[%get3A_1425, %get3A_1426] {strides = array<i32>} : memref<64x128xf32, #tpu.memory_space<vmem>>, vector<16xf32>,
        %get3A_1428 = arith.constant 0 : i32
        %get3A_1429 = arith.constant 0 : i32
        %get3A_1430 = tpu.memref_slice %arg13[%scan3A_1066, %get3A_1428, %get3A_1429] : memref<6x64x128xf32, #tpu.memory_space<vmem>> -> memref<1x64x128xf32, #tpu.memory_space<vmem>>
        %get3A_1431 = tpu.memref_squeeze %get3A_1430 : memref<1x64x128xf32, #tpu.memory_space<vmem>> -> memref<64x128xf32, #tpu.memory_space<vmem>>
        %get3A_1432 = arith.index_cast %add3A_1407 : i32 to index
        %get3A_1433 = arith.constant 16 : index
        %get3A_1434 = tpu.vector_load %get3A_1431[%get3A_1432, %get3A_1433] {strides = array<i32>} : memref<64x128xf32, #tpu.memory_space<vmem>>, vector<16xf32>,
        %get3A_1435 = arith.constant 0 : i32
        %get3A_1436 = arith.constant 0 : i32
        %get3A_1437 = tpu.memref_slice %arg12[%scan3A_1067, %get3A_1435, %get3A_1436] : memref<6x64x64xi32, #tpu.memory_space<vmem>> -> memref<1x64x64xi32, #tpu.memory_space<vmem>>
        %get3A_1438 = tpu.memref_squeeze %get3A_1437 : memref<1x64x64xi32, #tpu.memory_space<vmem>> -> memref<64x64xi32, #tpu.memory_space<vmem>>
        %get3A_1439 = arith.index_cast %add3A_1407 : i32 to index
        %get3A_1440 = arith.constant 0 : index
        %get3A_1441 = tpu.vector_load %get3A_1438[%get3A_1439, %get3A_1440] {strides = array<i32>} : memref<64x64xi32, #tpu.memory_space<vmem>>, vector<16xi32>,
        %bitcast3A_1442 = vector.bitcast %get3A_1441 : vector<16xi32> to vector<32xbf16>
        %unpack3A = tpu.unpack_subelements %bitcast3A_1442, 0 {pack_format = #tpu.pack_format<interleaved>} : vector<32xbf16> -> vector<16xf32>
        %unpack3A_1443 = tpu.unpack_subelements %bitcast3A_1442, 1 {pack_format = #tpu.pack_format<interleaved>} : vector<32xbf16> -> vector<16xf32>
        %add3A_1444 = arith.addf %get3A_1413, %unpack3A : vector<16xf32>
        %sub3A_1445 = arith.subf %add3A_1444, %get3A_1427 : vector<16xf32>
        %add3A_1446 = arith.addf %get3A_1420, %unpack3A_1443 : vector<16xf32>
        %sub3A_1447 = arith.subf %add3A_1446, %get3A_1434 : vector<16xf32>
        %mul3A_1448 = arith.mulf %sub3A_1445, %sub3A_1445 : vector<16xf32>
        %add3A_1449 = arith.addf %broadcast_in_dim3A_1404, %mul3A_1448 : vector<16xf32>
        %mul3A_1450 = arith.mulf %sub3A_1447, %sub3A_1447 : vector<16xf32>
        %add3A_1451 = arith.addf %broadcast_in_dim3A_1404, %mul3A_1450 : vector<16xf32>
        %get3A_1452 = arith.constant 0 : i32
        %get3A_1453 = arith.constant 0 : i32
        %get3A_1454 = tpu.memref_slice %arg11[%scan3A_1065, %get3A_1452, %get3A_1453] : memref<6x64x128xf32, #tpu.memory_space<vmem>> -> memref<1x64x128xf32, #tpu.memory_space<vmem>>
        %get3A_1455 = tpu.memref_squeeze %get3A_1454 : memref<1x64x128xf32, #tpu.memory_space<vmem>> -> memref<64x128xf32, #tpu.memory_space<vmem>>
        %get3A_1456 = arith.index_cast %add3A_1407 : i32 to index
        %get3A_1457 = arith.constant 32 : index
        %get3A_1458 = tpu.vector_load %get3A_1455[%get3A_1456, %get3A_1457] {strides = array<i32>} : memref<64x128xf32, #tpu.memory_space<vmem>>, vector<16xf32>,
        %get3A_1459 = arith.constant 0 : i32
        %get3A_1460 = arith.constant 0 : i32
        %get3A_1461 = tpu.memref_slice %arg11[%scan3A_1065, %get3A_1459, %get3A_1460] : memref<6x64x128xf32, #tpu.memory_space<vmem>> -> memref<1x64x128xf32, #tpu.memory_space<vmem>>
        %get3A_1462 = tpu.memref_squeeze %get3A_1461 : memref<1x64x128xf32, #tpu.memory_space<vmem>> -> memref<64x128xf32, #tpu.memory_space<vmem>>
        %get3A_1463 = arith.index_cast %add3A_1407 : i32 to index
        %get3A_1464 = arith.constant 48 : index
        %get3A_1465 = tpu.vector_load %get3A_1462[%get3A_1463, %get3A_1464] {strides = array<i32>} : memref<64x128xf32, #tpu.memory_space<vmem>>, vector<16xf32>,
        %get3A_1466 = arith.constant 0 : i32
        %get3A_1467 = arith.constant 0 : i32
        %get3A_1468 = tpu.memref_slice %arg13[%scan3A_1066, %get3A_1466, %get3A_1467] : memref<6x64x128xf32, #tpu.memory_space<vmem>> -> memref<1x64x128xf32, #tpu.memory_space<vmem>>
        %get3A_1469 = tpu.memref_squeeze %get3A_1468 : memref<1x64x128xf32, #tpu.memory_space<vmem>> -> memref<64x128xf32, #tpu.memory_space<vmem>>
        %get3A_1470 = arith.index_cast %add3A_1407 : i32 to index
        %get3A_1471 = arith.constant 32 : index
        %get3A_1472 = tpu.vector_load %get3A_1469[%get3A_1470, %get3A_1471] {strides = array<i32>} : memref<64x128xf32, #tpu.memory_space<vmem>>, vector<16xf32>,
        %get3A_1473 = arith.constant 0 : i32
        %get3A_1474 = arith.constant 0 : i32
        %get3A_1475 = tpu.memref_slice %arg13[%scan3A_1066, %get3A_1473, %get3A_1474] : memref<6x64x128xf32, #tpu.memory_space<vmem>> -> memref<1x64x128xf32, #tpu.memory_space<vmem>>
        %get3A_1476 = tpu.memref_squeeze %get3A_1475 : memref<1x64x128xf32, #tpu.memory_space<vmem>> -> memref<64x128xf32, #tpu.memory_space<vmem>>
        %get3A_1477 = arith.index_cast %add3A_1407 : i32 to index
        %get3A_1478 = arith.constant 48 : index
        %get3A_1479 = tpu.vector_load %get3A_1476[%get3A_1477, %get3A_1478] {strides = array<i32>} : memref<64x128xf32, #tpu.memory_space<vmem>>, vector<16xf32>,
        %get3A_1480 = arith.constant 0 : i32
        %get3A_1481 = arith.constant 0 : i32
        %get3A_1482 = tpu.memref_slice %arg12[%scan3A_1067, %get3A_1480, %get3A_1481] : memref<6x64x64xi32, #tpu.memory_space<vmem>> -> memref<1x64x64xi32, #tpu.memory_space<vmem>>
        %get3A_1483 = tpu.memref_squeeze %get3A_1482 : memref<1x64x64xi32, #tpu.memory_space<vmem>> -> memref<64x64xi32, #tpu.memory_space<vmem>>
        %get3A_1484 = arith.index_cast %add3A_1407 : i32 to index
        %get3A_1485 = arith.constant 16 : index
        %get3A_1486 = tpu.vector_load %get3A_1483[%get3A_1484, %get3A_1485] {strides = array<i32>} : memref<64x64xi32, #tpu.memory_space<vmem>>, vector<16xi32>,
        %bitcast3A_1487 = vector.bitcast %get3A_1486 : vector<16xi32> to vector<32xbf16>
        %unpack3A_1488 = tpu.unpack_subelements %bitcast3A_1487, 0 {pack_format = #tpu.pack_format<interleaved>} : vector<32xbf16> -> vector<16xf32>
        %unpack3A_1489 = tpu.unpack_subelements %bitcast3A_1487, 1 {pack_format = #tpu.pack_format<interleaved>} : vector<32xbf16> -> vector<16xf32>
        %add3A_1490 = arith.addf %get3A_1458, %unpack3A_1488 : vector<16xf32>
        %sub3A_1491 = arith.subf %add3A_1490, %get3A_1472 : vector<16xf32>
        %add3A_1492 = arith.addf %get3A_1465, %unpack3A_1489 : vector<16xf32>
        %sub3A_1493 = arith.subf %add3A_1492, %get3A_1479 : vector<16xf32>
        %mul3A_1494 = arith.mulf %sub3A_1491, %sub3A_1491 : vector<16xf32>
        %add3A_1495 = arith.addf %add3A_1449, %mul3A_1494 : vector<16xf32>
        %mul3A_1496 = arith.mulf %sub3A_1493, %sub3A_1493 : vector<16xf32>
        %add3A_1497 = arith.addf %add3A_1451, %mul3A_1496 : vector<16xf32>
        %get3A_1498 = arith.constant 0 : i32
        %get3A_1499 = arith.constant 0 : i32
        %get3A_1500 = tpu.memref_slice %arg11[%scan3A_1065, %get3A_1498, %get3A_1499] : memref<6x64x128xf32, #tpu.memory_space<vmem>> -> memref<1x64x128xf32, #tpu.memory_space<vmem>>
        %get3A_1501 = tpu.memref_squeeze %get3A_1500 : memref<1x64x128xf32, #tpu.memory_space<vmem>> -> memref<64x128xf32, #tpu.memory_space<vmem>>
        %get3A_1502 = arith.index_cast %add3A_1407 : i32 to index
        %get3A_1503 = arith.constant 64 : index
        %get3A_1504 = tpu.vector_load %get3A_1501[%get3A_1502, %get3A_1503] {strides = array<i32>} : memref<64x128xf32, #tpu.memory_space<vmem>>, vector<16xf32>,
        %get3A_1505 = arith.constant 0 : i32
        %get3A_1506 = arith.constant 0 : i32
        %get3A_1507 = tpu.memref_slice %arg11[%scan3A_1065, %get3A_1505, %get3A_1506] : memref<6x64x128xf32, #tpu.memory_space<vmem>> -> memref<1x64x128xf32, #tpu.memory_space<vmem>>
        %get3A_1508 = tpu.memref_squeeze %get3A_1507 : memref<1x64x128xf32, #tpu.memory_space<vmem>> -> memref<64x128xf32, #tpu.memory_space<vmem>>
        %get3A_1509 = arith.index_cast %add3A_1407 : i32 to index
        %get3A_1510 = arith.constant 80 : index
        %get3A_1511 = tpu.vector_load %get3A_1508[%get3A_1509, %get3A_1510] {strides = array<i32>} : memref<64x128xf32, #tpu.memory_space<vmem>>, vector<16xf32>,
        %get3A_1512 = arith.constant 0 : i32
        %get3A_1513 = arith.constant 0 : i32
        %get3A_1514 = tpu.memref_slice %arg13[%scan3A_1066, %get3A_1512, %get3A_1513] : memref<6x64x128xf32, #tpu.memory_space<vmem>> -> memref<1x64x128xf32, #tpu.memory_space<vmem>>
        %get3A_1515 = tpu.memref_squeeze %get3A_1514 : memref<1x64x128xf32, #tpu.memory_space<vmem>> -> memref<64x128xf32, #tpu.memory_space<vmem>>
        %get3A_1516 = arith.index_cast %add3A_1407 : i32 to index
        %get3A_1517 = arith.constant 64 : index
        %get3A_1518 = tpu.vector_load %get3A_1515[%get3A_1516, %get3A_1517] {strides = array<i32>} : memref<64x128xf32, #tpu.memory_space<vmem>>, vector<16xf32>,
        %get3A_1519 = arith.constant 0 : i32
        %get3A_1520 = arith.constant 0 : i32
        %get3A_1521 = tpu.memref_slice %arg13[%scan3A_1066, %get3A_1519, %get3A_1520] : memref<6x64x128xf32, #tpu.memory_space<vmem>> -> memref<1x64x128xf32, #tpu.memory_space<vmem>>
        %get3A_1522 = tpu.memref_squeeze %get3A_1521 : memref<1x64x128xf32, #tpu.memory_space<vmem>> -> memref<64x128xf32, #tpu.memory_space<vmem>>
        %get3A_1523 = arith.index_cast %add3A_1407 : i32 to index
        %get3A_1524 = arith.constant 80 : index
        %get3A_1525 = tpu.vector_load %get3A_1522[%get3A_1523, %get3A_1524] {strides = array<i32>} : memref<64x128xf32, #tpu.memory_space<vmem>>, vector<16xf32>,
        %get3A_1526 = arith.constant 0 : i32
        %get3A_1527 = arith.constant 0 : i32
        %get3A_1528 = tpu.memref_slice %arg12[%scan3A_1067, %get3A_1526, %get3A_1527] : memref<6x64x64xi32, #tpu.memory_space<vmem>> -> memref<1x64x64xi32, #tpu.memory_space<vmem>>
        %get3A_1529 = tpu.memref_squeeze %get3A_1528 : memref<1x64x64xi32, #tpu.memory_space<vmem>> -> memref<64x64xi32, #tpu.memory_space<vmem>>
        %get3A_1530 = arith.index_cast %add3A_1407 : i32 to index
        %get3A_1531 = arith.constant 32 : index
        %get3A_1532 = tpu.vector_load %get3A_1529[%get3A_1530, %get3A_1531] {strides = array<i32>} : memref<64x64xi32, #tpu.memory_space<vmem>>, vector<16xi32>,
        %bitcast3A_1533 = vector.bitcast %get3A_1532 : vector<16xi32> to vector<32xbf16>
        %unpack3A_1534 = tpu.unpack_subelements %bitcast3A_1533, 0 {pack_format = #tpu.pack_format<interleaved>} : vector<32xbf16> -> vector<16xf32>
        %unpack3A_1535 = tpu.unpack_subelements %bitcast3A_1533, 1 {pack_format = #tpu.pack_format<interleaved>} : vector<32xbf16> -> vector<16xf32>
        %add3A_1536 = arith.addf %get3A_1504, %unpack3A_1534 : vector<16xf32>
        %sub3A_1537 = arith.subf %add3A_1536, %get3A_1518 : vector<16xf32>
        %add3A_1538 = arith.addf %get3A_1511, %unpack3A_1535 : vector<16xf32>
        %sub3A_1539 = arith.subf %add3A_1538, %get3A_1525 : vector<16xf32>
        %mul3A_1540 = arith.mulf %sub3A_1537, %sub3A_1537 : vector<16xf32>
        %add3A_1541 = arith.addf %add3A_1495, %mul3A_1540 : vector<16xf32>
        %mul3A_1542 = arith.mulf %sub3A_1539, %sub3A_1539 : vector<16xf32>
        %add3A_1543 = arith.addf %add3A_1497, %mul3A_1542 : vector<16xf32>
        %get3A_1544 = arith.constant 0 : i32
        %get3A_1545 = arith.constant 0 : i32
        %get3A_1546 = tpu.memref_slice %arg11[%scan3A_1065, %get3A_1544, %get3A_1545] : memref<6x64x128xf32, #tpu.memory_space<vmem>> -> memref<1x64x128xf32, #tpu.memory_space<vmem>>
        %get3A_1547 = tpu.memref_squeeze %get3A_1546 : memref<1x64x128xf32, #tpu.memory_space<vmem>> -> memref<64x128xf32, #tpu.memory_space<vmem>>
        %get3A_1548 = arith.index_cast %add3A_1407 : i32 to index
        %get3A_1549 = arith.constant 96 : index
        %get3A_1550 = tpu.vector_load %get3A_1547[%get3A_1548, %get3A_1549] {strides = array<i32>} : memref<64x128xf32, #tpu.memory_space<vmem>>, vector<16xf32>,
        %get3A_1551 = arith.constant 0 : i32
        %get3A_1552 = arith.constant 0 : i32
        %get3A_1553 = tpu.memref_slice %arg11[%scan3A_1065, %get3A_1551, %get3A_1552] : memref<6x64x128xf32, #tpu.memory_space<vmem>> -> memref<1x64x128xf32, #tpu.memory_space<vmem>>
        %get3A_1554 = tpu.memref_squeeze %get3A_1553 : memref<1x64x128xf32, #tpu.memory_space<vmem>> -> memref<64x128xf32, #tpu.memory_space<vmem>>
        %get3A_1555 = arith.index_cast %add3A_1407 : i32 to index
        %get3A_1556 = arith.constant 112 : index
        %get3A_1557 = tpu.vector_load %get3A_1554[%get3A_1555, %get3A_1556] {strides = array<i32>} : memref<64x128xf32, #tpu.memory_space<vmem>>, vector<16xf32>,
        %get3A_1558 = arith.constant 0 : i32
        %get3A_1559 = arith.constant 0 : i32
        %get3A_1560 = tpu.memref_slice %arg13[%scan3A_1066, %get3A_1558, %get3A_1559] : memref<6x64x128xf32, #tpu.memory_space<vmem>> -> memref<1x64x128xf32, #tpu.memory_space<vmem>>
        %get3A_1561 = tpu.memref_squeeze %get3A_1560 : memref<1x64x128xf32, #tpu.memory_space<vmem>> -> memref<64x128xf32, #tpu.memory_space<vmem>>
        %get3A_1562 = arith.index_cast %add3A_1407 : i32 to index
        %get3A_1563 = arith.constant 96 : index
        %get3A_1564 = tpu.vector_load %get3A_1561[%get3A_1562, %get3A_1563] {strides = array<i32>} : memref<64x128xf32, #tpu.memory_space<vmem>>, vector<16xf32>,
        %get3A_1565 = arith.constant 0 : i32
        %get3A_1566 = arith.constant 0 : i32
        %get3A_1567 = tpu.memref_slice %arg13[%scan3A_1066, %get3A_1565, %get3A_1566] : memref<6x64x128xf32, #tpu.memory_space<vmem>> -> memref<1x64x128xf32, #tpu.memory_space<vmem>>
        %get3A_1568 = tpu.memref_squeeze %get3A_1567 : memref<1x64x128xf32, #tpu.memory_space<vmem>> -> memref<64x128xf32, #tpu.memory_space<vmem>>
        %get3A_1569 = arith.index_cast %add3A_1407 : i32 to index
        %get3A_1570 = arith.constant 112 : index
        %get3A_1571 = tpu.vector_load %get3A_1568[%get3A_1569, %get3A_1570] {strides = array<i32>} : memref<64x128xf32, #tpu.memory_space<vmem>>, vector<16xf32>,
        %get3A_1572 = arith.constant 0 : i32
        %get3A_1573 = arith.constant 0 : i32
        %get3A_1574 = tpu.memref_slice %arg12[%scan3A_1067, %get3A_1572, %get3A_1573] : memref<6x64x64xi32, #tpu.memory_space<vmem>> -> memref<1x64x64xi32, #tpu.memory_space<vmem>>
        %get3A_1575 = tpu.memref_squeeze %get3A_1574 : memref<1x64x64xi32, #tpu.memory_space<vmem>> -> memref<64x64xi32, #tpu.memory_space<vmem>>
        %get3A_1576 = arith.index_cast %add3A_1407 : i32 to index
        %get3A_1577 = arith.constant 48 : index
        %get3A_1578 = tpu.vector_load %get3A_1575[%get3A_1576, %get3A_1577] {strides = array<i32>} : memref<64x64xi32, #tpu.memory_space<vmem>>, vector<16xi32>,
        %bitcast3A_1579 = vector.bitcast %get3A_1578 : vector<16xi32> to vector<32xbf16>
        %unpack3A_1580 = tpu.unpack_subelements %bitcast3A_1579, 0 {pack_format = #tpu.pack_format<interleaved>} : vector<32xbf16> -> vector<16xf32>
        %unpack3A_1581 = tpu.unpack_subelements %bitcast3A_1579, 1 {pack_format = #tpu.pack_format<interleaved>} : vector<32xbf16> -> vector<16xf32>
        %add3A_1582 = arith.addf %get3A_1550, %unpack3A_1580 : vector<16xf32>
        %sub3A_1583 = arith.subf %add3A_1582, %get3A_1564 : vector<16xf32>
        %add3A_1584 = arith.addf %get3A_1557, %unpack3A_1581 : vector<16xf32>
        %sub3A_1585 = arith.subf %add3A_1584, %get3A_1571 : vector<16xf32>
        %mul3A_1586 = arith.mulf %sub3A_1583, %sub3A_1583 : vector<16xf32>
        %add3A_1587 = arith.addf %add3A_1541, %mul3A_1586 : vector<16xf32>
        %mul3A_1588 = arith.mulf %sub3A_1585, %sub3A_1585 : vector<16xf32>
        %add3A_1589 = arith.addf %add3A_1543, %mul3A_1588 : vector<16xf32>
        %mul3A_1590 = arith.constant 17 : i32
        %mul3A_1591 = arith.muli %scan3A_1401, %mul3A_1590 : i32
        %add3A_1592 = vector.broadcast %mul3A_1591 : i32 to vector<16xi32>
        %add3A_1593 = arith.addi %add3A_1592, %iota3A_1061 : vector<16xi32>
        %add3A_1594 = arith.addf %add3A_1587, %add3A_1589 : vector<16xf32>
        tpu.vector_store_idx %arg15[%add3A_1593], %add3A_1594 : memref<272xf32, #tpu.memory_space<vmem>>[vector<16xi32>], vector<16xf32>,
        %scan3A_1595 = arith.constant 0 : i32
        scf.yield %scan3A_1595 : i32
      }
      %scan3A_1255 = arith.constant 16 : i32
      %gather3A = tpu.vector_load_idx %arg15[%mul3A_1064] : memref<272xf32, #tpu.memory_space<vmem>>[vector<16xi32>], vector<16xf32>,
      %add3A_1256 = arith.constant 1 : i32
      %add3A_1257 = vector.broadcast %add3A_1256 : i32 to vector<16xi32>
      %add3A_1258 = arith.addi %mul3A_1064, %add3A_1257 : vector<16xi32>
      %gather3A_1259 = tpu.vector_load_idx %arg15[%add3A_1258] : memref<272xf32, #tpu.memory_space<vmem>>[vector<16xi32>], vector<16xf32>,
      %add3A_1260 = arith.constant 2 : i32
      %add3A_1261 = vector.broadcast %add3A_1260 : i32 to vector<16xi32>
      %add3A_1262 = arith.addi %mul3A_1064, %add3A_1261 : vector<16xi32>
      %gather3A_1263 = tpu.vector_load_idx %arg15[%add3A_1262] : memref<272xf32, #tpu.memory_space<vmem>>[vector<16xi32>], vector<16xf32>,
      %add3A_1264 = arith.constant 3 : i32
      %add3A_1265 = vector.broadcast %add3A_1264 : i32 to vector<16xi32>
      %add3A_1266 = arith.addi %mul3A_1064, %add3A_1265 : vector<16xi32>
      %gather3A_1267 = tpu.vector_load_idx %arg15[%add3A_1266] : memref<272xf32, #tpu.memory_space<vmem>>[vector<16xi32>], vector<16xf32>,
      %add3A_1268 = arith.constant 4 : i32
      %add3A_1269 = vector.broadcast %add3A_1268 : i32 to vector<16xi32>
      %add3A_1270 = arith.addi %mul3A_1064, %add3A_1269 : vector<16xi32>
      %gather3A_1271 = tpu.vector_load_idx %arg15[%add3A_1270] : memref<272xf32, #tpu.memory_space<vmem>>[vector<16xi32>], vector<16xf32>,
      %add3A_1272 = arith.addf %gather3A, %gather3A_1271 : vector<16xf32>
      %add3A_1273 = arith.constant 4 : i32
      %add3A_1274 = vector.broadcast %add3A_1273 : i32 to vector<16xi32>
      %add3A_1275 = arith.addi %mul3A_1064, %add3A_1274 : vector<16xi32>
      %add3A_1276 = arith.constant 1 : i32
      %add3A_1277 = vector.broadcast %add3A_1276 : i32 to vector<16xi32>
      %add3A_1278 = arith.addi %add3A_1275, %add3A_1277 : vector<16xi32>
      %gather3A_1279 = tpu.vector_load_idx %arg15[%add3A_1278] : memref<272xf32, #tpu.memory_space<vmem>>[vector<16xi32>], vector<16xf32>,
      %add3A_1280 = arith.addf %gather3A_1259, %gather3A_1279 : vector<16xf32>
      %add3A_1281 = arith.constant 4 : i32
      %add3A_1282 = vector.broadcast %add3A_1281 : i32 to vector<16xi32>
      %add3A_1283 = arith.addi %mul3A_1064, %add3A_1282 : vector<16xi32>
      %add3A_1284 = arith.constant 2 : i32
      %add3A_1285 = vector.broadcast %add3A_1284 : i32 to vector<16xi32>
      %add3A_1286 = arith.addi %add3A_1283, %add3A_1285 : vector<16xi32>
      %gather3A_1287 = tpu.vector_load_idx %arg15[%add3A_1286] : memref<272xf32, #tpu.memory_space<vmem>>[vector<16xi32>], vector<16xf32>,
      %add3A_1288 = arith.addf %gather3A_1263, %gather3A_1287 : vector<16xf32>
      %add3A_1289 = arith.constant 4 : i32
      %add3A_1290 = vector.broadcast %add3A_1289 : i32 to vector<16xi32>
      %add3A_1291 = arith.addi %mul3A_1064, %add3A_1290 : vector<16xi32>
      %add3A_1292 = arith.constant 3 : i32
      %add3A_1293 = vector.broadcast %add3A_1292 : i32 to vector<16xi32>
      %add3A_1294 = arith.addi %add3A_1291, %add3A_1293 : vector<16xi32>
      %gather3A_1295 = tpu.vector_load_idx %arg15[%add3A_1294] : memref<272xf32, #tpu.memory_space<vmem>>[vector<16xi32>], vector<16xf32>,
      %add3A_1296 = arith.addf %gather3A_1267, %gather3A_1295 : vector<16xf32>
      %add3A_1297 = arith.constant 8 : i32
      %add3A_1298 = vector.broadcast %add3A_1297 : i32 to vector<16xi32>
      %add3A_1299 = arith.addi %mul3A_1064, %add3A_1298 : vector<16xi32>
      %gather3A_1300 = tpu.vector_load_idx %arg15[%add3A_1299] : memref<272xf32, #tpu.memory_space<vmem>>[vector<16xi32>], vector<16xf32>,
      %add3A_1301 = arith.addf %add3A_1272, %gather3A_1300 : vector<16xf32>
      %add3A_1302 = arith.constant 8 : i32
      %add3A_1303 = vector.broadcast %add3A_1302 : i32 to vector<16xi32>
      %add3A_1304 = arith.addi %mul3A_1064, %add3A_1303 : vector<16xi32>
      %add3A_1305 = arith.constant 1 : i32
      %add3A_1306 = vector.broadcast %add3A_1305 : i32 to vector<16xi32>
      %add3A_1307 = arith.addi %add3A_1304, %add3A_1306 : vector<16xi32>
      %gather3A_1308 = tpu.vector_load_idx %arg15[%add3A_1307] : memref<272xf32, #tpu.memory_space<vmem>>[vector<16xi32>], vector<16xf32>,
      %add3A_1309 = arith.addf %add3A_1280, %gather3A_1308 : vector<16xf32>
      %add3A_1310 = arith.constant 8 : i32
      %add3A_1311 = vector.broadcast %add3A_1310 : i32 to vector<16xi32>
      %add3A_1312 = arith.addi %mul3A_1064, %add3A_1311 : vector<16xi32>
      %add3A_1313 = arith.constant 2 : i32
      %add3A_1314 = vector.broadcast %add3A_1313 : i32 to vector<16xi32>
      %add3A_1315 = arith.addi %add3A_1312, %add3A_1314 : vector<16xi32>
      %gather3A_1316 = tpu.vector_load_idx %arg15[%add3A_1315] : memref<272xf32, #tpu.memory_space<vmem>>[vector<16xi32>], vector<16xf32>,
      %add3A_1317 = arith.addf %add3A_1288, %gather3A_1316 : vector<16xf32>
      %add3A_1318 = arith.constant 8 : i32
      %add3A_1319 = vector.broadcast %add3A_1318 : i32 to vector<16xi32>
      %add3A_1320 = arith.addi %mul3A_1064, %add3A_1319 : vector<16xi32>
      %add3A_1321 = arith.constant 3 : i32
      %add3A_1322 = vector.broadcast %add3A_1321 : i32 to vector<16xi32>
      %add3A_1323 = arith.addi %add3A_1320, %add3A_1322 : vector<16xi32>
      %gather3A_1324 = tpu.vector_load_idx %arg15[%add3A_1323] : memref<272xf32, #tpu.memory_space<vmem>>[vector<16xi32>], vector<16xf32>,
      %add3A_1325 = arith.addf %add3A_1296, %gather3A_1324 : vector<16xf32>
      %add3A_1326 = arith.constant 12 : i32
      %add3A_1327 = vector.broadcast %add3A_1326 : i32 to vector<16xi32>
      %add3A_1328 = arith.addi %mul3A_1064, %add3A_1327 : vector<16xi32>
      %gather3A_1329 = tpu.vector_load_idx %arg15[%add3A_1328] : memref<272xf32, #tpu.memory_space<vmem>>[vector<16xi32>], vector<16xf32>,
      %add3A_1330 = arith.addf %add3A_1301, %gather3A_1329 : vector<16xf32>
      %add3A_1331 = arith.constant 12 : i32
      %add3A_1332 = vector.broadcast %add3A_1331 : i32 to vector<16xi32>
      %add3A_1333 = arith.addi %mul3A_1064, %add3A_1332 : vector<16xi32>
      %add3A_1334 = arith.constant 1 : i32
      %add3A_1335 = vector.broadcast %add3A_1334 : i32 to vector<16xi32>
      %add3A_1336 = arith.addi %add3A_1333, %add3A_1335 : vector<16xi32>
      %gather3A_1337 = tpu.vector_load_idx %arg15[%add3A_1336] : memref<272xf32, #tpu.memory_space<vmem>>[vector<16xi32>], vector<16xf32>,
      %add3A_1338 = arith.addf %add3A_1309, %gather3A_1337 : vector<16xf32>
      %add3A_1339 = arith.constant 12 : i32
      %add3A_1340 = vector.broadcast %add3A_1339 : i32 to vector<16xi32>
      %add3A_1341 = arith.addi %mul3A_1064, %add3A_1340 : vector<16xi32>
      %add3A_1342 = arith.constant 2 : i32
      %add3A_1343 = vector.broadcast %add3A_1342 : i32 to vector<16xi32>
      %add3A_1344 = arith.addi %add3A_1341, %add3A_1343 : vector<16xi32>
      %gather3A_1345 = tpu.vector_load_idx %arg15[%add3A_1344] : memref<272xf32, #tpu.memory_space<vmem>>[vector<16xi32>], vector<16xf32>,
      %add3A_1346 = arith.addf %add3A_1317, %gather3A_1345 : vector<16xf32>
      %add3A_1347 = arith.constant 12 : i32
      %add3A_1348 = vector.broadcast %add3A_1347 : i32 to vector<16xi32>
      %add3A_1349 = arith.addi %mul3A_1064, %add3A_1348 : vector<16xi32>
      %add3A_1350 = arith.constant 3 : i32
      %add3A_1351 = vector.broadcast %add3A_1350 : i32 to vector<16xi32>
      %add3A_1352 = arith.addi %add3A_1349, %add3A_1351 : vector<16xi32>
      %gather3A_1353 = tpu.vector_load_idx %arg15[%add3A_1352] : memref<272xf32, #tpu.memory_space<vmem>>[vector<16xi32>], vector<16xf32>,
      %add3A_1354 = arith.addf %add3A_1325, %gather3A_1353 : vector<16xf32>
      %add3A_1355 = arith.addf %add3A_1330, %add3A_1338 : vector<16xf32>
      %add3A_1356 = arith.addf %add3A_1346, %add3A_1354 : vector<16xf32>
      %add3A_1357 = arith.addf %add3A_1355, %add3A_1356 : vector<16xf32>
      %bitcast3A = vector.bitcast %add3A_1357 : vector<16xf32> to vector<16xi32>
      %shift_right_arithmetic3A = arith.constant 1 : i32
      %shift_right_arithmetic3A_1358 = vector.broadcast %shift_right_arithmetic3A : i32 to vector<16xi32>
      %shift_right_arithmetic3A_1359 = arith.shrsi %bitcast3A, %shift_right_arithmetic3A_1358 : vector<16xi32>
      %sub3A = arith.constant 1597463007 : i32
      %sub3A_1360 = vector.broadcast %sub3A : i32 to vector<16xi32>
      %sub3A_1361 = arith.subi %sub3A_1360, %shift_right_arithmetic3A_1359 : vector<16xi32>
      %bitcast3A_1362 = vector.bitcast %sub3A_1361 : vector<16xi32> to vector<16xf32>
      %mul3A_1363 = arith.constant 5.000000e-01 : f32
      %mul3A_1364 = vector.broadcast %mul3A_1363 : f32 to vector<16xf32>
      %mul3A_1365 = arith.mulf %mul3A_1364, %add3A_1357 : vector<16xf32>
      %mul3A_1366 = arith.mulf %mul3A_1365, %bitcast3A_1362 : vector<16xf32>
      %mul3A_1367 = arith.mulf %mul3A_1366, %bitcast3A_1362 : vector<16xf32>
      %sub3A_1368 = arith.constant 1.500000e+00 : f32
      %sub3A_1369 = vector.broadcast %sub3A_1368 : f32 to vector<16xf32>
      %sub3A_1370 = arith.subf %sub3A_1369, %mul3A_1367 : vector<16xf32>
      %mul3A_1371 = arith.mulf %bitcast3A_1362, %sub3A_1370 : vector<16xf32>
      %mul3A_1372 = arith.constant 5.000000e-01 : f32
      %mul3A_1373 = vector.broadcast %mul3A_1372 : f32 to vector<16xf32>
      %mul3A_1374 = arith.mulf %mul3A_1373, %add3A_1357 : vector<16xf32>
      %mul3A_1375 = arith.mulf %mul3A_1374, %mul3A_1371 : vector<16xf32>
      %mul3A_1376 = arith.mulf %mul3A_1375, %mul3A_1371 : vector<16xf32>
      %sub3A_1377 = arith.constant 1.500000e+00 : f32
      %sub3A_1378 = vector.broadcast %sub3A_1377 : f32 to vector<16xf32>
      %sub3A_1379 = arith.subf %sub3A_1378, %mul3A_1376 : vector<16xf32>
      %mul3A_1380 = arith.mulf %mul3A_1371, %sub3A_1379 : vector<16xf32>
      %mul3A_1381 = arith.constant 5.000000e-01 : f32
      %mul3A_1382 = vector.broadcast %mul3A_1381 : f32 to vector<16xf32>
      %mul3A_1383 = arith.mulf %mul3A_1382, %add3A_1357 : vector<16xf32>
      %mul3A_1384 = arith.mulf %mul3A_1383, %mul3A_1380 : vector<16xf32>
      %mul3A_1385 = arith.mulf %mul3A_1384, %mul3A_1380 : vector<16xf32>
      %sub3A_1386 = arith.constant 1.500000e+00 : f32
      %sub3A_1387 = vector.broadcast %sub3A_1386 : f32 to vector<16xf32>
      %sub3A_1388 = arith.subf %sub3A_1387, %mul3A_1385 : vector<16xf32>
      %mul3A_1389 = arith.mulf %mul3A_1380, %sub3A_1388 : vector<16xf32>
      %gt3A = arith.constant 0.000000e+00 : f32
      %gt3A_1390 = vector.broadcast %gt3A : f32 to vector<16xf32>
      %gt3A_1391 = arith.cmpf ogt, %add3A_1357, %gt3A_1390 : vector<16xf32>
      %mul3A_1392 = arith.mulf %add3A_1357, %mul3A_1389 : vector<16xf32>
      %jit3A = arith.constant 0.000000e+00 : f32
      %broadcast_in_dim3A = vector.broadcast %jit3A : f32 to vector<16xf32>
      %select_n3A = arith.select %gt3A_1391, %mul3A_1392, %broadcast_in_dim3A : vector<16xi1>, vector<16xf32>
      %neg3A = arith.constant 0.000000e+00 : f32
      %neg3A_1393 = vector.broadcast %neg3A : f32 to vector<16xf32>
      %neg3A_1394 = arith.subf %neg3A_1393, %select_n3A : vector<16xf32>
      %mul3A_1395 = arith.constant 16 : i32
      %mul3A_1396 = arith.muli %scan3A_1247, %mul3A_1395 : i32
      %add3A_1397 = arith.constant 320 : i32
      %add3A_1398 = arith.addi %add3A_1397, %mul3A_1396 : i32
      %swap3A = arith.index_cast %add3A_1398 : i32 to index
      %swap3A_1399 = tpu.vector_load %arg14[%swap3A] {strides = array<i32>} : memref<512xf32, #tpu.memory_space<vmem>>, vector<16xf32>,
      tpu.vector_store %arg14[%swap3A], %neg3A_1394 {strides = array<i32>} : memref<512xf32, #tpu.memory_space<vmem>>, vector<16xf32>,
      %scan3A_1400 = arith.constant 0 : i32
      scf.yield %scan3A_1400 : i32
    }
    %scan3A_1074 = arith.constant 4 : i32
    %add3A_1075 = arith.constant 320 : i32
    %add3A_1076 = arith.addi %mul3A_2, %add3A_1075 : i32
    %dma_start3A_1077 = arith.constant 320 : i32
    %dma_start3A_1078 = tpu.memref_slice %arg14[%dma_start3A_1077] : memref<512xf32, #tpu.memory_space<vmem>> -> memref<64xf32, #tpu.memory_space<vmem>>
    %dma_start3A_1079 = tpu.memref_slice %arg7[%add3A_1076] : memref<16384xf32, #tpu.memory_space<hbm>> -> memref<64xf32, #tpu.memory_space<hbm>>
    %dma_start3A_1080 = tpu.memref_slice %arg7[%add3A_1076] : memref<16384xf32, #tpu.memory_space<hbm>> -> memref<64xf32, #tpu.memory_space<hbm>>
    %dma_start3A_1081 = arith.constant 320 : i32
    %dma_start3A_1082 = tpu.memref_slice %arg14[%dma_start3A_1081] : memref<512xf32, #tpu.memory_space<vmem>> -> memref<64xf32, #tpu.memory_space<vmem>>
    tpu.enqueue_dma source(%dma_start3A_1082 : memref<64xf32, #tpu.memory_space<vmem>>) target(%dma_start3A_1080 : memref<64xf32, #tpu.memory_space<hbm>>) target_semaphore(%arg22 : memref<!tpu.dma_semaphore, #tpu.memory_space<semaphore_mem>>)
    %dma_wait3A_1083 = arith.constant 6 : i32
    %dma_wait3A_1084 = arith.constant 0 : i32
    %dma_wait3A_1085 = arith.constant 0 : i32
    %dma_wait3A_1086 = arith.constant 0 : i32
    %dma_wait3A_1087 = tpu.memref_slice %arg11[%dma_wait3A_1084, %dma_wait3A_1085, %dma_wait3A_1086] : memref<6x64x128xf32, #tpu.memory_space<vmem>> -> memref<1x64x128xf32, #tpu.memory_space<vmem>>
    %dma_wait3A_1088 = tpu.memref_squeeze %dma_wait3A_1087 : memref<1x64x128xf32, #tpu.memory_space<vmem>> -> memref<64x128xf32, #tpu.memory_space<vmem>>
    %dma_wait3A_1089 = arith.constant 0 : i32
    %dma_wait3A_1090 = tpu.memref_slice %arg8[%dma_wait3A_1083, %dma_wait3A_1089] : memref<8x64xi32, #tpu.memory_space<vmem>> -> memref<1x64xi32, #tpu.memory_space<vmem>>
    %dma_wait3A_1091 = tpu.memref_squeeze %dma_wait3A_1090 : memref<1x64xi32, #tpu.memory_space<vmem>> -> memref<64xi32, #tpu.memory_space<vmem>>
    %dma_wait3A_1092 = arith.constant 0 : i32
    %dma_wait3A_1093 = arith.constant 0 : i32
    %dma_wait3A_1094 = tpu.memref_slice %arg5[%dma_wait3A_1092, %dma_wait3A_1093] : memref<100000x128xf32, #tpu.memory_space<hbm>> -> memref<100000x128xf32, #tpu.memory_space<hbm>>
    tpu.wait_indirect_dma semaphore(%arg16 : memref<!tpu.dma_semaphore, #tpu.memory_space<semaphore_mem>>) src(%dma_wait3A_1094 : memref<100000x128xf32, #tpu.memory_space<hbm>>) dst(%dma_wait3A_1088 : memref<64x128xf32, #tpu.memory_space<vmem>>)
    %dma_wait3A_1095 = arith.constant 6 : i32
    %dma_wait3A_1096 = arith.constant 0 : i32
    %dma_wait3A_1097 = arith.constant 0 : i32
    %dma_wait3A_1098 = arith.constant 0 : i32
    %dma_wait3A_1099 = tpu.memref_slice %arg12[%dma_wait3A_1096, %dma_wait3A_1097, %dma_wait3A_1098] : memref<6x64x64xi32, #tpu.memory_space<vmem>> -> memref<1x64x64xi32, #tpu.memory_space<vmem>>
    %dma_wait3A_1100 = tpu.memref_squeeze %dma_wait3A_1099 : memref<1x64x64xi32, #tpu.memory_space<vmem>> -> memref<64x64xi32, #tpu.memory_space<vmem>>
    %dma_wait3A_1101 = arith.constant 0 : i32
    %dma_wait3A_1102 = tpu.memref_slice %arg9[%dma_wait3A_1095, %dma_wait3A_1101] : memref<8x64xi32, #tpu.memory_space<vmem>> -> memref<1x64xi32, #tpu.memory_space<vmem>>
    %dma_wait3A_1103 = tpu.memref_squeeze %dma_wait3A_1102 : memref<1x64xi32, #tpu.memory_space<vmem>> -> memref<64xi32, #tpu.memory_space<vmem>>
    %dma_wait3A_1104 = arith.constant 0 : i32
    %dma_wait3A_1105 = arith.constant 0 : i32
    %dma_wait3A_1106 = tpu.memref_slice %arg6[%dma_wait3A_1104, %dma_wait3A_1105] : memref<1000x64xi32, #tpu.memory_space<hbm>> -> memref<1000x64xi32, #tpu.memory_space<hbm>>
    tpu.wait_indirect_dma semaphore(%arg16 : memref<!tpu.dma_semaphore, #tpu.memory_space<semaphore_mem>>) src(%dma_wait3A_1106 : memref<1000x64xi32, #tpu.memory_space<hbm>>) dst(%dma_wait3A_1100 : memref<64x64xi32, #tpu.memory_space<vmem>>)
    %dma_wait3A_1107 = arith.constant 6 : i32
    %dma_wait3A_1108 = arith.constant 0 : i32
    %dma_wait3A_1109 = arith.constant 0 : i32
    %dma_wait3A_1110 = arith.constant 0 : i32
    %dma_wait3A_1111 = tpu.memref_slice %arg13[%dma_wait3A_1108, %dma_wait3A_1109, %dma_wait3A_1110] : memref<6x64x128xf32, #tpu.memory_space<vmem>> -> memref<1x64x128xf32, #tpu.memory_space<vmem>>
    %dma_wait3A_1112 = tpu.memref_squeeze %dma_wait3A_1111 : memref<1x64x128xf32, #tpu.memory_space<vmem>> -> memref<64x128xf32, #tpu.memory_space<vmem>>
    %dma_wait3A_1113 = arith.constant 0 : i32
    %dma_wait3A_1114 = tpu.memref_slice %arg10[%dma_wait3A_1107, %dma_wait3A_1113] : memref<8x64xi32, #tpu.memory_space<vmem>> -> memref<1x64xi32, #tpu.memory_space<vmem>>
    %dma_wait3A_1115 = tpu.memref_squeeze %dma_wait3A_1114 : memref<1x64xi32, #tpu.memory_space<vmem>> -> memref<64xi32, #tpu.memory_space<vmem>>
    %dma_wait3A_1116 = arith.constant 0 : i32
    %dma_wait3A_1117 = arith.constant 0 : i32
    %dma_wait3A_1118 = tpu.memref_slice %arg5[%dma_wait3A_1116, %dma_wait3A_1117] : memref<100000x128xf32, #tpu.memory_space<hbm>> -> memref<100000x128xf32, #tpu.memory_space<hbm>>
    tpu.wait_indirect_dma semaphore(%arg16 : memref<!tpu.dma_semaphore, #tpu.memory_space<semaphore_mem>>) src(%dma_wait3A_1118 : memref<100000x128xf32, #tpu.memory_space<hbm>>) dst(%dma_wait3A_1112 : memref<64x128xf32, #tpu.memory_space<vmem>>)
    %iota3A_1119 = tpu.iota {dimensions = array<i32: 0>} : vector<16xi32>
    %mul3A_1120 = arith.constant 17 : i32
    %mul3A_1121 = vector.broadcast %mul3A_1120 : i32 to vector<16xi32>
    %mul3A_1122 = arith.muli %iota3A_1119, %mul3A_1121 : vector<16xi32>
    %scan3A_1123 = arith.constant 0 : i32
    %scan3A_1124 = arith.constant 0 : i32
    %scan3A_1125 = arith.constant 0 : i32
    %scan3A_1126 = arith.constant 0 : i32
    %scan3A_1127 = arith.constant 0 : i32
    %scan3A_1128 = arith.constant 4 : i32
    %scan3A_1129 = arith.addi %scan3A_1127, %scan3A_1128 : i32
    %scan3A_1130 = arith.constant 1 : i32
    %scan3A_1131 = scf.for %scan3A_1247 = %scan3A_1127 to %scan3A_1129 step %scan3A_1130 iter_args(%scan3A_1248 = %scan3A_1126) -> (i32)  : i32 {
      %scan3A_1249 = arith.constant 0 : i32
      %scan3A_1250 = arith.constant 0 : i32
      %scan3A_1251 = arith.constant 16 : i32
      %scan3A_1252 = arith.addi %scan3A_1250, %scan3A_1251 : i32
      %scan3A_1253 = arith.constant 1 : i32
      %scan3A_1254 = scf.for %scan3A_1401 = %scan3A_1250 to %scan3A_1252 step %scan3A_1253 iter_args(%scan3A_1402 = %scan3A_1249) -> (i32)  : i32 {
        %broadcast_in_dim3A_1403 = arith.constant 0.000000e+00 : f32
        %broadcast_in_dim3A_1404 = vector.broadcast %broadcast_in_dim3A_1403 : f32 to vector<16xf32>
        %mul3A_1405 = arith.constant 16 : i32
        %mul3A_1406 = arith.muli %scan3A_1247, %mul3A_1405 : i32
        %add3A_1407 = arith.addi %mul3A_1406, %scan3A_1401 : i32
        %get3A = arith.constant 0 : i32
        %get3A_1408 = arith.constant 0 : i32
        %get3A_1409 = tpu.memref_slice %arg11[%scan3A_1123, %get3A, %get3A_1408] : memref<6x64x128xf32, #tpu.memory_space<vmem>> -> memref<1x64x128xf32, #tpu.memory_space<vmem>>
        %get3A_1410 = tpu.memref_squeeze %get3A_1409 : memref<1x64x128xf32, #tpu.memory_space<vmem>> -> memref<64x128xf32, #tpu.memory_space<vmem>>
        %get3A_1411 = arith.index_cast %add3A_1407 : i32 to index
        %get3A_1412 = arith.constant 0 : index
        %get3A_1413 = tpu.vector_load %get3A_1410[%get3A_1411, %get3A_1412] {strides = array<i32>} : memref<64x128xf32, #tpu.memory_space<vmem>>, vector<16xf32>,
        %get3A_1414 = arith.constant 0 : i32
        %get3A_1415 = arith.constant 0 : i32
        %get3A_1416 = tpu.memref_slice %arg11[%scan3A_1123, %get3A_1414, %get3A_1415] : memref<6x64x128xf32, #tpu.memory_space<vmem>> -> memref<1x64x128xf32, #tpu.memory_space<vmem>>
        %get3A_1417 = tpu.memref_squeeze %get3A_1416 : memref<1x64x128xf32, #tpu.memory_space<vmem>> -> memref<64x128xf32, #tpu.memory_space<vmem>>
        %get3A_1418 = arith.index_cast %add3A_1407 : i32 to index
        %get3A_1419 = arith.constant 16 : index
        %get3A_1420 = tpu.vector_load %get3A_1417[%get3A_1418, %get3A_1419] {strides = array<i32>} : memref<64x128xf32, #tpu.memory_space<vmem>>, vector<16xf32>,
        %get3A_1421 = arith.constant 0 : i32
        %get3A_1422 = arith.constant 0 : i32
        %get3A_1423 = tpu.memref_slice %arg13[%scan3A_1124, %get3A_1421, %get3A_1422] : memref<6x64x128xf32, #tpu.memory_space<vmem>> -> memref<1x64x128xf32, #tpu.memory_space<vmem>>
        %get3A_1424 = tpu.memref_squeeze %get3A_1423 : memref<1x64x128xf32, #tpu.memory_space<vmem>> -> memref<64x128xf32, #tpu.memory_space<vmem>>
        %get3A_1425 = arith.index_cast %add3A_1407 : i32 to index
        %get3A_1426 = arith.constant 0 : index
        %get3A_1427 = tpu.vector_load %get3A_1424[%get3A_1425, %get3A_1426] {strides = array<i32>} : memref<64x128xf32, #tpu.memory_space<vmem>>, vector<16xf32>,
        %get3A_1428 = arith.constant 0 : i32
        %get3A_1429 = arith.constant 0 : i32
        %get3A_1430 = tpu.memref_slice %arg13[%scan3A_1124, %get3A_1428, %get3A_1429] : memref<6x64x128xf32, #tpu.memory_space<vmem>> -> memref<1x64x128xf32, #tpu.memory_space<vmem>>
        %get3A_1431 = tpu.memref_squeeze %get3A_1430 : memref<1x64x128xf32, #tpu.memory_space<vmem>> -> memref<64x128xf32, #tpu.memory_space<vmem>>
        %get3A_1432 = arith.index_cast %add3A_1407 : i32 to index
        %get3A_1433 = arith.constant 16 : index
        %get3A_1434 = tpu.vector_load %get3A_1431[%get3A_1432, %get3A_1433] {strides = array<i32>} : memref<64x128xf32, #tpu.memory_space<vmem>>, vector<16xf32>,
        %get3A_1435 = arith.constant 0 : i32
        %get3A_1436 = arith.constant 0 : i32
        %get3A_1437 = tpu.memref_slice %arg12[%scan3A_1125, %get3A_1435, %get3A_1436] : memref<6x64x64xi32, #tpu.memory_space<vmem>> -> memref<1x64x64xi32, #tpu.memory_space<vmem>>
        %get3A_1438 = tpu.memref_squeeze %get3A_1437 : memref<1x64x64xi32, #tpu.memory_space<vmem>> -> memref<64x64xi32, #tpu.memory_space<vmem>>
        %get3A_1439 = arith.index_cast %add3A_1407 : i32 to index
        %get3A_1440 = arith.constant 0 : index
        %get3A_1441 = tpu.vector_load %get3A_1438[%get3A_1439, %get3A_1440] {strides = array<i32>} : memref<64x64xi32, #tpu.memory_space<vmem>>, vector<16xi32>,
        %bitcast3A_1442 = vector.bitcast %get3A_1441 : vector<16xi32> to vector<32xbf16>
        %unpack3A = tpu.unpack_subelements %bitcast3A_1442, 0 {pack_format = #tpu.pack_format<interleaved>} : vector<32xbf16> -> vector<16xf32>
        %unpack3A_1443 = tpu.unpack_subelements %bitcast3A_1442, 1 {pack_format = #tpu.pack_format<interleaved>} : vector<32xbf16> -> vector<16xf32>
        %add3A_1444 = arith.addf %get3A_1413, %unpack3A : vector<16xf32>
        %sub3A_1445 = arith.subf %add3A_1444, %get3A_1427 : vector<16xf32>
        %add3A_1446 = arith.addf %get3A_1420, %unpack3A_1443 : vector<16xf32>
        %sub3A_1447 = arith.subf %add3A_1446, %get3A_1434 : vector<16xf32>
        %mul3A_1448 = arith.mulf %sub3A_1445, %sub3A_1445 : vector<16xf32>
        %add3A_1449 = arith.addf %broadcast_in_dim3A_1404, %mul3A_1448 : vector<16xf32>
        %mul3A_1450 = arith.mulf %sub3A_1447, %sub3A_1447 : vector<16xf32>
        %add3A_1451 = arith.addf %broadcast_in_dim3A_1404, %mul3A_1450 : vector<16xf32>
        %get3A_1452 = arith.constant 0 : i32
        %get3A_1453 = arith.constant 0 : i32
        %get3A_1454 = tpu.memref_slice %arg11[%scan3A_1123, %get3A_1452, %get3A_1453] : memref<6x64x128xf32, #tpu.memory_space<vmem>> -> memref<1x64x128xf32, #tpu.memory_space<vmem>>
        %get3A_1455 = tpu.memref_squeeze %get3A_1454 : memref<1x64x128xf32, #tpu.memory_space<vmem>> -> memref<64x128xf32, #tpu.memory_space<vmem>>
        %get3A_1456 = arith.index_cast %add3A_1407 : i32 to index
        %get3A_1457 = arith.constant 32 : index
        %get3A_1458 = tpu.vector_load %get3A_1455[%get3A_1456, %get3A_1457] {strides = array<i32>} : memref<64x128xf32, #tpu.memory_space<vmem>>, vector<16xf32>,
        %get3A_1459 = arith.constant 0 : i32
        %get3A_1460 = arith.constant 0 : i32
        %get3A_1461 = tpu.memref_slice %arg11[%scan3A_1123, %get3A_1459, %get3A_1460] : memref<6x64x128xf32, #tpu.memory_space<vmem>> -> memref<1x64x128xf32, #tpu.memory_space<vmem>>
        %get3A_1462 = tpu.memref_squeeze %get3A_1461 : memref<1x64x128xf32, #tpu.memory_space<vmem>> -> memref<64x128xf32, #tpu.memory_space<vmem>>
        %get3A_1463 = arith.index_cast %add3A_1407 : i32 to index
        %get3A_1464 = arith.constant 48 : index
        %get3A_1465 = tpu.vector_load %get3A_1462[%get3A_1463, %get3A_1464] {strides = array<i32>} : memref<64x128xf32, #tpu.memory_space<vmem>>, vector<16xf32>,
        %get3A_1466 = arith.constant 0 : i32
        %get3A_1467 = arith.constant 0 : i32
        %get3A_1468 = tpu.memref_slice %arg13[%scan3A_1124, %get3A_1466, %get3A_1467] : memref<6x64x128xf32, #tpu.memory_space<vmem>> -> memref<1x64x128xf32, #tpu.memory_space<vmem>>
        %get3A_1469 = tpu.memref_squeeze %get3A_1468 : memref<1x64x128xf32, #tpu.memory_space<vmem>> -> memref<64x128xf32, #tpu.memory_space<vmem>>
        %get3A_1470 = arith.index_cast %add3A_1407 : i32 to index
        %get3A_1471 = arith.constant 32 : index
        %get3A_1472 = tpu.vector_load %get3A_1469[%get3A_1470, %get3A_1471] {strides = array<i32>} : memref<64x128xf32, #tpu.memory_space<vmem>>, vector<16xf32>,
        %get3A_1473 = arith.constant 0 : i32
        %get3A_1474 = arith.constant 0 : i32
        %get3A_1475 = tpu.memref_slice %arg13[%scan3A_1124, %get3A_1473, %get3A_1474] : memref<6x64x128xf32, #tpu.memory_space<vmem>> -> memref<1x64x128xf32, #tpu.memory_space<vmem>>
        %get3A_1476 = tpu.memref_squeeze %get3A_1475 : memref<1x64x128xf32, #tpu.memory_space<vmem>> -> memref<64x128xf32, #tpu.memory_space<vmem>>
        %get3A_1477 = arith.index_cast %add3A_1407 : i32 to index
        %get3A_1478 = arith.constant 48 : index
        %get3A_1479 = tpu.vector_load %get3A_1476[%get3A_1477, %get3A_1478] {strides = array<i32>} : memref<64x128xf32, #tpu.memory_space<vmem>>, vector<16xf32>,
        %get3A_1480 = arith.constant 0 : i32
        %get3A_1481 = arith.constant 0 : i32
        %get3A_1482 = tpu.memref_slice %arg12[%scan3A_1125, %get3A_1480, %get3A_1481] : memref<6x64x64xi32, #tpu.memory_space<vmem>> -> memref<1x64x64xi32, #tpu.memory_space<vmem>>
        %get3A_1483 = tpu.memref_squeeze %get3A_1482 : memref<1x64x64xi32, #tpu.memory_space<vmem>> -> memref<64x64xi32, #tpu.memory_space<vmem>>
        %get3A_1484 = arith.index_cast %add3A_1407 : i32 to index
        %get3A_1485 = arith.constant 16 : index
        %get3A_1486 = tpu.vector_load %get3A_1483[%get3A_1484, %get3A_1485] {strides = array<i32>} : memref<64x64xi32, #tpu.memory_space<vmem>>, vector<16xi32>,
        %bitcast3A_1487 = vector.bitcast %get3A_1486 : vector<16xi32> to vector<32xbf16>
        %unpack3A_1488 = tpu.unpack_subelements %bitcast3A_1487, 0 {pack_format = #tpu.pack_format<interleaved>} : vector<32xbf16> -> vector<16xf32>
        %unpack3A_1489 = tpu.unpack_subelements %bitcast3A_1487, 1 {pack_format = #tpu.pack_format<interleaved>} : vector<32xbf16> -> vector<16xf32>
        %add3A_1490 = arith.addf %get3A_1458, %unpack3A_1488 : vector<16xf32>
        %sub3A_1491 = arith.subf %add3A_1490, %get3A_1472 : vector<16xf32>
        %add3A_1492 = arith.addf %get3A_1465, %unpack3A_1489 : vector<16xf32>
        %sub3A_1493 = arith.subf %add3A_1492, %get3A_1479 : vector<16xf32>
        %mul3A_1494 = arith.mulf %sub3A_1491, %sub3A_1491 : vector<16xf32>
        %add3A_1495 = arith.addf %add3A_1449, %mul3A_1494 : vector<16xf32>
        %mul3A_1496 = arith.mulf %sub3A_1493, %sub3A_1493 : vector<16xf32>
        %add3A_1497 = arith.addf %add3A_1451, %mul3A_1496 : vector<16xf32>
        %get3A_1498 = arith.constant 0 : i32
        %get3A_1499 = arith.constant 0 : i32
        %get3A_1500 = tpu.memref_slice %arg11[%scan3A_1123, %get3A_1498, %get3A_1499] : memref<6x64x128xf32, #tpu.memory_space<vmem>> -> memref<1x64x128xf32, #tpu.memory_space<vmem>>
        %get3A_1501 = tpu.memref_squeeze %get3A_1500 : memref<1x64x128xf32, #tpu.memory_space<vmem>> -> memref<64x128xf32, #tpu.memory_space<vmem>>
        %get3A_1502 = arith.index_cast %add3A_1407 : i32 to index
        %get3A_1503 = arith.constant 64 : index
        %get3A_1504 = tpu.vector_load %get3A_1501[%get3A_1502, %get3A_1503] {strides = array<i32>} : memref<64x128xf32, #tpu.memory_space<vmem>>, vector<16xf32>,
        %get3A_1505 = arith.constant 0 : i32
        %get3A_1506 = arith.constant 0 : i32
        %get3A_1507 = tpu.memref_slice %arg11[%scan3A_1123, %get3A_1505, %get3A_1506] : memref<6x64x128xf32, #tpu.memory_space<vmem>> -> memref<1x64x128xf32, #tpu.memory_space<vmem>>
        %get3A_1508 = tpu.memref_squeeze %get3A_1507 : memref<1x64x128xf32, #tpu.memory_space<vmem>> -> memref<64x128xf32, #tpu.memory_space<vmem>>
        %get3A_1509 = arith.index_cast %add3A_1407 : i32 to index
        %get3A_1510 = arith.constant 80 : index
        %get3A_1511 = tpu.vector_load %get3A_1508[%get3A_1509, %get3A_1510] {strides = array<i32>} : memref<64x128xf32, #tpu.memory_space<vmem>>, vector<16xf32>,
        %get3A_1512 = arith.constant 0 : i32
        %get3A_1513 = arith.constant 0 : i32
        %get3A_1514 = tpu.memref_slice %arg13[%scan3A_1124, %get3A_1512, %get3A_1513] : memref<6x64x128xf32, #tpu.memory_space<vmem>> -> memref<1x64x128xf32, #tpu.memory_space<vmem>>
        %get3A_1515 = tpu.memref_squeeze %get3A_1514 : memref<1x64x128xf32, #tpu.memory_space<vmem>> -> memref<64x128xf32, #tpu.memory_space<vmem>>
        %get3A_1516 = arith.index_cast %add3A_1407 : i32 to index
        %get3A_1517 = arith.constant 64 : index
        %get3A_1518 = tpu.vector_load %get3A_1515[%get3A_1516, %get3A_1517] {strides = array<i32>} : memref<64x128xf32, #tpu.memory_space<vmem>>, vector<16xf32>,
        %get3A_1519 = arith.constant 0 : i32
        %get3A_1520 = arith.constant 0 : i32
        %get3A_1521 = tpu.memref_slice %arg13[%scan3A_1124, %get3A_1519, %get3A_1520] : memref<6x64x128xf32, #tpu.memory_space<vmem>> -> memref<1x64x128xf32, #tpu.memory_space<vmem>>
        %get3A_1522 = tpu.memref_squeeze %get3A_1521 : memref<1x64x128xf32, #tpu.memory_space<vmem>> -> memref<64x128xf32, #tpu.memory_space<vmem>>
        %get3A_1523 = arith.index_cast %add3A_1407 : i32 to index
        %get3A_1524 = arith.constant 80 : index
        %get3A_1525 = tpu.vector_load %get3A_1522[%get3A_1523, %get3A_1524] {strides = array<i32>} : memref<64x128xf32, #tpu.memory_space<vmem>>, vector<16xf32>,
        %get3A_1526 = arith.constant 0 : i32
        %get3A_1527 = arith.constant 0 : i32
        %get3A_1528 = tpu.memref_slice %arg12[%scan3A_1125, %get3A_1526, %get3A_1527] : memref<6x64x64xi32, #tpu.memory_space<vmem>> -> memref<1x64x64xi32, #tpu.memory_space<vmem>>
        %get3A_1529 = tpu.memref_squeeze %get3A_1528 : memref<1x64x64xi32, #tpu.memory_space<vmem>> -> memref<64x64xi32, #tpu.memory_space<vmem>>
        %get3A_1530 = arith.index_cast %add3A_1407 : i32 to index
        %get3A_1531 = arith.constant 32 : index
        %get3A_1532 = tpu.vector_load %get3A_1529[%get3A_1530, %get3A_1531] {strides = array<i32>} : memref<64x64xi32, #tpu.memory_space<vmem>>, vector<16xi32>,
        %bitcast3A_1533 = vector.bitcast %get3A_1532 : vector<16xi32> to vector<32xbf16>
        %unpack3A_1534 = tpu.unpack_subelements %bitcast3A_1533, 0 {pack_format = #tpu.pack_format<interleaved>} : vector<32xbf16> -> vector<16xf32>
        %unpack3A_1535 = tpu.unpack_subelements %bitcast3A_1533, 1 {pack_format = #tpu.pack_format<interleaved>} : vector<32xbf16> -> vector<16xf32>
        %add3A_1536 = arith.addf %get3A_1504, %unpack3A_1534 : vector<16xf32>
        %sub3A_1537 = arith.subf %add3A_1536, %get3A_1518 : vector<16xf32>
        %add3A_1538 = arith.addf %get3A_1511, %unpack3A_1535 : vector<16xf32>
        %sub3A_1539 = arith.subf %add3A_1538, %get3A_1525 : vector<16xf32>
        %mul3A_1540 = arith.mulf %sub3A_1537, %sub3A_1537 : vector<16xf32>
        %add3A_1541 = arith.addf %add3A_1495, %mul3A_1540 : vector<16xf32>
        %mul3A_1542 = arith.mulf %sub3A_1539, %sub3A_1539 : vector<16xf32>
        %add3A_1543 = arith.addf %add3A_1497, %mul3A_1542 : vector<16xf32>
        %get3A_1544 = arith.constant 0 : i32
        %get3A_1545 = arith.constant 0 : i32
        %get3A_1546 = tpu.memref_slice %arg11[%scan3A_1123, %get3A_1544, %get3A_1545] : memref<6x64x128xf32, #tpu.memory_space<vmem>> -> memref<1x64x128xf32, #tpu.memory_space<vmem>>
        %get3A_1547 = tpu.memref_squeeze %get3A_1546 : memref<1x64x128xf32, #tpu.memory_space<vmem>> -> memref<64x128xf32, #tpu.memory_space<vmem>>
        %get3A_1548 = arith.index_cast %add3A_1407 : i32 to index
        %get3A_1549 = arith.constant 96 : index
        %get3A_1550 = tpu.vector_load %get3A_1547[%get3A_1548, %get3A_1549] {strides = array<i32>} : memref<64x128xf32, #tpu.memory_space<vmem>>, vector<16xf32>,
        %get3A_1551 = arith.constant 0 : i32
        %get3A_1552 = arith.constant 0 : i32
        %get3A_1553 = tpu.memref_slice %arg11[%scan3A_1123, %get3A_1551, %get3A_1552] : memref<6x64x128xf32, #tpu.memory_space<vmem>> -> memref<1x64x128xf32, #tpu.memory_space<vmem>>
        %get3A_1554 = tpu.memref_squeeze %get3A_1553 : memref<1x64x128xf32, #tpu.memory_space<vmem>> -> memref<64x128xf32, #tpu.memory_space<vmem>>
        %get3A_1555 = arith.index_cast %add3A_1407 : i32 to index
        %get3A_1556 = arith.constant 112 : index
        %get3A_1557 = tpu.vector_load %get3A_1554[%get3A_1555, %get3A_1556] {strides = array<i32>} : memref<64x128xf32, #tpu.memory_space<vmem>>, vector<16xf32>,
        %get3A_1558 = arith.constant 0 : i32
        %get3A_1559 = arith.constant 0 : i32
        %get3A_1560 = tpu.memref_slice %arg13[%scan3A_1124, %get3A_1558, %get3A_1559] : memref<6x64x128xf32, #tpu.memory_space<vmem>> -> memref<1x64x128xf32, #tpu.memory_space<vmem>>
        %get3A_1561 = tpu.memref_squeeze %get3A_1560 : memref<1x64x128xf32, #tpu.memory_space<vmem>> -> memref<64x128xf32, #tpu.memory_space<vmem>>
        %get3A_1562 = arith.index_cast %add3A_1407 : i32 to index
        %get3A_1563 = arith.constant 96 : index
        %get3A_1564 = tpu.vector_load %get3A_1561[%get3A_1562, %get3A_1563] {strides = array<i32>} : memref<64x128xf32, #tpu.memory_space<vmem>>, vector<16xf32>,
        %get3A_1565 = arith.constant 0 : i32
        %get3A_1566 = arith.constant 0 : i32
        %get3A_1567 = tpu.memref_slice %arg13[%scan3A_1124, %get3A_1565, %get3A_1566] : memref<6x64x128xf32, #tpu.memory_space<vmem>> -> memref<1x64x128xf32, #tpu.memory_space<vmem>>
        %get3A_1568 = tpu.memref_squeeze %get3A_1567 : memref<1x64x128xf32, #tpu.memory_space<vmem>> -> memref<64x128xf32, #tpu.memory_space<vmem>>
        %get3A_1569 = arith.index_cast %add3A_1407 : i32 to index
        %get3A_1570 = arith.constant 112 : index
        %get3A_1571 = tpu.vector_load %get3A_1568[%get3A_1569, %get3A_1570] {strides = array<i32>} : memref<64x128xf32, #tpu.memory_space<vmem>>, vector<16xf32>,
        %get3A_1572 = arith.constant 0 : i32
        %get3A_1573 = arith.constant 0 : i32
        %get3A_1574 = tpu.memref_slice %arg12[%scan3A_1125, %get3A_1572, %get3A_1573] : memref<6x64x64xi32, #tpu.memory_space<vmem>> -> memref<1x64x64xi32, #tpu.memory_space<vmem>>
        %get3A_1575 = tpu.memref_squeeze %get3A_1574 : memref<1x64x64xi32, #tpu.memory_space<vmem>> -> memref<64x64xi32, #tpu.memory_space<vmem>>
        %get3A_1576 = arith.index_cast %add3A_1407 : i32 to index
        %get3A_1577 = arith.constant 48 : index
        %get3A_1578 = tpu.vector_load %get3A_1575[%get3A_1576, %get3A_1577] {strides = array<i32>} : memref<64x64xi32, #tpu.memory_space<vmem>>, vector<16xi32>,
        %bitcast3A_1579 = vector.bitcast %get3A_1578 : vector<16xi32> to vector<32xbf16>
        %unpack3A_1580 = tpu.unpack_subelements %bitcast3A_1579, 0 {pack_format = #tpu.pack_format<interleaved>} : vector<32xbf16> -> vector<16xf32>
        %unpack3A_1581 = tpu.unpack_subelements %bitcast3A_1579, 1 {pack_format = #tpu.pack_format<interleaved>} : vector<32xbf16> -> vector<16xf32>
        %add3A_1582 = arith.addf %get3A_1550, %unpack3A_1580 : vector<16xf32>
        %sub3A_1583 = arith.subf %add3A_1582, %get3A_1564 : vector<16xf32>
        %add3A_1584 = arith.addf %get3A_1557, %unpack3A_1581 : vector<16xf32>
        %sub3A_1585 = arith.subf %add3A_1584, %get3A_1571 : vector<16xf32>
        %mul3A_1586 = arith.mulf %sub3A_1583, %sub3A_1583 : vector<16xf32>
        %add3A_1587 = arith.addf %add3A_1541, %mul3A_1586 : vector<16xf32>
        %mul3A_1588 = arith.mulf %sub3A_1585, %sub3A_1585 : vector<16xf32>
        %add3A_1589 = arith.addf %add3A_1543, %mul3A_1588 : vector<16xf32>
        %mul3A_1590 = arith.constant 17 : i32
        %mul3A_1591 = arith.muli %scan3A_1401, %mul3A_1590 : i32
        %add3A_1592 = vector.broadcast %mul3A_1591 : i32 to vector<16xi32>
        %add3A_1593 = arith.addi %add3A_1592, %iota3A_1119 : vector<16xi32>
        %add3A_1594 = arith.addf %add3A_1587, %add3A_1589 : vector<16xf32>
        tpu.vector_store_idx %arg15[%add3A_1593], %add3A_1594 : memref<272xf32, #tpu.memory_space<vmem>>[vector<16xi32>], vector<16xf32>,
        %scan3A_1595 = arith.constant 0 : i32
        scf.yield %scan3A_1595 : i32
      }
      %scan3A_1255 = arith.constant 16 : i32
      %gather3A = tpu.vector_load_idx %arg15[%mul3A_1122] : memref<272xf32, #tpu.memory_space<vmem>>[vector<16xi32>], vector<16xf32>,
      %add3A_1256 = arith.constant 1 : i32
      %add3A_1257 = vector.broadcast %add3A_1256 : i32 to vector<16xi32>
      %add3A_1258 = arith.addi %mul3A_1122, %add3A_1257 : vector<16xi32>
      %gather3A_1259 = tpu.vector_load_idx %arg15[%add3A_1258] : memref<272xf32, #tpu.memory_space<vmem>>[vector<16xi32>], vector<16xf32>,
      %add3A_1260 = arith.constant 2 : i32
      %add3A_1261 = vector.broadcast %add3A_1260 : i32 to vector<16xi32>
      %add3A_1262 = arith.addi %mul3A_1122, %add3A_1261 : vector<16xi32>
      %gather3A_1263 = tpu.vector_load_idx %arg15[%add3A_1262] : memref<272xf32, #tpu.memory_space<vmem>>[vector<16xi32>], vector<16xf32>,
      %add3A_1264 = arith.constant 3 : i32
      %add3A_1265 = vector.broadcast %add3A_1264 : i32 to vector<16xi32>
      %add3A_1266 = arith.addi %mul3A_1122, %add3A_1265 : vector<16xi32>
      %gather3A_1267 = tpu.vector_load_idx %arg15[%add3A_1266] : memref<272xf32, #tpu.memory_space<vmem>>[vector<16xi32>], vector<16xf32>,
      %add3A_1268 = arith.constant 4 : i32
      %add3A_1269 = vector.broadcast %add3A_1268 : i32 to vector<16xi32>
      %add3A_1270 = arith.addi %mul3A_1122, %add3A_1269 : vector<16xi32>
      %gather3A_1271 = tpu.vector_load_idx %arg15[%add3A_1270] : memref<272xf32, #tpu.memory_space<vmem>>[vector<16xi32>], vector<16xf32>,
      %add3A_1272 = arith.addf %gather3A, %gather3A_1271 : vector<16xf32>
      %add3A_1273 = arith.constant 4 : i32
      %add3A_1274 = vector.broadcast %add3A_1273 : i32 to vector<16xi32>
      %add3A_1275 = arith.addi %mul3A_1122, %add3A_1274 : vector<16xi32>
      %add3A_1276 = arith.constant 1 : i32
      %add3A_1277 = vector.broadcast %add3A_1276 : i32 to vector<16xi32>
      %add3A_1278 = arith.addi %add3A_1275, %add3A_1277 : vector<16xi32>
      %gather3A_1279 = tpu.vector_load_idx %arg15[%add3A_1278] : memref<272xf32, #tpu.memory_space<vmem>>[vector<16xi32>], vector<16xf32>,
      %add3A_1280 = arith.addf %gather3A_1259, %gather3A_1279 : vector<16xf32>
      %add3A_1281 = arith.constant 4 : i32
      %add3A_1282 = vector.broadcast %add3A_1281 : i32 to vector<16xi32>
      %add3A_1283 = arith.addi %mul3A_1122, %add3A_1282 : vector<16xi32>
      %add3A_1284 = arith.constant 2 : i32
      %add3A_1285 = vector.broadcast %add3A_1284 : i32 to vector<16xi32>
      %add3A_1286 = arith.addi %add3A_1283, %add3A_1285 : vector<16xi32>
      %gather3A_1287 = tpu.vector_load_idx %arg15[%add3A_1286] : memref<272xf32, #tpu.memory_space<vmem>>[vector<16xi32>], vector<16xf32>,
      %add3A_1288 = arith.addf %gather3A_1263, %gather3A_1287 : vector<16xf32>
      %add3A_1289 = arith.constant 4 : i32
      %add3A_1290 = vector.broadcast %add3A_1289 : i32 to vector<16xi32>
      %add3A_1291 = arith.addi %mul3A_1122, %add3A_1290 : vector<16xi32>
      %add3A_1292 = arith.constant 3 : i32
      %add3A_1293 = vector.broadcast %add3A_1292 : i32 to vector<16xi32>
      %add3A_1294 = arith.addi %add3A_1291, %add3A_1293 : vector<16xi32>
      %gather3A_1295 = tpu.vector_load_idx %arg15[%add3A_1294] : memref<272xf32, #tpu.memory_space<vmem>>[vector<16xi32>], vector<16xf32>,
      %add3A_1296 = arith.addf %gather3A_1267, %gather3A_1295 : vector<16xf32>
      %add3A_1297 = arith.constant 8 : i32
      %add3A_1298 = vector.broadcast %add3A_1297 : i32 to vector<16xi32>
      %add3A_1299 = arith.addi %mul3A_1122, %add3A_1298 : vector<16xi32>
      %gather3A_1300 = tpu.vector_load_idx %arg15[%add3A_1299] : memref<272xf32, #tpu.memory_space<vmem>>[vector<16xi32>], vector<16xf32>,
      %add3A_1301 = arith.addf %add3A_1272, %gather3A_1300 : vector<16xf32>
      %add3A_1302 = arith.constant 8 : i32
      %add3A_1303 = vector.broadcast %add3A_1302 : i32 to vector<16xi32>
      %add3A_1304 = arith.addi %mul3A_1122, %add3A_1303 : vector<16xi32>
      %add3A_1305 = arith.constant 1 : i32
      %add3A_1306 = vector.broadcast %add3A_1305 : i32 to vector<16xi32>
      %add3A_1307 = arith.addi %add3A_1304, %add3A_1306 : vector<16xi32>
      %gather3A_1308 = tpu.vector_load_idx %arg15[%add3A_1307] : memref<272xf32, #tpu.memory_space<vmem>>[vector<16xi32>], vector<16xf32>,
      %add3A_1309 = arith.addf %add3A_1280, %gather3A_1308 : vector<16xf32>
      %add3A_1310 = arith.constant 8 : i32
      %add3A_1311 = vector.broadcast %add3A_1310 : i32 to vector<16xi32>
      %add3A_1312 = arith.addi %mul3A_1122, %add3A_1311 : vector<16xi32>
      %add3A_1313 = arith.constant 2 : i32
      %add3A_1314 = vector.broadcast %add3A_1313 : i32 to vector<16xi32>
      %add3A_1315 = arith.addi %add3A_1312, %add3A_1314 : vector<16xi32>
      %gather3A_1316 = tpu.vector_load_idx %arg15[%add3A_1315] : memref<272xf32, #tpu.memory_space<vmem>>[vector<16xi32>], vector<16xf32>,
      %add3A_1317 = arith.addf %add3A_1288, %gather3A_1316 : vector<16xf32>
      %add3A_1318 = arith.constant 8 : i32
      %add3A_1319 = vector.broadcast %add3A_1318 : i32 to vector<16xi32>
      %add3A_1320 = arith.addi %mul3A_1122, %add3A_1319 : vector<16xi32>
      %add3A_1321 = arith.constant 3 : i32
      %add3A_1322 = vector.broadcast %add3A_1321 : i32 to vector<16xi32>
      %add3A_1323 = arith.addi %add3A_1320, %add3A_1322 : vector<16xi32>
      %gather3A_1324 = tpu.vector_load_idx %arg15[%add3A_1323] : memref<272xf32, #tpu.memory_space<vmem>>[vector<16xi32>], vector<16xf32>,
      %add3A_1325 = arith.addf %add3A_1296, %gather3A_1324 : vector<16xf32>
      %add3A_1326 = arith.constant 12 : i32
      %add3A_1327 = vector.broadcast %add3A_1326 : i32 to vector<16xi32>
      %add3A_1328 = arith.addi %mul3A_1122, %add3A_1327 : vector<16xi32>
      %gather3A_1329 = tpu.vector_load_idx %arg15[%add3A_1328] : memref<272xf32, #tpu.memory_space<vmem>>[vector<16xi32>], vector<16xf32>,
      %add3A_1330 = arith.addf %add3A_1301, %gather3A_1329 : vector<16xf32>
      %add3A_1331 = arith.constant 12 : i32
      %add3A_1332 = vector.broadcast %add3A_1331 : i32 to vector<16xi32>
      %add3A_1333 = arith.addi %mul3A_1122, %add3A_1332 : vector<16xi32>
      %add3A_1334 = arith.constant 1 : i32
      %add3A_1335 = vector.broadcast %add3A_1334 : i32 to vector<16xi32>
      %add3A_1336 = arith.addi %add3A_1333, %add3A_1335 : vector<16xi32>
      %gather3A_1337 = tpu.vector_load_idx %arg15[%add3A_1336] : memref<272xf32, #tpu.memory_space<vmem>>[vector<16xi32>], vector<16xf32>,
      %add3A_1338 = arith.addf %add3A_1309, %gather3A_1337 : vector<16xf32>
      %add3A_1339 = arith.constant 12 : i32
      %add3A_1340 = vector.broadcast %add3A_1339 : i32 to vector<16xi32>
      %add3A_1341 = arith.addi %mul3A_1122, %add3A_1340 : vector<16xi32>
      %add3A_1342 = arith.constant 2 : i32
      %add3A_1343 = vector.broadcast %add3A_1342 : i32 to vector<16xi32>
      %add3A_1344 = arith.addi %add3A_1341, %add3A_1343 : vector<16xi32>
      %gather3A_1345 = tpu.vector_load_idx %arg15[%add3A_1344] : memref<272xf32, #tpu.memory_space<vmem>>[vector<16xi32>], vector<16xf32>,
      %add3A_1346 = arith.addf %add3A_1317, %gather3A_1345 : vector<16xf32>
      %add3A_1347 = arith.constant 12 : i32
      %add3A_1348 = vector.broadcast %add3A_1347 : i32 to vector<16xi32>
      %add3A_1349 = arith.addi %mul3A_1122, %add3A_1348 : vector<16xi32>
      %add3A_1350 = arith.constant 3 : i32
      %add3A_1351 = vector.broadcast %add3A_1350 : i32 to vector<16xi32>
      %add3A_1352 = arith.addi %add3A_1349, %add3A_1351 : vector<16xi32>
      %gather3A_1353 = tpu.vector_load_idx %arg15[%add3A_1352] : memref<272xf32, #tpu.memory_space<vmem>>[vector<16xi32>], vector<16xf32>,
      %add3A_1354 = arith.addf %add3A_1325, %gather3A_1353 : vector<16xf32>
      %add3A_1355 = arith.addf %add3A_1330, %add3A_1338 : vector<16xf32>
      %add3A_1356 = arith.addf %add3A_1346, %add3A_1354 : vector<16xf32>
      %add3A_1357 = arith.addf %add3A_1355, %add3A_1356 : vector<16xf32>
      %bitcast3A = vector.bitcast %add3A_1357 : vector<16xf32> to vector<16xi32>
      %shift_right_arithmetic3A = arith.constant 1 : i32
      %shift_right_arithmetic3A_1358 = vector.broadcast %shift_right_arithmetic3A : i32 to vector<16xi32>
      %shift_right_arithmetic3A_1359 = arith.shrsi %bitcast3A, %shift_right_arithmetic3A_1358 : vector<16xi32>
      %sub3A = arith.constant 1597463007 : i32
      %sub3A_1360 = vector.broadcast %sub3A : i32 to vector<16xi32>
      %sub3A_1361 = arith.subi %sub3A_1360, %shift_right_arithmetic3A_1359 : vector<16xi32>
      %bitcast3A_1362 = vector.bitcast %sub3A_1361 : vector<16xi32> to vector<16xf32>
      %mul3A_1363 = arith.constant 5.000000e-01 : f32
      %mul3A_1364 = vector.broadcast %mul3A_1363 : f32 to vector<16xf32>
      %mul3A_1365 = arith.mulf %mul3A_1364, %add3A_1357 : vector<16xf32>
      %mul3A_1366 = arith.mulf %mul3A_1365, %bitcast3A_1362 : vector<16xf32>
      %mul3A_1367 = arith.mulf %mul3A_1366, %bitcast3A_1362 : vector<16xf32>
      %sub3A_1368 = arith.constant 1.500000e+00 : f32
      %sub3A_1369 = vector.broadcast %sub3A_1368 : f32 to vector<16xf32>
      %sub3A_1370 = arith.subf %sub3A_1369, %mul3A_1367 : vector<16xf32>
      %mul3A_1371 = arith.mulf %bitcast3A_1362, %sub3A_1370 : vector<16xf32>
      %mul3A_1372 = arith.constant 5.000000e-01 : f32
      %mul3A_1373 = vector.broadcast %mul3A_1372 : f32 to vector<16xf32>
      %mul3A_1374 = arith.mulf %mul3A_1373, %add3A_1357 : vector<16xf32>
      %mul3A_1375 = arith.mulf %mul3A_1374, %mul3A_1371 : vector<16xf32>
      %mul3A_1376 = arith.mulf %mul3A_1375, %mul3A_1371 : vector<16xf32>
      %sub3A_1377 = arith.constant 1.500000e+00 : f32
      %sub3A_1378 = vector.broadcast %sub3A_1377 : f32 to vector<16xf32>
      %sub3A_1379 = arith.subf %sub3A_1378, %mul3A_1376 : vector<16xf32>
      %mul3A_1380 = arith.mulf %mul3A_1371, %sub3A_1379 : vector<16xf32>
      %mul3A_1381 = arith.constant 5.000000e-01 : f32
      %mul3A_1382 = vector.broadcast %mul3A_1381 : f32 to vector<16xf32>
      %mul3A_1383 = arith.mulf %mul3A_1382, %add3A_1357 : vector<16xf32>
      %mul3A_1384 = arith.mulf %mul3A_1383, %mul3A_1380 : vector<16xf32>
      %mul3A_1385 = arith.mulf %mul3A_1384, %mul3A_1380 : vector<16xf32>
      %sub3A_1386 = arith.constant 1.500000e+00 : f32
      %sub3A_1387 = vector.broadcast %sub3A_1386 : f32 to vector<16xf32>
      %sub3A_1388 = arith.subf %sub3A_1387, %mul3A_1385 : vector<16xf32>
      %mul3A_1389 = arith.mulf %mul3A_1380, %sub3A_1388 : vector<16xf32>
      %gt3A = arith.constant 0.000000e+00 : f32
      %gt3A_1390 = vector.broadcast %gt3A : f32 to vector<16xf32>
      %gt3A_1391 = arith.cmpf ogt, %add3A_1357, %gt3A_1390 : vector<16xf32>
      %mul3A_1392 = arith.mulf %add3A_1357, %mul3A_1389 : vector<16xf32>
      %jit3A = arith.constant 0.000000e+00 : f32
      %broadcast_in_dim3A = vector.broadcast %jit3A : f32 to vector<16xf32>
      %select_n3A = arith.select %gt3A_1391, %mul3A_1392, %broadcast_in_dim3A : vector<16xi1>, vector<16xf32>
      %neg3A = arith.constant 0.000000e+00 : f32
      %neg3A_1393 = vector.broadcast %neg3A : f32 to vector<16xf32>
      %neg3A_1394 = arith.subf %neg3A_1393, %select_n3A : vector<16xf32>
      %mul3A_1395 = arith.constant 16 : i32
      %mul3A_1396 = arith.muli %scan3A_1247, %mul3A_1395 : i32
      %add3A_1397 = arith.constant 384 : i32
      %add3A_1398 = arith.addi %add3A_1397, %mul3A_1396 : i32
      %swap3A = arith.index_cast %add3A_1398 : i32 to index
      %swap3A_1399 = tpu.vector_load %arg14[%swap3A] {strides = array<i32>} : memref<512xf32, #tpu.memory_space<vmem>>, vector<16xf32>,
      tpu.vector_store %arg14[%swap3A], %neg3A_1394 {strides = array<i32>} : memref<512xf32, #tpu.memory_space<vmem>>, vector<16xf32>,
      %scan3A_1400 = arith.constant 0 : i32
      scf.yield %scan3A_1400 : i32
    }
    %scan3A_1132 = arith.constant 4 : i32
    %add3A_1133 = arith.constant 384 : i32
    %add3A_1134 = arith.addi %mul3A_2, %add3A_1133 : i32
    %dma_start3A_1135 = arith.constant 384 : i32
    %dma_start3A_1136 = tpu.memref_slice %arg14[%dma_start3A_1135] : memref<512xf32, #tpu.memory_space<vmem>> -> memref<64xf32, #tpu.memory_space<vmem>>
    %dma_start3A_1137 = tpu.memref_slice %arg7[%add3A_1134] : memref<16384xf32, #tpu.memory_space<hbm>> -> memref<64xf32, #tpu.memory_space<hbm>>
    %dma_start3A_1138 = tpu.memref_slice %arg7[%add3A_1134] : memref<16384xf32, #tpu.memory_space<hbm>> -> memref<64xf32, #tpu.memory_space<hbm>>
    %dma_start3A_1139 = arith.constant 384 : i32
    %dma_start3A_1140 = tpu.memref_slice %arg14[%dma_start3A_1139] : memref<512xf32, #tpu.memory_space<vmem>> -> memref<64xf32, #tpu.memory_space<vmem>>
    tpu.enqueue_dma source(%dma_start3A_1140 : memref<64xf32, #tpu.memory_space<vmem>>) target(%dma_start3A_1138 : memref<64xf32, #tpu.memory_space<hbm>>) target_semaphore(%arg22 : memref<!tpu.dma_semaphore, #tpu.memory_space<semaphore_mem>>)
    %dma_wait3A_1141 = arith.constant 7 : i32
    %dma_wait3A_1142 = arith.constant 1 : i32
    %dma_wait3A_1143 = arith.constant 0 : i32
    %dma_wait3A_1144 = arith.constant 0 : i32
    %dma_wait3A_1145 = tpu.memref_slice %arg11[%dma_wait3A_1142, %dma_wait3A_1143, %dma_wait3A_1144] : memref<6x64x128xf32, #tpu.memory_space<vmem>> -> memref<1x64x128xf32, #tpu.memory_space<vmem>>
    %dma_wait3A_1146 = tpu.memref_squeeze %dma_wait3A_1145 : memref<1x64x128xf32, #tpu.memory_space<vmem>> -> memref<64x128xf32, #tpu.memory_space<vmem>>
    %dma_wait3A_1147 = arith.constant 0 : i32
    %dma_wait3A_1148 = tpu.memref_slice %arg8[%dma_wait3A_1141, %dma_wait3A_1147] : memref<8x64xi32, #tpu.memory_space<vmem>> -> memref<1x64xi32, #tpu.memory_space<vmem>>
    %dma_wait3A_1149 = tpu.memref_squeeze %dma_wait3A_1148 : memref<1x64xi32, #tpu.memory_space<vmem>> -> memref<64xi32, #tpu.memory_space<vmem>>
    %dma_wait3A_1150 = arith.constant 0 : i32
    %dma_wait3A_1151 = arith.constant 0 : i32
    %dma_wait3A_1152 = tpu.memref_slice %arg5[%dma_wait3A_1150, %dma_wait3A_1151] : memref<100000x128xf32, #tpu.memory_space<hbm>> -> memref<100000x128xf32, #tpu.memory_space<hbm>>
    tpu.wait_indirect_dma semaphore(%arg17 : memref<!tpu.dma_semaphore, #tpu.memory_space<semaphore_mem>>) src(%dma_wait3A_1152 : memref<100000x128xf32, #tpu.memory_space<hbm>>) dst(%dma_wait3A_1146 : memref<64x128xf32, #tpu.memory_space<vmem>>)
    %dma_wait3A_1153 = arith.constant 7 : i32
    %dma_wait3A_1154 = arith.constant 1 : i32
    %dma_wait3A_1155 = arith.constant 0 : i32
    %dma_wait3A_1156 = arith.constant 0 : i32
    %dma_wait3A_1157 = tpu.memref_slice %arg12[%dma_wait3A_1154, %dma_wait3A_1155, %dma_wait3A_1156] : memref<6x64x64xi32, #tpu.memory_space<vmem>> -> memref<1x64x64xi32, #tpu.memory_space<vmem>>
    %dma_wait3A_1158 = tpu.memref_squeeze %dma_wait3A_1157 : memref<1x64x64xi32, #tpu.memory_space<vmem>> -> memref<64x64xi32, #tpu.memory_space<vmem>>
    %dma_wait3A_1159 = arith.constant 0 : i32
    %dma_wait3A_1160 = tpu.memref_slice %arg9[%dma_wait3A_1153, %dma_wait3A_1159] : memref<8x64xi32, #tpu.memory_space<vmem>> -> memref<1x64xi32, #tpu.memory_space<vmem>>
    %dma_wait3A_1161 = tpu.memref_squeeze %dma_wait3A_1160 : memref<1x64xi32, #tpu.memory_space<vmem>> -> memref<64xi32, #tpu.memory_space<vmem>>
    %dma_wait3A_1162 = arith.constant 0 : i32
    %dma_wait3A_1163 = arith.constant 0 : i32
    %dma_wait3A_1164 = tpu.memref_slice %arg6[%dma_wait3A_1162, %dma_wait3A_1163] : memref<1000x64xi32, #tpu.memory_space<hbm>> -> memref<1000x64xi32, #tpu.memory_space<hbm>>
    tpu.wait_indirect_dma semaphore(%arg17 : memref<!tpu.dma_semaphore, #tpu.memory_space<semaphore_mem>>) src(%dma_wait3A_1164 : memref<1000x64xi32, #tpu.memory_space<hbm>>) dst(%dma_wait3A_1158 : memref<64x64xi32, #tpu.memory_space<vmem>>)
    %dma_wait3A_1165 = arith.constant 7 : i32
    %dma_wait3A_1166 = arith.constant 1 : i32
    %dma_wait3A_1167 = arith.constant 0 : i32
    %dma_wait3A_1168 = arith.constant 0 : i32
    %dma_wait3A_1169 = tpu.memref_slice %arg13[%dma_wait3A_1166, %dma_wait3A_1167, %dma_wait3A_1168] : memref<6x64x128xf32, #tpu.memory_space<vmem>> -> memref<1x64x128xf32, #tpu.memory_space<vmem>>
    %dma_wait3A_1170 = tpu.memref_squeeze %dma_wait3A_1169 : memref<1x64x128xf32, #tpu.memory_space<vmem>> -> memref<64x128xf32, #tpu.memory_space<vmem>>
    %dma_wait3A_1171 = arith.constant 0 : i32
    %dma_wait3A_1172 = tpu.memref_slice %arg10[%dma_wait3A_1165, %dma_wait3A_1171] : memref<8x64xi32, #tpu.memory_space<vmem>> -> memref<1x64xi32, #tpu.memory_space<vmem>>
    %dma_wait3A_1173 = tpu.memref_squeeze %dma_wait3A_1172 : memref<1x64xi32, #tpu.memory_space<vmem>> -> memref<64xi32, #tpu.memory_space<vmem>>
    %dma_wait3A_1174 = arith.constant 0 : i32
    %dma_wait3A_1175 = arith.constant 0 : i32
    %dma_wait3A_1176 = tpu.memref_slice %arg5[%dma_wait3A_1174, %dma_wait3A_1175] : memref<100000x128xf32, #tpu.memory_space<hbm>> -> memref<100000x128xf32, #tpu.memory_space<hbm>>
    tpu.wait_indirect_dma semaphore(%arg17 : memref<!tpu.dma_semaphore, #tpu.memory_space<semaphore_mem>>) src(%dma_wait3A_1176 : memref<100000x128xf32, #tpu.memory_space<hbm>>) dst(%dma_wait3A_1170 : memref<64x128xf32, #tpu.memory_space<vmem>>)
    %iota3A_1177 = tpu.iota {dimensions = array<i32: 0>} : vector<16xi32>
    %mul3A_1178 = arith.constant 17 : i32
    %mul3A_1179 = vector.broadcast %mul3A_1178 : i32 to vector<16xi32>
    %mul3A_1180 = arith.muli %iota3A_1177, %mul3A_1179 : vector<16xi32>
    %scan3A_1181 = arith.constant 1 : i32
    %scan3A_1182 = arith.constant 1 : i32
    %scan3A_1183 = arith.constant 1 : i32
    %scan3A_1184 = arith.constant 0 : i32
    %scan3A_1185 = arith.constant 0 : i32
    %scan3A_1186 = arith.constant 4 : i32
    %scan3A_1187 = arith.addi %scan3A_1185, %scan3A_1186 : i32
    %scan3A_1188 = arith.constant 1 : i32
    %scan3A_1189 = scf.for %scan3A_1247 = %scan3A_1185 to %scan3A_1187 step %scan3A_1188 iter_args(%scan3A_1248 = %scan3A_1184) -> (i32)  : i32 {
      %scan3A_1249 = arith.constant 0 : i32
      %scan3A_1250 = arith.constant 0 : i32
      %scan3A_1251 = arith.constant 16 : i32
      %scan3A_1252 = arith.addi %scan3A_1250, %scan3A_1251 : i32
      %scan3A_1253 = arith.constant 1 : i32
      %scan3A_1254 = scf.for %scan3A_1401 = %scan3A_1250 to %scan3A_1252 step %scan3A_1253 iter_args(%scan3A_1402 = %scan3A_1249) -> (i32)  : i32 {
        %broadcast_in_dim3A_1403 = arith.constant 0.000000e+00 : f32
        %broadcast_in_dim3A_1404 = vector.broadcast %broadcast_in_dim3A_1403 : f32 to vector<16xf32>
        %mul3A_1405 = arith.constant 16 : i32
        %mul3A_1406 = arith.muli %scan3A_1247, %mul3A_1405 : i32
        %add3A_1407 = arith.addi %mul3A_1406, %scan3A_1401 : i32
        %get3A = arith.constant 0 : i32
        %get3A_1408 = arith.constant 0 : i32
        %get3A_1409 = tpu.memref_slice %arg11[%scan3A_1181, %get3A, %get3A_1408] : memref<6x64x128xf32, #tpu.memory_space<vmem>> -> memref<1x64x128xf32, #tpu.memory_space<vmem>>
        %get3A_1410 = tpu.memref_squeeze %get3A_1409 : memref<1x64x128xf32, #tpu.memory_space<vmem>> -> memref<64x128xf32, #tpu.memory_space<vmem>>
        %get3A_1411 = arith.index_cast %add3A_1407 : i32 to index
        %get3A_1412 = arith.constant 0 : index
        %get3A_1413 = tpu.vector_load %get3A_1410[%get3A_1411, %get3A_1412] {strides = array<i32>} : memref<64x128xf32, #tpu.memory_space<vmem>>, vector<16xf32>,
        %get3A_1414 = arith.constant 0 : i32
        %get3A_1415 = arith.constant 0 : i32
        %get3A_1416 = tpu.memref_slice %arg11[%scan3A_1181, %get3A_1414, %get3A_1415] : memref<6x64x128xf32, #tpu.memory_space<vmem>> -> memref<1x64x128xf32, #tpu.memory_space<vmem>>
        %get3A_1417 = tpu.memref_squeeze %get3A_1416 : memref<1x64x128xf32, #tpu.memory_space<vmem>> -> memref<64x128xf32, #tpu.memory_space<vmem>>
        %get3A_1418 = arith.index_cast %add3A_1407 : i32 to index
        %get3A_1419 = arith.constant 16 : index
        %get3A_1420 = tpu.vector_load %get3A_1417[%get3A_1418, %get3A_1419] {strides = array<i32>} : memref<64x128xf32, #tpu.memory_space<vmem>>, vector<16xf32>,
        %get3A_1421 = arith.constant 0 : i32
        %get3A_1422 = arith.constant 0 : i32
        %get3A_1423 = tpu.memref_slice %arg13[%scan3A_1182, %get3A_1421, %get3A_1422] : memref<6x64x128xf32, #tpu.memory_space<vmem>> -> memref<1x64x128xf32, #tpu.memory_space<vmem>>
        %get3A_1424 = tpu.memref_squeeze %get3A_1423 : memref<1x64x128xf32, #tpu.memory_space<vmem>> -> memref<64x128xf32, #tpu.memory_space<vmem>>
        %get3A_1425 = arith.index_cast %add3A_1407 : i32 to index
        %get3A_1426 = arith.constant 0 : index
        %get3A_1427 = tpu.vector_load %get3A_1424[%get3A_1425, %get3A_1426] {strides = array<i32>} : memref<64x128xf32, #tpu.memory_space<vmem>>, vector<16xf32>,
        %get3A_1428 = arith.constant 0 : i32
        %get3A_1429 = arith.constant 0 : i32
        %get3A_1430 = tpu.memref_slice %arg13[%scan3A_1182, %get3A_1428, %get3A_1429] : memref<6x64x128xf32, #tpu.memory_space<vmem>> -> memref<1x64x128xf32, #tpu.memory_space<vmem>>
        %get3A_1431 = tpu.memref_squeeze %get3A_1430 : memref<1x64x128xf32, #tpu.memory_space<vmem>> -> memref<64x128xf32, #tpu.memory_space<vmem>>
        %get3A_1432 = arith.index_cast %add3A_1407 : i32 to index
        %get3A_1433 = arith.constant 16 : index
        %get3A_1434 = tpu.vector_load %get3A_1431[%get3A_1432, %get3A_1433] {strides = array<i32>} : memref<64x128xf32, #tpu.memory_space<vmem>>, vector<16xf32>,
        %get3A_1435 = arith.constant 0 : i32
        %get3A_1436 = arith.constant 0 : i32
        %get3A_1437 = tpu.memref_slice %arg12[%scan3A_1183, %get3A_1435, %get3A_1436] : memref<6x64x64xi32, #tpu.memory_space<vmem>> -> memref<1x64x64xi32, #tpu.memory_space<vmem>>
        %get3A_1438 = tpu.memref_squeeze %get3A_1437 : memref<1x64x64xi32, #tpu.memory_space<vmem>> -> memref<64x64xi32, #tpu.memory_space<vmem>>
        %get3A_1439 = arith.index_cast %add3A_1407 : i32 to index
        %get3A_1440 = arith.constant 0 : index
        %get3A_1441 = tpu.vector_load %get3A_1438[%get3A_1439, %get3A_1440] {strides = array<i32>} : memref<64x64xi32, #tpu.memory_space<vmem>>, vector<16xi32>,
        %bitcast3A_1442 = vector.bitcast %get3A_1441 : vector<16xi32> to vector<32xbf16>
        %unpack3A = tpu.unpack_subelements %bitcast3A_1442, 0 {pack_format = #tpu.pack_format<interleaved>} : vector<32xbf16> -> vector<16xf32>
        %unpack3A_1443 = tpu.unpack_subelements %bitcast3A_1442, 1 {pack_format = #tpu.pack_format<interleaved>} : vector<32xbf16> -> vector<16xf32>
        %add3A_1444 = arith.addf %get3A_1413, %unpack3A : vector<16xf32>
        %sub3A_1445 = arith.subf %add3A_1444, %get3A_1427 : vector<16xf32>
        %add3A_1446 = arith.addf %get3A_1420, %unpack3A_1443 : vector<16xf32>
        %sub3A_1447 = arith.subf %add3A_1446, %get3A_1434 : vector<16xf32>
        %mul3A_1448 = arith.mulf %sub3A_1445, %sub3A_1445 : vector<16xf32>
        %add3A_1449 = arith.addf %broadcast_in_dim3A_1404, %mul3A_1448 : vector<16xf32>
        %mul3A_1450 = arith.mulf %sub3A_1447, %sub3A_1447 : vector<16xf32>
        %add3A_1451 = arith.addf %broadcast_in_dim3A_1404, %mul3A_1450 : vector<16xf32>
        %get3A_1452 = arith.constant 0 : i32
        %get3A_1453 = arith.constant 0 : i32
        %get3A_1454 = tpu.memref_slice %arg11[%scan3A_1181, %get3A_1452, %get3A_1453] : memref<6x64x128xf32, #tpu.memory_space<vmem>> -> memref<1x64x128xf32, #tpu.memory_space<vmem>>
        %get3A_1455 = tpu.memref_squeeze %get3A_1454 : memref<1x64x128xf32, #tpu.memory_space<vmem>> -> memref<64x128xf32, #tpu.memory_space<vmem>>
        %get3A_1456 = arith.index_cast %add3A_1407 : i32 to index
        %get3A_1457 = arith.constant 32 : index
        %get3A_1458 = tpu.vector_load %get3A_1455[%get3A_1456, %get3A_1457] {strides = array<i32>} : memref<64x128xf32, #tpu.memory_space<vmem>>, vector<16xf32>,
        %get3A_1459 = arith.constant 0 : i32
        %get3A_1460 = arith.constant 0 : i32
        %get3A_1461 = tpu.memref_slice %arg11[%scan3A_1181, %get3A_1459, %get3A_1460] : memref<6x64x128xf32, #tpu.memory_space<vmem>> -> memref<1x64x128xf32, #tpu.memory_space<vmem>>
        %get3A_1462 = tpu.memref_squeeze %get3A_1461 : memref<1x64x128xf32, #tpu.memory_space<vmem>> -> memref<64x128xf32, #tpu.memory_space<vmem>>
        %get3A_1463 = arith.index_cast %add3A_1407 : i32 to index
        %get3A_1464 = arith.constant 48 : index
        %get3A_1465 = tpu.vector_load %get3A_1462[%get3A_1463, %get3A_1464] {strides = array<i32>} : memref<64x128xf32, #tpu.memory_space<vmem>>, vector<16xf32>,
        %get3A_1466 = arith.constant 0 : i32
        %get3A_1467 = arith.constant 0 : i32
        %get3A_1468 = tpu.memref_slice %arg13[%scan3A_1182, %get3A_1466, %get3A_1467] : memref<6x64x128xf32, #tpu.memory_space<vmem>> -> memref<1x64x128xf32, #tpu.memory_space<vmem>>
        %get3A_1469 = tpu.memref_squeeze %get3A_1468 : memref<1x64x128xf32, #tpu.memory_space<vmem>> -> memref<64x128xf32, #tpu.memory_space<vmem>>
        %get3A_1470 = arith.index_cast %add3A_1407 : i32 to index
        %get3A_1471 = arith.constant 32 : index
        %get3A_1472 = tpu.vector_load %get3A_1469[%get3A_1470, %get3A_1471] {strides = array<i32>} : memref<64x128xf32, #tpu.memory_space<vmem>>, vector<16xf32>,
        %get3A_1473 = arith.constant 0 : i32
        %get3A_1474 = arith.constant 0 : i32
        %get3A_1475 = tpu.memref_slice %arg13[%scan3A_1182, %get3A_1473, %get3A_1474] : memref<6x64x128xf32, #tpu.memory_space<vmem>> -> memref<1x64x128xf32, #tpu.memory_space<vmem>>
        %get3A_1476 = tpu.memref_squeeze %get3A_1475 : memref<1x64x128xf32, #tpu.memory_space<vmem>> -> memref<64x128xf32, #tpu.memory_space<vmem>>
        %get3A_1477 = arith.index_cast %add3A_1407 : i32 to index
        %get3A_1478 = arith.constant 48 : index
        %get3A_1479 = tpu.vector_load %get3A_1476[%get3A_1477, %get3A_1478] {strides = array<i32>} : memref<64x128xf32, #tpu.memory_space<vmem>>, vector<16xf32>,
        %get3A_1480 = arith.constant 0 : i32
        %get3A_1481 = arith.constant 0 : i32
        %get3A_1482 = tpu.memref_slice %arg12[%scan3A_1183, %get3A_1480, %get3A_1481] : memref<6x64x64xi32, #tpu.memory_space<vmem>> -> memref<1x64x64xi32, #tpu.memory_space<vmem>>
        %get3A_1483 = tpu.memref_squeeze %get3A_1482 : memref<1x64x64xi32, #tpu.memory_space<vmem>> -> memref<64x64xi32, #tpu.memory_space<vmem>>
        %get3A_1484 = arith.index_cast %add3A_1407 : i32 to index
        %get3A_1485 = arith.constant 16 : index
        %get3A_1486 = tpu.vector_load %get3A_1483[%get3A_1484, %get3A_1485] {strides = array<i32>} : memref<64x64xi32, #tpu.memory_space<vmem>>, vector<16xi32>,
        %bitcast3A_1487 = vector.bitcast %get3A_1486 : vector<16xi32> to vector<32xbf16>
        %unpack3A_1488 = tpu.unpack_subelements %bitcast3A_1487, 0 {pack_format = #tpu.pack_format<interleaved>} : vector<32xbf16> -> vector<16xf32>
        %unpack3A_1489 = tpu.unpack_subelements %bitcast3A_1487, 1 {pack_format = #tpu.pack_format<interleaved>} : vector<32xbf16> -> vector<16xf32>
        %add3A_1490 = arith.addf %get3A_1458, %unpack3A_1488 : vector<16xf32>
        %sub3A_1491 = arith.subf %add3A_1490, %get3A_1472 : vector<16xf32>
        %add3A_1492 = arith.addf %get3A_1465, %unpack3A_1489 : vector<16xf32>
        %sub3A_1493 = arith.subf %add3A_1492, %get3A_1479 : vector<16xf32>
        %mul3A_1494 = arith.mulf %sub3A_1491, %sub3A_1491 : vector<16xf32>
        %add3A_1495 = arith.addf %add3A_1449, %mul3A_1494 : vector<16xf32>
        %mul3A_1496 = arith.mulf %sub3A_1493, %sub3A_1493 : vector<16xf32>
        %add3A_1497 = arith.addf %add3A_1451, %mul3A_1496 : vector<16xf32>
        %get3A_1498 = arith.constant 0 : i32
        %get3A_1499 = arith.constant 0 : i32
        %get3A_1500 = tpu.memref_slice %arg11[%scan3A_1181, %get3A_1498, %get3A_1499] : memref<6x64x128xf32, #tpu.memory_space<vmem>> -> memref<1x64x128xf32, #tpu.memory_space<vmem>>
        %get3A_1501 = tpu.memref_squeeze %get3A_1500 : memref<1x64x128xf32, #tpu.memory_space<vmem>> -> memref<64x128xf32, #tpu.memory_space<vmem>>
        %get3A_1502 = arith.index_cast %add3A_1407 : i32 to index
        %get3A_1503 = arith.constant 64 : index
        %get3A_1504 = tpu.vector_load %get3A_1501[%get3A_1502, %get3A_1503] {strides = array<i32>} : memref<64x128xf32, #tpu.memory_space<vmem>>, vector<16xf32>,
        %get3A_1505 = arith.constant 0 : i32
        %get3A_1506 = arith.constant 0 : i32
        %get3A_1507 = tpu.memref_slice %arg11[%scan3A_1181, %get3A_1505, %get3A_1506] : memref<6x64x128xf32, #tpu.memory_space<vmem>> -> memref<1x64x128xf32, #tpu.memory_space<vmem>>
        %get3A_1508 = tpu.memref_squeeze %get3A_1507 : memref<1x64x128xf32, #tpu.memory_space<vmem>> -> memref<64x128xf32, #tpu.memory_space<vmem>>
        %get3A_1509 = arith.index_cast %add3A_1407 : i32 to index
        %get3A_1510 = arith.constant 80 : index
        %get3A_1511 = tpu.vector_load %get3A_1508[%get3A_1509, %get3A_1510] {strides = array<i32>} : memref<64x128xf32, #tpu.memory_space<vmem>>, vector<16xf32>,
        %get3A_1512 = arith.constant 0 : i32
        %get3A_1513 = arith.constant 0 : i32
        %get3A_1514 = tpu.memref_slice %arg13[%scan3A_1182, %get3A_1512, %get3A_1513] : memref<6x64x128xf32, #tpu.memory_space<vmem>> -> memref<1x64x128xf32, #tpu.memory_space<vmem>>
        %get3A_1515 = tpu.memref_squeeze %get3A_1514 : memref<1x64x128xf32, #tpu.memory_space<vmem>> -> memref<64x128xf32, #tpu.memory_space<vmem>>
        %get3A_1516 = arith.index_cast %add3A_1407 : i32 to index
        %get3A_1517 = arith.constant 64 : index
        %get3A_1518 = tpu.vector_load %get3A_1515[%get3A_1516, %get3A_1517] {strides = array<i32>} : memref<64x128xf32, #tpu.memory_space<vmem>>, vector<16xf32>,
        %get3A_1519 = arith.constant 0 : i32
        %get3A_1520 = arith.constant 0 : i32
        %get3A_1521 = tpu.memref_slice %arg13[%scan3A_1182, %get3A_1519, %get3A_1520] : memref<6x64x128xf32, #tpu.memory_space<vmem>> -> memref<1x64x128xf32, #tpu.memory_space<vmem>>
        %get3A_1522 = tpu.memref_squeeze %get3A_1521 : memref<1x64x128xf32, #tpu.memory_space<vmem>> -> memref<64x128xf32, #tpu.memory_space<vmem>>
        %get3A_1523 = arith.index_cast %add3A_1407 : i32 to index
        %get3A_1524 = arith.constant 80 : index
        %get3A_1525 = tpu.vector_load %get3A_1522[%get3A_1523, %get3A_1524] {strides = array<i32>} : memref<64x128xf32, #tpu.memory_space<vmem>>, vector<16xf32>,
        %get3A_1526 = arith.constant 0 : i32
        %get3A_1527 = arith.constant 0 : i32
        %get3A_1528 = tpu.memref_slice %arg12[%scan3A_1183, %get3A_1526, %get3A_1527] : memref<6x64x64xi32, #tpu.memory_space<vmem>> -> memref<1x64x64xi32, #tpu.memory_space<vmem>>
        %get3A_1529 = tpu.memref_squeeze %get3A_1528 : memref<1x64x64xi32, #tpu.memory_space<vmem>> -> memref<64x64xi32, #tpu.memory_space<vmem>>
        %get3A_1530 = arith.index_cast %add3A_1407 : i32 to index
        %get3A_1531 = arith.constant 32 : index
        %get3A_1532 = tpu.vector_load %get3A_1529[%get3A_1530, %get3A_1531] {strides = array<i32>} : memref<64x64xi32, #tpu.memory_space<vmem>>, vector<16xi32>,
        %bitcast3A_1533 = vector.bitcast %get3A_1532 : vector<16xi32> to vector<32xbf16>
        %unpack3A_1534 = tpu.unpack_subelements %bitcast3A_1533, 0 {pack_format = #tpu.pack_format<interleaved>} : vector<32xbf16> -> vector<16xf32>
        %unpack3A_1535 = tpu.unpack_subelements %bitcast3A_1533, 1 {pack_format = #tpu.pack_format<interleaved>} : vector<32xbf16> -> vector<16xf32>
        %add3A_1536 = arith.addf %get3A_1504, %unpack3A_1534 : vector<16xf32>
        %sub3A_1537 = arith.subf %add3A_1536, %get3A_1518 : vector<16xf32>
        %add3A_1538 = arith.addf %get3A_1511, %unpack3A_1535 : vector<16xf32>
        %sub3A_1539 = arith.subf %add3A_1538, %get3A_1525 : vector<16xf32>
        %mul3A_1540 = arith.mulf %sub3A_1537, %sub3A_1537 : vector<16xf32>
        %add3A_1541 = arith.addf %add3A_1495, %mul3A_1540 : vector<16xf32>
        %mul3A_1542 = arith.mulf %sub3A_1539, %sub3A_1539 : vector<16xf32>
        %add3A_1543 = arith.addf %add3A_1497, %mul3A_1542 : vector<16xf32>
        %get3A_1544 = arith.constant 0 : i32
        %get3A_1545 = arith.constant 0 : i32
        %get3A_1546 = tpu.memref_slice %arg11[%scan3A_1181, %get3A_1544, %get3A_1545] : memref<6x64x128xf32, #tpu.memory_space<vmem>> -> memref<1x64x128xf32, #tpu.memory_space<vmem>>
        %get3A_1547 = tpu.memref_squeeze %get3A_1546 : memref<1x64x128xf32, #tpu.memory_space<vmem>> -> memref<64x128xf32, #tpu.memory_space<vmem>>
        %get3A_1548 = arith.index_cast %add3A_1407 : i32 to index
        %get3A_1549 = arith.constant 96 : index
        %get3A_1550 = tpu.vector_load %get3A_1547[%get3A_1548, %get3A_1549] {strides = array<i32>} : memref<64x128xf32, #tpu.memory_space<vmem>>, vector<16xf32>,
        %get3A_1551 = arith.constant 0 : i32
        %get3A_1552 = arith.constant 0 : i32
        %get3A_1553 = tpu.memref_slice %arg11[%scan3A_1181, %get3A_1551, %get3A_1552] : memref<6x64x128xf32, #tpu.memory_space<vmem>> -> memref<1x64x128xf32, #tpu.memory_space<vmem>>
        %get3A_1554 = tpu.memref_squeeze %get3A_1553 : memref<1x64x128xf32, #tpu.memory_space<vmem>> -> memref<64x128xf32, #tpu.memory_space<vmem>>
        %get3A_1555 = arith.index_cast %add3A_1407 : i32 to index
        %get3A_1556 = arith.constant 112 : index
        %get3A_1557 = tpu.vector_load %get3A_1554[%get3A_1555, %get3A_1556] {strides = array<i32>} : memref<64x128xf32, #tpu.memory_space<vmem>>, vector<16xf32>,
        %get3A_1558 = arith.constant 0 : i32
        %get3A_1559 = arith.constant 0 : i32
        %get3A_1560 = tpu.memref_slice %arg13[%scan3A_1182, %get3A_1558, %get3A_1559] : memref<6x64x128xf32, #tpu.memory_space<vmem>> -> memref<1x64x128xf32, #tpu.memory_space<vmem>>
        %get3A_1561 = tpu.memref_squeeze %get3A_1560 : memref<1x64x128xf32, #tpu.memory_space<vmem>> -> memref<64x128xf32, #tpu.memory_space<vmem>>
        %get3A_1562 = arith.index_cast %add3A_1407 : i32 to index
        %get3A_1563 = arith.constant 96 : index
        %get3A_1564 = tpu.vector_load %get3A_1561[%get3A_1562, %get3A_1563] {strides = array<i32>} : memref<64x128xf32, #tpu.memory_space<vmem>>, vector<16xf32>,
        %get3A_1565 = arith.constant 0 : i32
        %get3A_1566 = arith.constant 0 : i32
        %get3A_1567 = tpu.memref_slice %arg13[%scan3A_1182, %get3A_1565, %get3A_1566] : memref<6x64x128xf32, #tpu.memory_space<vmem>> -> memref<1x64x128xf32, #tpu.memory_space<vmem>>
        %get3A_1568 = tpu.memref_squeeze %get3A_1567 : memref<1x64x128xf32, #tpu.memory_space<vmem>> -> memref<64x128xf32, #tpu.memory_space<vmem>>
        %get3A_1569 = arith.index_cast %add3A_1407 : i32 to index
        %get3A_1570 = arith.constant 112 : index
        %get3A_1571 = tpu.vector_load %get3A_1568[%get3A_1569, %get3A_1570] {strides = array<i32>} : memref<64x128xf32, #tpu.memory_space<vmem>>, vector<16xf32>,
        %get3A_1572 = arith.constant 0 : i32
        %get3A_1573 = arith.constant 0 : i32
        %get3A_1574 = tpu.memref_slice %arg12[%scan3A_1183, %get3A_1572, %get3A_1573] : memref<6x64x64xi32, #tpu.memory_space<vmem>> -> memref<1x64x64xi32, #tpu.memory_space<vmem>>
        %get3A_1575 = tpu.memref_squeeze %get3A_1574 : memref<1x64x64xi32, #tpu.memory_space<vmem>> -> memref<64x64xi32, #tpu.memory_space<vmem>>
        %get3A_1576 = arith.index_cast %add3A_1407 : i32 to index
        %get3A_1577 = arith.constant 48 : index
        %get3A_1578 = tpu.vector_load %get3A_1575[%get3A_1576, %get3A_1577] {strides = array<i32>} : memref<64x64xi32, #tpu.memory_space<vmem>>, vector<16xi32>,
        %bitcast3A_1579 = vector.bitcast %get3A_1578 : vector<16xi32> to vector<32xbf16>
        %unpack3A_1580 = tpu.unpack_subelements %bitcast3A_1579, 0 {pack_format = #tpu.pack_format<interleaved>} : vector<32xbf16> -> vector<16xf32>
        %unpack3A_1581 = tpu.unpack_subelements %bitcast3A_1579, 1 {pack_format = #tpu.pack_format<interleaved>} : vector<32xbf16> -> vector<16xf32>
        %add3A_1582 = arith.addf %get3A_1550, %unpack3A_1580 : vector<16xf32>
        %sub3A_1583 = arith.subf %add3A_1582, %get3A_1564 : vector<16xf32>
        %add3A_1584 = arith.addf %get3A_1557, %unpack3A_1581 : vector<16xf32>
        %sub3A_1585 = arith.subf %add3A_1584, %get3A_1571 : vector<16xf32>
        %mul3A_1586 = arith.mulf %sub3A_1583, %sub3A_1583 : vector<16xf32>
        %add3A_1587 = arith.addf %add3A_1541, %mul3A_1586 : vector<16xf32>
        %mul3A_1588 = arith.mulf %sub3A_1585, %sub3A_1585 : vector<16xf32>
        %add3A_1589 = arith.addf %add3A_1543, %mul3A_1588 : vector<16xf32>
        %mul3A_1590 = arith.constant 17 : i32
        %mul3A_1591 = arith.muli %scan3A_1401, %mul3A_1590 : i32
        %add3A_1592 = vector.broadcast %mul3A_1591 : i32 to vector<16xi32>
        %add3A_1593 = arith.addi %add3A_1592, %iota3A_1177 : vector<16xi32>
        %add3A_1594 = arith.addf %add3A_1587, %add3A_1589 : vector<16xf32>
        tpu.vector_store_idx %arg15[%add3A_1593], %add3A_1594 : memref<272xf32, #tpu.memory_space<vmem>>[vector<16xi32>], vector<16xf32>,
        %scan3A_1595 = arith.constant 0 : i32
        scf.yield %scan3A_1595 : i32
      }
      %scan3A_1255 = arith.constant 16 : i32
      %gather3A = tpu.vector_load_idx %arg15[%mul3A_1180] : memref<272xf32, #tpu.memory_space<vmem>>[vector<16xi32>], vector<16xf32>,
      %add3A_1256 = arith.constant 1 : i32
      %add3A_1257 = vector.broadcast %add3A_1256 : i32 to vector<16xi32>
      %add3A_1258 = arith.addi %mul3A_1180, %add3A_1257 : vector<16xi32>
      %gather3A_1259 = tpu.vector_load_idx %arg15[%add3A_1258] : memref<272xf32, #tpu.memory_space<vmem>>[vector<16xi32>], vector<16xf32>,
      %add3A_1260 = arith.constant 2 : i32
      %add3A_1261 = vector.broadcast %add3A_1260 : i32 to vector<16xi32>
      %add3A_1262 = arith.addi %mul3A_1180, %add3A_1261 : vector<16xi32>
      %gather3A_1263 = tpu.vector_load_idx %arg15[%add3A_1262] : memref<272xf32, #tpu.memory_space<vmem>>[vector<16xi32>], vector<16xf32>,
      %add3A_1264 = arith.constant 3 : i32
      %add3A_1265 = vector.broadcast %add3A_1264 : i32 to vector<16xi32>
      %add3A_1266 = arith.addi %mul3A_1180, %add3A_1265 : vector<16xi32>
      %gather3A_1267 = tpu.vector_load_idx %arg15[%add3A_1266] : memref<272xf32, #tpu.memory_space<vmem>>[vector<16xi32>], vector<16xf32>,
      %add3A_1268 = arith.constant 4 : i32
      %add3A_1269 = vector.broadcast %add3A_1268 : i32 to vector<16xi32>
      %add3A_1270 = arith.addi %mul3A_1180, %add3A_1269 : vector<16xi32>
      %gather3A_1271 = tpu.vector_load_idx %arg15[%add3A_1270] : memref<272xf32, #tpu.memory_space<vmem>>[vector<16xi32>], vector<16xf32>,
      %add3A_1272 = arith.addf %gather3A, %gather3A_1271 : vector<16xf32>
      %add3A_1273 = arith.constant 4 : i32
      %add3A_1274 = vector.broadcast %add3A_1273 : i32 to vector<16xi32>
      %add3A_1275 = arith.addi %mul3A_1180, %add3A_1274 : vector<16xi32>
      %add3A_1276 = arith.constant 1 : i32
      %add3A_1277 = vector.broadcast %add3A_1276 : i32 to vector<16xi32>
      %add3A_1278 = arith.addi %add3A_1275, %add3A_1277 : vector<16xi32>
      %gather3A_1279 = tpu.vector_load_idx %arg15[%add3A_1278] : memref<272xf32, #tpu.memory_space<vmem>>[vector<16xi32>], vector<16xf32>,
      %add3A_1280 = arith.addf %gather3A_1259, %gather3A_1279 : vector<16xf32>
      %add3A_1281 = arith.constant 4 : i32
      %add3A_1282 = vector.broadcast %add3A_1281 : i32 to vector<16xi32>
      %add3A_1283 = arith.addi %mul3A_1180, %add3A_1282 : vector<16xi32>
      %add3A_1284 = arith.constant 2 : i32
      %add3A_1285 = vector.broadcast %add3A_1284 : i32 to vector<16xi32>
      %add3A_1286 = arith.addi %add3A_1283, %add3A_1285 : vector<16xi32>
      %gather3A_1287 = tpu.vector_load_idx %arg15[%add3A_1286] : memref<272xf32, #tpu.memory_space<vmem>>[vector<16xi32>], vector<16xf32>,
      %add3A_1288 = arith.addf %gather3A_1263, %gather3A_1287 : vector<16xf32>
      %add3A_1289 = arith.constant 4 : i32
      %add3A_1290 = vector.broadcast %add3A_1289 : i32 to vector<16xi32>
      %add3A_1291 = arith.addi %mul3A_1180, %add3A_1290 : vector<16xi32>
      %add3A_1292 = arith.constant 3 : i32
      %add3A_1293 = vector.broadcast %add3A_1292 : i32 to vector<16xi32>
      %add3A_1294 = arith.addi %add3A_1291, %add3A_1293 : vector<16xi32>
      %gather3A_1295 = tpu.vector_load_idx %arg15[%add3A_1294] : memref<272xf32, #tpu.memory_space<vmem>>[vector<16xi32>], vector<16xf32>,
      %add3A_1296 = arith.addf %gather3A_1267, %gather3A_1295 : vector<16xf32>
      %add3A_1297 = arith.constant 8 : i32
      %add3A_1298 = vector.broadcast %add3A_1297 : i32 to vector<16xi32>
      %add3A_1299 = arith.addi %mul3A_1180, %add3A_1298 : vector<16xi32>
      %gather3A_1300 = tpu.vector_load_idx %arg15[%add3A_1299] : memref<272xf32, #tpu.memory_space<vmem>>[vector<16xi32>], vector<16xf32>,
      %add3A_1301 = arith.addf %add3A_1272, %gather3A_1300 : vector<16xf32>
      %add3A_1302 = arith.constant 8 : i32
      %add3A_1303 = vector.broadcast %add3A_1302 : i32 to vector<16xi32>
      %add3A_1304 = arith.addi %mul3A_1180, %add3A_1303 : vector<16xi32>
      %add3A_1305 = arith.constant 1 : i32
      %add3A_1306 = vector.broadcast %add3A_1305 : i32 to vector<16xi32>
      %add3A_1307 = arith.addi %add3A_1304, %add3A_1306 : vector<16xi32>
      %gather3A_1308 = tpu.vector_load_idx %arg15[%add3A_1307] : memref<272xf32, #tpu.memory_space<vmem>>[vector<16xi32>], vector<16xf32>,
      %add3A_1309 = arith.addf %add3A_1280, %gather3A_1308 : vector<16xf32>
      %add3A_1310 = arith.constant 8 : i32
      %add3A_1311 = vector.broadcast %add3A_1310 : i32 to vector<16xi32>
      %add3A_1312 = arith.addi %mul3A_1180, %add3A_1311 : vector<16xi32>
      %add3A_1313 = arith.constant 2 : i32
      %add3A_1314 = vector.broadcast %add3A_1313 : i32 to vector<16xi32>
      %add3A_1315 = arith.addi %add3A_1312, %add3A_1314 : vector<16xi32>
      %gather3A_1316 = tpu.vector_load_idx %arg15[%add3A_1315] : memref<272xf32, #tpu.memory_space<vmem>>[vector<16xi32>], vector<16xf32>,
      %add3A_1317 = arith.addf %add3A_1288, %gather3A_1316 : vector<16xf32>
      %add3A_1318 = arith.constant 8 : i32
      %add3A_1319 = vector.broadcast %add3A_1318 : i32 to vector<16xi32>
      %add3A_1320 = arith.addi %mul3A_1180, %add3A_1319 : vector<16xi32>
      %add3A_1321 = arith.constant 3 : i32
      %add3A_1322 = vector.broadcast %add3A_1321 : i32 to vector<16xi32>
      %add3A_1323 = arith.addi %add3A_1320, %add3A_1322 : vector<16xi32>
      %gather3A_1324 = tpu.vector_load_idx %arg15[%add3A_1323] : memref<272xf32, #tpu.memory_space<vmem>>[vector<16xi32>], vector<16xf32>,
      %add3A_1325 = arith.addf %add3A_1296, %gather3A_1324 : vector<16xf32>
      %add3A_1326 = arith.constant 12 : i32
      %add3A_1327 = vector.broadcast %add3A_1326 : i32 to vector<16xi32>
      %add3A_1328 = arith.addi %mul3A_1180, %add3A_1327 : vector<16xi32>
      %gather3A_1329 = tpu.vector_load_idx %arg15[%add3A_1328] : memref<272xf32, #tpu.memory_space<vmem>>[vector<16xi32>], vector<16xf32>,
      %add3A_1330 = arith.addf %add3A_1301, %gather3A_1329 : vector<16xf32>
      %add3A_1331 = arith.constant 12 : i32
      %add3A_1332 = vector.broadcast %add3A_1331 : i32 to vector<16xi32>
      %add3A_1333 = arith.addi %mul3A_1180, %add3A_1332 : vector<16xi32>
      %add3A_1334 = arith.constant 1 : i32
      %add3A_1335 = vector.broadcast %add3A_1334 : i32 to vector<16xi32>
      %add3A_1336 = arith.addi %add3A_1333, %add3A_1335 : vector<16xi32>
      %gather3A_1337 = tpu.vector_load_idx %arg15[%add3A_1336] : memref<272xf32, #tpu.memory_space<vmem>>[vector<16xi32>], vector<16xf32>,
      %add3A_1338 = arith.addf %add3A_1309, %gather3A_1337 : vector<16xf32>
      %add3A_1339 = arith.constant 12 : i32
      %add3A_1340 = vector.broadcast %add3A_1339 : i32 to vector<16xi32>
      %add3A_1341 = arith.addi %mul3A_1180, %add3A_1340 : vector<16xi32>
      %add3A_1342 = arith.constant 2 : i32
      %add3A_1343 = vector.broadcast %add3A_1342 : i32 to vector<16xi32>
      %add3A_1344 = arith.addi %add3A_1341, %add3A_1343 : vector<16xi32>
      %gather3A_1345 = tpu.vector_load_idx %arg15[%add3A_1344] : memref<272xf32, #tpu.memory_space<vmem>>[vector<16xi32>], vector<16xf32>,
      %add3A_1346 = arith.addf %add3A_1317, %gather3A_1345 : vector<16xf32>
      %add3A_1347 = arith.constant 12 : i32
      %add3A_1348 = vector.broadcast %add3A_1347 : i32 to vector<16xi32>
      %add3A_1349 = arith.addi %mul3A_1180, %add3A_1348 : vector<16xi32>
      %add3A_1350 = arith.constant 3 : i32
      %add3A_1351 = vector.broadcast %add3A_1350 : i32 to vector<16xi32>
      %add3A_1352 = arith.addi %add3A_1349, %add3A_1351 : vector<16xi32>
      %gather3A_1353 = tpu.vector_load_idx %arg15[%add3A_1352] : memref<272xf32, #tpu.memory_space<vmem>>[vector<16xi32>], vector<16xf32>,
      %add3A_1354 = arith.addf %add3A_1325, %gather3A_1353 : vector<16xf32>
      %add3A_1355 = arith.addf %add3A_1330, %add3A_1338 : vector<16xf32>
      %add3A_1356 = arith.addf %add3A_1346, %add3A_1354 : vector<16xf32>
      %add3A_1357 = arith.addf %add3A_1355, %add3A_1356 : vector<16xf32>
      %bitcast3A = vector.bitcast %add3A_1357 : vector<16xf32> to vector<16xi32>
      %shift_right_arithmetic3A = arith.constant 1 : i32
      %shift_right_arithmetic3A_1358 = vector.broadcast %shift_right_arithmetic3A : i32 to vector<16xi32>
      %shift_right_arithmetic3A_1359 = arith.shrsi %bitcast3A, %shift_right_arithmetic3A_1358 : vector<16xi32>
      %sub3A = arith.constant 1597463007 : i32
      %sub3A_1360 = vector.broadcast %sub3A : i32 to vector<16xi32>
      %sub3A_1361 = arith.subi %sub3A_1360, %shift_right_arithmetic3A_1359 : vector<16xi32>
      %bitcast3A_1362 = vector.bitcast %sub3A_1361 : vector<16xi32> to vector<16xf32>
      %mul3A_1363 = arith.constant 5.000000e-01 : f32
      %mul3A_1364 = vector.broadcast %mul3A_1363 : f32 to vector<16xf32>
      %mul3A_1365 = arith.mulf %mul3A_1364, %add3A_1357 : vector<16xf32>
      %mul3A_1366 = arith.mulf %mul3A_1365, %bitcast3A_1362 : vector<16xf32>
      %mul3A_1367 = arith.mulf %mul3A_1366, %bitcast3A_1362 : vector<16xf32>
      %sub3A_1368 = arith.constant 1.500000e+00 : f32
      %sub3A_1369 = vector.broadcast %sub3A_1368 : f32 to vector<16xf32>
      %sub3A_1370 = arith.subf %sub3A_1369, %mul3A_1367 : vector<16xf32>
      %mul3A_1371 = arith.mulf %bitcast3A_1362, %sub3A_1370 : vector<16xf32>
      %mul3A_1372 = arith.constant 5.000000e-01 : f32
      %mul3A_1373 = vector.broadcast %mul3A_1372 : f32 to vector<16xf32>
      %mul3A_1374 = arith.mulf %mul3A_1373, %add3A_1357 : vector<16xf32>
      %mul3A_1375 = arith.mulf %mul3A_1374, %mul3A_1371 : vector<16xf32>
      %mul3A_1376 = arith.mulf %mul3A_1375, %mul3A_1371 : vector<16xf32>
      %sub3A_1377 = arith.constant 1.500000e+00 : f32
      %sub3A_1378 = vector.broadcast %sub3A_1377 : f32 to vector<16xf32>
      %sub3A_1379 = arith.subf %sub3A_1378, %mul3A_1376 : vector<16xf32>
      %mul3A_1380 = arith.mulf %mul3A_1371, %sub3A_1379 : vector<16xf32>
      %mul3A_1381 = arith.constant 5.000000e-01 : f32
      %mul3A_1382 = vector.broadcast %mul3A_1381 : f32 to vector<16xf32>
      %mul3A_1383 = arith.mulf %mul3A_1382, %add3A_1357 : vector<16xf32>
      %mul3A_1384 = arith.mulf %mul3A_1383, %mul3A_1380 : vector<16xf32>
      %mul3A_1385 = arith.mulf %mul3A_1384, %mul3A_1380 : vector<16xf32>
      %sub3A_1386 = arith.constant 1.500000e+00 : f32
      %sub3A_1387 = vector.broadcast %sub3A_1386 : f32 to vector<16xf32>
      %sub3A_1388 = arith.subf %sub3A_1387, %mul3A_1385 : vector<16xf32>
      %mul3A_1389 = arith.mulf %mul3A_1380, %sub3A_1388 : vector<16xf32>
      %gt3A = arith.constant 0.000000e+00 : f32
      %gt3A_1390 = vector.broadcast %gt3A : f32 to vector<16xf32>
      %gt3A_1391 = arith.cmpf ogt, %add3A_1357, %gt3A_1390 : vector<16xf32>
      %mul3A_1392 = arith.mulf %add3A_1357, %mul3A_1389 : vector<16xf32>
      %jit3A = arith.constant 0.000000e+00 : f32
      %broadcast_in_dim3A = vector.broadcast %jit3A : f32 to vector<16xf32>
      %select_n3A = arith.select %gt3A_1391, %mul3A_1392, %broadcast_in_dim3A : vector<16xi1>, vector<16xf32>
      %neg3A = arith.constant 0.000000e+00 : f32
      %neg3A_1393 = vector.broadcast %neg3A : f32 to vector<16xf32>
      %neg3A_1394 = arith.subf %neg3A_1393, %select_n3A : vector<16xf32>
      %mul3A_1395 = arith.constant 16 : i32
      %mul3A_1396 = arith.muli %scan3A_1247, %mul3A_1395 : i32
      %add3A_1397 = arith.constant 448 : i32
      %add3A_1398 = arith.addi %add3A_1397, %mul3A_1396 : i32
      %swap3A = arith.index_cast %add3A_1398 : i32 to index
      %swap3A_1399 = tpu.vector_load %arg14[%swap3A] {strides = array<i32>} : memref<512xf32, #tpu.memory_space<vmem>>, vector<16xf32>,
      tpu.vector_store %arg14[%swap3A], %neg3A_1394 {strides = array<i32>} : memref<512xf32, #tpu.memory_space<vmem>>, vector<16xf32>,
      %scan3A_1400 = arith.constant 0 : i32
      scf.yield %scan3A_1400 : i32
    }
    %scan3A_1190 = arith.constant 4 : i32
    %add3A_1191 = arith.constant 448 : i32
    %add3A_1192 = arith.addi %mul3A_2, %add3A_1191 : i32
    %dma_start3A_1193 = arith.constant 448 : i32
    %dma_start3A_1194 = tpu.memref_slice %arg14[%dma_start3A_1193] : memref<512xf32, #tpu.memory_space<vmem>> -> memref<64xf32, #tpu.memory_space<vmem>>
    %dma_start3A_1195 = tpu.memref_slice %arg7[%add3A_1192] : memref<16384xf32, #tpu.memory_space<hbm>> -> memref<64xf32, #tpu.memory_space<hbm>>
    %dma_start3A_1196 = tpu.memref_slice %arg7[%add3A_1192] : memref<16384xf32, #tpu.memory_space<hbm>> -> memref<64xf32, #tpu.memory_space<hbm>>
    %dma_start3A_1197 = arith.constant 448 : i32
    %dma_start3A_1198 = tpu.memref_slice %arg14[%dma_start3A_1197] : memref<512xf32, #tpu.memory_space<vmem>> -> memref<64xf32, #tpu.memory_space<vmem>>
    tpu.enqueue_dma source(%dma_start3A_1198 : memref<64xf32, #tpu.memory_space<vmem>>) target(%dma_start3A_1196 : memref<64xf32, #tpu.memory_space<hbm>>) target_semaphore(%arg22 : memref<!tpu.dma_semaphore, #tpu.memory_space<semaphore_mem>>)
    %dma_wait3A_1199 = arith.constant 0 : i32
    %dma_wait3A_1200 = tpu.memref_slice %arg14[%dma_wait3A_1199] : memref<512xf32, #tpu.memory_space<vmem>> -> memref<64xf32, #tpu.memory_space<vmem>>
    %dma_wait3A_1201 = tpu.memref_slice %arg7[%add3A_714] : memref<16384xf32, #tpu.memory_space<hbm>> -> memref<64xf32, #tpu.memory_space<hbm>>
    %dma_wait3A_1202 = tpu.memref_slice %arg7[%add3A_714] : memref<16384xf32, #tpu.memory_space<hbm>> -> memref<64xf32, #tpu.memory_space<hbm>>
    %dma_wait3A_1203 = arith.constant 0 : i32
    %dma_wait3A_1204 = tpu.memref_slice %arg14[%dma_wait3A_1203] : memref<512xf32, #tpu.memory_space<vmem>> -> memref<64xf32, #tpu.memory_space<vmem>>
    tpu.wait_dma2 semaphore(%arg22 : memref<!tpu.dma_semaphore, #tpu.memory_space<semaphore_mem>>) src(%dma_wait3A_1204 : memref<64xf32, #tpu.memory_space<vmem>>) dst(%dma_wait3A_1202 : memref<64xf32, #tpu.memory_space<hbm>>)
    %dma_wait3A_1205 = arith.constant 64 : i32
    %dma_wait3A_1206 = tpu.memref_slice %arg14[%dma_wait3A_1205] : memref<512xf32, #tpu.memory_space<vmem>> -> memref<64xf32, #tpu.memory_space<vmem>>
    %dma_wait3A_1207 = tpu.memref_slice %arg7[%add3A_808] : memref<16384xf32, #tpu.memory_space<hbm>> -> memref<64xf32, #tpu.memory_space<hbm>>
    %dma_wait3A_1208 = tpu.memref_slice %arg7[%add3A_808] : memref<16384xf32, #tpu.memory_space<hbm>> -> memref<64xf32, #tpu.memory_space<hbm>>
    %dma_wait3A_1209 = arith.constant 64 : i32
    %dma_wait3A_1210 = tpu.memref_slice %arg14[%dma_wait3A_1209] : memref<512xf32, #tpu.memory_space<vmem>> -> memref<64xf32, #tpu.memory_space<vmem>>
    tpu.wait_dma2 semaphore(%arg22 : memref<!tpu.dma_semaphore, #tpu.memory_space<semaphore_mem>>) src(%dma_wait3A_1210 : memref<64xf32, #tpu.memory_space<vmem>>) dst(%dma_wait3A_1208 : memref<64xf32, #tpu.memory_space<hbm>>)
    %dma_wait3A_1211 = arith.constant 128 : i32
    %dma_wait3A_1212 = tpu.memref_slice %arg14[%dma_wait3A_1211] : memref<512xf32, #tpu.memory_space<vmem>> -> memref<64xf32, #tpu.memory_space<vmem>>
    %dma_wait3A_1213 = tpu.memref_slice %arg7[%add3A_902] : memref<16384xf32, #tpu.memory_space<hbm>> -> memref<64xf32, #tpu.memory_space<hbm>>
    %dma_wait3A_1214 = tpu.memref_slice %arg7[%add3A_902] : memref<16384xf32, #tpu.memory_space<hbm>> -> memref<64xf32, #tpu.memory_space<hbm>>
    %dma_wait3A_1215 = arith.constant 128 : i32
    %dma_wait3A_1216 = tpu.memref_slice %arg14[%dma_wait3A_1215] : memref<512xf32, #tpu.memory_space<vmem>> -> memref<64xf32, #tpu.memory_space<vmem>>
    tpu.wait_dma2 semaphore(%arg22 : memref<!tpu.dma_semaphore, #tpu.memory_space<semaphore_mem>>) src(%dma_wait3A_1216 : memref<64xf32, #tpu.memory_space<vmem>>) dst(%dma_wait3A_1214 : memref<64xf32, #tpu.memory_space<hbm>>)
    %dma_wait3A_1217 = arith.constant 192 : i32
    %dma_wait3A_1218 = tpu.memref_slice %arg14[%dma_wait3A_1217] : memref<512xf32, #tpu.memory_space<vmem>> -> memref<64xf32, #tpu.memory_space<vmem>>
    %dma_wait3A_1219 = tpu.memref_slice %arg7[%add3A_960] : memref<16384xf32, #tpu.memory_space<hbm>> -> memref<64xf32, #tpu.memory_space<hbm>>
    %dma_wait3A_1220 = tpu.memref_slice %arg7[%add3A_960] : memref<16384xf32, #tpu.memory_space<hbm>> -> memref<64xf32, #tpu.memory_space<hbm>>
    %dma_wait3A_1221 = arith.constant 192 : i32
    %dma_wait3A_1222 = tpu.memref_slice %arg14[%dma_wait3A_1221] : memref<512xf32, #tpu.memory_space<vmem>> -> memref<64xf32, #tpu.memory_space<vmem>>
    tpu.wait_dma2 semaphore(%arg22 : memref<!tpu.dma_semaphore, #tpu.memory_space<semaphore_mem>>) src(%dma_wait3A_1222 : memref<64xf32, #tpu.memory_space<vmem>>) dst(%dma_wait3A_1220 : memref<64xf32, #tpu.memory_space<hbm>>)
    %dma_wait3A_1223 = arith.constant 256 : i32
    %dma_wait3A_1224 = tpu.memref_slice %arg14[%dma_wait3A_1223] : memref<512xf32, #tpu.memory_space<vmem>> -> memref<64xf32, #tpu.memory_space<vmem>>
    %dma_wait3A_1225 = tpu.memref_slice %arg7[%add3A_1018] : memref<16384xf32, #tpu.memory_space<hbm>> -> memref<64xf32, #tpu.memory_space<hbm>>
    %dma_wait3A_1226 = tpu.memref_slice %arg7[%add3A_1018] : memref<16384xf32, #tpu.memory_space<hbm>> -> memref<64xf32, #tpu.memory_space<hbm>>
    %dma_wait3A_1227 = arith.constant 256 : i32
    %dma_wait3A_1228 = tpu.memref_slice %arg14[%dma_wait3A_1227] : memref<512xf32, #tpu.memory_space<vmem>> -> memref<64xf32, #tpu.memory_space<vmem>>
    tpu.wait_dma2 semaphore(%arg22 : memref<!tpu.dma_semaphore, #tpu.memory_space<semaphore_mem>>) src(%dma_wait3A_1228 : memref<64xf32, #tpu.memory_space<vmem>>) dst(%dma_wait3A_1226 : memref<64xf32, #tpu.memory_space<hbm>>)
    %dma_wait3A_1229 = arith.constant 320 : i32
    %dma_wait3A_1230 = tpu.memref_slice %arg14[%dma_wait3A_1229] : memref<512xf32, #tpu.memory_space<vmem>> -> memref<64xf32, #tpu.memory_space<vmem>>
    %dma_wait3A_1231 = tpu.memref_slice %arg7[%add3A_1076] : memref<16384xf32, #tpu.memory_space<hbm>> -> memref<64xf32, #tpu.memory_space<hbm>>
    %dma_wait3A_1232 = tpu.memref_slice %arg7[%add3A_1076] : memref<16384xf32, #tpu.memory_space<hbm>> -> memref<64xf32, #tpu.memory_space<hbm>>
    %dma_wait3A_1233 = arith.constant 320 : i32
    %dma_wait3A_1234 = tpu.memref_slice %arg14[%dma_wait3A_1233] : memref<512xf32, #tpu.memory_space<vmem>> -> memref<64xf32, #tpu.memory_space<vmem>>
    tpu.wait_dma2 semaphore(%arg22 : memref<!tpu.dma_semaphore, #tpu.memory_space<semaphore_mem>>) src(%dma_wait3A_1234 : memref<64xf32, #tpu.memory_space<vmem>>) dst(%dma_wait3A_1232 : memref<64xf32, #tpu.memory_space<hbm>>)
    %dma_wait3A_1235 = arith.constant 384 : i32
    %dma_wait3A_1236 = tpu.memref_slice %arg14[%dma_wait3A_1235] : memref<512xf32, #tpu.memory_space<vmem>> -> memref<64xf32, #tpu.memory_space<vmem>>
    %dma_wait3A_1237 = tpu.memref_slice %arg7[%add3A_1134] : memref<16384xf32, #tpu.memory_space<hbm>> -> memref<64xf32, #tpu.memory_space<hbm>>
    %dma_wait3A_1238 = tpu.memref_slice %arg7[%add3A_1134] : memref<16384xf32, #tpu.memory_space<hbm>> -> memref<64xf32, #tpu.memory_space<hbm>>
    %dma_wait3A_1239 = arith.constant 384 : i32
    %dma_wait3A_1240 = tpu.memref_slice %arg14[%dma_wait3A_1239] : memref<512xf32, #tpu.memory_space<vmem>> -> memref<64xf32, #tpu.memory_space<vmem>>
    tpu.wait_dma2 semaphore(%arg22 : memref<!tpu.dma_semaphore, #tpu.memory_space<semaphore_mem>>) src(%dma_wait3A_1240 : memref<64xf32, #tpu.memory_space<vmem>>) dst(%dma_wait3A_1238 : memref<64xf32, #tpu.memory_space<hbm>>)
    %dma_wait3A_1241 = arith.constant 448 : i32
    %dma_wait3A_1242 = tpu.memref_slice %arg14[%dma_wait3A_1241] : memref<512xf32, #tpu.memory_space<vmem>> -> memref<64xf32, #tpu.memory_space<vmem>>
    %dma_wait3A_1243 = tpu.memref_slice %arg7[%add3A_1192] : memref<16384xf32, #tpu.memory_space<hbm>> -> memref<64xf32, #tpu.memory_space<hbm>>
    %dma_wait3A_1244 = tpu.memref_slice %arg7[%add3A_1192] : memref<16384xf32, #tpu.memory_space<hbm>> -> memref<64xf32, #tpu.memory_space<hbm>>
    %dma_wait3A_1245 = arith.constant 448 : i32
    %dma_wait3A_1246 = tpu.memref_slice %arg14[%dma_wait3A_1245] : memref<512xf32, #tpu.memory_space<vmem>> -> memref<64xf32, #tpu.memory_space<vmem>>
    tpu.wait_dma2 semaphore(%arg22 : memref<!tpu.dma_semaphore, #tpu.memory_space<semaphore_mem>>) src(%dma_wait3A_1246 : memref<64xf32, #tpu.memory_space<vmem>>) dst(%dma_wait3A_1244 : memref<64xf32, #tpu.memory_space<hbm>>)
    return
  }
}

</mosaic_0001>

<sc_bundles>
// kernel: kernel.3.cloned.1.call-start
scs
__scs_entry_jumppad:
0x0: {  	(pc) =	sbr.rel $0x88, $3  }
0x1: {  	(tag) =	ssettag $0x0;
	lr =	simm.s32 $0x1  }
0x2: {  	[smem:$0x3F9C] =	sst lr;
	_ =	strace $0xD0000000  }
0x3: {  	_ = 	snop  }
0x4: {  	_ = 	snop  }
0x5: {  	_ = 	snop  }
0x6: {  	_ = 	snop  }
0x7: {  	_ = 	snop  }
__scs_overlays_trampoline_lowered:
0x8: {  	[smem:$0x3FAB] =	sst s0  }
0x9: {  	[smem:$0x3FAC] =	sst s1  }
0xa: {  	[smem:$0x3FAD] =	sst s2  }
0xb: {  	[smem:$0x3FAE] =	sst s3  }
0xc: {  	[smem:$0x3FAF] =	sst s4  }
0xd: {  	[smem:$0x3FB0] =	sst s5  }
0xe: {  	[smem:$0x3FB1] =	sst s6  }
0xf: {  	[smem:$0x3FB2] =	sst s7  }
0x10: {  	[smem:$0x3FB3] =	sst s8  }
0x11: {  	[smem:$0x3FB4] =	sst s9;
	s0 =	simm.s32 @!p0 $0x0  }
0x12: {  	s1 =	sld [smem:$0x3F9A];
	s0 =	simm.s32 @p0 $0x1  }
0x13: {  	[smem:$0x3FB5] =	sst s0;
	s0 =	simm.s32 @!p1 $0x0  }
0x14: {  	s2 =	sld [smem:$0x3F99];
	s0 =	simm.s32 @p1 $0x1  }
0x15: {  	[smem:$0x3FB6] =	sst s0;
	s0 =	simm.s32 @!p2 $0x0  }
0x16: {  	s3 =	sld [smem:$0x3FDB];
	s0 =	simm.s32 @p2 $0x1  }
0x17: {  	s4 =	simm.s32 $0x1BF5;
	[smem:$0x3FB8] =	sst s0  }
0x18: {  	s0 =	sld [smem:$0x3F9B];
	_ =	swait.ge [sflag:s4], $0x0  }
0x19: {  	s7 =	sld [smem:$0x3F9C]  }
0x1a: {  	s8 =	sadd.s32 $0xFFFFE003, lr  }
0x1b: {  	s9 =	sadd.s32 $0xFFFFFEF7, lr;
	s5 =	simm.s32 $0xFFFFFFFF;
	p2 =	slt.u32 s8, $0xFFFFF086  }
0x1c: {  	p1 =	slt.u32 s9, $0xF7A;
	s5 =	simm.s32 @!p2 $0x0  }
0x1d: {  	s5 =	simm.s32 @p1 $0x1;
	p0 =	seq.s32 s7, s2  }
0x1e: {  	s7 =	smul.u32 @!p0 $0xF7A, s2;
	p2 =	seq.s32 @!p0 s5, $0x0  }
0x1f: {  	s9 =	smul.u32 $0xF7A, s1;
	s8 =	simm.s32 @!p0 $0x1BF5;
	p2 =	por !p2, p0  }
0x20: {  	[sflag:s8] =	ssyncset.s32 @!p0 $0xFFFFF086;
	s6 =	sadd.s32 @!p0 s3, s7;
	s7 =	simm.s32 @!p0 $0x108  }
0x21: {  	s3 =	sadd.s32 s3, s9;
	s6 =	sadd.s32 @!p0 $0x88, s6;
	s7 =	simm.s32 @p2 $0x1082  }
0x22: {  	[simem:s7], [sflag:s8] =	dma.local @!p0 [hbm:s6], $0xF7A  }
0x23: {  	s9 =	sor.u32 $0xD0000000, s2;
	s6 =	simm.s32 $0x108;
	_ =	swait.ge @!p0 [sflag:s8], $0x0  }
0x24: {  	s3 =	sadd.s32 $0x88, s3;
	s6 =	simm.s32 @!p1 $0x1082;
	[sflag:s4] =	ssyncset.s32 $0xFFFFF086  }
0x25: {  	[simem:s6], [sflag:s4] =	dma.local [hbm:s3], $0xF7A  }
0x26: {  	[smem:$0x3F9C] =	sst s1;
	(tag) =	ssettag s2;
	_ =	strace s9  }
0x27: {  	s1 =	sld [smem:$0x3FAC]  }
0x28: {  	s2 =	sld [smem:$0x3FAD]  }
0x29: {  	s4 =	sld [smem:$0x3FAF]  }
0x2a: {  	p0 =	seq.s32 s5, $0x0;
	s5 =	sld [smem:$0x3FB0]  }
0x2b: {  	s6 =	sld [smem:$0x3FB1]  }
0x2c: {  	s7 =	sld [smem:$0x3FB2]  }
0x2d: {  	s3 =	simm.s32 $0x108;
	s8 =	sld [smem:$0x3FB3]  }
0x2e: {  	s3 =	simm.s32 @!p0 $0x1082;
	s9 =	sld [smem:$0x3FB4]  }
0x2f: {  	lr =	sadd.s32 s0, s3;
	s0 =	sld [smem:$0x3FAB]  }
0x30: {  	s3 =	sld [smem:$0x3FAE]  }
0x31: {  	[smem:$0x3FB7] =	sst s10  }
0x32: {  	s10 =	sld [smem:$0x3FB5];
	_ =	sdelay $0x3  }
0x33: {  	p0 =	seq.s32 s10, $0x1;
	s10 =	sld [smem:$0x3FB7];
	_ =	sdelay $0x3  }
0x34: {  	[smem:$0x3FB7] =	sst s10  }
0x35: {  	s10 =	sld [smem:$0x3FB6];
	_ =	sdelay $0x3  }
0x36: {  	p1 =	seq.s32 s10, $0x1;
	s10 =	sld [smem:$0x3FB7];
	_ =	sdelay $0x3  }
0x37: {  	[smem:$0x3FB7] =	sst s10  }
0x38: {  	s10 =	sld [smem:$0x3FB8]  }
0x39: {  	_ = 	snop;
	(pc) =	sbr.ind lr, $3  }
0x3a: {  	_ = 	snop  }
0x3b: {  	_ = 	snop  }
0x3c: {  	p2 =	seq.s32 s10, $0x1;
	s10 =	sld [smem:$0x3FB7]  }
0x3d: {  	_ =	shalt  }
0x3e: {  	_ =	shalt  }
0x3f: {  	_ =	shalt  }
0x40: {  	_ =	shalt  }
0x41: {  	_ =	shalt  }
0x42: {  	_ =	shalt  }
0x43: {  	_ =	shalt  }
0x44: {  	_ =	shalt  }
0x45: {  	_ =	shalt  }
0x46: {  	_ =	shalt  }
0x47: {  	_ =	shalt  }
0x48: {  	_ =	shalt  }
0x49: {  	_ =	shalt  }
0x4a: {  	_ =	shalt  }
0x4b: {  	_ =	shalt  }
0x4c: {  	_ =	shalt  }
0x4d: {  	_ =	shalt  }
0x4e: {  	_ =	shalt  }
0x4f: {  	_ =	shalt  }
0x50: {  	_ =	shalt  }
0x51: {  	_ =	shalt  }
0x52: {  	_ =	shalt  }
0x53: {  	_ =	shalt  }
0x54: {  	_ =	shalt  }
0x55: {  	_ =	shalt  }
0x56: {  	_ =	shalt  }
0x57: {  	_ =	shalt  }
0x58: {  	_ =	shalt  }
0x59: {  	_ =	shalt  }
0x5a: {  	_ =	shalt  }
0x5b: {  	_ =	shalt  }
0x5c: {  	_ =	shalt  }
0x5d: {  	_ =	shalt  }
0x5e: {  	_ =	shalt  }
0x5f: {  	_ =	shalt  }
0x60: {  	_ =	shalt  }
0x61: {  	_ =	shalt  }
0x62: {  	_ =	shalt  }
0x63: {  	_ =	shalt  }
0x64: {  	_ =	shalt  }
0x65: {  	_ =	shalt  }
0x66: {  	_ =	shalt  }
0x67: {  	_ =	shalt  }
0x68: {  	_ =	shalt  }
0x69: {  	_ =	shalt  }
0x6a: {  	_ =	shalt  }
0x6b: {  	_ =	shalt  }
0x6c: {  	_ =	shalt  }
0x6d: {  	_ =	shalt  }
0x6e: {  	_ =	shalt  }
0x6f: {  	_ =	shalt  }
0x70: {  	_ =	shalt  }
0x71: {  	_ =	shalt  }
0x72: {  	_ =	shalt  }
0x73: {  	_ =	shalt  }
0x74: {  	_ =	shalt  }
0x75: {  	_ =	shalt  }
0x76: {  	_ =	shalt  }
0x77: {  	_ =	shalt  }
0x78: {  	_ =	shalt  }
0x79: {  	_ =	shalt  }
0x7a: {  	_ =	shalt  }
0x7b: {  	_ =	shalt  }
0x7c: {  	_ =	shalt  }
0x7d: {  	_ =	shalt  }
0x7e: {  	_ =	shalt  }
0x7f: {  	_ =	shalt  }
0x80: {  	_ =	shalt  }
0x81: {  	_ =	shalt  }
0x82: {  	_ =	shalt  }
0x83: {  	_ =	shalt  }
0x84: {  	_ =	shalt  }
0x85: {  	_ =	shalt  }
0x86: {  	_ =	shalt  }
0x87: {  	_ =	shalt  }
.Lfunc_end0:
.L_simem_size_0:
called_computation_lowered:
.L_overlay_start_0:
0x88: {  	s2 =	sld [smem:$0x3FD9]  }
0x89: {  	s3 =	sld [smem:$0x3FFE];
	_ =	sdelay $0x1  }
0x8a: {  	s1 =	srdreg.scid  }
0x8b: {  	s0 =	sand.u32 $0x1, s1  }
0x8c: {  	s17 =	sshll.u32 s0, $0xA;
	s2 =	sadd.s32 s3, s2  }
0x8d: {  	s2 =	sadd.s32 s2, s17  }
0x8e: {  	[smem:$0x3FC3] =	sst s2  }
0x8f: {  	_ = 	snop  }
0x90: {  	s2 =	sld [smem:$0x3FC9]  }
0x91: {  	s18 =	sld [smem:$0x3FC8]  }
0x92: {  	s4 =	sld [smem:$0x3FC7]  }
0x93: {  	s5 =	sld [smem:$0x3FC6]  }
0x94: {  	s6 =	sld [smem:$0x3FD0];
	(tm) =	ssettm $0x1  }
0x95: {  	s7 =	sld [smem:$0x3FFB];
	_ =	sdelay $0x3  }
0x96: {  	_ =	strace s7  }
0x97: {  	s7 =	sld [smem:$0x3FFC];
	_ =	sdelay $0x3  }
0x98: {  	_ =	strace s7  }
0x99: {  	s7 =	sld [smem:$0x3FFD];
	_ =	sdelay $0x3  }
0x9a: {  	_ =	strace s7  }
0x9b: {  	_ =	strace $0x8FFFFFFF  }
0x9c: {  	s19 =	sld [smem:$0x3FDB];
	_ =	sdelay $0x1  }
0x9d: {  	s8 =	simm.s32 $_scs_section_size  }
0x9e: {  	s9 =	simm.s32 $_size__tile_overlayer_lowered;
	s10 =	simm.s32 $_tile_overlayer_lowered  }
0x9f: {  	s22 =	simm.s32 $0x1BFF;
	s21 =	sshll.u32 s10, $0x1;
	s7 =	sadd.s32 s8, s19  }
0xa0: {  	s11 =	simm.s32 $0x0;
	s20 =	sshll.u32 s9, $0x1;
	s9 =	sadd.s32 s21, s7  }
0xa1: {  	[timem:s11], [sflag:s22] =	dma.local [hbm:s9], s20  }
0xa2: {  	_ =	swait.ge [sflag:s22], s20  }
0xa3: {  	s8 =	ssub.s32 $0x0, s20;
	[sflag:s22] =	ssyncset.done $0x0  }
0xa4: {  	[sflag:s22] =	ssyncadd.s32 s8;
	_ =	sdelay $0x1  }
0xa5: {  	s23 =	simm.s32 $0x1B8B  }
0xa6: {  	_ =	swait.ge [sflag:s23], $0x1  }
0xa7: {  	[sflag:s23] =	ssyncset.done $0x0  }
0xa8: {  	s25 =	simm.s32 $0x1B8E;
	s24 =	sld [smem:$0x3FFE];
	[sflag:s23] =	ssyncadd.s32 $0xFFFFFFFF  }
0xa9: {  	s26 =	simm.s32 $execute0_lowered;
	[smem:$0x3FD2] =	sst s25  }
0xaa: {  	s9 =	sshll.u32 s26, $0x1;
	_ =	strace $0x80000046;
	[dreg:$0x1] =	wrdreg $0xFFFFFFFF  }
0xab: {  	s28 =	simm.s32 $_size_execute0_lowered;
	s7 =	sadd.s32 s7, s9;
	[dreg:$0x0] =	wrdreg $0x0  }
0xac: {  	s9 =	sshll.u32 s28, $0x1;
	[dreg:$0x2] =	wrdreg s7  }
0xad: {  	[dreg:$0x3] =	wrdreg s9  }
0xae: {  	[dreg:$0x4] =	wrdreg $0xC0  }
0xaf: {  	_ =	task [dreg:s11], $0x5FFFF  }
0xb0: {  	[dreg:$0x1] =	wrdreg $0xFFFFFFFF  }
0xb1: {  	[dreg:$0x0] =	wrdreg $0x60  }
0xb2: {  	[dreg:$0x2] =	wrdreg s2  }
0xb3: {  	[dreg:$0x3] =	wrdreg s18  }
0xb4: {  	[dreg:$0x4] =	wrdreg s4  }
0xb5: {  	[dreg:$0x5] =	wrdreg s5  }
0xb6: {  	[dreg:$0x6] =	wrdreg s24  }
0xb7: {  	[dreg:$0x7] =	wrdreg s6  }
0xb8: {  	[dreg:$0x8] =	wrdreg $0x9  }
0xb9: {  	_ =	task.clear_ibuf [dreg:s11], $0x9FFFF;
	_ =	strace $0x90000046  }
0xba: {  	s29 =	simm.s32 $0x9;
	_ =	strace $0x80000048  }
0xbb: {  	_ =	swait.ge [sflag:s29], $0x1  }
0xbc: {  	[sflag:s29] =	ssyncadd.s32 $0xFFFFFFFF  }
0xbd: {  	_ =	strace $0x90000048  }
0xbe: {  	_ =	sfence  }
0xbf: {  	s30 =	sld [smem:$0x0];
	_ =	sdelay $0x2  }
0xc0: {  	s31 =	sshll.u32 s1, $0xD;
	s1 =	sshrl.u32 s1, $0x2  }
0xc1: {  	s3 =	sand.u32 $0x4000, s31;
	s1 =	sadd.s32 s1, s30  }
0xc2: {  	s0 =	sor.u32 s3, s0;
	s1 =	sshll.u32 s1, $0x11  }
0xc3: {  	s0 =	sor.u32 s1, s0  }
0xc4: {  	s0 =	sadd.s32 $0x8F2B, s0  }
0xc5: {  	[sflag:s0] =	ssyncadd.remote.s32 $0x1  }
0xc6: {  	_ =	sfence.sel $0xFFFF  }
0xc7: {  	[dreg:$0x0] =	wrdreg $0xFFFFFFFF;
	(pc) =	sbr.abs _section_cstart, $3  }
0xc8: {  	[dreg:$0x1] =	wrdreg $0xFFFFFFFF  }
0xc9: {  	_ =	task.clear_ibuf [dreg:s11], $0x2FFFF;
	_ =	strace $0x9FFFFFFF  }
0xca: {  	(tm) =	ssettm $0x7FFFFFFF  }
0xcb: {  	_ =	shalt  }
tec
execute0_lowered:
.L_overlay_start_1:
0x0: {  	(tag) =	ssettag $0x1  }
0x1: {  	s0 =	rddreg [dreg:$0x0]  }
0x2: {  	s2 =	rddreg [dreg:$0x1]  }
0x3: {  	s3 =	rddreg [dreg:$0x2]  }
0x4: {  	s1 =	srdreg.scid;
	s13 =	rddreg [dreg:$0x5]  }
0x5: {  	s5 =	stileid.u32;
	s31 =	rddreg [dreg:$0x3];
	s1 =	sand.u32 $0x1, s1  }
0x6: {  	s5 =	sshll.u32 s5, $0x7;
	s4 =	ssub.s32 $0x2, s1;
	s6 =	sshll.u32 s1, $0x6  }
0x7: {  	s1 =	simm.s32 $0x0;
	s7 =	sshrl.u32 s4, $0x1;
	s5 =	sor.u32 s6, s5  }
0x8: {  	[smem:$0x7FF] =	sst s1;
	s6 =	ssub.s32 s4, s7;
	s18 =	sadd.s32 s0, s5  }
0x9: {  	s19 =	sadd.s32 s2, s5;
	s4 =	sor.u32 $0x8, s5;
	[dreg:$0x7] =	wrdreg s18  }
0xa: {  	[dreg:$0x8] =	wrdreg s19;
	s8 =	sadd.s32 s0, s4  }
0xb: {  	s7 =	sor.u32 $0x10, s5;
	s20 =	sadd.s32 s2, s4;
	[dreg:$0x9] =	wrdreg s8  }
0xc: {  	s21 =	sadd.s32 s0, s7;
	[dreg:$0xa] =	wrdreg s20  }
0xd: {  	s9 =	sor.u32 $0x20, s5;
	s22 =	sadd.s32 s2, s7;
	[dreg:$0xb] =	wrdreg s21  }
0xe: {  	s24 =	sadd.s32 s0, s9;
	[dreg:$0xc] =	wrdreg s22  }
0xf: {  	s11 =	sor.u32 $0x30, s5;
	s25 =	sadd.s32 s2, s9;
	[dreg:$0xf] =	wrdreg s24  }
0x10: {  	s26 =	sadd.s32 s0, s11;
	[dreg:$0x10] =	wrdreg s25  }
0x11: {  	s29 =	sadd.s32 s2, s11;
	[dreg:$0x12] =	wrdreg s26  }
0x12: {  	s14 =	sadd.s32 s3, s4;
	[dreg:$0x15] =	wrdreg s29  }
0x13: {  	s15 =	sadd.s32 s3, s7;
	[dreg:$0x18] =	wrdreg s14  }
0x14: {  	s17 =	sadd.s32 s3, s9;
	[dreg:$0x19] =	wrdreg s15  }
0x15: {  	s19 =	sadd.s32 s3, s11;
	[dreg:$0x1b] =	wrdreg s17  }
0x16: {  	[dreg:$0x1d] =	wrdreg s19;
	s21 =	sadd.s32 s13, s5  }
0x17: {  	s22 =	sadd.s32 s13, s4;
	[dreg:$0x1f] =	wrdreg s21  }
0x18: {  	s8 =	sor.u32 $0x18, s5;
	s25 =	sadd.s32 s13, s9;
	[smem:$0x7F6] =	sst s22  }
0x19: {  	s10 =	sadd.s32 s0, s8;
	[smem:$0x7F9] =	sst s25  }
0x1a: {  	s23 =	sadd.s32 s2, s8;
	[dreg:$0xd] =	wrdreg s10  }
0x1b: {  	s16 =	sadd.s32 s3, s8;
	[dreg:$0xe] =	wrdreg s23  }
0x1c: {  	s24 =	sadd.s32 s13, s8;
	[dreg:$0x1a] =	wrdreg s16  }
0x1d: {  	s10 =	sor.u32 $0x28, s5;
	s23 =	sadd.s32 s13, s7;
	[smem:$0x7F8] =	sst s24  }
0x1e: {  	s9 =	simm.s32 $0x1;
	s12 =	sadd.s32 s0, s10;
	[smem:$0x7F7] =	sst s23  }
0x1f: {  	s14 =	simm.s32 $0x2;
	s28 =	sadd.s32 s2, s10;
	[dreg:$0x11] =	wrdreg s12  }
0x20: {  	s15 =	simm.s32 $0x1E800;
	s18 =	sadd.s32 s3, s10;
	[dreg:$0x14] =	wrdreg s28  }
0x21: {  	s26 =	sadd.s32 s13, s10;
	s12 =	sor.u32 $0x38, s5;
	[dreg:$0x1c] =	wrdreg s18  }
0x22: {  	[smem:$0x7FA] =	sst s26;
	s28 =	sadd.s32 s13, s11;
	s30 =	sadd.s32 s2, s12  }
0x23: {  	v0 =	vlaneseq.u32;
	s2 =	sadd.s32 s3, s5;
	s20 =	sadd.s32 s3, s12;
	s3 =	rddreg [dreg:$0x4]  }
0x24: {  	v1 =	vmul.u32 $0x11, v0;
	s4 =	simm.s32 $0x500;
	s0 =	sadd.s32 s0, s12;
	[smem:$0x7FB] =	sst s28  }
0x25: {  	s21 =	simm.s32 $0x540;
	s7 =	simm.s32 $0x40;
	[dreg:$0x13] =	wrdreg s0  }
0x26: {  	v2 =	vadd.s32 $0x1, v1;
	v3 =	vadd.s32 $0x2, v1;
	v4 =	vadd.s32 $0x3, v1;
	s16 =	simm.s32 $0x6;
	s24 =	simm.s32 $0x7;
	[dreg:$0x16] =	wrdreg s30  }
0x27: {  	v5 =	vadd.s32 $0x4, v1;
	v6 =	vadd.s32 $0x5, v1;
	v7 =	vadd.s32 $0x6, v1;
	s23 =	simm.s32 $0x5;
	s10 =	simm.s32 $0x140;
	[dreg:$0x17] =	wrdreg s2  }
0x28: {  	v8 =	vadd.s32 $0x7, v1;
	v10 =	vadd.s32 $0x9, v1;
	v11 =	vadd.s32 $0xA, v1;
	s11 =	simm.s32 $0x0;
	s29 =	sadd.s32 s13, s12;
	[dreg:$0x1e] =	wrdreg s20  }
0x29: {  	v12 =	vadd.s32 $0xB, v1;
	v13 =	vadd.s32 $0xC, v1;
	v14 =	vadd.s32 $0xD, v1;
	s5 =	simm.s32 $0x340;
	[smem:$0x7FC] =	sst s29;
	s30 =	smax.u32 s6, $0x1  }
0x2a: {  	v9 =	vadd.s32 $0x8, v1;
	v15 =	vadd.s32 $0xE, v1;
	v16 =	vadd.s32 $0xF, v1;
	s20 =	simm.s32 $0x300;
	_ =	strace $0x80000047;
	[smem:$0x7FD] =	sst s30  }
.LBB2_1:
0x2b: {  	s0 =	rddreg [dreg:$0x7]  }
0x2c: {  	[tilespmem:s1], [sflag:$0x1] =	stream.linear.gather [hbm4b:s0+s1], $0x40, $0x38;
	[tilespmem:$0x1E910] =	vst v63  }
0x2d: {  	s17 =	rddreg [dreg:$0x8];
	s8 =	simm.s32 $0x200  }
0x2e: {  	[tilespmem:s8], [sflag:$0x1] =	stream.linear.gather [hbm4b:s17+s1], $0x40, $0x38;
	[tilespmem:$0x1E910] =	vst v63  }
0x2f: {  	s18 =	rddreg [dreg:$0x17];
	s13 =	simm.s32 $0x400  }
0x30: {  	[tilespmem:s13], [sflag:$0x1] =	stream.linear.gather [hbm4b:s18+s1], $0x40, $0x38;
	[tilespmem:$0x1E910] =	vst v63  }
0x31: {  	s19 =	rddreg [dreg:$0x9]  }
0x32: {  	[tilespmem:s7], [sflag:$0x2] =	stream.linear.gather [hbm4b:s19+s1], $0x40, $0x38;
	[tilespmem:$0x1E910] =	vst v63  }
0x33: {  	s22 =	rddreg [dreg:$0xa];
	s17 =	simm.s32 $0x240  }
0x34: {  	[tilespmem:s17], [sflag:$0x2] =	stream.linear.gather [hbm4b:s22+s1], $0x40, $0x38;
	[tilespmem:$0x1E910] =	vst v63  }
0x35: {  	s25 =	rddreg [dreg:$0x18];
	s18 =	simm.s32 $0x440  }
0x36: {  	[tilespmem:s18], [sflag:$0x2] =	stream.linear.gather [hbm4b:s25+s1], $0x40, $0x38;
	[tilespmem:$0x1E910] =	vst v63  }
0x37: {  	s26 =	rddreg [dreg:$0xb];
	s19 =	simm.s32 $0x80  }
0x38: {  	[tilespmem:s19], [sflag:$0x2] =	stream.linear.gather [hbm4b:s26+s1], $0x40, $0x38;
	[tilespmem:$0x1E910] =	vst v63  }
0x39: {  	s28 =	rddreg [dreg:$0xc];
	s25 =	simm.s32 $0x280  }
0x3a: {  	[tilespmem:s25], [sflag:$0x2] =	stream.linear.gather [hbm4b:s28+s1], $0x40, $0x38;
	[tilespmem:$0x1E910] =	vst v63  }
0x3b: {  	s29 =	rddreg [dreg:$0x19];
	s26 =	simm.s32 $0x480  }
0x3c: {  	[tilespmem:s26], [sflag:$0x2] =	stream.linear.gather [hbm4b:s29+s1], $0x40, $0x38;
	[tilespmem:$0x1E910] =	vst v63  }
0x3d: {  	s30 =	rddreg [dreg:$0xd];
	s28 =	simm.s32 $0xC0  }
0x3e: {  	[tilespmem:s28], [sflag:$0x2] =	stream.linear.gather [hbm4b:s30+s1], $0x40, $0x38;
	[tilespmem:$0x1E910] =	vst v63  }
0x3f: {  	s2 =	rddreg [dreg:$0xe];
	s29 =	simm.s32 $0x2C0  }
0x40: {  	[tilespmem:s29], [sflag:$0x2] =	stream.linear.gather [hbm4b:s2+s1], $0x40, $0x38;
	[tilespmem:$0x1E910] =	vst v63  }
0x41: {  	s6 =	rddreg [dreg:$0x1a];
	s30 =	simm.s32 $0x4C0  }
0x42: {  	[tilespmem:s30], [sflag:$0x2] =	stream.linear.gather [hbm4b:s6+s1], $0x40, $0x38;
	[tilespmem:$0x1E910] =	vst v63  }
0x43: {  	s12 =	rddreg [dreg:$0xf];
	s2 =	simm.s32 $0x100  }
0x44: {  	[tilespmem:s2], [sflag:$0x2] =	stream.linear.gather [hbm4b:s12+s1], $0x40, $0x38;
	[tilespmem:$0x1E910] =	vst v63  }
0x45: {  	s22 =	rddreg [dreg:$0x10]  }
0x46: {  	[tilespmem:s20], [sflag:$0x2] =	stream.linear.gather [hbm4b:s22+s1], $0x40, $0x38;
	[tilespmem:$0x1E910] =	vst v63  }
0x47: {  	s6 =	rddreg [dreg:$0x1b]  }
0x48: {  	[tilespmem:s4], [sflag:$0x2] =	stream.linear.gather [hbm4b:s6+s1], $0x40, $0x38;
	[tilespmem:$0x1E910] =	vst v63  }
0x49: {  	s12 =	rddreg [dreg:$0x11]  }
0x4a: {  	[tilespmem:s10], [sflag:$0x2] =	stream.linear.gather [hbm4b:s12+s1], $0x40, $0x38;
	[tilespmem:$0x1E910] =	vst v63  }
0x4b: {  	s22 =	rddreg [dreg:$0x14]  }
0x4c: {  	[tilespmem:s5], [sflag:$0x2] =	stream.linear.gather [hbm4b:s22+s1], $0x40, $0x38;
	[tilespmem:$0x1E910] =	vst v63  }
0x4d: {  	s6 =	rddreg [dreg:$0x1c]  }
0x4e: {  	[tilespmem:s21], [sflag:$0x2] =	stream.linear.gather [hbm4b:s6+s1], $0x40, $0x38;
	[tilespmem:$0x1E910] =	vst v63  }
0x4f: {  	s12 =	rddreg [dreg:$0x12];
	s6 =	simm.s32 $0x180  }
0x50: {  	[tilespmem:s6], [sflag:$0x2] =	stream.linear.gather [hbm4b:s12+s1], $0x40, $0x38;
	[tilespmem:$0x1E910] =	vst v63  }
0x51: {  	s22 =	rddreg [dreg:$0x15];
	s6 =	simm.s32 $0x380  }
0x52: {  	[tilespmem:s6], [sflag:$0x2] =	stream.linear.gather [hbm4b:s22+s1], $0x40, $0x38;
	[tilespmem:$0x1E910] =	vst v63  }
0x53: {  	s0 =	rddreg [dreg:$0x1d];
	s12 =	simm.s32 $0x580;
	s22 =	smov.u32 s3  }
0x54: {  	[tilespmem:s12], [sflag:$0x2] =	stream.linear.gather [hbm4b:s0+s1], $0x40, $0x38;
	[tilespmem:$0x1E910] =	vst v63  }
0x55: {  	s3 =	smov.u32 s22;
	s22 =	simm.s32 $0x1C0;
	s12 =	rddreg [dreg:$0x13]  }
0x56: {  	[tilespmem:s22], [sflag:$0x2] =	stream.linear.gather [hbm4b:s12+s1], $0x40, $0x38;
	[tilespmem:$0x1E910] =	vst v63  }
0x57: {  	s0 =	rddreg [dreg:$0x16];
	s12 =	simm.s32 $0x3C0  }
0x58: {  	[tilespmem:s12], [sflag:$0x2] =	stream.linear.gather [hbm4b:s0+s1], $0x40, $0x38;
	[tilespmem:$0x1E910] =	vst v63  }
0x59: {  	s12 =	simm.s32 $0x5C0;
	s0 =	rddreg [dreg:$0x1e]  }
0x5a: {  	[tilespmem:s12], [sflag:$0x2] =	stream.linear.gather [hbm4b:s0+s1], $0x40, $0x38;
	[tilespmem:$0x1E910] =	vst v63  }
0x5b: {  	_ =	swait.ge [sflag:s9], $0x40  }
0x5c: {  	[sflag:s9] =	ssyncset.done $0x0  }
0x5d: {  	[sflag:s9] =	ssyncadd.s32 $0xFFFFFFC0  }
0x5e: {  	_ =	swait.ge [sflag:s9], $0x40  }
0x5f: {  	[sflag:s9] =	ssyncset.done $0x0  }
0x60: {  	[sflag:s9] =	ssyncadd.s32 $0xFFFFFFC0  }
0x61: {  	_ =	swait.ge [sflag:s9], $0x40  }
0x62: {  	[sflag:s9] =	ssyncset.done $0x0  }
0x63: {  	s0 =	simm.s32 $0x600;
	[sflag:s9] =	ssyncadd.s32 $0xFFFFFFC0  }
0x64: {  	[tilespmem:s0], [sflag:$0x1] =	stream.indirect.gather [hbm4b:s31+s7], $0x80, s1, s7, $0xb8;
	[tilespmem:$0x1E910] =	vst v63  }
0x65: {  	s0 =	simm.s32 $0xC600  }
0x66: {  	[tilespmem:s0], [sflag:$0x1] =	stream.indirect.gather [hbm4b:s3+s7], $0x40, s8, s7, $0xb8;
	[tilespmem:$0x1E910] =	vst v63  }
0x67: {  	s8 =	simm.s32 $0x12600  }
0x68: {  	[tilespmem:s8], [sflag:$0x1] =	stream.indirect.gather [hbm4b:s31+s7], $0x80, s13, s7, $0xb8;
	[tilespmem:$0x1E910] =	vst v63  }
0x69: {  	_ =	swait.ge [sflag:s14], $0x40  }
0x6a: {  	[sflag:s14] =	ssyncset.done $0x0  }
0x6b: {  	[sflag:s14] =	ssyncadd.s32 $0xFFFFFFC0  }
0x6c: {  	_ =	swait.ge [sflag:s14], $0x40  }
0x6d: {  	[sflag:s14] =	ssyncset.done $0x0  }
0x6e: {  	[sflag:s14] =	ssyncadd.s32 $0xFFFFFFC0  }
0x6f: {  	_ =	swait.ge [sflag:s14], $0x40  }
0x70: {  	[sflag:s14] =	ssyncset.done $0x0  }
0x71: {  	[sflag:s14] =	ssyncadd.s32 $0xFFFFFFC0  }
0x72: {  	_ =	swait.ge [sflag:s14], $0x40  }
0x73: {  	[sflag:s14] =	ssyncset.done $0x0  }
0x74: {  	[sflag:s14] =	ssyncadd.s32 $0xFFFFFFC0  }
0x75: {  	_ =	swait.ge [sflag:s14], $0x40  }
0x76: {  	[sflag:s14] =	ssyncset.done $0x0  }
0x77: {  	[sflag:s14] =	ssyncadd.s32 $0xFFFFFFC0  }
0x78: {  	_ =	swait.ge [sflag:s14], $0x40  }
0x79: {  	[sflag:s14] =	ssyncset.done $0x0  }
0x7a: {  	[sflag:s14] =	ssyncadd.s32 $0xFFFFFFC0  }
0x7b: {  	_ =	swait.ge [sflag:s14], $0x40  }
0x7c: {  	[sflag:s14] =	ssyncset.done $0x0  }
0x7d: {  	[sflag:s14] =	ssyncadd.s32 $0xFFFFFFC0  }
0x7e: {  	_ =	swait.ge [sflag:s14], $0x40  }
0x7f: {  	[sflag:s14] =	ssyncset.done $0x0  }
0x80: {  	[sflag:s14] =	ssyncadd.s32 $0xFFFFFFC0  }
0x81: {  	_ =	swait.ge [sflag:s14], $0x40  }
0x82: {  	[sflag:s14] =	ssyncset.done $0x0  }
0x83: {  	[sflag:s14] =	ssyncadd.s32 $0xFFFFFFC0  }
0x84: {  	_ =	swait.ge [sflag:s14], $0x40  }
0x85: {  	[sflag:s14] =	ssyncset.done $0x0  }
0x86: {  	[sflag:s14] =	ssyncadd.s32 $0xFFFFFFC0  }
0x87: {  	_ =	swait.ge [sflag:s14], $0x40  }
0x88: {  	[sflag:s14] =	ssyncset.done $0x0  }
0x89: {  	[sflag:s14] =	ssyncadd.s32 $0xFFFFFFC0  }
0x8a: {  	_ =	swait.ge [sflag:s14], $0x40  }
0x8b: {  	[sflag:s14] =	ssyncset.done $0x0  }
0x8c: {  	[sflag:s14] =	ssyncadd.s32 $0xFFFFFFC0  }
0x8d: {  	_ =	swait.ge [sflag:s14], $0x40  }
0x8e: {  	[sflag:s14] =	ssyncset.done $0x0  }
0x8f: {  	[sflag:s14] =	ssyncadd.s32 $0xFFFFFFC0  }
0x90: {  	_ =	swait.ge [sflag:s14], $0x40  }
0x91: {  	[sflag:s14] =	ssyncset.done $0x0  }
0x92: {  	[sflag:s14] =	ssyncadd.s32 $0xFFFFFFC0  }
0x93: {  	_ =	swait.ge [sflag:s14], $0x40  }
0x94: {  	[sflag:s14] =	ssyncset.done $0x0  }
0x95: {  	[sflag:s14] =	ssyncadd.s32 $0xFFFFFFC0  }
0x96: {  	_ =	swait.ge [sflag:s14], $0x40  }
0x97: {  	[sflag:s14] =	ssyncset.done $0x0  }
0x98: {  	[sflag:s14] =	ssyncadd.s32 $0xFFFFFFC0  }
0x99: {  	_ =	swait.ge [sflag:s14], $0x40  }
0x9a: {  	[sflag:s14] =	ssyncset.done $0x0  }
0x9b: {  	[sflag:s14] =	ssyncadd.s32 $0xFFFFFFC0  }
0x9c: {  	_ =	swait.ge [sflag:s14], $0x40  }
0x9d: {  	[sflag:s14] =	ssyncset.done $0x0  }
0x9e: {  	[sflag:s14] =	ssyncadd.s32 $0xFFFFFFC0  }
0x9f: {  	_ =	swait.ge [sflag:s14], $0x40  }
0xa0: {  	[sflag:s14] =	ssyncset.done $0x0  }
0xa1: {  	[sflag:s14] =	ssyncadd.s32 $0xFFFFFFC0  }
0xa2: {  	_ =	swait.ge [sflag:s14], $0x40  }
0xa3: {  	[sflag:s14] =	ssyncset.done $0x0  }
0xa4: {  	[sflag:s14] =	ssyncadd.s32 $0xFFFFFFC0  }
0xa5: {  	_ =	swait.ge [sflag:s14], $0x40  }
0xa6: {  	[sflag:s14] =	ssyncset.done $0x0  }
0xa7: {  	s8 =	simm.s32 $0x2600;
	[sflag:s14] =	ssyncadd.s32 $0xFFFFFFC0  }
0xa8: {  	[tilespmem:s8], [sflag:$0x2] =	stream.indirect.gather [hbm4b:s31+s7], $0x80, s7, s7, $0xb8;
	[tilespmem:$0x1E910] =	vst v63  }
0xa9: {  	s13 =	simm.s32 $0xD600  }
0xaa: {  	[tilespmem:s13], [sflag:$0x2] =	stream.indirect.gather [hbm4b:s3+s7], $0x40, s17, s7, $0xb8;
	[tilespmem:$0x1E910] =	vst v63  }
0xab: {  	s17 =	simm.s32 $0x14600  }
0xac: {  	[tilespmem:s17], [sflag:$0x2] =	stream.indirect.gather [hbm4b:s31+s7], $0x80, s18, s7, $0xb8;
	[tilespmem:$0x1E910] =	vst v63  }
0xad: {  	s18 =	simm.s32 $0x4600  }
0xae: {  	[tilespmem:s18], [sflag:$0x3] =	stream.indirect.gather [hbm4b:s31+s7], $0x80, s19, s7, $0xb8;
	[tilespmem:$0x1E910] =	vst v63  }
0xaf: {  	s19 =	simm.s32 $0xE600  }
0xb0: {  	[tilespmem:s19], [sflag:$0x3] =	stream.indirect.gather [hbm4b:s3+s7], $0x40, s25, s7, $0xb8;
	[tilespmem:$0x1E910] =	vst v63  }
0xb1: {  	s8 =	simm.s32 $0x16600  }
0xb2: {  	[tilespmem:s8], [sflag:$0x3] =	stream.indirect.gather [hbm4b:s31+s7], $0x80, s26, s7, $0xb8;
	[tilespmem:$0x1E910] =	vst v63  }
0xb3: {  	s13 =	simm.s32 $0x6600  }
0xb4: {  	[tilespmem:s13], [sflag:$0x4] =	stream.indirect.gather [hbm4b:s31+s7], $0x80, s28, s7, $0xb8;
	[tilespmem:$0x1E910] =	vst v63  }
0xb5: {  	s17 =	simm.s32 $0xF600  }
0xb6: {  	[tilespmem:s17], [sflag:$0x4] =	stream.indirect.gather [hbm4b:s3+s7], $0x40, s29, s7, $0xb8;
	[tilespmem:$0x1E910] =	vst v63  }
0xb7: {  	s18 =	simm.s32 $0x18600  }
0xb8: {  	[tilespmem:s18], [sflag:$0x4] =	stream.indirect.gather [hbm4b:s31+s7], $0x80, s30, s7, $0xb8;
	[tilespmem:$0x1E910] =	vst v63  }
0xb9: {  	s19 =	simm.s32 $0x8600  }
0xba: {  	[tilespmem:s19], [sflag:$0x5] =	stream.indirect.gather [hbm4b:s31+s7], $0x80, s2, s7, $0xb8;
	[tilespmem:$0x1E910] =	vst v63  }
0xbb: {  	s25 =	simm.s32 $0x10600  }
0xbc: {  	[tilespmem:s25], [sflag:$0x5] =	stream.indirect.gather [hbm4b:s3+s7], $0x40, s20, s7, $0xb8;
	[tilespmem:$0x1E910] =	vst v63  }
0xbd: {  	s26 =	simm.s32 $0x1A600  }
0xbe: {  	[tilespmem:s26], [sflag:$0x5] =	stream.indirect.gather [hbm4b:s31+s7], $0x80, s4, s7, $0xb8;
	[tilespmem:$0x1E910] =	vst v63  }
0xbf: {  	s28 =	simm.s32 $0xA600  }
0xc0: {  	[tilespmem:s28], [sflag:$0x6] =	stream.indirect.gather [hbm4b:s31+s7], $0x80, s10, s7, $0xb8;
	[tilespmem:$0x1E910] =	vst v63  }
0xc1: {  	s29 =	simm.s32 $0x11600  }
0xc2: {  	[tilespmem:s29], [sflag:$0x6] =	stream.indirect.gather [hbm4b:s3+s7], $0x40, s5, s7, $0xb8;
	[tilespmem:$0x1E910] =	vst v63  }
0xc3: {  	s30 =	simm.s32 $0x1C600  }
0xc4: {  	[tilespmem:s30], [sflag:$0x6] =	stream.indirect.gather [hbm4b:s31+s7], $0x80, s21, s7, $0xb8;
	[tilespmem:$0x1E910] =	vst v63  }
0xc5: {  	_ =	swait.ge [sflag:s9], $0x2000  }
0xc6: {  	[sflag:s9] =	ssyncset.done $0x0  }
0xc7: {  	[sflag:s9] =	ssyncadd.s32 $0xFFFFE000  }
0xc8: {  	_ =	swait.ge [sflag:s9], $0x1000  }
0xc9: {  	[sflag:s9] =	ssyncset.done $0x0  }
0xca: {  	[sflag:s9] =	ssyncadd.s32 $0xFFFFF000  }
0xcb: {  	_ =	swait.ge [sflag:s9], $0x2000  }
0xcc: {  	s13 =	simm.s32 $0xC620;
	s17 =	simm.s32 $0x12640;
	[sflag:s9] =	ssyncset.done $0x0  }
0xcd: {  	s25 =	simm.s32 $0x640;
	s26 =	simm.s32 $0x0;
	[sflag:s9] =	ssyncadd.s32 $0xFFFFE000  }
.LBB2_2:
0xce: {  	v17 =	vld [tilespmem:s13+$0xFFFFFFE0]  }
0xcf: {  	v18 =	vld [tilespmem:s13+$0xFFFFFFF0]  }
0xd0: {  	v19 =	vld [tilespmem:s25+$0xFFFFFFE0]  }
0xd1: {  	v20 =	vld [tilespmem:s25+$0xFFFFFFF0]  }
0xd2: {  	v21 =	vld [tilespmem:s25+$0xFFFFFFC0]  }
0xd3: {  	v22 =	vld [tilespmem:s13+$0x0]  }
0xd4: {  	v23 =	vld [tilespmem:s25+$0x0]  }
0xd5: {  	v24 =	vld [tilespmem:s25+$0x10]  }
0xd6: {  	v25 =	vld [tilespmem:s17+$0xFFFFFFD0]  }
0xd7: {  	v26 =	vld [tilespmem:s17+$0xFFFFFFF0]  }
0xd8: {  	v27 =	vld [tilespmem:s17+$0x10]  }
0xd9: {  	v28 =	vld [tilespmem:s25+$0xFFFFFFD0]  }
0xda: {  	v30 =	vld [tilespmem:s17+$0xFFFFFFE0]  }
0xdb: {  	v53 =	vld [tilespmem:s17+$0xFFFFFFC0];
	v29 =	vunpack.i.u.bf16.f32 v22  }
0xdc: {  	v31 =	vld [tilespmem:s13+$0x10];
	v22 =	vunpack.i.l.bf16.f32 v22;
	v54 =	vunpack.i.u.bf16.f32 v18;
	v18 =	vunpack.i.l.bf16.f32 v18  }
0xdd: {  	v55 =	vld [tilespmem:s25+$0x30];
	v32 =	vunpack.i.l.bf16.f32 v17;
	v24 =	vadd.f32 v29, v24;
	v22 =	vadd.f32 v22, v23  }
0xde: {  	v56 =	vld [tilespmem:s17+$0x0];
	v17 =	vunpack.i.u.bf16.f32 v17;
	v21 =	vadd.f32 v32, v21;
	v18 =	vadd.f32 v18, v19  }
0xdf: {  	v19 =	vld [tilespmem:s25+$0x20];
	v17 =	vadd.f32 v17, v28;
	v20 =	vadd.f32 v54, v20  }
0xe0: {  	v58 =	vld [tilespmem:s17+$0x30];
	v24 =	vsub.f32 v24, v27;
	v21 =	vsub.f32 v21, v53  }
0xe1: {  	v57 =	vld [tilespmem:s17+$0x20];
	v59 =	vunpack.i.u.bf16.f32 v31;
	v18 =	vsub.f32 v18, v30;
	v17 =	vsub.f32 v17, v25  }
0xe2: {  	v60 =	vunpack.i.l.bf16.f32 v31;
	v20 =	vsub.f32 v20, v26;
	v26 =	vadd.f32 v59, v55  }
0xe3: {  	v22 =	vsub.f32 v22, v56;
	v21 =	vmul.f32 v21, v21;
	v18 =	vmul.f32 v18, v18  }
0xe4: {  	v20 =	vmul.f32 v20, v20;
	v17 =	vmul.f32 v17, v17;
	v19 =	vadd.f32 v60, v19  }
0xe5: {  	v61 =	vmul.f32 v24, v24;
	v62 =	vsub.f32 v26, v58;
	v18 =	vadd.f32 v18, v21  }
0xe6: {  	v17 =	vadd.f32 v20, v17;
	v20 =	vmul.f32 v22, v22;
	v19 =	vsub.f32 v19, v57  }
0xe7: {  	v63 =	vmul.f32 v62, v62  }
0xe8: {  	s18 =	simm.s32 $0x0;
	v18 =	vadd.f32 v20, v18;
	v20 =	vadd.f32 v61, v17;
	v19 =	vmul.f32 v19, v19  }
0xe9: {  	s8 =	simm.s32 $0x11;
	v17 =	vadd.s32 s18, v0  }
0xea: {  	s19 =	smov.u32 s17;
	s28 =	smov.u32 s25;
	s18 =	smov.u32 s13;
	v18 =	vadd.f32 v19, v18;
	v19 =	vadd.f32 v63, v20  }
.LBB2_3:
0xeb: {  	_ = 	snop  }
0xec: {  	s18 =	sadd.s32 $0x40, s18;
	s19 =	sadd.s32 $0x80, s19;
	s28 =	sadd.s32 $0x80, s28;
	v18 =	vadd.f32 v18, v19  }
0xed: {  	p0 =	sne.s32 s8, $0xFF;
	s29 =	smov.u32 s8;
	s8 =	sadd.s32 $0x11, s8  }
0xee: {  	[tilespmem:v17+s15+$0x0] =	vst.idx.msk $0xffff, v18  }
0xef: {  	v17 =	vld [tilespmem:s18+$0xFFFFFFE0]  }
0xf0: {  	v18 =	vld [tilespmem:s18+$0xFFFFFFF0]  }
0xf1: {  	v19 =	vld [tilespmem:s28+$0xFFFFFFE0]  }
0xf2: {  	v20 =	vld [tilespmem:s28+$0xFFFFFFF0]  }
0xf3: {  	v21 =	vld [tilespmem:s28+$0xFFFFFFC0]  }
0xf4: {  	v22 =	vld [tilespmem:s18+$0x0]  }
0xf5: {  	v23 =	vld [tilespmem:s28+$0x0]  }
0xf6: {  	v24 =	vld [tilespmem:s28+$0x10]  }
0xf7: {  	v25 =	vld [tilespmem:s19+$0xFFFFFFD0]  }
0xf8: {  	v26 =	vld [tilespmem:s19+$0xFFFFFFF0]  }
0xf9: {  	v27 =	vld [tilespmem:s19+$0x10];
	v28 =	vunpack.i.u.bf16.f32 v22;
	v22 =	vunpack.i.l.bf16.f32 v22  }
0xfa: {  	v29 =	vld [tilespmem:s28+$0xFFFFFFD0];
	v22 =	vadd.f32 v22, v23  }
0xfb: {  	v23 =	vld [tilespmem:s19+$0xFFFFFFE0];
	v24 =	vadd.f32 v28, v24  }
0xfc: {  	v28 =	vld [tilespmem:s19+$0xFFFFFFC0]  }
0xfd: {  	v30 =	vunpack.i.u.bf16.f32 v18;
	v18 =	vunpack.i.l.bf16.f32 v18;
	v31 =	vld [tilespmem:s18+$0x10]  }
0xfe: {  	v32 =	vunpack.i.u.bf16.f32 v17;
	v17 =	vunpack.i.l.bf16.f32 v17;
	v24 =	vsub.f32 v24, v27;
	v27 =	vld [tilespmem:s28+$0x30]  }
0xff: {  	v18 =	vadd.f32 v18, v19;
	v17 =	vadd.f32 v17, v21;
	v19 =	vld [tilespmem:s28+$0x20]  }
0x100: {  	v20 =	vadd.f32 v30, v20;
	v21 =	vadd.f32 v32, v29;
	v29 =	vld [tilespmem:s19+$0x0]  }
0x101: {  	v18 =	vsub.f32 v18, v23;
	v17 =	vsub.f32 v17, v28;
	v23 =	vld [tilespmem:s19+$0x20]  }
0x102: {  	v20 =	vsub.f32 v20, v26;
	v21 =	vsub.f32 v21, v25;
	v25 =	vld [tilespmem:s19+$0x30];
	v26 =	vunpack.i.u.bf16.f32 v31  }
0x103: {  	v18 =	vmul.f32 v18, v18;
	v28 =	vunpack.i.l.bf16.f32 v31;
	v17 =	vmul.f32 v17, v17  }
0x104: {  	v20 =	vmul.f32 v20, v20;
	v26 =	vadd.f32 v26, v27;
	v19 =	vadd.f32 v28, v19  }
0x105: {  	v21 =	vmul.f32 v21, v21;
	v17 =	vadd.f32 v18, v17;
	v18 =	vsub.f32 v22, v29  }
0x106: {  	v22 =	vmul.f32 v24, v24;
	v19 =	vsub.f32 v19, v23  }
.Ltmp0:
0x107: {  	v20 =	vadd.f32 v20, v21;
	v18 =	vmul.f32 v18, v18;
	v21 =	vsub.f32 v26, v25;
	(pc) =	sbr.rel @p0 .LBB2_3-.Ltmp0, $4  }
0x108: {  	v19 =	vmul.f32 v19, v19  }
0x109: {  	v20 =	vadd.f32 v22, v20;
	v18 =	vadd.f32 v18, v17;
	v21 =	vmul.f32 v21, v21  }
0x10a: {  	v17 =	vadd.s32 s29, v0  }
0x10b: {  	v18 =	vadd.f32 v19, v18;
	v19 =	vadd.f32 v21, v20  }
0x10c: {  	_ =	sdelay $0x1  }
0x10d: {  	v18 =	vadd.f32 v18, v19;
	_ =	sdelay $0x1  }
0x10e: {  	[tilespmem:v17+s15+$0x0] =	vst.idx.msk $0xffff, v18  }
0x10f: {  	v17 =	vld.idx.msk [tilespmem:v1+s15+$0x0], $0xffff  }
0x110: {  	v18 =	vld.idx.msk [tilespmem:v2+s15+$0x0], $0xffff  }
0x111: {  	v19 =	vld.idx.msk [tilespmem:v3+s15+$0x0], $0xffff  }
0x112: {  	v20 =	vld.idx.msk [tilespmem:v4+s15+$0x0], $0xffff  }
0x113: {  	v21 =	vld.idx.msk [tilespmem:v5+s15+$0x0], $0xffff  }
0x114: {  	v22 =	vld.idx.msk [tilespmem:v6+s15+$0x0], $0xffff  }
0x115: {  	v23 =	vld.idx.msk [tilespmem:v7+s15+$0x0], $0xffff  }
0x116: {  	v24 =	vld.idx.msk [tilespmem:v8+s15+$0x0], $0xffff  }
0x117: {  	v25 =	vld.idx.msk [tilespmem:v9+s15+$0x0], $0xffff  }
0x118: {  	v26 =	vld.idx.msk [tilespmem:v10+s15+$0x0], $0xffff  }
0x119: {  	v27 =	vld.idx.msk [tilespmem:v11+s15+$0x0], $0xffff  }
0x11a: {  	v28 =	vld.idx.msk [tilespmem:v12+s15+$0x0], $0xffff  }
0x11b: {  	v29 =	vld.idx.msk [tilespmem:v13+s15+$0x0], $0xffff  }
0x11c: {  	v30 =	vld.idx.msk [tilespmem:v14+s15+$0x0], $0xffff  }
0x11d: {  	v31 =	vld.idx.msk [tilespmem:v15+s15+$0x0], $0xffff  }
0x11e: {  	v62 =	vld.idx.msk [tilespmem:v16+s15+$0x0], $0xffff;
	v17 =	vadd.f32 v21, v17;
	v18 =	vadd.f32 v22, v18  }
0x11f: {  	v19 =	vadd.f32 v23, v19;
	v20 =	vadd.f32 v24, v20  }
0x120: {  	v17 =	vadd.f32 v25, v17;
	v18 =	vadd.f32 v26, v18  }
0x121: {  	v19 =	vadd.f32 v27, v19;
	v20 =	vadd.f32 v28, v20  }
0x122: {  	v17 =	vadd.f32 v29, v17;
	v18 =	vadd.f32 v30, v18  }
0x123: {  	v19 =	vadd.f32 v31, v19;
	v20 =	vadd.f32 v62, v20;
	_ =	sdelay $0x1  }
0x124: {  	v17 =	vadd.f32 v18, v17;
	v18 =	vadd.f32 v20, v19;
	_ =	sdelay $0x1  }
0x125: {  	v17 =	vadd.f32 v18, v17;
	_ =	sdelay $0x1  }
0x126: {  	v18 =	vshra.s32 v17, $0x1;
	v19 =	vmul.f32 $5.000000000e-01, v17  }
0x127: {  	v18 =	vsub.s32 $0x5F3759DF, v18  }
0x128: {  	v63 =	vmul.f32 v18, v19;
	_ =	sdelay $0x1  }
0x129: {  	v20 =	vmul.f32 v18, v63;
	_ =	sdelay $0x1  }
0x12a: {  	v20 =	vsub.f32 $1.500000000e+00, v20;
	_ =	sdelay $0x1  }
0x12b: {  	v18 =	vmul.f32 v18, v20;
	_ =	sdelay $0x1  }
0x12c: {  	v20 =	vmul.f32 v18, v19;
	_ =	sdelay $0x1  }
0x12d: {  	v20 =	vmul.f32 v20, v18;
	_ =	sdelay $0x1  }
0x12e: {  	v20 =	vsub.f32 $1.500000000e+00, v20;
	_ =	sdelay $0x1  }
0x12f: {  	v18 =	vmul.f32 v20, v18;
	_ =	sdelay $0x1  }
0x130: {  	v19 =	vmul.f32 v18, v19;
	_ =	sdelay $0x1  }
0x131: {  	v19 =	vmul.f32 v19, v18;
	_ =	sdelay $0x1  }
0x132: {  	v19 =	vsub.f32 $1.500000000e+00, v19;
	_ =	sdelay $0x1  }
0x133: {  	v18 =	vmul.f32 v19, v18  }
0x134: {  	s8 =	sshll.u32 s26, $0x4;
	s26 =	sadd.s32 $0x1, s26  }
0x135: {  	p0 =	sne.s32 s26, $0x4;
	v18 =	vmul.f32 v18, v17  }
.Ltmp1:
0x136: {  	_ = 	snop;
	(pc) =	sbr.rel @p0 .LBB2_2-.Ltmp1, $4  }
0x137: {  	v18 =	vsub.f32 $0.0e+00, v18  }
0x138: {  	vm0 =	vgt.f32 v17, $0.0e+00  }
0x139: {  	s8 =	sand.u32 $0x3FFFFFF0, s8;
	v17 =	vnsel vm0, $0x0, v18  }
0x13a: {  	s13 =	sadd.s32 $0x400, s13;
	s17 =	sadd.s32 $0x800, s17;
	s25 =	sadd.s32 $0x800, s25;
	[tilespmem:s8+$0x1E600] =	vst v17  }
0x13b: {  	s25 =	simm.s32 $0x0;
	s0 =	rddreg [dreg:$0x1f];
	s2 =	simm.s32 $0x1E600  }
0x13c: {  	[hbm4b:s0+s25] =	stream.linear.scatter [tilespmem:s2], [sflag:$0x7], $0x40, $0x38;
	[tilespmem:$0x1E910] =	vst v63  }
0x13d: {  	s18 =	simm.s32 $0x180;
	s19 =	simm.s32 $0x600  }
0x13e: {  	[tilespmem:s19], [sflag:$0x1] =	stream.indirect.gather [hbm4b:s31+s7], $0x80, s18, s7, $0xb8;
	[tilespmem:$0x1E910] =	vst v63  }
0x13f: {  	s26 =	simm.s32 $0xC600  }
0x140: {  	[tilespmem:s26], [sflag:$0x1] =	stream.indirect.gather [hbm4b:s3+s7], $0x40, s6, s7, $0xb8;
	[tilespmem:$0x1E910] =	vst v63  }
0x141: {  	s29 =	simm.s32 $0x580;
	s30 =	simm.s32 $0x12600  }
0x142: {  	[tilespmem:s30], [sflag:$0x1] =	stream.indirect.gather [hbm4b:s31+s7], $0x80, s29, s7, $0xb8;
	[tilespmem:$0x1E910] =	vst v63  }
0x143: {  	_ =	swait.ge [sflag:s14], $0x2000  }
0x144: {  	[sflag:s14] =	ssyncset.done $0x0  }
0x145: {  	[sflag:s14] =	ssyncadd.s32 $0xFFFFE000  }
0x146: {  	_ =	swait.ge [sflag:s14], $0x1000  }
0x147: {  	[sflag:s14] =	ssyncset.done $0x0  }
0x148: {  	[sflag:s14] =	ssyncadd.s32 $0xFFFFF000  }
0x149: {  	_ =	swait.ge [sflag:s14], $0x2000  }
0x14a: {  	s13 =	simm.s32 $0xD630;
	s17 =	simm.s32 $0x14670;
	[sflag:s14] =	ssyncset.done $0x0  }
0x14b: {  	s28 =	simm.s32 $0x0;
	s26 =	simm.s32 $0x2670;
	[sflag:s14] =	ssyncadd.s32 $0xFFFFE000  }
.LBB2_6:
0x14c: {  	v17 =	vld [tilespmem:s13+$0xFFFFFFD0]  }
0x14d: {  	v18 =	vld [tilespmem:s13+$0xFFFFFFE0]  }
0x14e: {  	v19 =	vld [tilespmem:s26+$0xFFFFFFB0]  }
0x14f: {  	v20 =	vld [tilespmem:s26+$0xFFFFFFC0]  }
0x150: {  	v21 =	vld [tilespmem:s26+$0xFFFFFF90]  }
0x151: {  	v22 =	vld [tilespmem:s13+$0xFFFFFFF0]  }
0x152: {  	v23 =	vld [tilespmem:s26+$0xFFFFFFD0]  }
0x153: {  	v24 =	vld [tilespmem:s26+$0xFFFFFFE0]  }
0x154: {  	v25 =	vld [tilespmem:s17+$0xFFFFFFA0]  }
0x155: {  	v26 =	vld [tilespmem:s17+$0xFFFFFFC0]  }
0x156: {  	v27 =	vld [tilespmem:s17+$0xFFFFFFE0]  }
0x157: {  	v28 =	vld [tilespmem:s26+$0xFFFFFFA0]  }
0x158: {  	v30 =	vld [tilespmem:s17+$0xFFFFFFB0]  }
0x159: {  	v53 =	vld [tilespmem:s17+$0xFFFFFF90];
	v29 =	vunpack.i.u.bf16.f32 v22  }
0x15a: {  	v31 =	vld [tilespmem:s13+$0x0];
	v22 =	vunpack.i.l.bf16.f32 v22;
	v54 =	vunpack.i.u.bf16.f32 v18;
	v18 =	vunpack.i.l.bf16.f32 v18  }
0x15b: {  	v55 =	vld [tilespmem:s26+$0x0];
	v32 =	vunpack.i.l.bf16.f32 v17;
	v24 =	vadd.f32 v29, v24;
	v22 =	vadd.f32 v22, v23  }
0x15c: {  	v56 =	vld [tilespmem:s17+$0xFFFFFFD0];
	v17 =	vunpack.i.u.bf16.f32 v17;
	v21 =	vadd.f32 v32, v21;
	v18 =	vadd.f32 v18, v19  }
0x15d: {  	v19 =	vld [tilespmem:s26+$0xFFFFFFF0];
	v17 =	vadd.f32 v17, v28;
	v20 =	vadd.f32 v54, v20  }
0x15e: {  	v58 =	vld [tilespmem:s17+$0x0];
	v24 =	vsub.f32 v24, v27;
	v21 =	vsub.f32 v21, v53  }
0x15f: {  	v57 =	vld [tilespmem:s17+$0xFFFFFFF0];
	v59 =	vunpack.i.u.bf16.f32 v31;
	v18 =	vsub.f32 v18, v30;
	v17 =	vsub.f32 v17, v25  }
0x160: {  	v60 =	vunpack.i.l.bf16.f32 v31;
	v20 =	vsub.f32 v20, v26;
	v26 =	vadd.f32 v59, v55  }
0x161: {  	v22 =	vsub.f32 v22, v56;
	v21 =	vmul.f32 v21, v21;
	v18 =	vmul.f32 v18, v18  }
0x162: {  	v20 =	vmul.f32 v20, v20;
	v17 =	vmul.f32 v17, v17;
	v19 =	vadd.f32 v60, v19  }
0x163: {  	v61 =	vmul.f32 v24, v24;
	v62 =	vsub.f32 v26, v58;
	v18 =	vadd.f32 v18, v21  }
0x164: {  	v17 =	vadd.f32 v20, v17;
	v20 =	vmul.f32 v22, v22;
	v19 =	vsub.f32 v19, v57  }
0x165: {  	v63 =	vmul.f32 v62, v62  }
0x166: {  	v18 =	vadd.f32 v20, v18;
	v20 =	vadd.f32 v61, v17;
	v19 =	vmul.f32 v19, v19  }
0x167: {  	s8 =	simm.s32 $0x11;
	v17 =	vadd.s32 s25, v0  }
0x168: {  	s18 =	smov.u32 s13;
	s19 =	smov.u32 s17;
	s29 =	smov.u32 s26;
	v18 =	vadd.f32 v19, v18;
	v19 =	vadd.f32 v63, v20  }
.LBB2_7:
0x169: {  	_ = 	snop  }
0x16a: {  	s18 =	sadd.s32 $0x40, s18;
	s19 =	sadd.s32 $0x80, s19;
	s29 =	sadd.s32 $0x80, s29;
	v18 =	vadd.f32 v18, v19  }
0x16b: {  	p0 =	sne.s32 s8, $0xFF;
	s30 =	smov.u32 s8;
	s8 =	sadd.s32 $0x11, s8  }
0x16c: {  	[tilespmem:v17+s15+$0x0] =	vst.idx.msk $0xffff, v18  }
0x16d: {  	v17 =	vld [tilespmem:s18+$0xFFFFFFD0]  }
0x16e: {  	v18 =	vld [tilespmem:s18+$0xFFFFFFE0]  }
0x16f: {  	v19 =	vld [tilespmem:s29+$0xFFFFFFB0]  }
0x170: {  	v20 =	vld [tilespmem:s29+$0xFFFFFFC0]  }
0x171: {  	v21 =	vld [tilespmem:s29+$0xFFFFFF90]  }
0x172: {  	v22 =	vld [tilespmem:s18+$0xFFFFFFF0]  }
0x173: {  	v23 =	vld [tilespmem:s29+$0xFFFFFFD0]  }
0x174: {  	v24 =	vld [tilespmem:s29+$0xFFFFFFE0]  }
0x175: {  	v25 =	vld [tilespmem:s19+$0xFFFFFFA0]  }
0x176: {  	v26 =	vld [tilespmem:s19+$0xFFFFFFC0]  }
0x177: {  	v27 =	vld [tilespmem:s19+$0xFFFFFFE0];
	v28 =	vunpack.i.u.bf16.f32 v22;
	v22 =	vunpack.i.l.bf16.f32 v22  }
0x178: {  	v29 =	vld [tilespmem:s29+$0xFFFFFFA0];
	v22 =	vadd.f32 v22, v23  }
0x179: {  	v23 =	vld [tilespmem:s19+$0xFFFFFFB0];
	v24 =	vadd.f32 v28, v24  }
0x17a: {  	v28 =	vld [tilespmem:s19+$0xFFFFFF90]  }
0x17b: {  	v30 =	vunpack.i.u.bf16.f32 v18;
	v18 =	vunpack.i.l.bf16.f32 v18;
	v31 =	vld [tilespmem:s18+$0x0]  }
0x17c: {  	v32 =	vunpack.i.u.bf16.f32 v17;
	v17 =	vunpack.i.l.bf16.f32 v17;
	v24 =	vsub.f32 v24, v27;
	v27 =	vld [tilespmem:s29+$0x0]  }
0x17d: {  	v18 =	vadd.f32 v18, v19;
	v17 =	vadd.f32 v17, v21;
	v19 =	vld [tilespmem:s29+$0xFFFFFFF0]  }
0x17e: {  	v20 =	vadd.f32 v30, v20;
	v21 =	vadd.f32 v32, v29;
	v29 =	vld [tilespmem:s19+$0xFFFFFFD0]  }
0x17f: {  	v18 =	vsub.f32 v18, v23;
	v17 =	vsub.f32 v17, v28;
	v23 =	vld [tilespmem:s19+$0xFFFFFFF0]  }
0x180: {  	v20 =	vsub.f32 v20, v26;
	v21 =	vsub.f32 v21, v25;
	v25 =	vld [tilespmem:s19+$0x0];
	v26 =	vunpack.i.u.bf16.f32 v31  }
0x181: {  	v18 =	vmul.f32 v18, v18;
	v28 =	vunpack.i.l.bf16.f32 v31;
	v17 =	vmul.f32 v17, v17  }
0x182: {  	v20 =	vmul.f32 v20, v20;
	v26 =	vadd.f32 v26, v27;
	v19 =	vadd.f32 v28, v19  }
0x183: {  	v21 =	vmul.f32 v21, v21;
	v17 =	vadd.f32 v18, v17;
	v18 =	vsub.f32 v22, v29  }
0x184: {  	v22 =	vmul.f32 v24, v24;
	v19 =	vsub.f32 v19, v23  }
.Ltmp2:
0x185: {  	v20 =	vadd.f32 v20, v21;
	v18 =	vmul.f32 v18, v18;
	v21 =	vsub.f32 v26, v25;
	(pc) =	sbr.rel @p0 .LBB2_7-.Ltmp2, $4  }
0x186: {  	v19 =	vmul.f32 v19, v19  }
0x187: {  	v20 =	vadd.f32 v22, v20;
	v18 =	vadd.f32 v18, v17;
	v21 =	vmul.f32 v21, v21  }
0x188: {  	v17 =	vadd.s32 s30, v0  }
0x189: {  	v18 =	vadd.f32 v19, v18;
	v19 =	vadd.f32 v21, v20  }
0x18a: {  	_ =	sdelay $0x1  }
0x18b: {  	v18 =	vadd.f32 v18, v19;
	_ =	sdelay $0x1  }
0x18c: {  	[tilespmem:v17+s15+$0x0] =	vst.idx.msk $0xffff, v18  }
0x18d: {  	v17 =	vld.idx.msk [tilespmem:v1+s15+$0x0], $0xffff  }
0x18e: {  	v18 =	vld.idx.msk [tilespmem:v2+s15+$0x0], $0xffff  }
0x18f: {  	v19 =	vld.idx.msk [tilespmem:v3+s15+$0x0], $0xffff  }
0x190: {  	v20 =	vld.idx.msk [tilespmem:v4+s15+$0x0], $0xffff  }
0x191: {  	v21 =	vld.idx.msk [tilespmem:v5+s15+$0x0], $0xffff  }
0x192: {  	v22 =	vld.idx.msk [tilespmem:v6+s15+$0x0], $0xffff  }
0x193: {  	v23 =	vld.idx.msk [tilespmem:v7+s15+$0x0], $0xffff  }
0x194: {  	v24 =	vld.idx.msk [tilespmem:v8+s15+$0x0], $0xffff  }
0x195: {  	v25 =	vld.idx.msk [tilespmem:v9+s15+$0x0], $0xffff  }
0x196: {  	v26 =	vld.idx.msk [tilespmem:v10+s15+$0x0], $0xffff  }
0x197: {  	v27 =	vld.idx.msk [tilespmem:v11+s15+$0x0], $0xffff  }
0x198: {  	v28 =	vld.idx.msk [tilespmem:v12+s15+$0x0], $0xffff  }
0x199: {  	v29 =	vld.idx.msk [tilespmem:v13+s15+$0x0], $0xffff  }
0x19a: {  	v30 =	vld.idx.msk [tilespmem:v14+s15+$0x0], $0xffff  }
0x19b: {  	v31 =	vld.idx.msk [tilespmem:v15+s15+$0x0], $0xffff  }
0x19c: {  	v62 =	vld.idx.msk [tilespmem:v16+s15+$0x0], $0xffff;
	v17 =	vadd.f32 v21, v17;
	v18 =	vadd.f32 v22, v18  }
0x19d: {  	v19 =	vadd.f32 v23, v19;
	v20 =	vadd.f32 v24, v20  }
0x19e: {  	v17 =	vadd.f32 v25, v17;
	v18 =	vadd.f32 v26, v18  }
0x19f: {  	v19 =	vadd.f32 v27, v19;
	v20 =	vadd.f32 v28, v20  }
0x1a0: {  	v17 =	vadd.f32 v29, v17;
	v18 =	vadd.f32 v30, v18  }
0x1a1: {  	v19 =	vadd.f32 v31, v19;
	v20 =	vadd.f32 v62, v20;
	_ =	sdelay $0x1  }
0x1a2: {  	v17 =	vadd.f32 v18, v17;
	v18 =	vadd.f32 v20, v19;
	_ =	sdelay $0x1  }
0x1a3: {  	v17 =	vadd.f32 v18, v17;
	_ =	sdelay $0x1  }
0x1a4: {  	v18 =	vshra.s32 v17, $0x1;
	v19 =	vmul.f32 $5.000000000e-01, v17  }
0x1a5: {  	v18 =	vsub.s32 $0x5F3759DF, v18  }
0x1a6: {  	v63 =	vmul.f32 v18, v19;
	_ =	sdelay $0x1  }
0x1a7: {  	v20 =	vmul.f32 v18, v63;
	_ =	sdelay $0x1  }
0x1a8: {  	v20 =	vsub.f32 $1.500000000e+00, v20;
	_ =	sdelay $0x1  }
0x1a9: {  	v18 =	vmul.f32 v18, v20;
	_ =	sdelay $0x1  }
0x1aa: {  	v20 =	vmul.f32 v18, v19;
	_ =	sdelay $0x1  }
0x1ab: {  	v20 =	vmul.f32 v20, v18;
	_ =	sdelay $0x1  }
0x1ac: {  	v20 =	vsub.f32 $1.500000000e+00, v20;
	_ =	sdelay $0x1  }
0x1ad: {  	v18 =	vmul.f32 v20, v18;
	_ =	sdelay $0x1  }
0x1ae: {  	v19 =	vmul.f32 v18, v19;
	_ =	sdelay $0x1  }
0x1af: {  	v19 =	vmul.f32 v19, v18;
	_ =	sdelay $0x1  }
0x1b0: {  	v19 =	vsub.f32 $1.500000000e+00, v19;
	_ =	sdelay $0x1  }
0x1b1: {  	v18 =	vmul.f32 v19, v18  }
0x1b2: {  	s8 =	sshll.u32 s28, $0x4;
	s28 =	sadd.s32 $0x1, s28  }
0x1b3: {  	p0 =	sne.s32 s28, $0x4;
	v18 =	vmul.f32 v18, v17  }
.Ltmp3:
0x1b4: {  	_ = 	snop;
	(pc) =	sbr.rel @p0 .LBB2_6-.Ltmp3, $4  }
0x1b5: {  	v18 =	vsub.f32 $0.0e+00, v18  }
0x1b6: {  	vm0 =	vgt.f32 v17, $0.0e+00  }
0x1b7: {  	s8 =	sand.u32 $0x3FFFFFF0, s8;
	v17 =	vnsel vm0, $0x0, v18  }
0x1b8: {  	s13 =	sadd.s32 $0x400, s13;
	s17 =	sadd.s32 $0x800, s17;
	s26 =	sadd.s32 $0x800, s26;
	[tilespmem:s8+$0x1E640] =	vst v17  }
0x1b9: {  	s0 =	sld [smem:$0x7F6];
	_ =	sdelay $0x1  }
0x1ba: {  	s25 =	simm.s32 $0x0;
	s2 =	simm.s32 $0x1E640  }
0x1bb: {  	[hbm4b:s0+s25] =	stream.linear.scatter [tilespmem:s2], [sflag:$0x7], $0x40, $0x38;
	[tilespmem:$0x1E910] =	vst v63  }
0x1bc: {  	s19 =	simm.s32 $0x2600  }
0x1bd: {  	[tilespmem:s19], [sflag:$0x2] =	stream.indirect.gather [hbm4b:s31+s7], $0x80, s22, s7, $0xb8;
	[tilespmem:$0x1E910] =	vst v63  }
0x1be: {  	s26 =	simm.s32 $0x3C0;
	s28 =	simm.s32 $0xD600  }
0x1bf: {  	[tilespmem:s28], [sflag:$0x2] =	stream.indirect.gather [hbm4b:s3+s7], $0x40, s26, s7, $0xb8;
	[tilespmem:$0x1E910] =	vst v63  }
0x1c0: {  	s29 =	simm.s32 $0x14600;
	s30 =	simm.s32 $0x3  }
0x1c1: {  	[tilespmem:s29], [sflag:$0x2] =	stream.indirect.gather [hbm4b:s31+s7], $0x80, s12, s7, $0xb8;
	[tilespmem:$0x1E910] =	vst v63  }
0x1c2: {  	_ =	swait.ge [sflag:s30], $0x2000  }
0x1c3: {  	[sflag:s30] =	ssyncset.done $0x0  }
0x1c4: {  	[sflag:s30] =	ssyncadd.s32 $0xFFFFE000  }
0x1c5: {  	_ =	swait.ge [sflag:s30], $0x1000  }
0x1c6: {  	[sflag:s30] =	ssyncset.done $0x0  }
0x1c7: {  	[sflag:s30] =	ssyncadd.s32 $0xFFFFF000  }
0x1c8: {  	_ =	swait.ge [sflag:s30], $0x2000  }
0x1c9: {  	s17 =	simm.s32 $0x600;
	[sflag:s30] =	ssyncset.done $0x0  }
0x1ca: {  	s19 =	simm.s32 $0xE630;
	s26 =	simm.s32 $0x12600;
	[sflag:s30] =	ssyncadd.s32 $0xFFFFE000  }
.LBB2_10:
0x1cb: {  	v17 =	vmov s26;
	_ =	sdelay $0x1  }
0x1cc: {  	v23 =	vld [tilespmem:s19+$0xFFFFFFE0]  }
0x1cd: {  	v18 =	vmov s17;
	v26 =	vld [tilespmem:s19+$0xFFFFFFD0]  }
0x1ce: {  	s29 =	simm.s32 $0x0;
	v25 =	vld [tilespmem:s19+$0xFFFFFFF0]  }
0x1cf: {  	v19 =	vld.idx.msk [tilespmem:v17+s29+$0x4040 ss:$0x1], $0xffff  }
0x1d0: {  	v20 =	vld.idx.msk [tilespmem:v17+s29+$0x4000 ss:$0x1], $0xffff  }
0x1d1: {  	v21 =	vld.idx.msk [tilespmem:v17+s29+$0x4050 ss:$0x1], $0xffff  }
0x1d2: {  	s30 =	simm.s32 $0x200;
	s8 =	simm.s32 $0x0;
	v24 =	vld.idx.msk [tilespmem:v18+s29+$0x4050 ss:$0x1], $0xffff  }
0x1d3: {  	s18 =	smov.u32 s19;
	s13 =	smov.u32 s19;
	s28 =	simm.s32 $0x0;
	v22 =	vld.idx.msk [tilespmem:v18+s29+$0x4040 ss:$0x1], $0xffff  }
.LBB2_11:
0x1d4: {  	p0 =	sne.s32 s30, $0x1E00;
	v27 =	vld.idx.msk [tilespmem:v18+s29+$0x4000 ss:$0x1], $0xffff;
	s8 =	sadd.s32 $0x11, s8;
	s18 =	sadd.s32 $0x40, s18  }
0x1d5: {  	s0 =	smov.u32 s30;
	s30 =	sadd.s32 $0x200, s30;
	v28 =	vld.idx.msk [tilespmem:v18+s29+$0x4010 ss:$0x1], $0xffff  }
0x1d6: {  	v29 =	vld.idx.msk [tilespmem:v18+s29+$0x4020 ss:$0x1], $0xffff  }
0x1d7: {  	v30 =	vunpack.i.l.bf16.f32 v26;
	v31 =	vld.idx.msk [tilespmem:v18+s29+$0x4030 ss:$0x1], $0xffff  }
0x1d8: {  	v26 =	vunpack.i.u.bf16.f32 v26;
	v32 =	vld.idx.msk [tilespmem:v17+s29+$0x4010 ss:$0x1], $0xffff;
	v33 =	vunpack.i.l.bf16.f32 v25  }
0x1d9: {  	v25 =	vunpack.i.u.bf16.f32 v25;
	v34 =	vld.idx.msk [tilespmem:v17+s29+$0x4020 ss:$0x1], $0xffff  }
0x1da: {  	v27 =	vadd.f32 v30, v27;
	v30 =	vld [tilespmem:s13+$0x0];
	s13 =	smov.u32 s18  }
0x1db: {  	v35 =	vunpack.i.u.bf16.f32 v23;
	v24 =	vadd.f32 v25, v24;
	v26 =	vadd.f32 v26, v28;
	v28 =	vld.idx.msk [tilespmem:v17+s29+$0x4030 ss:$0x1], $0xffff  }
0x1dc: {  	v23 =	vunpack.i.l.bf16.f32 v23;
	v22 =	vadd.f32 v33, v22;
	v25 =	vld.idx.msk [tilespmem:v18+s29+$0x4070 ss:$0x1], $0xffff  }
0x1dd: {  	v23 =	vadd.f32 v23, v29;
	v21 =	vsub.f32 v24, v21;
	v24 =	vld.idx.msk [tilespmem:v18+s29+$0x4060 ss:$0x1], $0xffff  }
0x1de: {  	v20 =	vsub.f32 v27, v20;
	v19 =	vsub.f32 v22, v19;
	v22 =	vld.idx.msk [tilespmem:v17+s29+$0x4070 ss:$0x1], $0xffff  }
0x1df: {  	v27 =	vadd.f32 v35, v31;
	v21 =	vmul.f32 v21, v21;
	v23 =	vsub.f32 v23, v34;
	v29 =	vld.idx.msk [tilespmem:v17+s29+$0x4060 ss:$0x1], $0xffff  }
0x1e0: {  	v20 =	vmul.f32 v20, v20;
	v19 =	vmul.f32 v19, v19  }
0x1e1: {  	v26 =	vsub.f32 v26, v32;
	s29 =	sshra.s32 s0, $0x2;
	v27 =	vsub.f32 v27, v28;
	v28 =	vunpack.i.u.bf16.f32 v30  }
0x1e2: {  	v23 =	vmul.f32 v23, v23;
	v30 =	vunpack.i.l.bf16.f32 v30;
	v25 =	vadd.f32 v28, v25  }
0x1e3: {  	v26 =	vmul.f32 v26, v26;
	v27 =	vmul.f32 v27, v27;
	v24 =	vadd.f32 v30, v24  }
0x1e4: {  	v20 =	vadd.f32 v23, v20;
	v22 =	vsub.f32 v25, v22  }
0x1e5: {  	v23 =	vadd.f32 v27, v26;
	v24 =	vsub.f32 v24, v29  }
0x1e6: {  	v19 =	vadd.f32 v19, v20  }
0x1e7: {  	v22 =	vmul.f32 v22, v22;
	v20 =	vadd.f32 v21, v23;
	v21 =	vmul.f32 v24, v24  }
0x1e8: {  	v23 =	vadd.s32 s28, v0;
	s28 =	smov.u32 s8  }
0x1e9: {  	v19 =	vadd.f32 v21, v19;
	v20 =	vadd.f32 v22, v20;
	_ =	sdelay $0x1  }
0x1ea: {  	v19 =	vadd.f32 v19, v20;
	_ =	sdelay $0x1  }
0x1eb: {  	[tilespmem:v23+s15+$0x0] =	vst.idx.msk $0xffff, v19  }
0x1ec: {  	v19 =	vld.idx.msk [tilespmem:v17+s29+$0x4040 ss:$0x1], $0xffff  }
0x1ed: {  	v20 =	vld.idx.msk [tilespmem:v17+s29+$0x4000 ss:$0x1], $0xffff  }
0x1ee: {  	v21 =	vld.idx.msk [tilespmem:v17+s29+$0x4050 ss:$0x1], $0xffff  }
.Ltmp4:
0x1ef: {  	v24 =	vld.idx.msk [tilespmem:v18+s29+$0x4050 ss:$0x1], $0xffff;
	(pc) =	sbr.rel @p0 .LBB2_11-.Ltmp4, $4  }
0x1f0: {  	v22 =	vld.idx.msk [tilespmem:v18+s29+$0x4040 ss:$0x1], $0xffff  }
0x1f1: {  	v23 =	vld [tilespmem:s18+$0xFFFFFFE0]  }
0x1f2: {  	v26 =	vld [tilespmem:s18+$0xFFFFFFD0]  }
0x1f3: {  	v25 =	vld [tilespmem:s18+$0xFFFFFFF0]  }
0x1f4: {  	_ =	sdelay $0x3  }
0x1f5: {  	v27 =	vld.idx.msk [tilespmem:v18+s29+$0x4000 ss:$0x1], $0xffff  }
0x1f6: {  	v28 =	vld.idx.msk [tilespmem:v18+s29+$0x4010 ss:$0x1], $0xffff  }
0x1f7: {  	v29 =	vld.idx.msk [tilespmem:v18+s29+$0x4020 ss:$0x1], $0xffff  }
0x1f8: {  	v30 =	vld.idx.msk [tilespmem:v18+s29+$0x4030 ss:$0x1], $0xffff  }
0x1f9: {  	v31 =	vld.idx.msk [tilespmem:v17+s29+$0x4010 ss:$0x1], $0xffff  }
0x1fa: {  	v35 =	vld [tilespmem:s13+$0x0]  }
0x1fb: {  	v41 =	vld.idx.msk [tilespmem:v18+s29+$0x4070 ss:$0x1], $0xffff  }
0x1fc: {  	v18 =	vld.idx.msk [tilespmem:v18+s29+$0x4060 ss:$0x1], $0xffff;
	v40 =	vunpack.i.l.bf16.f32 v23  }
0x1fd: {  	v32 =	vld.idx.msk [tilespmem:v17+s29+$0x4020 ss:$0x1], $0xffff;
	v33 =	vunpack.i.l.bf16.f32 v26;
	v37 =	vunpack.i.u.bf16.f32 v26;
	v34 =	vunpack.i.l.bf16.f32 v25  }
0x1fe: {  	v39 =	vld.idx.msk [tilespmem:v17+s29+$0x4030 ss:$0x1], $0xffff;
	v38 =	vunpack.i.u.bf16.f32 v25;
	v27 =	vadd.f32 v33, v27;
	v26 =	vadd.f32 v37, v28  }
0x1ff: {  	v42 =	vunpack.i.u.bf16.f32 v23;
	v24 =	vadd.f32 v38, v24;
	v22 =	vadd.f32 v34, v22  }
0x200: {  	v43 =	vld.idx.msk [tilespmem:v17+s29+$0x4070 ss:$0x1], $0xffff;
	v25 =	vadd.f32 v40, v29;
	v23 =	vadd.f32 v42, v30;
	v47 =	vunpack.i.l.bf16.f32 v35  }
0x201: {  	v17 =	vld.idx.msk [tilespmem:v17+s29+$0x4060 ss:$0x1], $0xffff;
	v18 =	vadd.f32 v47, v18;
	v20 =	vsub.f32 v27, v20  }
0x202: {  	v19 =	vsub.f32 v22, v19;
	v44 =	vsub.f32 v25, v32  }
0x203: {  	v46 =	vunpack.i.u.bf16.f32 v35;
	v45 =	vsub.f32 v26, v31;
	v23 =	vsub.f32 v23, v39  }
0x204: {  	v26 =	vadd.f32 v46, v41;
	v20 =	vmul.f32 v20, v20;
	v22 =	vmul.f32 v44, v44  }
0x205: {  	v21 =	vsub.f32 v24, v21;
	v25 =	vmul.f32 v45, v45;
	v23 =	vmul.f32 v23, v23  }
0x206: {  	v17 =	vsub.f32 v18, v17;
	v19 =	vmul.f32 v19, v19;
	v48 =	vsub.f32 v26, v43  }
0x207: {  	v21 =	vmul.f32 v21, v21;
	v20 =	vadd.f32 v22, v20;
	v23 =	vadd.f32 v23, v25  }
0x208: {  	v17 =	vmul.f32 v17, v17  }
0x209: {  	v49 =	vmul.f32 v48, v48;
	v18 =	vadd.f32 v19, v20;
	v19 =	vadd.f32 v21, v23  }
0x20a: {  	v50 =	vadd.s32 s28, v0  }
0x20b: {  	v17 =	vadd.f32 v17, v18;
	v18 =	vadd.f32 v49, v19;
	_ =	sdelay $0x1  }
0x20c: {  	v17 =	vadd.f32 v17, v18;
	_ =	sdelay $0x1  }
0x20d: {  	[tilespmem:v50+s15+$0x0] =	vst.idx.msk $0xffff, v17  }
0x20e: {  	v17 =	vld.idx.msk [tilespmem:v1+s15+$0x0], $0xffff  }
0x20f: {  	v18 =	vld.idx.msk [tilespmem:v2+s15+$0x0], $0xffff  }
0x210: {  	v19 =	vld.idx.msk [tilespmem:v3+s15+$0x0], $0xffff  }
0x211: {  	v51 =	vld.idx.msk [tilespmem:v4+s15+$0x0], $0xffff  }
0x212: {  	v21 =	vld.idx.msk [tilespmem:v5+s15+$0x0], $0xffff  }
0x213: {  	v52 =	vld.idx.msk [tilespmem:v6+s15+$0x0], $0xffff  }
0x214: {  	v53 =	vld.idx.msk [tilespmem:v7+s15+$0x0], $0xffff  }
0x215: {  	v54 =	vld.idx.msk [tilespmem:v8+s15+$0x0], $0xffff  }
0x216: {  	v55 =	vld.idx.msk [tilespmem:v9+s15+$0x0], $0xffff  }
0x217: {  	v56 =	vld.idx.msk [tilespmem:v10+s15+$0x0], $0xffff  }
0x218: {  	v57 =	vld.idx.msk [tilespmem:v11+s15+$0x0], $0xffff  }
0x219: {  	v58 =	vld.idx.msk [tilespmem:v12+s15+$0x0], $0xffff  }
0x21a: {  	v59 =	vld.idx.msk [tilespmem:v13+s15+$0x0], $0xffff  }
0x21b: {  	v60 =	vld.idx.msk [tilespmem:v14+s15+$0x0], $0xffff  }
0x21c: {  	v61 =	vld.idx.msk [tilespmem:v15+s15+$0x0], $0xffff  }
0x21d: {  	v62 =	vld.idx.msk [tilespmem:v16+s15+$0x0], $0xffff;
	v17 =	vadd.f32 v21, v17;
	v18 =	vadd.f32 v52, v18  }
0x21e: {  	v19 =	vadd.f32 v53, v19;
	v20 =	vadd.f32 v54, v51  }
0x21f: {  	v17 =	vadd.f32 v55, v17;
	v18 =	vadd.f32 v56, v18  }
0x220: {  	v19 =	vadd.f32 v57, v19;
	v20 =	vadd.f32 v58, v20  }
0x221: {  	v17 =	vadd.f32 v59, v17;
	v18 =	vadd.f32 v60, v18  }
0x222: {  	v19 =	vadd.f32 v61, v19;
	v20 =	vadd.f32 v62, v20;
	_ =	sdelay $0x1  }
0x223: {  	v17 =	vadd.f32 v18, v17;
	v18 =	vadd.f32 v20, v19;
	_ =	sdelay $0x1  }
0x224: {  	v17 =	vadd.f32 v18, v17;
	_ =	sdelay $0x1  }
0x225: {  	v18 =	vshra.s32 v17, $0x1;
	v19 =	vmul.f32 $5.000000000e-01, v17  }
0x226: {  	v18 =	vsub.s32 $0x5F3759DF, v18  }
0x227: {  	v63 =	vmul.f32 v18, v19;
	_ =	sdelay $0x1  }
0x228: {  	v20 =	vmul.f32 v18, v63;
	_ =	sdelay $0x1  }
0x229: {  	v20 =	vsub.f32 $1.500000000e+00, v20;
	_ =	sdelay $0x1  }
0x22a: {  	v18 =	vmul.f32 v18, v20;
	_ =	sdelay $0x1  }
0x22b: {  	v20 =	vmul.f32 v18, v19;
	_ =	sdelay $0x1  }
0x22c: {  	v20 =	vmul.f32 v20, v18;
	_ =	sdelay $0x1  }
0x22d: {  	v20 =	vsub.f32 $1.500000000e+00, v20;
	_ =	sdelay $0x1  }
0x22e: {  	v18 =	vmul.f32 v20, v18;
	_ =	sdelay $0x1  }
0x22f: {  	v19 =	vmul.f32 v18, v19;
	_ =	sdelay $0x1  }
0x230: {  	v19 =	vmul.f32 v19, v18;
	_ =	sdelay $0x1  }
0x231: {  	v19 =	vsub.f32 $1.500000000e+00, v19;
	_ =	sdelay $0x1  }
0x232: {  	v18 =	vmul.f32 v19, v18  }
0x233: {  	s0 =	sshll.u32 s25, $0x4;
	s25 =	sadd.s32 $0x1, s25  }
0x234: {  	p0 =	sne.s32 s25, $0x4;
	v18 =	vmul.f32 v18, v17  }
.Ltmp5:
0x235: {  	_ = 	snop;
	(pc) =	sbr.rel @p0 .LBB2_10-.Ltmp5, $4  }
0x236: {  	v18 =	vsub.f32 $0.0e+00, v18  }
0x237: {  	vm0 =	vgt.f32 v17, $0.0e+00  }
0x238: {  	s0 =	sand.u32 $0x3FFFFFF0, s0;
	v17 =	vnsel vm0, $0x0, v18  }
0x239: {  	s17 =	sadd.s32 $0x800, s17;
	s26 =	sadd.s32 $0x800, s26;
	s19 =	sadd.s32 $0x400, s19;
	[tilespmem:s0+$0x1E680] =	vst v17  }
0x23a: {  	s0 =	sld [smem:$0x7F7];
	_ =	sdelay $0x1  }
0x23b: {  	s25 =	simm.s32 $0x0;
	s2 =	simm.s32 $0x1E680;
	s30 =	simm.s32 $0x4  }
0x23c: {  	[hbm4b:s0+s25] =	stream.linear.scatter [tilespmem:s2], [sflag:$0x7], $0x40, $0x38;
	[tilespmem:$0x1E910] =	vst v63  }
0x23d: {  	_ =	swait.ge [sflag:s30], $0x2000  }
0x23e: {  	[sflag:s30] =	ssyncset.done $0x0  }
0x23f: {  	[sflag:s30] =	ssyncadd.s32 $0xFFFFE000  }
0x240: {  	_ =	swait.ge [sflag:s30], $0x1000  }
0x241: {  	[sflag:s30] =	ssyncset.done $0x0  }
0x242: {  	[sflag:s30] =	ssyncadd.s32 $0xFFFFF000  }
0x243: {  	_ =	swait.ge [sflag:s30], $0x2000  }
0x244: {  	s17 =	simm.s32 $0x600;
	[sflag:s30] =	ssyncset.done $0x0  }
0x245: {  	s26 =	simm.s32 $0x12600;
	s13 =	simm.s32 $0xF630;
	[sflag:s30] =	ssyncadd.s32 $0xFFFFE000  }
.LBB2_14:
0x246: {  	v17 =	vmov s26;
	_ =	sdelay $0x1  }
0x247: {  	v23 =	vld [tilespmem:s13+$0xFFFFFFE0]  }
0x248: {  	v18 =	vmov s17;
	v26 =	vld [tilespmem:s13+$0xFFFFFFD0]  }
0x249: {  	s29 =	simm.s32 $0x0;
	v25 =	vld [tilespmem:s13+$0xFFFFFFF0]  }
0x24a: {  	v19 =	vld.idx.msk [tilespmem:v17+s29+$0x6040 ss:$0x1], $0xffff  }
0x24b: {  	v20 =	vld.idx.msk [tilespmem:v17+s29+$0x6000 ss:$0x1], $0xffff  }
0x24c: {  	v21 =	vld.idx.msk [tilespmem:v17+s29+$0x6050 ss:$0x1], $0xffff  }
0x24d: {  	s30 =	simm.s32 $0x200;
	s8 =	simm.s32 $0x0;
	v24 =	vld.idx.msk [tilespmem:v18+s29+$0x6050 ss:$0x1], $0xffff  }
0x24e: {  	s19 =	smov.u32 s13;
	s18 =	smov.u32 s13;
	s28 =	simm.s32 $0x0;
	v22 =	vld.idx.msk [tilespmem:v18+s29+$0x6040 ss:$0x1], $0xffff  }
.LBB2_15:
0x24f: {  	p0 =	sne.s32 s30, $0x1E00;
	v27 =	vld.idx.msk [tilespmem:v18+s29+$0x6000 ss:$0x1], $0xffff;
	s8 =	sadd.s32 $0x11, s8;
	s19 =	sadd.s32 $0x40, s19  }
0x250: {  	s0 =	smov.u32 s30;
	s30 =	sadd.s32 $0x200, s30;
	v28 =	vld.idx.msk [tilespmem:v18+s29+$0x6010 ss:$0x1], $0xffff  }
0x251: {  	v29 =	vld.idx.msk [tilespmem:v18+s29+$0x6020 ss:$0x1], $0xffff  }
0x252: {  	v30 =	vunpack.i.l.bf16.f32 v26;
	v31 =	vld.idx.msk [tilespmem:v18+s29+$0x6030 ss:$0x1], $0xffff  }
0x253: {  	v26 =	vunpack.i.u.bf16.f32 v26;
	v32 =	vld.idx.msk [tilespmem:v17+s29+$0x6010 ss:$0x1], $0xffff;
	v33 =	vunpack.i.l.bf16.f32 v25  }
0x254: {  	v25 =	vunpack.i.u.bf16.f32 v25;
	v34 =	vld.idx.msk [tilespmem:v17+s29+$0x6020 ss:$0x1], $0xffff  }
0x255: {  	v27 =	vadd.f32 v30, v27;
	v30 =	vld [tilespmem:s18+$0x0];
	s18 =	smov.u32 s19  }
0x256: {  	v35 =	vunpack.i.u.bf16.f32 v23;
	v24 =	vadd.f32 v25, v24;
	v26 =	vadd.f32 v26, v28;
	v28 =	vld.idx.msk [tilespmem:v17+s29+$0x6030 ss:$0x1], $0xffff  }
0x257: {  	v23 =	vunpack.i.l.bf16.f32 v23;
	v22 =	vadd.f32 v33, v22;
	v25 =	vld.idx.msk [tilespmem:v18+s29+$0x6070 ss:$0x1], $0xffff  }
0x258: {  	v23 =	vadd.f32 v23, v29;
	v21 =	vsub.f32 v24, v21;
	v24 =	vld.idx.msk [tilespmem:v18+s29+$0x6060 ss:$0x1], $0xffff  }
0x259: {  	v20 =	vsub.f32 v27, v20;
	v19 =	vsub.f32 v22, v19;
	v22 =	vld.idx.msk [tilespmem:v17+s29+$0x6070 ss:$0x1], $0xffff  }
0x25a: {  	v27 =	vadd.f32 v35, v31;
	v21 =	vmul.f32 v21, v21;
	v23 =	vsub.f32 v23, v34;
	v29 =	vld.idx.msk [tilespmem:v17+s29+$0x6060 ss:$0x1], $0xffff  }
0x25b: {  	v20 =	vmul.f32 v20, v20;
	v19 =	vmul.f32 v19, v19  }
0x25c: {  	v26 =	vsub.f32 v26, v32;
	s29 =	sshra.s32 s0, $0x2;
	v27 =	vsub.f32 v27, v28;
	v28 =	vunpack.i.u.bf16.f32 v30  }
0x25d: {  	v23 =	vmul.f32 v23, v23;
	v30 =	vunpack.i.l.bf16.f32 v30;
	v25 =	vadd.f32 v28, v25  }
0x25e: {  	v26 =	vmul.f32 v26, v26;
	v27 =	vmul.f32 v27, v27;
	v24 =	vadd.f32 v30, v24  }
0x25f: {  	v20 =	vadd.f32 v23, v20;
	v22 =	vsub.f32 v25, v22  }
0x260: {  	v23 =	vadd.f32 v27, v26;
	v24 =	vsub.f32 v24, v29  }
0x261: {  	v19 =	vadd.f32 v19, v20  }
0x262: {  	v22 =	vmul.f32 v22, v22;
	v20 =	vadd.f32 v21, v23;
	v21 =	vmul.f32 v24, v24  }
0x263: {  	v23 =	vadd.s32 s28, v0;
	s28 =	smov.u32 s8  }
0x264: {  	v19 =	vadd.f32 v21, v19;
	v20 =	vadd.f32 v22, v20;
	_ =	sdelay $0x1  }
0x265: {  	v19 =	vadd.f32 v19, v20;
	_ =	sdelay $0x1  }
0x266: {  	[tilespmem:v23+s15+$0x0] =	vst.idx.msk $0xffff, v19  }
0x267: {  	v19 =	vld.idx.msk [tilespmem:v17+s29+$0x6040 ss:$0x1], $0xffff  }
0x268: {  	v20 =	vld.idx.msk [tilespmem:v17+s29+$0x6000 ss:$0x1], $0xffff  }
0x269: {  	v21 =	vld.idx.msk [tilespmem:v17+s29+$0x6050 ss:$0x1], $0xffff  }
.Ltmp6:
0x26a: {  	v24 =	vld.idx.msk [tilespmem:v18+s29+$0x6050 ss:$0x1], $0xffff;
	(pc) =	sbr.rel @p0 .LBB2_15-.Ltmp6, $4  }
0x26b: {  	v22 =	vld.idx.msk [tilespmem:v18+s29+$0x6040 ss:$0x1], $0xffff  }
0x26c: {  	v23 =	vld [tilespmem:s19+$0xFFFFFFE0]  }
0x26d: {  	v26 =	vld [tilespmem:s19+$0xFFFFFFD0]  }
0x26e: {  	v25 =	vld [tilespmem:s19+$0xFFFFFFF0]  }
0x26f: {  	_ =	sdelay $0x3  }
0x270: {  	v27 =	vld.idx.msk [tilespmem:v18+s29+$0x6000 ss:$0x1], $0xffff  }
0x271: {  	v28 =	vld.idx.msk [tilespmem:v18+s29+$0x6010 ss:$0x1], $0xffff  }
0x272: {  	v29 =	vld.idx.msk [tilespmem:v18+s29+$0x6020 ss:$0x1], $0xffff  }
0x273: {  	v30 =	vld.idx.msk [tilespmem:v18+s29+$0x6030 ss:$0x1], $0xffff  }
0x274: {  	v31 =	vld.idx.msk [tilespmem:v17+s29+$0x6010 ss:$0x1], $0xffff  }
0x275: {  	v35 =	vld [tilespmem:s18+$0x0]  }
0x276: {  	v41 =	vld.idx.msk [tilespmem:v18+s29+$0x6070 ss:$0x1], $0xffff  }
0x277: {  	v18 =	vld.idx.msk [tilespmem:v18+s29+$0x6060 ss:$0x1], $0xffff;
	v40 =	vunpack.i.l.bf16.f32 v23  }
0x278: {  	v32 =	vld.idx.msk [tilespmem:v17+s29+$0x6020 ss:$0x1], $0xffff;
	v33 =	vunpack.i.l.bf16.f32 v26;
	v37 =	vunpack.i.u.bf16.f32 v26;
	v34 =	vunpack.i.l.bf16.f32 v25  }
0x279: {  	v39 =	vld.idx.msk [tilespmem:v17+s29+$0x6030 ss:$0x1], $0xffff;
	v38 =	vunpack.i.u.bf16.f32 v25;
	v27 =	vadd.f32 v33, v27;
	v26 =	vadd.f32 v37, v28  }
0x27a: {  	v42 =	vunpack.i.u.bf16.f32 v23;
	v24 =	vadd.f32 v38, v24;
	v22 =	vadd.f32 v34, v22  }
0x27b: {  	v43 =	vld.idx.msk [tilespmem:v17+s29+$0x6070 ss:$0x1], $0xffff;
	v25 =	vadd.f32 v40, v29;
	v23 =	vadd.f32 v42, v30;
	v47 =	vunpack.i.l.bf16.f32 v35  }
0x27c: {  	v17 =	vld.idx.msk [tilespmem:v17+s29+$0x6060 ss:$0x1], $0xffff;
	v18 =	vadd.f32 v47, v18;
	v20 =	vsub.f32 v27, v20  }
0x27d: {  	v19 =	vsub.f32 v22, v19;
	v44 =	vsub.f32 v25, v32  }
0x27e: {  	v46 =	vunpack.i.u.bf16.f32 v35;
	v45 =	vsub.f32 v26, v31;
	v23 =	vsub.f32 v23, v39  }
0x27f: {  	v26 =	vadd.f32 v46, v41;
	v20 =	vmul.f32 v20, v20;
	v22 =	vmul.f32 v44, v44  }
0x280: {  	v21 =	vsub.f32 v24, v21;
	v25 =	vmul.f32 v45, v45;
	v23 =	vmul.f32 v23, v23  }
0x281: {  	v17 =	vsub.f32 v18, v17;
	v19 =	vmul.f32 v19, v19;
	v48 =	vsub.f32 v26, v43  }
0x282: {  	v21 =	vmul.f32 v21, v21;
	v20 =	vadd.f32 v22, v20;
	v23 =	vadd.f32 v23, v25  }
0x283: {  	v17 =	vmul.f32 v17, v17  }
0x284: {  	v49 =	vmul.f32 v48, v48;
	v18 =	vadd.f32 v19, v20;
	v19 =	vadd.f32 v21, v23  }
0x285: {  	v50 =	vadd.s32 s28, v0  }
0x286: {  	v17 =	vadd.f32 v17, v18;
	v18 =	vadd.f32 v49, v19;
	_ =	sdelay $0x1  }
0x287: {  	v17 =	vadd.f32 v17, v18;
	_ =	sdelay $0x1  }
0x288: {  	[tilespmem:v50+s15+$0x0] =	vst.idx.msk $0xffff, v17  }
0x289: {  	v17 =	vld.idx.msk [tilespmem:v1+s15+$0x0], $0xffff  }
0x28a: {  	v18 =	vld.idx.msk [tilespmem:v2+s15+$0x0], $0xffff  }
0x28b: {  	v19 =	vld.idx.msk [tilespmem:v3+s15+$0x0], $0xffff  }
0x28c: {  	v51 =	vld.idx.msk [tilespmem:v4+s15+$0x0], $0xffff  }
0x28d: {  	v21 =	vld.idx.msk [tilespmem:v5+s15+$0x0], $0xffff  }
0x28e: {  	v52 =	vld.idx.msk [tilespmem:v6+s15+$0x0], $0xffff  }
0x28f: {  	v53 =	vld.idx.msk [tilespmem:v7+s15+$0x0], $0xffff  }
0x290: {  	v54 =	vld.idx.msk [tilespmem:v8+s15+$0x0], $0xffff  }
0x291: {  	v55 =	vld.idx.msk [tilespmem:v9+s15+$0x0], $0xffff  }
0x292: {  	v56 =	vld.idx.msk [tilespmem:v10+s15+$0x0], $0xffff  }
0x293: {  	v57 =	vld.idx.msk [tilespmem:v11+s15+$0x0], $0xffff  }
0x294: {  	v58 =	vld.idx.msk [tilespmem:v12+s15+$0x0], $0xffff  }
0x295: {  	v59 =	vld.idx.msk [tilespmem:v13+s15+$0x0], $0xffff  }
0x296: {  	v60 =	vld.idx.msk [tilespmem:v14+s15+$0x0], $0xffff  }
0x297: {  	v61 =	vld.idx.msk [tilespmem:v15+s15+$0x0], $0xffff  }
0x298: {  	v62 =	vld.idx.msk [tilespmem:v16+s15+$0x0], $0xffff;
	v17 =	vadd.f32 v21, v17;
	v18 =	vadd.f32 v52, v18  }
0x299: {  	v19 =	vadd.f32 v53, v19;
	v20 =	vadd.f32 v54, v51  }
0x29a: {  	v17 =	vadd.f32 v55, v17;
	v18 =	vadd.f32 v56, v18  }
0x29b: {  	v19 =	vadd.f32 v57, v19;
	v20 =	vadd.f32 v58, v20  }
0x29c: {  	v17 =	vadd.f32 v59, v17;
	v18 =	vadd.f32 v60, v18  }
0x29d: {  	v19 =	vadd.f32 v61, v19;
	v20 =	vadd.f32 v62, v20;
	_ =	sdelay $0x1  }
0x29e: {  	v17 =	vadd.f32 v18, v17;
	v18 =	vadd.f32 v20, v19;
	_ =	sdelay $0x1  }
0x29f: {  	v17 =	vadd.f32 v18, v17;
	_ =	sdelay $0x1  }
0x2a0: {  	v18 =	vshra.s32 v17, $0x1;
	v19 =	vmul.f32 $5.000000000e-01, v17  }
0x2a1: {  	v18 =	vsub.s32 $0x5F3759DF, v18  }
0x2a2: {  	v63 =	vmul.f32 v18, v19;
	_ =	sdelay $0x1  }
0x2a3: {  	v20 =	vmul.f32 v18, v63;
	_ =	sdelay $0x1  }
0x2a4: {  	v20 =	vsub.f32 $1.500000000e+00, v20;
	_ =	sdelay $0x1  }
0x2a5: {  	v18 =	vmul.f32 v18, v20;
	_ =	sdelay $0x1  }
0x2a6: {  	v20 =	vmul.f32 v18, v19;
	_ =	sdelay $0x1  }
0x2a7: {  	v20 =	vmul.f32 v20, v18;
	_ =	sdelay $0x1  }
0x2a8: {  	v20 =	vsub.f32 $1.500000000e+00, v20;
	_ =	sdelay $0x1  }
0x2a9: {  	v18 =	vmul.f32 v20, v18;
	_ =	sdelay $0x1  }
0x2aa: {  	v19 =	vmul.f32 v18, v19;
	_ =	sdelay $0x1  }
0x2ab: {  	v19 =	vmul.f32 v19, v18;
	_ =	sdelay $0x1  }
0x2ac: {  	v19 =	vsub.f32 $1.500000000e+00, v19;
	_ =	sdelay $0x1  }
0x2ad: {  	v18 =	vmul.f32 v19, v18  }
0x2ae: {  	s0 =	sshll.u32 s25, $0x4;
	s25 =	sadd.s32 $0x1, s25  }
0x2af: {  	p0 =	sne.s32 s25, $0x4;
	v18 =	vmul.f32 v18, v17  }
.Ltmp7:
0x2b0: {  	_ = 	snop;
	(pc) =	sbr.rel @p0 .LBB2_14-.Ltmp7, $4  }
0x2b1: {  	v18 =	vsub.f32 $0.0e+00, v18  }
0x2b2: {  	vm0 =	vgt.f32 v17, $0.0e+00  }
0x2b3: {  	s0 =	sand.u32 $0x3FFFFFF0, s0;
	v17 =	vnsel vm0, $0x0, v18  }
0x2b4: {  	s17 =	sadd.s32 $0x800, s17;
	s26 =	sadd.s32 $0x800, s26;
	s13 =	sadd.s32 $0x400, s13;
	[tilespmem:s0+$0x1E6C0] =	vst v17  }
0x2b5: {  	s0 =	sld [smem:$0x7F8];
	_ =	sdelay $0x1  }
0x2b6: {  	s25 =	simm.s32 $0x0;
	s2 =	simm.s32 $0x1E6C0  }
0x2b7: {  	[hbm4b:s0+s25] =	stream.linear.scatter [tilespmem:s2], [sflag:$0x7], $0x40, $0x38;
	[tilespmem:$0x1E910] =	vst v63  }
0x2b8: {  	_ =	swait.ge [sflag:s23], $0x2000  }
0x2b9: {  	[sflag:s23] =	ssyncset.done $0x0  }
0x2ba: {  	[sflag:s23] =	ssyncadd.s32 $0xFFFFE000  }
0x2bb: {  	_ =	swait.ge [sflag:s23], $0x1000  }
0x2bc: {  	[sflag:s23] =	ssyncset.done $0x0  }
0x2bd: {  	[sflag:s23] =	ssyncadd.s32 $0xFFFFF000  }
0x2be: {  	_ =	swait.ge [sflag:s23], $0x2000  }
0x2bf: {  	s17 =	simm.s32 $0x600;
	[sflag:s23] =	ssyncset.done $0x0  }
0x2c0: {  	s26 =	simm.s32 $0x12600;
	s13 =	simm.s32 $0x10600;
	[sflag:s23] =	ssyncadd.s32 $0xFFFFE000  }
.LBB2_18:
0x2c1: {  	v17 =	vmov s26;
	_ =	sdelay $0x1  }
0x2c2: {  	v23 =	vld [tilespmem:s13+$0x10]  }
0x2c3: {  	v18 =	vmov s17;
	v26 =	vld [tilespmem:s13+$0x0]  }
0x2c4: {  	s29 =	simm.s32 $0x0;
	v25 =	vld [tilespmem:s13+$0x20]  }
0x2c5: {  	v19 =	vld.idx.msk [tilespmem:v17+s29+$0x8040 ss:$0x1], $0xffff  }
0x2c6: {  	v20 =	vld.idx.msk [tilespmem:v17+s29+$0x8000 ss:$0x1], $0xffff  }
0x2c7: {  	v21 =	vld.idx.msk [tilespmem:v17+s29+$0x8050 ss:$0x1], $0xffff  }
0x2c8: {  	s30 =	simm.s32 $0x200;
	s8 =	simm.s32 $0x0;
	v24 =	vld.idx.msk [tilespmem:v18+s29+$0x8050 ss:$0x1], $0xffff  }
0x2c9: {  	s19 =	smov.u32 s13;
	s18 =	smov.u32 s13;
	s28 =	simm.s32 $0x0;
	v22 =	vld.idx.msk [tilespmem:v18+s29+$0x8040 ss:$0x1], $0xffff  }
.LBB2_19:
0x2ca: {  	p0 =	sne.s32 s30, $0x1E00;
	v27 =	vld.idx.msk [tilespmem:v18+s29+$0x8000 ss:$0x1], $0xffff;
	s8 =	sadd.s32 $0x11, s8;
	s19 =	sadd.s32 $0x40, s19  }
0x2cb: {  	s0 =	smov.u32 s30;
	s30 =	sadd.s32 $0x200, s30;
	v28 =	vld.idx.msk [tilespmem:v18+s29+$0x8010 ss:$0x1], $0xffff  }
0x2cc: {  	v29 =	vld.idx.msk [tilespmem:v18+s29+$0x8020 ss:$0x1], $0xffff  }
0x2cd: {  	v30 =	vunpack.i.l.bf16.f32 v26;
	v31 =	vld.idx.msk [tilespmem:v18+s29+$0x8030 ss:$0x1], $0xffff  }
0x2ce: {  	v26 =	vunpack.i.u.bf16.f32 v26;
	v32 =	vld.idx.msk [tilespmem:v17+s29+$0x8010 ss:$0x1], $0xffff;
	v33 =	vunpack.i.l.bf16.f32 v25  }
0x2cf: {  	v25 =	vunpack.i.u.bf16.f32 v25;
	v34 =	vld.idx.msk [tilespmem:v17+s29+$0x8020 ss:$0x1], $0xffff  }
0x2d0: {  	v27 =	vadd.f32 v30, v27;
	v30 =	vld [tilespmem:s18+$0x30];
	s18 =	smov.u32 s19  }
0x2d1: {  	v35 =	vunpack.i.u.bf16.f32 v23;
	v24 =	vadd.f32 v25, v24;
	v26 =	vadd.f32 v26, v28;
	v28 =	vld.idx.msk [tilespmem:v17+s29+$0x8030 ss:$0x1], $0xffff  }
0x2d2: {  	v23 =	vunpack.i.l.bf16.f32 v23;
	v22 =	vadd.f32 v33, v22;
	v25 =	vld.idx.msk [tilespmem:v18+s29+$0x8070 ss:$0x1], $0xffff  }
0x2d3: {  	v23 =	vadd.f32 v23, v29;
	v21 =	vsub.f32 v24, v21;
	v24 =	vld.idx.msk [tilespmem:v18+s29+$0x8060 ss:$0x1], $0xffff  }
0x2d4: {  	v20 =	vsub.f32 v27, v20;
	v19 =	vsub.f32 v22, v19;
	v22 =	vld.idx.msk [tilespmem:v17+s29+$0x8070 ss:$0x1], $0xffff  }
0x2d5: {  	v27 =	vadd.f32 v35, v31;
	v21 =	vmul.f32 v21, v21;
	v23 =	vsub.f32 v23, v34;
	v29 =	vld.idx.msk [tilespmem:v17+s29+$0x8060 ss:$0x1], $0xffff  }
0x2d6: {  	v20 =	vmul.f32 v20, v20;
	v19 =	vmul.f32 v19, v19  }
0x2d7: {  	v26 =	vsub.f32 v26, v32;
	s29 =	sshra.s32 s0, $0x2;
	v27 =	vsub.f32 v27, v28;
	v28 =	vunpack.i.u.bf16.f32 v30  }
0x2d8: {  	v23 =	vmul.f32 v23, v23;
	v30 =	vunpack.i.l.bf16.f32 v30;
	v25 =	vadd.f32 v28, v25  }
0x2d9: {  	v26 =	vmul.f32 v26, v26;
	v27 =	vmul.f32 v27, v27;
	v24 =	vadd.f32 v30, v24  }
0x2da: {  	v20 =	vadd.f32 v23, v20;
	v22 =	vsub.f32 v25, v22  }
0x2db: {  	v23 =	vadd.f32 v27, v26;
	v24 =	vsub.f32 v24, v29  }
0x2dc: {  	v19 =	vadd.f32 v19, v20  }
0x2dd: {  	v22 =	vmul.f32 v22, v22;
	v20 =	vadd.f32 v21, v23;
	v21 =	vmul.f32 v24, v24  }
0x2de: {  	v23 =	vadd.s32 s28, v0;
	s28 =	smov.u32 s8  }
0x2df: {  	v19 =	vadd.f32 v21, v19;
	v20 =	vadd.f32 v22, v20;
	_ =	sdelay $0x1  }
0x2e0: {  	v19 =	vadd.f32 v19, v20;
	_ =	sdelay $0x1  }
0x2e1: {  	[tilespmem:v23+s15+$0x0] =	vst.idx.msk $0xffff, v19  }
0x2e2: {  	v19 =	vld.idx.msk [tilespmem:v17+s29+$0x8040 ss:$0x1], $0xffff  }
0x2e3: {  	v20 =	vld.idx.msk [tilespmem:v17+s29+$0x8000 ss:$0x1], $0xffff  }
0x2e4: {  	v21 =	vld.idx.msk [tilespmem:v17+s29+$0x8050 ss:$0x1], $0xffff  }
.Ltmp8:
0x2e5: {  	v24 =	vld.idx.msk [tilespmem:v18+s29+$0x8050 ss:$0x1], $0xffff;
	(pc) =	sbr.rel @p0 .LBB2_19-.Ltmp8, $4  }
0x2e6: {  	v22 =	vld.idx.msk [tilespmem:v18+s29+$0x8040 ss:$0x1], $0xffff  }
0x2e7: {  	v23 =	vld [tilespmem:s19+$0x10]  }
0x2e8: {  	v26 =	vld [tilespmem:s19+$0x0]  }
0x2e9: {  	v25 =	vld [tilespmem:s19+$0x20]  }
0x2ea: {  	_ =	sdelay $0x3  }
0x2eb: {  	v27 =	vld.idx.msk [tilespmem:v18+s29+$0x8000 ss:$0x1], $0xffff  }
0x2ec: {  	v28 =	vld.idx.msk [tilespmem:v18+s29+$0x8010 ss:$0x1], $0xffff  }
0x2ed: {  	v29 =	vld.idx.msk [tilespmem:v18+s29+$0x8020 ss:$0x1], $0xffff  }
0x2ee: {  	v30 =	vld.idx.msk [tilespmem:v18+s29+$0x8030 ss:$0x1], $0xffff  }
0x2ef: {  	v31 =	vld.idx.msk [tilespmem:v17+s29+$0x8010 ss:$0x1], $0xffff  }
0x2f0: {  	v35 =	vld [tilespmem:s18+$0x30]  }
0x2f1: {  	v41 =	vld.idx.msk [tilespmem:v18+s29+$0x8070 ss:$0x1], $0xffff  }
0x2f2: {  	v18 =	vld.idx.msk [tilespmem:v18+s29+$0x8060 ss:$0x1], $0xffff;
	v40 =	vunpack.i.l.bf16.f32 v23  }
0x2f3: {  	v32 =	vld.idx.msk [tilespmem:v17+s29+$0x8020 ss:$0x1], $0xffff;
	v33 =	vunpack.i.l.bf16.f32 v26;
	v37 =	vunpack.i.u.bf16.f32 v26;
	v34 =	vunpack.i.l.bf16.f32 v25  }
0x2f4: {  	v39 =	vld.idx.msk [tilespmem:v17+s29+$0x8030 ss:$0x1], $0xffff;
	v38 =	vunpack.i.u.bf16.f32 v25;
	v27 =	vadd.f32 v33, v27;
	v26 =	vadd.f32 v37, v28  }
0x2f5: {  	v42 =	vunpack.i.u.bf16.f32 v23;
	v24 =	vadd.f32 v38, v24;
	v22 =	vadd.f32 v34, v22  }
0x2f6: {  	v43 =	vld.idx.msk [tilespmem:v17+s29+$0x8070 ss:$0x1], $0xffff;
	v25 =	vadd.f32 v40, v29;
	v23 =	vadd.f32 v42, v30;
	v47 =	vunpack.i.l.bf16.f32 v35  }
0x2f7: {  	v17 =	vld.idx.msk [tilespmem:v17+s29+$0x8060 ss:$0x1], $0xffff;
	v18 =	vadd.f32 v47, v18;
	v20 =	vsub.f32 v27, v20  }
0x2f8: {  	v19 =	vsub.f32 v22, v19;
	v44 =	vsub.f32 v25, v32  }
0x2f9: {  	v46 =	vunpack.i.u.bf16.f32 v35;
	v45 =	vsub.f32 v26, v31;
	v23 =	vsub.f32 v23, v39  }
0x2fa: {  	v26 =	vadd.f32 v46, v41;
	v20 =	vmul.f32 v20, v20;
	v22 =	vmul.f32 v44, v44  }
0x2fb: {  	v21 =	vsub.f32 v24, v21;
	v25 =	vmul.f32 v45, v45;
	v23 =	vmul.f32 v23, v23  }
0x2fc: {  	v17 =	vsub.f32 v18, v17;
	v19 =	vmul.f32 v19, v19;
	v48 =	vsub.f32 v26, v43  }
0x2fd: {  	v21 =	vmul.f32 v21, v21;
	v20 =	vadd.f32 v22, v20;
	v23 =	vadd.f32 v23, v25  }
0x2fe: {  	v17 =	vmul.f32 v17, v17  }
0x2ff: {  	v49 =	vmul.f32 v48, v48;
	v18 =	vadd.f32 v19, v20;
	v19 =	vadd.f32 v21, v23  }
0x300: {  	v50 =	vadd.s32 s28, v0  }
0x301: {  	v17 =	vadd.f32 v17, v18;
	v18 =	vadd.f32 v49, v19;
	_ =	sdelay $0x1  }
0x302: {  	v17 =	vadd.f32 v17, v18;
	_ =	sdelay $0x1  }
0x303: {  	[tilespmem:v50+s15+$0x0] =	vst.idx.msk $0xffff, v17  }
0x304: {  	v17 =	vld.idx.msk [tilespmem:v1+s15+$0x0], $0xffff  }
0x305: {  	v18 =	vld.idx.msk [tilespmem:v2+s15+$0x0], $0xffff  }
0x306: {  	v19 =	vld.idx.msk [tilespmem:v3+s15+$0x0], $0xffff  }
0x307: {  	v51 =	vld.idx.msk [tilespmem:v4+s15+$0x0], $0xffff  }
0x308: {  	v21 =	vld.idx.msk [tilespmem:v5+s15+$0x0], $0xffff  }
0x309: {  	v52 =	vld.idx.msk [tilespmem:v6+s15+$0x0], $0xffff  }
0x30a: {  	v53 =	vld.idx.msk [tilespmem:v7+s15+$0x0], $0xffff  }
0x30b: {  	v54 =	vld.idx.msk [tilespmem:v8+s15+$0x0], $0xffff  }
0x30c: {  	v55 =	vld.idx.msk [tilespmem:v9+s15+$0x0], $0xffff  }
0x30d: {  	v56 =	vld.idx.msk [tilespmem:v10+s15+$0x0], $0xffff  }
0x30e: {  	v57 =	vld.idx.msk [tilespmem:v11+s15+$0x0], $0xffff  }
0x30f: {  	v58 =	vld.idx.msk [tilespmem:v12+s15+$0x0], $0xffff  }
0x310: {  	v59 =	vld.idx.msk [tilespmem:v13+s15+$0x0], $0xffff  }
0x311: {  	v60 =	vld.idx.msk [tilespmem:v14+s15+$0x0], $0xffff  }
0x312: {  	v61 =	vld.idx.msk [tilespmem:v15+s15+$0x0], $0xffff  }
0x313: {  	v62 =	vld.idx.msk [tilespmem:v16+s15+$0x0], $0xffff;
	v17 =	vadd.f32 v21, v17;
	v18 =	vadd.f32 v52, v18  }
0x314: {  	v19 =	vadd.f32 v53, v19;
	v20 =	vadd.f32 v54, v51  }
0x315: {  	v17 =	vadd.f32 v55, v17;
	v18 =	vadd.f32 v56, v18  }
0x316: {  	v19 =	vadd.f32 v57, v19;
	v20 =	vadd.f32 v58, v20  }
0x317: {  	v17 =	vadd.f32 v59, v17;
	v18 =	vadd.f32 v60, v18  }
0x318: {  	v19 =	vadd.f32 v61, v19;
	v20 =	vadd.f32 v62, v20;
	_ =	sdelay $0x1  }
0x319: {  	v17 =	vadd.f32 v18, v17;
	v18 =	vadd.f32 v20, v19;
	_ =	sdelay $0x1  }
0x31a: {  	v17 =	vadd.f32 v18, v17;
	_ =	sdelay $0x1  }
0x31b: {  	v18 =	vshra.s32 v17, $0x1;
	v19 =	vmul.f32 $5.000000000e-01, v17  }
0x31c: {  	v18 =	vsub.s32 $0x5F3759DF, v18  }
0x31d: {  	v63 =	vmul.f32 v18, v19;
	_ =	sdelay $0x1  }
0x31e: {  	v20 =	vmul.f32 v18, v63;
	_ =	sdelay $0x1  }
0x31f: {  	v20 =	vsub.f32 $1.500000000e+00, v20;
	_ =	sdelay $0x1  }
0x320: {  	v18 =	vmul.f32 v18, v20;
	_ =	sdelay $0x1  }
0x321: {  	v20 =	vmul.f32 v18, v19;
	_ =	sdelay $0x1  }
0x322: {  	v20 =	vmul.f32 v20, v18;
	_ =	sdelay $0x1  }
0x323: {  	v20 =	vsub.f32 $1.500000000e+00, v20;
	_ =	sdelay $0x1  }
0x324: {  	v18 =	vmul.f32 v20, v18;
	_ =	sdelay $0x1  }
0x325: {  	v19 =	vmul.f32 v18, v19;
	_ =	sdelay $0x1  }
0x326: {  	v19 =	vmul.f32 v19, v18;
	_ =	sdelay $0x1  }
0x327: {  	v19 =	vsub.f32 $1.500000000e+00, v19;
	_ =	sdelay $0x1  }
0x328: {  	v18 =	vmul.f32 v19, v18  }
0x329: {  	s0 =	sshll.u32 s25, $0x4;
	s25 =	sadd.s32 $0x1, s25  }
0x32a: {  	p0 =	sne.s32 s25, $0x4;
	v18 =	vmul.f32 v18, v17  }
.Ltmp9:
0x32b: {  	_ = 	snop;
	(pc) =	sbr.rel @p0 .LBB2_18-.Ltmp9, $4  }
0x32c: {  	v18 =	vsub.f32 $0.0e+00, v18  }
0x32d: {  	vm0 =	vgt.f32 v17, $0.0e+00  }
0x32e: {  	s0 =	sand.u32 $0x3FFFFFF0, s0;
	v17 =	vnsel vm0, $0x0, v18  }
0x32f: {  	s17 =	sadd.s32 $0x800, s17;
	s26 =	sadd.s32 $0x800, s26;
	s13 =	sadd.s32 $0x400, s13;
	[tilespmem:s0+$0x1E700] =	vst v17  }
0x330: {  	s0 =	sld [smem:$0x7F9];
	_ =	sdelay $0x1  }
0x331: {  	s25 =	simm.s32 $0x0;
	s2 =	simm.s32 $0x1E700  }
0x332: {  	[hbm4b:s0+s25] =	stream.linear.scatter [tilespmem:s2], [sflag:$0x7], $0x40, $0x38;
	[tilespmem:$0x1E910] =	vst v63  }
0x333: {  	_ =	swait.ge [sflag:s16], $0x2000  }
0x334: {  	[sflag:s16] =	ssyncset.done $0x0  }
0x335: {  	[sflag:s16] =	ssyncadd.s32 $0xFFFFE000  }
0x336: {  	_ =	swait.ge [sflag:s16], $0x1000  }
0x337: {  	[sflag:s16] =	ssyncset.done $0x0  }
0x338: {  	[sflag:s16] =	ssyncadd.s32 $0xFFFFF000  }
0x339: {  	_ =	swait.ge [sflag:s16], $0x2000  }
0x33a: {  	s17 =	simm.s32 $0x600;
	[sflag:s16] =	ssyncset.done $0x0  }
0x33b: {  	s26 =	simm.s32 $0x12600;
	s13 =	simm.s32 $0x11600;
	[sflag:s16] =	ssyncadd.s32 $0xFFFFE000  }
.LBB2_22:
0x33c: {  	v17 =	vmov s26;
	_ =	sdelay $0x1  }
0x33d: {  	v23 =	vld [tilespmem:s13+$0x10]  }
0x33e: {  	v18 =	vmov s17;
	v26 =	vld [tilespmem:s13+$0x0]  }
0x33f: {  	s29 =	simm.s32 $0x0;
	v25 =	vld [tilespmem:s13+$0x20]  }
0x340: {  	v19 =	vld.idx.msk [tilespmem:v17+s29+$0xA040 ss:$0x1], $0xffff  }
0x341: {  	v20 =	vld.idx.msk [tilespmem:v17+s29+$0xA000 ss:$0x1], $0xffff  }
0x342: {  	v21 =	vld.idx.msk [tilespmem:v17+s29+$0xA050 ss:$0x1], $0xffff  }
0x343: {  	s30 =	simm.s32 $0x200;
	s8 =	simm.s32 $0x0;
	v24 =	vld.idx.msk [tilespmem:v18+s29+$0xA050 ss:$0x1], $0xffff  }
0x344: {  	s19 =	smov.u32 s13;
	s18 =	smov.u32 s13;
	s28 =	simm.s32 $0x0;
	v22 =	vld.idx.msk [tilespmem:v18+s29+$0xA040 ss:$0x1], $0xffff  }
.LBB2_23:
0x345: {  	p0 =	sne.s32 s30, $0x1E00;
	v27 =	vld.idx.msk [tilespmem:v18+s29+$0xA000 ss:$0x1], $0xffff;
	s8 =	sadd.s32 $0x11, s8;
	s19 =	sadd.s32 $0x40, s19  }
0x346: {  	s0 =	smov.u32 s30;
	s30 =	sadd.s32 $0x200, s30;
	v28 =	vld.idx.msk [tilespmem:v18+s29+$0xA010 ss:$0x1], $0xffff  }
0x347: {  	v29 =	vld.idx.msk [tilespmem:v18+s29+$0xA020 ss:$0x1], $0xffff  }
0x348: {  	v30 =	vunpack.i.l.bf16.f32 v26;
	v31 =	vld.idx.msk [tilespmem:v18+s29+$0xA030 ss:$0x1], $0xffff  }
0x349: {  	v26 =	vunpack.i.u.bf16.f32 v26;
	v32 =	vld.idx.msk [tilespmem:v17+s29+$0xA010 ss:$0x1], $0xffff;
	v33 =	vunpack.i.l.bf16.f32 v25  }
0x34a: {  	v25 =	vunpack.i.u.bf16.f32 v25;
	v34 =	vld.idx.msk [tilespmem:v17+s29+$0xA020 ss:$0x1], $0xffff  }
0x34b: {  	v27 =	vadd.f32 v30, v27;
	v30 =	vld [tilespmem:s18+$0x30];
	s18 =	smov.u32 s19  }
0x34c: {  	v35 =	vunpack.i.u.bf16.f32 v23;
	v24 =	vadd.f32 v25, v24;
	v26 =	vadd.f32 v26, v28;
	v28 =	vld.idx.msk [tilespmem:v17+s29+$0xA030 ss:$0x1], $0xffff  }
0x34d: {  	v23 =	vunpack.i.l.bf16.f32 v23;
	v22 =	vadd.f32 v33, v22;
	v25 =	vld.idx.msk [tilespmem:v18+s29+$0xA070 ss:$0x1], $0xffff  }
0x34e: {  	v23 =	vadd.f32 v23, v29;
	v21 =	vsub.f32 v24, v21;
	v24 =	vld.idx.msk [tilespmem:v18+s29+$0xA060 ss:$0x1], $0xffff  }
0x34f: {  	v20 =	vsub.f32 v27, v20;
	v19 =	vsub.f32 v22, v19;
	v22 =	vld.idx.msk [tilespmem:v17+s29+$0xA070 ss:$0x1], $0xffff  }
0x350: {  	v27 =	vadd.f32 v35, v31;
	v21 =	vmul.f32 v21, v21;
	v23 =	vsub.f32 v23, v34;
	v29 =	vld.idx.msk [tilespmem:v17+s29+$0xA060 ss:$0x1], $0xffff  }
0x351: {  	v20 =	vmul.f32 v20, v20;
	v19 =	vmul.f32 v19, v19  }
0x352: {  	v26 =	vsub.f32 v26, v32;
	s29 =	sshra.s32 s0, $0x2;
	v27 =	vsub.f32 v27, v28;
	v28 =	vunpack.i.u.bf16.f32 v30  }
0x353: {  	v23 =	vmul.f32 v23, v23;
	v30 =	vunpack.i.l.bf16.f32 v30;
	v25 =	vadd.f32 v28, v25  }
0x354: {  	v26 =	vmul.f32 v26, v26;
	v27 =	vmul.f32 v27, v27;
	v24 =	vadd.f32 v30, v24  }
0x355: {  	v20 =	vadd.f32 v23, v20;
	v22 =	vsub.f32 v25, v22  }
0x356: {  	v23 =	vadd.f32 v27, v26;
	v24 =	vsub.f32 v24, v29  }
0x357: {  	v19 =	vadd.f32 v19, v20  }
0x358: {  	v22 =	vmul.f32 v22, v22;
	v20 =	vadd.f32 v21, v23;
	v21 =	vmul.f32 v24, v24  }
0x359: {  	v23 =	vadd.s32 s28, v0;
	s28 =	smov.u32 s8  }
0x35a: {  	v19 =	vadd.f32 v21, v19;
	v20 =	vadd.f32 v22, v20;
	_ =	sdelay $0x1  }
0x35b: {  	v19 =	vadd.f32 v19, v20;
	_ =	sdelay $0x1  }
0x35c: {  	[tilespmem:v23+s15+$0x0] =	vst.idx.msk $0xffff, v19  }
0x35d: {  	v19 =	vld.idx.msk [tilespmem:v17+s29+$0xA040 ss:$0x1], $0xffff  }
0x35e: {  	v20 =	vld.idx.msk [tilespmem:v17+s29+$0xA000 ss:$0x1], $0xffff  }
0x35f: {  	v21 =	vld.idx.msk [tilespmem:v17+s29+$0xA050 ss:$0x1], $0xffff  }
.Ltmp10:
0x360: {  	v24 =	vld.idx.msk [tilespmem:v18+s29+$0xA050 ss:$0x1], $0xffff;
	(pc) =	sbr.rel @p0 .LBB2_23-.Ltmp10, $4  }
0x361: {  	v22 =	vld.idx.msk [tilespmem:v18+s29+$0xA040 ss:$0x1], $0xffff  }
0x362: {  	v23 =	vld [tilespmem:s19+$0x10]  }
0x363: {  	v26 =	vld [tilespmem:s19+$0x0]  }
0x364: {  	v25 =	vld [tilespmem:s19+$0x20]  }
0x365: {  	_ =	sdelay $0x3  }
0x366: {  	v27 =	vld.idx.msk [tilespmem:v18+s29+$0xA000 ss:$0x1], $0xffff  }
0x367: {  	v28 =	vld.idx.msk [tilespmem:v18+s29+$0xA010 ss:$0x1], $0xffff  }
0x368: {  	v29 =	vld.idx.msk [tilespmem:v18+s29+$0xA020 ss:$0x1], $0xffff  }
0x369: {  	v30 =	vld.idx.msk [tilespmem:v18+s29+$0xA030 ss:$0x1], $0xffff  }
0x36a: {  	v31 =	vld.idx.msk [tilespmem:v17+s29+$0xA010 ss:$0x1], $0xffff  }
0x36b: {  	v35 =	vld [tilespmem:s18+$0x30]  }
0x36c: {  	v41 =	vld.idx.msk [tilespmem:v18+s29+$0xA070 ss:$0x1], $0xffff  }
0x36d: {  	v18 =	vld.idx.msk [tilespmem:v18+s29+$0xA060 ss:$0x1], $0xffff;
	v40 =	vunpack.i.l.bf16.f32 v23  }
0x36e: {  	v32 =	vld.idx.msk [tilespmem:v17+s29+$0xA020 ss:$0x1], $0xffff;
	v33 =	vunpack.i.l.bf16.f32 v26;
	v37 =	vunpack.i.u.bf16.f32 v26;
	v34 =	vunpack.i.l.bf16.f32 v25  }
0x36f: {  	v39 =	vld.idx.msk [tilespmem:v17+s29+$0xA030 ss:$0x1], $0xffff;
	v38 =	vunpack.i.u.bf16.f32 v25;
	v27 =	vadd.f32 v33, v27;
	v26 =	vadd.f32 v37, v28  }
0x370: {  	v42 =	vunpack.i.u.bf16.f32 v23;
	v24 =	vadd.f32 v38, v24;
	v22 =	vadd.f32 v34, v22  }
0x371: {  	v43 =	vld.idx.msk [tilespmem:v17+s29+$0xA070 ss:$0x1], $0xffff;
	v25 =	vadd.f32 v40, v29;
	v23 =	vadd.f32 v42, v30;
	v47 =	vunpack.i.l.bf16.f32 v35  }
0x372: {  	v17 =	vld.idx.msk [tilespmem:v17+s29+$0xA060 ss:$0x1], $0xffff;
	v18 =	vadd.f32 v47, v18;
	v20 =	vsub.f32 v27, v20  }
0x373: {  	v19 =	vsub.f32 v22, v19;
	v44 =	vsub.f32 v25, v32  }
0x374: {  	v46 =	vunpack.i.u.bf16.f32 v35;
	v45 =	vsub.f32 v26, v31;
	v23 =	vsub.f32 v23, v39  }
0x375: {  	v26 =	vadd.f32 v46, v41;
	v20 =	vmul.f32 v20, v20;
	v22 =	vmul.f32 v44, v44  }
0x376: {  	v21 =	vsub.f32 v24, v21;
	v25 =	vmul.f32 v45, v45;
	v23 =	vmul.f32 v23, v23  }
0x377: {  	v17 =	vsub.f32 v18, v17;
	v19 =	vmul.f32 v19, v19;
	v48 =	vsub.f32 v26, v43  }
0x378: {  	v21 =	vmul.f32 v21, v21;
	v20 =	vadd.f32 v22, v20;
	v23 =	vadd.f32 v23, v25  }
0x379: {  	v17 =	vmul.f32 v17, v17  }
0x37a: {  	v49 =	vmul.f32 v48, v48;
	v18 =	vadd.f32 v19, v20;
	v19 =	vadd.f32 v21, v23  }
0x37b: {  	v50 =	vadd.s32 s28, v0  }
0x37c: {  	v17 =	vadd.f32 v17, v18;
	v18 =	vadd.f32 v49, v19;
	_ =	sdelay $0x1  }
0x37d: {  	v17 =	vadd.f32 v17, v18;
	_ =	sdelay $0x1  }
0x37e: {  	[tilespmem:v50+s15+$0x0] =	vst.idx.msk $0xffff, v17  }
0x37f: {  	v17 =	vld.idx.msk [tilespmem:v1+s15+$0x0], $0xffff  }
0x380: {  	v18 =	vld.idx.msk [tilespmem:v2+s15+$0x0], $0xffff  }
0x381: {  	v19 =	vld.idx.msk [tilespmem:v3+s15+$0x0], $0xffff  }
0x382: {  	v51 =	vld.idx.msk [tilespmem:v4+s15+$0x0], $0xffff  }
0x383: {  	v21 =	vld.idx.msk [tilespmem:v5+s15+$0x0], $0xffff  }
0x384: {  	v52 =	vld.idx.msk [tilespmem:v6+s15+$0x0], $0xffff  }
0x385: {  	v53 =	vld.idx.msk [tilespmem:v7+s15+$0x0], $0xffff  }
0x386: {  	v54 =	vld.idx.msk [tilespmem:v8+s15+$0x0], $0xffff  }
0x387: {  	v55 =	vld.idx.msk [tilespmem:v9+s15+$0x0], $0xffff  }
0x388: {  	v56 =	vld.idx.msk [tilespmem:v10+s15+$0x0], $0xffff  }
0x389: {  	v57 =	vld.idx.msk [tilespmem:v11+s15+$0x0], $0xffff  }
0x38a: {  	v58 =	vld.idx.msk [tilespmem:v12+s15+$0x0], $0xffff  }
0x38b: {  	v59 =	vld.idx.msk [tilespmem:v13+s15+$0x0], $0xffff  }
0x38c: {  	v60 =	vld.idx.msk [tilespmem:v14+s15+$0x0], $0xffff  }
0x38d: {  	v61 =	vld.idx.msk [tilespmem:v15+s15+$0x0], $0xffff  }
0x38e: {  	v62 =	vld.idx.msk [tilespmem:v16+s15+$0x0], $0xffff;
	v17 =	vadd.f32 v21, v17;
	v18 =	vadd.f32 v52, v18  }
0x38f: {  	v19 =	vadd.f32 v53, v19;
	v20 =	vadd.f32 v54, v51  }
0x390: {  	v17 =	vadd.f32 v55, v17;
	v18 =	vadd.f32 v56, v18  }
0x391: {  	v19 =	vadd.f32 v57, v19;
	v20 =	vadd.f32 v58, v20  }
0x392: {  	v17 =	vadd.f32 v59, v17;
	v18 =	vadd.f32 v60, v18  }
0x393: {  	v19 =	vadd.f32 v61, v19;
	v20 =	vadd.f32 v62, v20;
	_ =	sdelay $0x1  }
0x394: {  	v17 =	vadd.f32 v18, v17;
	v18 =	vadd.f32 v20, v19;
	_ =	sdelay $0x1  }
0x395: {  	v17 =	vadd.f32 v18, v17;
	_ =	sdelay $0x1  }
0x396: {  	v18 =	vshra.s32 v17, $0x1;
	v19 =	vmul.f32 $5.000000000e-01, v17  }
0x397: {  	v18 =	vsub.s32 $0x5F3759DF, v18  }
0x398: {  	v63 =	vmul.f32 v18, v19;
	_ =	sdelay $0x1  }
0x399: {  	v20 =	vmul.f32 v18, v63;
	_ =	sdelay $0x1  }
0x39a: {  	v20 =	vsub.f32 $1.500000000e+00, v20;
	_ =	sdelay $0x1  }
0x39b: {  	v18 =	vmul.f32 v18, v20;
	_ =	sdelay $0x1  }
0x39c: {  	v20 =	vmul.f32 v18, v19;
	_ =	sdelay $0x1  }
0x39d: {  	v20 =	vmul.f32 v20, v18;
	_ =	sdelay $0x1  }
0x39e: {  	v20 =	vsub.f32 $1.500000000e+00, v20;
	_ =	sdelay $0x1  }
0x39f: {  	v18 =	vmul.f32 v20, v18;
	_ =	sdelay $0x1  }
0x3a0: {  	v19 =	vmul.f32 v18, v19;
	_ =	sdelay $0x1  }
0x3a1: {  	v19 =	vmul.f32 v19, v18;
	_ =	sdelay $0x1  }
0x3a2: {  	v19 =	vsub.f32 $1.500000000e+00, v19;
	_ =	sdelay $0x1  }
0x3a3: {  	v18 =	vmul.f32 v19, v18  }
0x3a4: {  	s0 =	sshll.u32 s25, $0x4;
	s25 =	sadd.s32 $0x1, s25  }
0x3a5: {  	p0 =	sne.s32 s25, $0x4;
	v18 =	vmul.f32 v18, v17  }
.Ltmp11:
0x3a6: {  	_ = 	snop;
	(pc) =	sbr.rel @p0 .LBB2_22-.Ltmp11, $4  }
0x3a7: {  	v18 =	vsub.f32 $0.0e+00, v18  }
0x3a8: {  	vm0 =	vgt.f32 v17, $0.0e+00  }
0x3a9: {  	s0 =	sand.u32 $0x3FFFFFF0, s0;
	v17 =	vnsel vm0, $0x0, v18  }
0x3aa: {  	s17 =	sadd.s32 $0x800, s17;
	s26 =	sadd.s32 $0x800, s26;
	s13 =	sadd.s32 $0x400, s13;
	[tilespmem:s0+$0x1E740] =	vst v17  }
0x3ab: {  	s0 =	sld [smem:$0x7FA];
	_ =	sdelay $0x1  }
0x3ac: {  	s25 =	simm.s32 $0x0;
	s2 =	simm.s32 $0x1E740  }
0x3ad: {  	[hbm4b:s0+s25] =	stream.linear.scatter [tilespmem:s2], [sflag:$0x7], $0x40, $0x38;
	[tilespmem:$0x1E910] =	vst v63  }
0x3ae: {  	_ =	swait.ge [sflag:s9], $0x2000  }
0x3af: {  	[sflag:s9] =	ssyncset.done $0x0  }
0x3b0: {  	[sflag:s9] =	ssyncadd.s32 $0xFFFFE000  }
0x3b1: {  	_ =	swait.ge [sflag:s9], $0x1000  }
0x3b2: {  	[sflag:s9] =	ssyncset.done $0x0  }
0x3b3: {  	[sflag:s9] =	ssyncadd.s32 $0xFFFFF000  }
0x3b4: {  	_ =	swait.ge [sflag:s9], $0x2000  }
0x3b5: {  	s13 =	simm.s32 $0xC620;
	s17 =	simm.s32 $0x12640;
	[sflag:s9] =	ssyncset.done $0x0  }
0x3b6: {  	s26 =	simm.s32 $0x640;
	s28 =	simm.s32 $0x0;
	[sflag:s9] =	ssyncadd.s32 $0xFFFFE000  }
.LBB2_26:
0x3b7: {  	v17 =	vld [tilespmem:s13+$0xFFFFFFE0]  }
0x3b8: {  	v18 =	vld [tilespmem:s13+$0xFFFFFFF0]  }
0x3b9: {  	v19 =	vld [tilespmem:s26+$0xFFFFFFE0]  }
0x3ba: {  	v20 =	vld [tilespmem:s26+$0xFFFFFFF0]  }
0x3bb: {  	v21 =	vld [tilespmem:s26+$0xFFFFFFC0]  }
0x3bc: {  	v22 =	vld [tilespmem:s13+$0x0]  }
0x3bd: {  	v23 =	vld [tilespmem:s26+$0x0]  }
0x3be: {  	v24 =	vld [tilespmem:s26+$0x10]  }
0x3bf: {  	v25 =	vld [tilespmem:s17+$0xFFFFFFD0]  }
0x3c0: {  	v26 =	vld [tilespmem:s17+$0xFFFFFFF0]  }
0x3c1: {  	v27 =	vld [tilespmem:s17+$0x10]  }
0x3c2: {  	v28 =	vld [tilespmem:s26+$0xFFFFFFD0]  }
0x3c3: {  	v30 =	vld [tilespmem:s17+$0xFFFFFFE0]  }
0x3c4: {  	v53 =	vld [tilespmem:s17+$0xFFFFFFC0];
	v29 =	vunpack.i.u.bf16.f32 v22  }
0x3c5: {  	v31 =	vld [tilespmem:s13+$0x10];
	v22 =	vunpack.i.l.bf16.f32 v22;
	v54 =	vunpack.i.u.bf16.f32 v18;
	v18 =	vunpack.i.l.bf16.f32 v18  }
0x3c6: {  	v55 =	vld [tilespmem:s26+$0x30];
	v32 =	vunpack.i.l.bf16.f32 v17;
	v24 =	vadd.f32 v29, v24;
	v22 =	vadd.f32 v22, v23  }
0x3c7: {  	v56 =	vld [tilespmem:s17+$0x0];
	v17 =	vunpack.i.u.bf16.f32 v17;
	v21 =	vadd.f32 v32, v21;
	v18 =	vadd.f32 v18, v19  }
0x3c8: {  	v19 =	vld [tilespmem:s26+$0x20];
	v17 =	vadd.f32 v17, v28;
	v20 =	vadd.f32 v54, v20  }
0x3c9: {  	v58 =	vld [tilespmem:s17+$0x30];
	v24 =	vsub.f32 v24, v27;
	v21 =	vsub.f32 v21, v53  }
0x3ca: {  	v57 =	vld [tilespmem:s17+$0x20];
	v59 =	vunpack.i.u.bf16.f32 v31;
	v18 =	vsub.f32 v18, v30;
	v17 =	vsub.f32 v17, v25  }
0x3cb: {  	v60 =	vunpack.i.l.bf16.f32 v31;
	v20 =	vsub.f32 v20, v26;
	v26 =	vadd.f32 v59, v55  }
0x3cc: {  	v22 =	vsub.f32 v22, v56;
	v21 =	vmul.f32 v21, v21;
	v18 =	vmul.f32 v18, v18  }
0x3cd: {  	v20 =	vmul.f32 v20, v20;
	v17 =	vmul.f32 v17, v17;
	v19 =	vadd.f32 v60, v19  }
0x3ce: {  	v61 =	vmul.f32 v24, v24;
	v62 =	vsub.f32 v26, v58;
	v18 =	vadd.f32 v18, v21  }
0x3cf: {  	v17 =	vadd.f32 v20, v17;
	v20 =	vmul.f32 v22, v22;
	v19 =	vsub.f32 v19, v57  }
0x3d0: {  	v63 =	vmul.f32 v62, v62  }
0x3d1: {  	v18 =	vadd.f32 v20, v18;
	v20 =	vadd.f32 v61, v17;
	v19 =	vmul.f32 v19, v19  }
0x3d2: {  	s8 =	simm.s32 $0x11;
	v17 =	vadd.s32 s25, v0  }
0x3d3: {  	s18 =	smov.u32 s13;
	s19 =	smov.u32 s17;
	s29 =	smov.u32 s26;
	v18 =	vadd.f32 v19, v18;
	v19 =	vadd.f32 v63, v20  }
.LBB2_27:
0x3d4: {  	_ = 	snop  }
0x3d5: {  	s18 =	sadd.s32 $0x40, s18;
	s19 =	sadd.s32 $0x80, s19;
	s29 =	sadd.s32 $0x80, s29;
	v18 =	vadd.f32 v18, v19  }
0x3d6: {  	p0 =	sne.s32 s8, $0xFF;
	s30 =	smov.u32 s8;
	s8 =	sadd.s32 $0x11, s8  }
0x3d7: {  	[tilespmem:v17+s15+$0x0] =	vst.idx.msk $0xffff, v18  }
0x3d8: {  	v17 =	vld [tilespmem:s18+$0xFFFFFFE0]  }
0x3d9: {  	v18 =	vld [tilespmem:s18+$0xFFFFFFF0]  }
0x3da: {  	v19 =	vld [tilespmem:s29+$0xFFFFFFE0]  }
0x3db: {  	v20 =	vld [tilespmem:s29+$0xFFFFFFF0]  }
0x3dc: {  	v21 =	vld [tilespmem:s29+$0xFFFFFFC0]  }
0x3dd: {  	v22 =	vld [tilespmem:s18+$0x0]  }
0x3de: {  	v23 =	vld [tilespmem:s29+$0x0]  }
0x3df: {  	v24 =	vld [tilespmem:s29+$0x10]  }
0x3e0: {  	v25 =	vld [tilespmem:s19+$0xFFFFFFD0]  }
0x3e1: {  	v26 =	vld [tilespmem:s19+$0xFFFFFFF0]  }
0x3e2: {  	v27 =	vld [tilespmem:s19+$0x10];
	v28 =	vunpack.i.u.bf16.f32 v22;
	v22 =	vunpack.i.l.bf16.f32 v22  }
0x3e3: {  	v29 =	vld [tilespmem:s29+$0xFFFFFFD0];
	v22 =	vadd.f32 v22, v23  }
0x3e4: {  	v23 =	vld [tilespmem:s19+$0xFFFFFFE0];
	v24 =	vadd.f32 v28, v24  }
0x3e5: {  	v28 =	vld [tilespmem:s19+$0xFFFFFFC0]  }
0x3e6: {  	v30 =	vunpack.i.u.bf16.f32 v18;
	v18 =	vunpack.i.l.bf16.f32 v18;
	v31 =	vld [tilespmem:s18+$0x10]  }
0x3e7: {  	v32 =	vunpack.i.u.bf16.f32 v17;
	v17 =	vunpack.i.l.bf16.f32 v17;
	v24 =	vsub.f32 v24, v27;
	v27 =	vld [tilespmem:s29+$0x30]  }
0x3e8: {  	v18 =	vadd.f32 v18, v19;
	v17 =	vadd.f32 v17, v21;
	v19 =	vld [tilespmem:s29+$0x20]  }
0x3e9: {  	v20 =	vadd.f32 v30, v20;
	v21 =	vadd.f32 v32, v29;
	v29 =	vld [tilespmem:s19+$0x0]  }
0x3ea: {  	v18 =	vsub.f32 v18, v23;
	v17 =	vsub.f32 v17, v28;
	v23 =	vld [tilespmem:s19+$0x20]  }
0x3eb: {  	v20 =	vsub.f32 v20, v26;
	v21 =	vsub.f32 v21, v25;
	v25 =	vld [tilespmem:s19+$0x30];
	v26 =	vunpack.i.u.bf16.f32 v31  }
0x3ec: {  	v18 =	vmul.f32 v18, v18;
	v28 =	vunpack.i.l.bf16.f32 v31;
	v17 =	vmul.f32 v17, v17  }
0x3ed: {  	v20 =	vmul.f32 v20, v20;
	v26 =	vadd.f32 v26, v27;
	v19 =	vadd.f32 v28, v19  }
0x3ee: {  	v21 =	vmul.f32 v21, v21;
	v17 =	vadd.f32 v18, v17;
	v18 =	vsub.f32 v22, v29  }
0x3ef: {  	v22 =	vmul.f32 v24, v24;
	v19 =	vsub.f32 v19, v23  }
.Ltmp12:
0x3f0: {  	v20 =	vadd.f32 v20, v21;
	v18 =	vmul.f32 v18, v18;
	v21 =	vsub.f32 v26, v25;
	(pc) =	sbr.rel @p0 .LBB2_27-.Ltmp12, $4  }
0x3f1: {  	v19 =	vmul.f32 v19, v19  }
0x3f2: {  	v20 =	vadd.f32 v22, v20;
	v18 =	vadd.f32 v18, v17;
	v21 =	vmul.f32 v21, v21  }
0x3f3: {  	v17 =	vadd.s32 s30, v0  }
0x3f4: {  	v18 =	vadd.f32 v19, v18;
	v19 =	vadd.f32 v21, v20  }
0x3f5: {  	_ =	sdelay $0x1  }
0x3f6: {  	v18 =	vadd.f32 v18, v19;
	_ =	sdelay $0x1  }
0x3f7: {  	[tilespmem:v17+s15+$0x0] =	vst.idx.msk $0xffff, v18  }
0x3f8: {  	v17 =	vld.idx.msk [tilespmem:v1+s15+$0x0], $0xffff  }
0x3f9: {  	v18 =	vld.idx.msk [tilespmem:v2+s15+$0x0], $0xffff  }
0x3fa: {  	v19 =	vld.idx.msk [tilespmem:v3+s15+$0x0], $0xffff  }
0x3fb: {  	v20 =	vld.idx.msk [tilespmem:v4+s15+$0x0], $0xffff  }
0x3fc: {  	v21 =	vld.idx.msk [tilespmem:v5+s15+$0x0], $0xffff  }
0x3fd: {  	v22 =	vld.idx.msk [tilespmem:v6+s15+$0x0], $0xffff  }
0x3fe: {  	v23 =	vld.idx.msk [tilespmem:v7+s15+$0x0], $0xffff  }
0x3ff: {  	v24 =	vld.idx.msk [tilespmem:v8+s15+$0x0], $0xffff  }
0x400: {  	v25 =	vld.idx.msk [tilespmem:v9+s15+$0x0], $0xffff  }
0x401: {  	v26 =	vld.idx.msk [tilespmem:v10+s15+$0x0], $0xffff  }
0x402: {  	v27 =	vld.idx.msk [tilespmem:v11+s15+$0x0], $0xffff  }
0x403: {  	v28 =	vld.idx.msk [tilespmem:v12+s15+$0x0], $0xffff  }
0x404: {  	v29 =	vld.idx.msk [tilespmem:v13+s15+$0x0], $0xffff  }
0x405: {  	v30 =	vld.idx.msk [tilespmem:v14+s15+$0x0], $0xffff  }
0x406: {  	v31 =	vld.idx.msk [tilespmem:v15+s15+$0x0], $0xffff  }
0x407: {  	v62 =	vld.idx.msk [tilespmem:v16+s15+$0x0], $0xffff;
	v17 =	vadd.f32 v21, v17;
	v18 =	vadd.f32 v22, v18  }
0x408: {  	v19 =	vadd.f32 v23, v19;
	v20 =	vadd.f32 v24, v20  }
0x409: {  	v17 =	vadd.f32 v25, v17;
	v18 =	vadd.f32 v26, v18  }
0x40a: {  	v19 =	vadd.f32 v27, v19;
	v20 =	vadd.f32 v28, v20  }
0x40b: {  	v17 =	vadd.f32 v29, v17;
	v18 =	vadd.f32 v30, v18  }
0x40c: {  	v19 =	vadd.f32 v31, v19;
	v20 =	vadd.f32 v62, v20;
	_ =	sdelay $0x1  }
0x40d: {  	v17 =	vadd.f32 v18, v17;
	v18 =	vadd.f32 v20, v19;
	_ =	sdelay $0x1  }
0x40e: {  	v17 =	vadd.f32 v18, v17;
	_ =	sdelay $0x1  }
0x40f: {  	v18 =	vshra.s32 v17, $0x1;
	v19 =	vmul.f32 $5.000000000e-01, v17  }
0x410: {  	v18 =	vsub.s32 $0x5F3759DF, v18  }
0x411: {  	v63 =	vmul.f32 v18, v19;
	_ =	sdelay $0x1  }
0x412: {  	v20 =	vmul.f32 v18, v63;
	_ =	sdelay $0x1  }
0x413: {  	v20 =	vsub.f32 $1.500000000e+00, v20;
	_ =	sdelay $0x1  }
0x414: {  	v18 =	vmul.f32 v18, v20;
	_ =	sdelay $0x1  }
0x415: {  	v20 =	vmul.f32 v18, v19;
	_ =	sdelay $0x1  }
0x416: {  	v20 =	vmul.f32 v20, v18;
	_ =	sdelay $0x1  }
0x417: {  	v20 =	vsub.f32 $1.500000000e+00, v20;
	_ =	sdelay $0x1  }
0x418: {  	v18 =	vmul.f32 v20, v18;
	_ =	sdelay $0x1  }
0x419: {  	v19 =	vmul.f32 v18, v19;
	_ =	sdelay $0x1  }
0x41a: {  	v19 =	vmul.f32 v19, v18;
	_ =	sdelay $0x1  }
0x41b: {  	v19 =	vsub.f32 $1.500000000e+00, v19;
	_ =	sdelay $0x1  }
0x41c: {  	v18 =	vmul.f32 v19, v18  }
0x41d: {  	s0 =	sshll.u32 s28, $0x4;
	s28 =	sadd.s32 $0x1, s28  }
0x41e: {  	p0 =	sne.s32 s28, $0x4;
	v18 =	vmul.f32 v18, v17  }
.Ltmp13:
0x41f: {  	_ = 	snop;
	(pc) =	sbr.rel @p0 .LBB2_26-.Ltmp13, $4  }
0x420: {  	v18 =	vsub.f32 $0.0e+00, v18  }
0x421: {  	vm0 =	vgt.f32 v17, $0.0e+00  }
0x422: {  	s0 =	sand.u32 $0x3FFFFFF0, s0;
	v17 =	vnsel vm0, $0x0, v18  }
0x423: {  	s13 =	sadd.s32 $0x400, s13;
	s17 =	sadd.s32 $0x800, s17;
	s26 =	sadd.s32 $0x800, s26;
	[tilespmem:s0+$0x1E780] =	vst v17  }
0x424: {  	s0 =	sld [smem:$0x7FB];
	_ =	sdelay $0x1  }
0x425: {  	s25 =	simm.s32 $0x0;
	s2 =	simm.s32 $0x1E780  }
0x426: {  	[hbm4b:s0+s25] =	stream.linear.scatter [tilespmem:s2], [sflag:$0x7], $0x40, $0x38;
	[tilespmem:$0x1E910] =	vst v63  }
0x427: {  	_ =	swait.ge [sflag:s14], $0x2000  }
0x428: {  	[sflag:s14] =	ssyncset.done $0x0  }
0x429: {  	[sflag:s14] =	ssyncadd.s32 $0xFFFFE000  }
0x42a: {  	_ =	swait.ge [sflag:s14], $0x1000  }
0x42b: {  	[sflag:s14] =	ssyncset.done $0x0  }
0x42c: {  	[sflag:s14] =	ssyncadd.s32 $0xFFFFF000  }
0x42d: {  	_ =	swait.ge [sflag:s14], $0x2000  }
0x42e: {  	s13 =	simm.s32 $0xD630;
	s17 =	simm.s32 $0x14670;
	[sflag:s14] =	ssyncset.done $0x0  }
0x42f: {  	s26 =	simm.s32 $0x2670;
	s28 =	simm.s32 $0x0;
	[sflag:s14] =	ssyncadd.s32 $0xFFFFE000  }
.LBB2_30:
0x430: {  	v17 =	vld [tilespmem:s13+$0xFFFFFFD0]  }
0x431: {  	v18 =	vld [tilespmem:s13+$0xFFFFFFE0]  }
0x432: {  	v19 =	vld [tilespmem:s26+$0xFFFFFFB0]  }
0x433: {  	v20 =	vld [tilespmem:s26+$0xFFFFFFC0]  }
0x434: {  	v21 =	vld [tilespmem:s26+$0xFFFFFF90]  }
0x435: {  	v22 =	vld [tilespmem:s13+$0xFFFFFFF0]  }
0x436: {  	v23 =	vld [tilespmem:s26+$0xFFFFFFD0]  }
0x437: {  	v24 =	vld [tilespmem:s26+$0xFFFFFFE0]  }
0x438: {  	v25 =	vld [tilespmem:s17+$0xFFFFFFA0]  }
0x439: {  	v26 =	vld [tilespmem:s17+$0xFFFFFFC0]  }
0x43a: {  	v27 =	vld [tilespmem:s17+$0xFFFFFFE0]  }
0x43b: {  	v28 =	vld [tilespmem:s26+$0xFFFFFFA0]  }
0x43c: {  	v30 =	vld [tilespmem:s17+$0xFFFFFFB0]  }
0x43d: {  	v53 =	vld [tilespmem:s17+$0xFFFFFF90];
	v29 =	vunpack.i.u.bf16.f32 v22  }
0x43e: {  	v31 =	vld [tilespmem:s13+$0x0];
	v22 =	vunpack.i.l.bf16.f32 v22;
	v54 =	vunpack.i.u.bf16.f32 v18;
	v18 =	vunpack.i.l.bf16.f32 v18  }
0x43f: {  	v55 =	vld [tilespmem:s26+$0x0];
	v32 =	vunpack.i.l.bf16.f32 v17;
	v24 =	vadd.f32 v29, v24;
	v22 =	vadd.f32 v22, v23  }
0x440: {  	v56 =	vld [tilespmem:s17+$0xFFFFFFD0];
	v17 =	vunpack.i.u.bf16.f32 v17;
	v21 =	vadd.f32 v32, v21;
	v18 =	vadd.f32 v18, v19  }
0x441: {  	v19 =	vld [tilespmem:s26+$0xFFFFFFF0];
	v17 =	vadd.f32 v17, v28;
	v20 =	vadd.f32 v54, v20  }
0x442: {  	v58 =	vld [tilespmem:s17+$0x0];
	v24 =	vsub.f32 v24, v27;
	v21 =	vsub.f32 v21, v53  }
0x443: {  	v57 =	vld [tilespmem:s17+$0xFFFFFFF0];
	v59 =	vunpack.i.u.bf16.f32 v31;
	v18 =	vsub.f32 v18, v30;
	v17 =	vsub.f32 v17, v25  }
0x444: {  	v60 =	vunpack.i.l.bf16.f32 v31;
	v20 =	vsub.f32 v20, v26;
	v26 =	vadd.f32 v59, v55  }
0x445: {  	v22 =	vsub.f32 v22, v56;
	v21 =	vmul.f32 v21, v21;
	v18 =	vmul.f32 v18, v18  }
0x446: {  	v20 =	vmul.f32 v20, v20;
	v17 =	vmul.f32 v17, v17;
	v19 =	vadd.f32 v60, v19  }
0x447: {  	v61 =	vmul.f32 v24, v24;
	v62 =	vsub.f32 v26, v58;
	v18 =	vadd.f32 v18, v21  }
0x448: {  	v17 =	vadd.f32 v20, v17;
	v20 =	vmul.f32 v22, v22;
	v19 =	vsub.f32 v19, v57  }
0x449: {  	v63 =	vmul.f32 v62, v62  }
0x44a: {  	v18 =	vadd.f32 v20, v18;
	v20 =	vadd.f32 v61, v17;
	v19 =	vmul.f32 v19, v19  }
0x44b: {  	s8 =	simm.s32 $0x11;
	v17 =	vadd.s32 s25, v0  }
0x44c: {  	s18 =	smov.u32 s13;
	s19 =	smov.u32 s17;
	s29 =	smov.u32 s26;
	v18 =	vadd.f32 v19, v18;
	v19 =	vadd.f32 v63, v20  }
.LBB2_31:
0x44d: {  	_ = 	snop  }
0x44e: {  	s18 =	sadd.s32 $0x40, s18;
	s19 =	sadd.s32 $0x80, s19;
	s29 =	sadd.s32 $0x80, s29;
	v18 =	vadd.f32 v18, v19  }
0x44f: {  	p0 =	sne.s32 s8, $0xFF;
	s30 =	smov.u32 s8;
	s8 =	sadd.s32 $0x11, s8  }
0x450: {  	[tilespmem:v17+s15+$0x0] =	vst.idx.msk $0xffff, v18  }
0x451: {  	v17 =	vld [tilespmem:s18+$0xFFFFFFD0]  }
0x452: {  	v18 =	vld [tilespmem:s18+$0xFFFFFFE0]  }
0x453: {  	v19 =	vld [tilespmem:s29+$0xFFFFFFB0]  }
0x454: {  	v20 =	vld [tilespmem:s29+$0xFFFFFFC0]  }
0x455: {  	v21 =	vld [tilespmem:s29+$0xFFFFFF90]  }
0x456: {  	v22 =	vld [tilespmem:s18+$0xFFFFFFF0]  }
0x457: {  	v23 =	vld [tilespmem:s29+$0xFFFFFFD0]  }
0x458: {  	v24 =	vld [tilespmem:s29+$0xFFFFFFE0]  }
0x459: {  	v25 =	vld [tilespmem:s19+$0xFFFFFFA0]  }
0x45a: {  	v26 =	vld [tilespmem:s19+$0xFFFFFFC0]  }
0x45b: {  	v27 =	vld [tilespmem:s19+$0xFFFFFFE0];
	v28 =	vunpack.i.u.bf16.f32 v22;
	v22 =	vunpack.i.l.bf16.f32 v22  }
0x45c: {  	v29 =	vld [tilespmem:s29+$0xFFFFFFA0];
	v22 =	vadd.f32 v22, v23  }
0x45d: {  	v23 =	vld [tilespmem:s19+$0xFFFFFFB0];
	v24 =	vadd.f32 v28, v24  }
0x45e: {  	v28 =	vld [tilespmem:s19+$0xFFFFFF90]  }
0x45f: {  	v30 =	vunpack.i.u.bf16.f32 v18;
	v18 =	vunpack.i.l.bf16.f32 v18;
	v31 =	vld [tilespmem:s18+$0x0]  }
0x460: {  	v32 =	vunpack.i.u.bf16.f32 v17;
	v17 =	vunpack.i.l.bf16.f32 v17;
	v24 =	vsub.f32 v24, v27;
	v27 =	vld [tilespmem:s29+$0x0]  }
0x461: {  	v18 =	vadd.f32 v18, v19;
	v17 =	vadd.f32 v17, v21;
	v19 =	vld [tilespmem:s29+$0xFFFFFFF0]  }
0x462: {  	v20 =	vadd.f32 v30, v20;
	v21 =	vadd.f32 v32, v29;
	v29 =	vld [tilespmem:s19+$0xFFFFFFD0]  }
0x463: {  	v18 =	vsub.f32 v18, v23;
	v17 =	vsub.f32 v17, v28;
	v23 =	vld [tilespmem:s19+$0xFFFFFFF0]  }
0x464: {  	v20 =	vsub.f32 v20, v26;
	v21 =	vsub.f32 v21, v25;
	v25 =	vld [tilespmem:s19+$0x0];
	v26 =	vunpack.i.u.bf16.f32 v31  }
0x465: {  	v18 =	vmul.f32 v18, v18;
	v28 =	vunpack.i.l.bf16.f32 v31;
	v17 =	vmul.f32 v17, v17  }
0x466: {  	v20 =	vmul.f32 v20, v20;
	v26 =	vadd.f32 v26, v27;
	v19 =	vadd.f32 v28, v19  }
0x467: {  	v21 =	vmul.f32 v21, v21;
	v17 =	vadd.f32 v18, v17;
	v18 =	vsub.f32 v22, v29  }
0x468: {  	v22 =	vmul.f32 v24, v24;
	v19 =	vsub.f32 v19, v23  }
.Ltmp14:
0x469: {  	v20 =	vadd.f32 v20, v21;
	v18 =	vmul.f32 v18, v18;
	v21 =	vsub.f32 v26, v25;
	(pc) =	sbr.rel @p0 .LBB2_31-.Ltmp14, $4  }
0x46a: {  	v19 =	vmul.f32 v19, v19  }
0x46b: {  	v20 =	vadd.f32 v22, v20;
	v18 =	vadd.f32 v18, v17;
	v21 =	vmul.f32 v21, v21  }
0x46c: {  	v17 =	vadd.s32 s30, v0  }
0x46d: {  	v18 =	vadd.f32 v19, v18;
	v19 =	vadd.f32 v21, v20  }
0x46e: {  	_ =	sdelay $0x1  }
0x46f: {  	v18 =	vadd.f32 v18, v19;
	_ =	sdelay $0x1  }
0x470: {  	[tilespmem:v17+s15+$0x0] =	vst.idx.msk $0xffff, v18  }
0x471: {  	v17 =	vld.idx.msk [tilespmem:v1+s15+$0x0], $0xffff  }
0x472: {  	v18 =	vld.idx.msk [tilespmem:v2+s15+$0x0], $0xffff  }
0x473: {  	v19 =	vld.idx.msk [tilespmem:v3+s15+$0x0], $0xffff  }
0x474: {  	v20 =	vld.idx.msk [tilespmem:v4+s15+$0x0], $0xffff  }
0x475: {  	v21 =	vld.idx.msk [tilespmem:v5+s15+$0x0], $0xffff  }
0x476: {  	v22 =	vld.idx.msk [tilespmem:v6+s15+$0x0], $0xffff  }
0x477: {  	v23 =	vld.idx.msk [tilespmem:v7+s15+$0x0], $0xffff  }
0x478: {  	v24 =	vld.idx.msk [tilespmem:v8+s15+$0x0], $0xffff  }
0x479: {  	v25 =	vld.idx.msk [tilespmem:v9+s15+$0x0], $0xffff  }
0x47a: {  	v26 =	vld.idx.msk [tilespmem:v10+s15+$0x0], $0xffff  }
0x47b: {  	v27 =	vld.idx.msk [tilespmem:v11+s15+$0x0], $0xffff  }
0x47c: {  	v28 =	vld.idx.msk [tilespmem:v12+s15+$0x0], $0xffff  }
0x47d: {  	v29 =	vld.idx.msk [tilespmem:v13+s15+$0x0], $0xffff  }
0x47e: {  	v30 =	vld.idx.msk [tilespmem:v14+s15+$0x0], $0xffff  }
0x47f: {  	v31 =	vld.idx.msk [tilespmem:v15+s15+$0x0], $0xffff  }
0x480: {  	v62 =	vld.idx.msk [tilespmem:v16+s15+$0x0], $0xffff;
	v17 =	vadd.f32 v21, v17;
	v18 =	vadd.f32 v22, v18  }
0x481: {  	v19 =	vadd.f32 v23, v19;
	v20 =	vadd.f32 v24, v20  }
0x482: {  	v17 =	vadd.f32 v25, v17;
	v18 =	vadd.f32 v26, v18  }
0x483: {  	v19 =	vadd.f32 v27, v19;
	v20 =	vadd.f32 v28, v20  }
0x484: {  	v17 =	vadd.f32 v29, v17;
	v18 =	vadd.f32 v30, v18  }
0x485: {  	v19 =	vadd.f32 v31, v19;
	v20 =	vadd.f32 v62, v20;
	_ =	sdelay $0x1  }
0x486: {  	v17 =	vadd.f32 v18, v17;
	v18 =	vadd.f32 v20, v19;
	_ =	sdelay $0x1  }
0x487: {  	v17 =	vadd.f32 v18, v17;
	_ =	sdelay $0x1  }
0x488: {  	v18 =	vshra.s32 v17, $0x1;
	v19 =	vmul.f32 $5.000000000e-01, v17  }
0x489: {  	v18 =	vsub.s32 $0x5F3759DF, v18  }
0x48a: {  	v63 =	vmul.f32 v18, v19;
	_ =	sdelay $0x1  }
0x48b: {  	v20 =	vmul.f32 v18, v63;
	_ =	sdelay $0x1  }
0x48c: {  	v20 =	vsub.f32 $1.500000000e+00, v20;
	_ =	sdelay $0x1  }
0x48d: {  	v18 =	vmul.f32 v18, v20;
	_ =	sdelay $0x1  }
0x48e: {  	v20 =	vmul.f32 v18, v19;
	_ =	sdelay $0x1  }
0x48f: {  	v20 =	vmul.f32 v20, v18;
	_ =	sdelay $0x1  }
0x490: {  	v20 =	vsub.f32 $1.500000000e+00, v20;
	_ =	sdelay $0x1  }
0x491: {  	v18 =	vmul.f32 v20, v18;
	_ =	sdelay $0x1  }
0x492: {  	v19 =	vmul.f32 v18, v19;
	_ =	sdelay $0x1  }
0x493: {  	v19 =	vmul.f32 v19, v18;
	_ =	sdelay $0x1  }
0x494: {  	v19 =	vsub.f32 $1.500000000e+00, v19;
	_ =	sdelay $0x1  }
0x495: {  	v18 =	vmul.f32 v19, v18  }
0x496: {  	s0 =	sshll.u32 s28, $0x4;
	s28 =	sadd.s32 $0x1, s28  }
0x497: {  	p0 =	sne.s32 s28, $0x4;
	v18 =	vmul.f32 v18, v17  }
.Ltmp15:
0x498: {  	_ = 	snop;
	(pc) =	sbr.rel @p0 .LBB2_30-.Ltmp15, $4  }
0x499: {  	v18 =	vsub.f32 $0.0e+00, v18  }
0x49a: {  	vm0 =	vgt.f32 v17, $0.0e+00  }
0x49b: {  	s0 =	sand.u32 $0x3FFFFFF0, s0;
	v17 =	vnsel vm0, $0x0, v18  }
0x49c: {  	s13 =	sadd.s32 $0x400, s13;
	s17 =	sadd.s32 $0x800, s17;
	s26 =	sadd.s32 $0x800, s26;
	[tilespmem:s0+$0x1E7C0] =	vst v17  }
0x49d: {  	s0 =	sld [smem:$0x7FC];
	_ =	sdelay $0x1  }
0x49e: {  	s2 =	simm.s32 $0x1E7C0  }
0x49f: {  	[hbm4b:s0+s1] =	stream.linear.scatter [tilespmem:s2], [sflag:$0x7], $0x40, $0x38;
	[tilespmem:$0x1E910] =	vst v63  }
0x4a0: {  	_ =	swait.ge [sflag:s24], $0x40  }
0x4a1: {  	[sflag:s24] =	ssyncset.done $0x0  }
0x4a2: {  	[sflag:s24] =	ssyncadd.s32 $0xFFFFFFC0  }
0x4a3: {  	_ =	swait.ge [sflag:s24], $0x40  }
0x4a4: {  	[sflag:s24] =	ssyncset.done $0x0  }
0x4a5: {  	[sflag:s24] =	ssyncadd.s32 $0xFFFFFFC0  }
0x4a6: {  	_ =	swait.ge [sflag:s24], $0x40  }
0x4a7: {  	[sflag:s24] =	ssyncset.done $0x0  }
0x4a8: {  	[sflag:s24] =	ssyncadd.s32 $0xFFFFFFC0  }
0x4a9: {  	_ =	swait.ge [sflag:s24], $0x40  }
0x4aa: {  	[sflag:s24] =	ssyncset.done $0x0  }
0x4ab: {  	[sflag:s24] =	ssyncadd.s32 $0xFFFFFFC0  }
0x4ac: {  	_ =	swait.ge [sflag:s24], $0x40  }
0x4ad: {  	[sflag:s24] =	ssyncset.done $0x0  }
0x4ae: {  	[sflag:s24] =	ssyncadd.s32 $0xFFFFFFC0  }
0x4af: {  	_ =	swait.ge [sflag:s24], $0x40  }
0x4b0: {  	[sflag:s24] =	ssyncset.done $0x0  }
0x4b1: {  	[sflag:s24] =	ssyncadd.s32 $0xFFFFFFC0  }
0x4b2: {  	_ =	swait.ge [sflag:s24], $0x40  }
0x4b3: {  	[sflag:s24] =	ssyncset.done $0x0  }
0x4b4: {  	[sflag:s24] =	ssyncadd.s32 $0xFFFFFFC0  }
0x4b5: {  	_ =	swait.ge [sflag:s24], $0x40  }
0x4b6: {  	s30 =	sld [smem:$0x7FD];
	_ =	sdelay $0x1  }
0x4b7: {  	s11 =	sadd.s32 $0x1, s11  }
0x4b8: {  	p0 =	sne.s32 s11, s30  }
.Ltmp16:
0x4b9: {  	_ = 	snop;
	(pc) =	sbr.rel @p0 .LBB2_1-.Ltmp16, $3  }
0x4ba: {  	_ =	sdelay $0x1  }
0x4bb: {  	[sflag:s24] =	ssyncset.done $0x0  }
0x4bc: {  	[sflag:s24] =	ssyncadd.s32 $0xFFFFFFC0  }
0x4bd: {  	_ =	sfence.sel $0x180000  }
0x4be: {  	[bflag:$0x0] =	sbarrier.arrive $0xFFFF  }
0x4bf: {  	_ =	strace $0x90000047  }
0x4c0: {  	s0 =	stileid.u32;
	[bflag:$0x2] =	sbarrier.arrive $0xFFFF  }
0x4c1: {  	p0 =	sne.s32 s0, $0x0;
	s0 =	rddreg [dreg:$0x6]  }
0x4c2: {  	s0 =	sadd.s32 @!p0 $0x100000, s0  }
0x4c3: {  	[sflag:s0] =	ssyncadd.tile.s32 @!p0 $0x1;
	_ =	shalt  }
.Lfunc_end2:
_tile_overlayer_lowered:
.L_overlay_start_2:
0x4c4: {  	(tag) =	ssettag $0x2  }
0x4c5: {  	s0 =	rddreg [dreg:$0x0];
	s2 =	stileid.u32  }
0x4c6: {  	s1 =	rddreg [dreg:$0x1];
	p0 =	sne.s32 s2, $0x0  }
0x4c7: {  	s3 =	rddreg [dreg:$0x2];
	[bflag:$0x3] =	sbarrier.arrive $0xFFFF;
	s2 =	simm.s32 @!p0 $0x1C08  }
0x4c8: {  	[timem:s3], [sflag:s2] =	dma.local @!p0 [hbm:s0], s1  }
0x4c9: {  	s0 =	simm.s32 @!p0 $0x8  }
0x4ca: {  	_ =	swait.ge @!p0 [sflag:s0], s1  }
0x4cb: {  	s1 =	ssub.s32 @!p0 $0x0, s1;
	[sflag:s0] =	ssyncset.done @!p0 $0x0  }
0x4cc: {  	[sflag:s0] =	ssyncadd.s32 @!p0 s1  }
0x4cd: {  	[bflag:$0x3] =	sbarrier.arrive $0xFFFF  }
0x4ce: {  	_ =	shalt  }

</sc_bundles>
